<compile_context>
chip_gen: v7x
topology: tpu7x:2x2x1
jax: 0.10.2.dev20260603
libtpu: 0.0.44.dev20260713+nightly
codegen_flags: <defaults>
</compile_context>

<pallas_src>
import jax
import jax.numpy as jnp
from jax import lax
from jax.experimental import pallas as pl
from jax.experimental.pallas import tpu as pltpu
from jax.experimental.pallas import tpu_sc as plsc

VOCAB = 1000000
EMBED_DIM = 64
BATCH = 16384
SEQ = 200

NUM_CORES = 2
NUM_SUBCORES = 16
NUM_WORKERS = NUM_CORES * NUM_SUBCORES
BAGS_PER_WORKER = BATCH // NUM_WORKERS
HALF = BAGS_PER_WORKER // 2
ACC_ROWS = BAGS_PER_WORKER // 2
PAIR_UNROLL = 4


def _embed_mean_body(idt_hbm, table_hbm, out_hbm,
                     idx0, idx1, idd0, idd1, rows0, rows1, acc,
                     isem0, isem1, gsem0, gsem1):
    wid = lax.axis_index("s") * NUM_CORES + lax.axis_index("c")
    cbase = wid * BAGS_PER_WORKER
    inv_n = jnp.float32(1.0 / SEQ)
    idx_bufs = (idx0, idx1)
    idd_bufs = (idd0, idd1)
    isems = (isem0, isem1)
    rows_bufs = (rows0, rows1)
    gsems = (gsem0, gsem1)

    def fire_idx(j, k):
        pltpu.async_copy(
            idt_hbm.at[j, pl.ds(cbase, BAGS_PER_WORKER)],
            idx_bufs[k], isems[k])

    def wait_idx(k):
        pltpu.make_async_copy(
            idt_hbm.at[0, pl.ds(0, BAGS_PER_WORKER)], idx_bufs[k],
            isems[k]).wait()
        ib, id2 = idx_bufs[k], idd_bufs[k]

        def dbl_step(s, _):
            for q in range(4):
                o = (s * 4 + q) * 16
                v = ib[pl.ds(o, 16)]
                id2[pl.ds(o, 16)] = v + v
            return 0

        lax.fori_loop(0, BAGS_PER_WORKER // 64, dbl_step, 0)

    def fire_g(h, k):
        ib = idd_bufs[k]
        pltpu.async_copy(table_hbm.at[ib.at[pl.ds(h * HALF, 128)]],
                         rows_bufs[h].at[pl.ds(0, 128)], gsems[h])
        pltpu.async_copy(table_hbm.at[ib.at[pl.ds(h * HALF + 128, 128)]],
                         rows_bufs[h].at[pl.ds(128, 128)], gsems[h])

    def wait_g(h):
        pltpu.make_async_copy(table_hbm.at[pl.ds(0, HALF)], rows_bufs[h],
                              gsems[h]).wait()

    def accumulate(h, first):
        rows = rows_bufs[h]
        rbase = h * (HALF // 2)

        def pair_step(s0, _):
            for q in range(PAIR_UNROLL):
                s = s0 * PAIR_UNROLL + q
                for u in range(2):
                    for c in range(4):
                        v = rows[2 * s + u, pl.ds(c * 16, 16)]
                        dst = acc.at[rbase + s,
                                     pl.ds(u * EMBED_DIM + c * 16, 16)]
                        if first:
                            dst[...] = v
                        else:
                            plsc.addupdate(dst, v)
            return 0

        lax.fori_loop(0, (HALF // 2) // PAIR_UNROLL, pair_step, 0)

    fire_idx(0, 0)
    wait_idx(0)
    fire_g(0, 0)
    fire_g(1, 0)
    fire_idx(1, 1)
    wait_idx(1)
    wait_g(0)
    accumulate(0, True)
    fire_g(0, 1)
    wait_g(1)
    accumulate(1, True)
    fire_g(1, 1)
    fire_idx(2, 0)

    def body(u, _):
        wait_idx(0)
        wait_g(0)
        accumulate(0, False)
        fire_g(0, 0)
        wait_g(1)
        accumulate(1, False)
        fire_g(1, 0)
        fire_idx(2 * u + 3, 1)
        wait_idx(1)
        wait_g(0)
        accumulate(0, False)
        fire_g(0, 1)
        wait_g(1)
        accumulate(1, False)
        fire_g(1, 1)
        fire_idx(jnp.minimum(2 * u + 4, SEQ - 1), 0)
        return 0

    lax.fori_loop(0, (SEQ - 2) // 2, body, 0)
    wait_g(0)
    accumulate(0, False)
    wait_g(1)
    accumulate(1, False)
    wait_idx(0)

    def scale_step(r, _):
        for c in range(8):
            acc[r, pl.ds(c * 16, 16)] = acc[r, pl.ds(c * 16, 16)] * inv_n
        return 0

    lax.fori_loop(0, ACC_ROWS, scale_step, 0)
    pltpu.sync_copy(acc, out_hbm.at[pl.ds(wid * ACC_ROWS, ACC_ROWS), :])


def _embed_mean(input_ids, emb_table):
    mesh = plsc.VectorSubcoreMesh(
        core_axis_name="c", subcore_axis_name="s",
        num_cores=NUM_CORES, num_subcores=NUM_SUBCORES)
    return pl.kernel(
        _embed_mean_body,
        out_type=jax.ShapeDtypeStruct((BATCH // 2, 128), jnp.float32),
        mesh=mesh,
        scratch_types=[
            pltpu.VMEM((BAGS_PER_WORKER,), jnp.int32),
            pltpu.VMEM((BAGS_PER_WORKER,), jnp.int32),
            pltpu.VMEM((BAGS_PER_WORKER,), jnp.int32),
            pltpu.VMEM((BAGS_PER_WORKER,), jnp.int32),
            pltpu.VMEM((HALF, EMBED_DIM), jnp.float32),
            pltpu.VMEM((HALF, EMBED_DIM), jnp.float32),
            pltpu.VMEM((ACC_ROWS, 128), jnp.float32),
            pltpu.SemaphoreType.DMA,
            pltpu.SemaphoreType.DMA,
            pltpu.SemaphoreType.DMA,
            pltpu.SemaphoreType.DMA,
        ],
        compiler_params=pltpu.CompilerParams(use_tc_tiling_on_sc=False),
    )(input_ids.T, emb_table)


TBLK = 8192


def _table_pad_body(t_ref, out_ref):
    x = t_ref[...]
    out_ref[...] = jnp.concatenate(
        [x.T, jnp.zeros((TBLK, 128 - EMBED_DIM), jnp.float32)], axis=1)


def _pad_table(emb_table):
    padded = pl.pallas_call(
        _table_pad_body,
        grid=(VOCAB // TBLK,),
        in_specs=[pl.BlockSpec((EMBED_DIM, TBLK), lambda i: (0, i))],
        out_specs=pl.BlockSpec((TBLK, 128), lambda i: (i, 0)),
        out_shape=jax.ShapeDtypeStruct((VOCAB, 128), jnp.float32),
    )(emb_table.T)
    return padded.reshape(2 * VOCAB, EMBED_DIM)


MLP_BLOCK = 512


def _mlp_body(x_ref, w1_ref, b1_ref, w2_ref, b2_ref, wa_ref, ba_ref,
              wc_ref, bc_ref, out_ref):
    x = x_ref[...]
    h = jnp.maximum(jnp.dot(x, w1_ref[...],
                            preferred_element_type=jnp.float32) + b1_ref[...], 0.0)
    h = jnp.maximum(jnp.dot(h, w2_ref[...],
                            preferred_element_type=jnp.float32) + b2_ref[...], 0.0)
    gate = jax.nn.sigmoid(jnp.dot(h, wa_ref[...],
                                  preferred_element_type=jnp.float32) + ba_ref[...])
    h = h * gate
    out_ref[...] = jnp.dot(h, wc_ref[...],
                           preferred_element_type=jnp.float32) + bc_ref[...]


def _mlp_packed(x, W1, b1, W2, b2, Wa, ba, Wc, bc):
    h1 = W1.shape[1]
    h2 = W2.shape[1]
    ncls = Wc.shape[1]
    W1p = jnp.zeros((128, 2 * h1), jnp.float32)
    W1p = W1p.at[:EMBED_DIM, :h1].set(W1).at[EMBED_DIM:, h1:].set(W1)
    b1p = jnp.concatenate([b1, b1]).reshape(1, -1)
    W2p = jnp.zeros((2 * h1, 2 * h2), jnp.float32)
    W2p = W2p.at[:h1, :h2].set(W2).at[h1:, h2:].set(W2)
    b2p = jnp.concatenate([b2, b2]).reshape(1, -1)
    Wap = jnp.zeros((2 * h2, 2 * h2), jnp.float32)
    Wap = Wap.at[:h2, :h2].set(Wa).at[h2:, h2:].set(Wa)
    bap = jnp.concatenate([ba, ba]).reshape(1, -1)
    Wcp = jnp.zeros((2 * h2, 128), jnp.float32)
    Wcp = Wcp.at[:h2, :ncls].set(Wc).at[h2:, ncls:2 * ncls].set(Wc)
    bcp = jnp.zeros((1, 128), jnp.float32)
    bcp = bcp.at[0, :ncls].set(bc).at[0, ncls:2 * ncls].set(bc)

    grid = (BATCH // 2) // MLP_BLOCK
    full = lambda shape: pl.BlockSpec(shape, lambda i: (0, 0))
    out = pl.pallas_call(
        _mlp_body,
        grid=(grid,),
        in_specs=[
            pl.BlockSpec((MLP_BLOCK, 128), lambda i: (i, 0)),
            full((128, 2 * h1)),
            full((1, 2 * h1)),
            full((2 * h1, 2 * h2)),
            full((1, 2 * h2)),
            full((2 * h2, 2 * h2)),
            full((1, 2 * h2)),
            full((2 * h2, 128)),
            full((1, 128)),
        ],
        out_specs=pl.BlockSpec((MLP_BLOCK, 128), lambda i: (i, 0)),
        out_shape=jax.ShapeDtypeStruct((BATCH // 2, 128), jnp.float32),
    )(x, W1p, b1p, W2p, b2p, Wap, bap, Wcp, bcp)
    return out[:, :2 * ncls].reshape(BATCH, ncls)


@jax.jit
def kernel(input_ids, emb_table, W1, b1, W2, b2, Wa, ba, Wc, bc):
    packed = _embed_mean(input_ids, _pad_table(emb_table))
    return _mlp_packed(packed, W1, b1, W2, b2, Wa, ba, Wc, bc)

# --- scband reference (transcript-rebuilt; emitter-appended) ---
"""Pipeline reference for scband-neuro-chimeratext-classifier-90391881711937 (READ-ONLY COPY).

The authoritative reference and input builder live on the scoring server;
editing this copy changes nothing except your own understanding.
"""

import jax, jax.numpy as jnp
import numpy as np

VOCAB = 1000000
EMBED_DIM = 64
HIDDEN_DIM = 64
NUM_CLASSES = 2
BATCH = 16384
SEQ = 200


def setup_inputs(seed: int = 0) -> dict:
    key = jax.random.key(seed)
    ks = jax.random.split(key, 10)
    input_ids = jax.random.randint(ks[0], (BATCH, SEQ), 0, VOCAB, dtype=jnp.int64 if jax.config.jax_enable_x64 else jnp.int32).astype(jnp.int32)
    emb_table = jax.random.normal(ks[1], (VOCAB, EMBED_DIM), dtype=jnp.float32) * 0.02
    W1 = jax.random.normal(ks[2], (EMBED_DIM, HIDDEN_DIM), dtype=jnp.float32) * (1.0 / np.sqrt(EMBED_DIM))
    b1 = jnp.zeros((HIDDEN_DIM,), dtype=jnp.float32)
    W2 = jax.random.normal(ks[3], (HIDDEN_DIM, HIDDEN_DIM // 2), dtype=jnp.float32) * (1.0 / np.sqrt(HIDDEN_DIM))
    b2 = jnp.zeros((HIDDEN_DIM // 2,), dtype=jnp.float32)
    Wa = jax.random.normal(ks[4], (HIDDEN_DIM // 2, HIDDEN_DIM // 2), dtype=jnp.float32) * (1.0 / np.sqrt(HIDDEN_DIM // 2))
    ba = jnp.zeros((HIDDEN_DIM // 2,), dtype=jnp.float32)
    Wc = jax.random.normal(ks[5], (HIDDEN_DIM // 2, NUM_CLASSES), dtype=jnp.float32) * (1.0 / np.sqrt(HIDDEN_DIM // 2))
    bc = jnp.zeros((NUM_CLASSES,), dtype=jnp.float32)
    return {"input_ids": input_ids, "emb_table": emb_table, "W1": W1, "b1": b1, "W2": W2, "b2": b2, "Wa": Wa, "ba": ba, "Wc": Wc, "bc": bc}


def reference(input_ids, emb_table, W1, b1, W2, b2, Wa, ba, Wc, bc):
    # EmbeddingBag(mode='mean') on 2D input: gather then mean over bag dim
    gathered = jnp.take(emb_table, input_ids, axis=0)  # [B, L, D]
    embedded = jnp.mean(gathered, axis=1)              # [B, D]
    x = jax.nn.relu(embedded @ W1 + b1)
    # dropout is identity at inference
    x = jax.nn.relu(x @ W2 + b2)
    attention_weights = jax.nn.sigmoid(x @ Wa + ba)
    x = x * attention_weights
    logits = x @ Wc + bc
    return logits

if __name__ == "__main__":
    import jax
    _d = setup_inputs()
    print(jax.jit(kernel)(*tuple(_d.values())))

</pallas_src>

<mosaic_0001>
#map = affine_map<(d0, d1) -> (0, 0)>
module attributes {stable_mosaic.version = 14 : i64} {
  func.func @_embed_mean_body(%arg0: i32, %arg1: i32, %arg2: memref<200x16384xi32, #tpu.memory_space<hbm>>, %arg3: memref<2000000x64xf32, #tpu.memory_space<hbm>>, %arg4: memref<8192x128xf32, #tpu.memory_space<hbm>>, %arg5: memref<512xi32, #tpu.memory_space<vmem>>, %arg6: memref<512xi32, #tpu.memory_space<vmem>>, %arg7: memref<512xi32, #tpu.memory_space<vmem>>, %arg8: memref<512xi32, #tpu.memory_space<vmem>>, %arg9: memref<256x64xf32, #tpu.memory_space<vmem>>, %arg10: memref<256x64xf32, #tpu.memory_space<vmem>>, %arg11: memref<256x128xf32, #tpu.memory_space<vmem>>, %arg12: memref<!tpu.dma_semaphore, #tpu.memory_space<semaphore_mem>>, %arg13: memref<!tpu.dma_semaphore, #tpu.memory_space<semaphore_mem>>, %arg14: memref<!tpu.dma_semaphore, #tpu.memory_space<semaphore_mem>>, %arg15: memref<!tpu.dma_semaphore, #tpu.memory_space<semaphore_mem>>) attributes {dimension_semantics = [#tpu.dimension_semantics<core_parallel>, #tpu.dimension_semantics<subcore_parallel>], iteration_bounds = array<i64: 2, 16>, scalar_prefetch = 0 : i64, scratch_operands = 11 : i64, tpu.core_type = #tpu.core_type<sc_vector_subcore>, window_params = [{transform_indices = #map}, {transform_indices = #map}, {transform_indices = #map}]} {
    %mul3A = arith.constant 2 : i32
    %mul3A_0 = arith.muli %arg1, %mul3A : i32
    %add3A = arith.addi %mul3A_0, %arg0 : i32
    %mul3A_1 = arith.constant 512 : i32
    %mul3A_2 = arith.muli %add3A, %mul3A_1 : i32
    %dma_start3A = arith.constant 0 : i32
    %dma_start3A_3 = tpu.memref_slice %arg2[%dma_start3A, %mul3A_2] : memref<200x16384xi32, #tpu.memory_space<hbm>> -> memref<1x512xi32, #tpu.memory_space<hbm>>
    %dma_start3A_4 = tpu.memref_squeeze %dma_start3A_3 : memref<1x512xi32, #tpu.memory_space<hbm>> -> memref<512xi32, #tpu.memory_space<hbm>>
    %dma_start3A_5 = tpu.memref_slice %arg2[%dma_start3A, %mul3A_2] : memref<200x16384xi32, #tpu.memory_space<hbm>> -> memref<1x512xi32, #tpu.memory_space<hbm>>
    %dma_start3A_6 = tpu.memref_squeeze %dma_start3A_5 : memref<1x512xi32, #tpu.memory_space<hbm>> -> memref<512xi32, #tpu.memory_space<hbm>>
    tpu.enqueue_dma source(%dma_start3A_6 : memref<512xi32, #tpu.memory_space<hbm>>) target(%arg5 : memref<512xi32, #tpu.memory_space<vmem>>) target_semaphore(%arg12 : memref<!tpu.dma_semaphore, #tpu.memory_space<semaphore_mem>>)
    %dma_wait3A = arith.constant 0 : i32
    %dma_wait3A_7 = arith.constant 0 : i32
    %dma_wait3A_8 = tpu.memref_slice %arg2[%dma_wait3A, %dma_wait3A_7] : memref<200x16384xi32, #tpu.memory_space<hbm>> -> memref<1x512xi32, #tpu.memory_space<hbm>>
    %dma_wait3A_9 = tpu.memref_squeeze %dma_wait3A_8 : memref<1x512xi32, #tpu.memory_space<hbm>> -> memref<512xi32, #tpu.memory_space<hbm>>
    %dma_wait3A_10 = arith.constant 0 : i32
    %dma_wait3A_11 = tpu.memref_slice %arg2[%dma_wait3A, %dma_wait3A_10] : memref<200x16384xi32, #tpu.memory_space<hbm>> -> memref<1x512xi32, #tpu.memory_space<hbm>>
    %dma_wait3A_12 = tpu.memref_squeeze %dma_wait3A_11 : memref<1x512xi32, #tpu.memory_space<hbm>> -> memref<512xi32, #tpu.memory_space<hbm>>
    tpu.wait_dma2 semaphore(%arg12 : memref<!tpu.dma_semaphore, #tpu.memory_space<semaphore_mem>>) src(%dma_wait3A_12 : memref<512xi32, #tpu.memory_space<hbm>>) dst(%arg5 : memref<512xi32, #tpu.memory_space<vmem>>)
    %scan3A = arith.constant 0 : i32
    %scan3A_13 = arith.constant 0 : i32
    %scan3A_14 = arith.constant 8 : i32
    %scan3A_15 = arith.addi %scan3A_13, %scan3A_14 : i32
    %scan3A_16 = arith.constant 1 : i32
    %scan3A_17 = scf.for %scan3A_190 = %scan3A_13 to %scan3A_15 step %scan3A_16 iter_args(%scan3A_191 = %scan3A) -> (i32)  : i32 {
      %mul3A_192 = arith.constant 4 : i32
      %mul3A_193 = arith.muli %scan3A_190, %mul3A_192 : i32
      %add3A_194 = arith.constant 0 : i32
      %add3A_195 = arith.addi %mul3A_193, %add3A_194 : i32
      %mul3A_196 = arith.constant 16 : i32
      %mul3A_197 = arith.muli %add3A_195, %mul3A_196 : i32
      %get3A = arith.index_cast %mul3A_197 : i32 to index
      %get3A_198 = tpu.vector_load %arg5[%get3A] {strides = array<i32>} : memref<512xi32, #tpu.memory_space<vmem>>, vector<16xi32>,
      %get3A_199 = vector.shape_cast %get3A_198 : vector<16xi32> to vector<16xi32>
      %add3A_200 = arith.addi %get3A_199, %get3A_199 : vector<16xi32>
      %swap3A = arith.index_cast %mul3A_197 : i32 to index
      %swap3A_201 = tpu.vector_load %arg7[%swap3A] {strides = array<i32>} : memref<512xi32, #tpu.memory_space<vmem>>, vector<16xi32>,
      %swap3A_202 = vector.shape_cast %swap3A_201 : vector<16xi32> to vector<16xi32>
      %swap3A_203 = vector.shape_cast %add3A_200 : vector<16xi32> to vector<16xi32>
      tpu.vector_store %arg7[%swap3A], %swap3A_203 {strides = array<i32>} : memref<512xi32, #tpu.memory_space<vmem>>, vector<16xi32>,
      %mul3A_204 = arith.constant 4 : i32
      %mul3A_205 = arith.muli %scan3A_190, %mul3A_204 : i32
      %add3A_206 = arith.constant 1 : i32
      %add3A_207 = arith.addi %mul3A_205, %add3A_206 : i32
      %mul3A_208 = arith.constant 16 : i32
      %mul3A_209 = arith.muli %add3A_207, %mul3A_208 : i32
      %get3A_210 = arith.index_cast %mul3A_209 : i32 to index
      %get3A_211 = tpu.vector_load %arg5[%get3A_210] {strides = array<i32>} : memref<512xi32, #tpu.memory_space<vmem>>, vector<16xi32>,
      %get3A_212 = vector.shape_cast %get3A_211 : vector<16xi32> to vector<16xi32>
      %add3A_213 = arith.addi %get3A_212, %get3A_212 : vector<16xi32>
      %swap3A_214 = arith.index_cast %mul3A_209 : i32 to index
      %swap3A_215 = tpu.vector_load %arg7[%swap3A_214] {strides = array<i32>} : memref<512xi32, #tpu.memory_space<vmem>>, vector<16xi32>,
      %swap3A_216 = vector.shape_cast %swap3A_215 : vector<16xi32> to vector<16xi32>
      %swap3A_217 = vector.shape_cast %add3A_213 : vector<16xi32> to vector<16xi32>
      tpu.vector_store %arg7[%swap3A_214], %swap3A_217 {strides = array<i32>} : memref<512xi32, #tpu.memory_space<vmem>>, vector<16xi32>,
      %mul3A_218 = arith.constant 4 : i32
      %mul3A_219 = arith.muli %scan3A_190, %mul3A_218 : i32
      %add3A_220 = arith.constant 2 : i32
      %add3A_221 = arith.addi %mul3A_219, %add3A_220 : i32
      %mul3A_222 = arith.constant 16 : i32
      %mul3A_223 = arith.muli %add3A_221, %mul3A_222 : i32
      %get3A_224 = arith.index_cast %mul3A_223 : i32 to index
      %get3A_225 = tpu.vector_load %arg5[%get3A_224] {strides = array<i32>} : memref<512xi32, #tpu.memory_space<vmem>>, vector<16xi32>,
      %get3A_226 = vector.shape_cast %get3A_225 : vector<16xi32> to vector<16xi32>
      %add3A_227 = arith.addi %get3A_226, %get3A_226 : vector<16xi32>
      %swap3A_228 = arith.index_cast %mul3A_223 : i32 to index
      %swap3A_229 = tpu.vector_load %arg7[%swap3A_228] {strides = array<i32>} : memref<512xi32, #tpu.memory_space<vmem>>, vector<16xi32>,
      %swap3A_230 = vector.shape_cast %swap3A_229 : vector<16xi32> to vector<16xi32>
      %swap3A_231 = vector.shape_cast %add3A_227 : vector<16xi32> to vector<16xi32>
      tpu.vector_store %arg7[%swap3A_228], %swap3A_231 {strides = array<i32>} : memref<512xi32, #tpu.memory_space<vmem>>, vector<16xi32>,
      %mul3A_232 = arith.constant 4 : i32
      %mul3A_233 = arith.muli %scan3A_190, %mul3A_232 : i32
      %add3A_234 = arith.constant 3 : i32
      %add3A_235 = arith.addi %mul3A_233, %add3A_234 : i32
      %mul3A_236 = arith.constant 16 : i32
      %mul3A_237 = arith.muli %add3A_235, %mul3A_236 : i32
      %get3A_238 = arith.index_cast %mul3A_237 : i32 to index
      %get3A_239 = tpu.vector_load %arg5[%get3A_238] {strides = array<i32>} : memref<512xi32, #tpu.memory_space<vmem>>, vector<16xi32>,
      %get3A_240 = vector.shape_cast %get3A_239 : vector<16xi32> to vector<16xi32>
      %add3A_241 = arith.addi %get3A_240, %get3A_240 : vector<16xi32>
      %swap3A_242 = arith.index_cast %mul3A_237 : i32 to index
      %swap3A_243 = tpu.vector_load %arg7[%swap3A_242] {strides = array<i32>} : memref<512xi32, #tpu.memory_space<vmem>>, vector<16xi32>,
      %swap3A_244 = vector.shape_cast %swap3A_243 : vector<16xi32> to vector<16xi32>
      %swap3A_245 = vector.shape_cast %add3A_241 : vector<16xi32> to vector<16xi32>
      tpu.vector_store %arg7[%swap3A_242], %swap3A_245 {strides = array<i32>} : memref<512xi32, #tpu.memory_space<vmem>>, vector<16xi32>,
      %scan3A_246 = arith.constant 0 : i32
      scf.yield %scan3A_246 : i32
    }
    %scan3A_18 = arith.constant 8 : i32
    %dma_start3A_19 = arith.constant 0 : i32
    %dma_start3A_20 = arith.constant 0 : i32
    %dma_start3A_21 = tpu.memref_slice %arg9[%dma_start3A_19, %dma_start3A_20] : memref<256x64xf32, #tpu.memory_space<vmem>> -> memref<128x64xf32, #tpu.memory_space<vmem>>
    %dma_start3A_22 = arith.constant 0 : i32
    %dma_start3A_23 = tpu.memref_slice %arg7[%dma_start3A_22] : memref<512xi32, #tpu.memory_space<vmem>> -> memref<128xi32, #tpu.memory_space<vmem>>
    %dma_start3A_24 = arith.constant 0 : i32
    %dma_start3A_25 = arith.constant 0 : i32
    %dma_start3A_26 = tpu.memref_slice %arg3[%dma_start3A_24, %dma_start3A_25] : memref<2000000x64xf32, #tpu.memory_space<hbm>> -> memref<2000000x64xf32, #tpu.memory_space<hbm>>
    tpu.enqueue_indirect_dma source(%dma_start3A_26 : memref<2000000x64xf32, #tpu.memory_space<hbm>>) target(%dma_start3A_21 : memref<128x64xf32, #tpu.memory_space<vmem>>) offsets(%dma_start3A_23 : memref<128xi32, #tpu.memory_space<vmem>>) semaphore(%arg14 : memref<!tpu.dma_semaphore, #tpu.memory_space<semaphore_mem>>)
    %dma_start3A_27 = arith.constant 128 : i32
    %dma_start3A_28 = arith.constant 0 : i32
    %dma_start3A_29 = tpu.memref_slice %arg9[%dma_start3A_27, %dma_start3A_28] : memref<256x64xf32, #tpu.memory_space<vmem>> -> memref<128x64xf32, #tpu.memory_space<vmem>>
    %dma_start3A_30 = arith.constant 128 : i32
    %dma_start3A_31 = tpu.memref_slice %arg7[%dma_start3A_30] : memref<512xi32, #tpu.memory_space<vmem>> -> memref<128xi32, #tpu.memory_space<vmem>>
    %dma_start3A_32 = arith.constant 0 : i32
    %dma_start3A_33 = arith.constant 0 : i32
    %dma_start3A_34 = tpu.memref_slice %arg3[%dma_start3A_32, %dma_start3A_33] : memref<2000000x64xf32, #tpu.memory_space<hbm>> -> memref<2000000x64xf32, #tpu.memory_space<hbm>>
    tpu.enqueue_indirect_dma source(%dma_start3A_34 : memref<2000000x64xf32, #tpu.memory_space<hbm>>) target(%dma_start3A_29 : memref<128x64xf32, #tpu.memory_space<vmem>>) offsets(%dma_start3A_31 : memref<128xi32, #tpu.memory_space<vmem>>) semaphore(%arg14 : memref<!tpu.dma_semaphore, #tpu.memory_space<semaphore_mem>>)
    %dma_start3A_35 = arith.constant 0 : i32
    %dma_start3A_36 = arith.constant 0 : i32
    %dma_start3A_37 = tpu.memref_slice %arg10[%dma_start3A_35, %dma_start3A_36] : memref<256x64xf32, #tpu.memory_space<vmem>> -> memref<128x64xf32, #tpu.memory_space<vmem>>
    %dma_start3A_38 = arith.constant 256 : i32
    %dma_start3A_39 = tpu.memref_slice %arg7[%dma_start3A_38] : memref<512xi32, #tpu.memory_space<vmem>> -> memref<128xi32, #tpu.memory_space<vmem>>
    %dma_start3A_40 = arith.constant 0 : i32
    %dma_start3A_41 = arith.constant 0 : i32
    %dma_start3A_42 = tpu.memref_slice %arg3[%dma_start3A_40, %dma_start3A_41] : memref<2000000x64xf32, #tpu.memory_space<hbm>> -> memref<2000000x64xf32, #tpu.memory_space<hbm>>
    tpu.enqueue_indirect_dma source(%dma_start3A_42 : memref<2000000x64xf32, #tpu.memory_space<hbm>>) target(%dma_start3A_37 : memref<128x64xf32, #tpu.memory_space<vmem>>) offsets(%dma_start3A_39 : memref<128xi32, #tpu.memory_space<vmem>>) semaphore(%arg15 : memref<!tpu.dma_semaphore, #tpu.memory_space<semaphore_mem>>)
    %dma_start3A_43 = arith.constant 128 : i32
    %dma_start3A_44 = arith.constant 0 : i32
    %dma_start3A_45 = tpu.memref_slice %arg10[%dma_start3A_43, %dma_start3A_44] : memref<256x64xf32, #tpu.memory_space<vmem>> -> memref<128x64xf32, #tpu.memory_space<vmem>>
    %dma_start3A_46 = arith.constant 384 : i32
    %dma_start3A_47 = tpu.memref_slice %arg7[%dma_start3A_46] : memref<512xi32, #tpu.memory_space<vmem>> -> memref<128xi32, #tpu.memory_space<vmem>>
    %dma_start3A_48 = arith.constant 0 : i32
    %dma_start3A_49 = arith.constant 0 : i32
    %dma_start3A_50 = tpu.memref_slice %arg3[%dma_start3A_48, %dma_start3A_49] : memref<2000000x64xf32, #tpu.memory_space<hbm>> -> memref<2000000x64xf32, #tpu.memory_space<hbm>>
    tpu.enqueue_indirect_dma source(%dma_start3A_50 : memref<2000000x64xf32, #tpu.memory_space<hbm>>) target(%dma_start3A_45 : memref<128x64xf32, #tpu.memory_space<vmem>>) offsets(%dma_start3A_47 : memref<128xi32, #tpu.memory_space<vmem>>) semaphore(%arg15 : memref<!tpu.dma_semaphore, #tpu.memory_space<semaphore_mem>>)
    %dma_start3A_51 = arith.constant 1 : i32
    %dma_start3A_52 = tpu.memref_slice %arg2[%dma_start3A_51, %mul3A_2] : memref<200x16384xi32, #tpu.memory_space<hbm>> -> memref<1x512xi32, #tpu.memory_space<hbm>>
    %dma_start3A_53 = tpu.memref_squeeze %dma_start3A_52 : memref<1x512xi32, #tpu.memory_space<hbm>> -> memref<512xi32, #tpu.memory_space<hbm>>
    %dma_start3A_54 = tpu.memref_slice %arg2[%dma_start3A_51, %mul3A_2] : memref<200x16384xi32, #tpu.memory_space<hbm>> -> memref<1x512xi32, #tpu.memory_space<hbm>>
    %dma_start3A_55 = tpu.memref_squeeze %dma_start3A_54 : memref<1x512xi32, #tpu.memory_space<hbm>> -> memref<512xi32, #tpu.memory_space<hbm>>
    tpu.enqueue_dma source(%dma_start3A_55 : memref<512xi32, #tpu.memory_space<hbm>>) target(%arg6 : memref<512xi32, #tpu.memory_space<vmem>>) target_semaphore(%arg13 : memref<!tpu.dma_semaphore, #tpu.memory_space<semaphore_mem>>)
    %dma_wait3A_56 = arith.constant 0 : i32
    %dma_wait3A_57 = arith.constant 0 : i32
    %dma_wait3A_58 = tpu.memref_slice %arg2[%dma_wait3A_56, %dma_wait3A_57] : memref<200x16384xi32, #tpu.memory_space<hbm>> -> memref<1x512xi32, #tpu.memory_space<hbm>>
    %dma_wait3A_59 = tpu.memref_squeeze %dma_wait3A_58 : memref<1x512xi32, #tpu.memory_space<hbm>> -> memref<512xi32, #tpu.memory_space<hbm>>
    %dma_wait3A_60 = arith.constant 0 : i32
    %dma_wait3A_61 = tpu.memref_slice %arg2[%dma_wait3A_56, %dma_wait3A_60] : memref<200x16384xi32, #tpu.memory_space<hbm>> -> memref<1x512xi32, #tpu.memory_space<hbm>>
    %dma_wait3A_62 = tpu.memref_squeeze %dma_wait3A_61 : memref<1x512xi32, #tpu.memory_space<hbm>> -> memref<512xi32, #tpu.memory_space<hbm>>
    tpu.wait_dma2 semaphore(%arg13 : memref<!tpu.dma_semaphore, #tpu.memory_space<semaphore_mem>>) src(%dma_wait3A_62 : memref<512xi32, #tpu.memory_space<hbm>>) dst(%arg6 : memref<512xi32, #tpu.memory_space<vmem>>)
    %scan3A_63 = arith.constant 0 : i32
    %scan3A_64 = arith.constant 0 : i32
    %scan3A_65 = arith.constant 8 : i32
    %scan3A_66 = arith.addi %scan3A_64, %scan3A_65 : i32
    %scan3A_67 = arith.constant 1 : i32
    %scan3A_68 = scf.for %scan3A_190 = %scan3A_64 to %scan3A_66 step %scan3A_67 iter_args(%scan3A_191 = %scan3A_63) -> (i32)  : i32 {
      %mul3A_192 = arith.constant 4 : i32
      %mul3A_193 = arith.muli %scan3A_190, %mul3A_192 : i32
      %add3A_194 = arith.constant 0 : i32
      %add3A_195 = arith.addi %mul3A_193, %add3A_194 : i32
      %mul3A_196 = arith.constant 16 : i32
      %mul3A_197 = arith.muli %add3A_195, %mul3A_196 : i32
      %get3A = arith.index_cast %mul3A_197 : i32 to index
      %get3A_198 = tpu.vector_load %arg6[%get3A] {strides = array<i32>} : memref<512xi32, #tpu.memory_space<vmem>>, vector<16xi32>,
      %get3A_199 = vector.shape_cast %get3A_198 : vector<16xi32> to vector<16xi32>
      %add3A_200 = arith.addi %get3A_199, %get3A_199 : vector<16xi32>
      %swap3A = arith.index_cast %mul3A_197 : i32 to index
      %swap3A_201 = tpu.vector_load %arg8[%swap3A] {strides = array<i32>} : memref<512xi32, #tpu.memory_space<vmem>>, vector<16xi32>,
      %swap3A_202 = vector.shape_cast %swap3A_201 : vector<16xi32> to vector<16xi32>
      %swap3A_203 = vector.shape_cast %add3A_200 : vector<16xi32> to vector<16xi32>
      tpu.vector_store %arg8[%swap3A], %swap3A_203 {strides = array<i32>} : memref<512xi32, #tpu.memory_space<vmem>>, vector<16xi32>,
      %mul3A_204 = arith.constant 4 : i32
      %mul3A_205 = arith.muli %scan3A_190, %mul3A_204 : i32
      %add3A_206 = arith.constant 1 : i32
      %add3A_207 = arith.addi %mul3A_205, %add3A_206 : i32
      %mul3A_208 = arith.constant 16 : i32
      %mul3A_209 = arith.muli %add3A_207, %mul3A_208 : i32
      %get3A_210 = arith.index_cast %mul3A_209 : i32 to index
      %get3A_211 = tpu.vector_load %arg6[%get3A_210] {strides = array<i32>} : memref<512xi32, #tpu.memory_space<vmem>>, vector<16xi32>,
      %get3A_212 = vector.shape_cast %get3A_211 : vector<16xi32> to vector<16xi32>
      %add3A_213 = arith.addi %get3A_212, %get3A_212 : vector<16xi32>
      %swap3A_214 = arith.index_cast %mul3A_209 : i32 to index
      %swap3A_215 = tpu.vector_load %arg8[%swap3A_214] {strides = array<i32>} : memref<512xi32, #tpu.memory_space<vmem>>, vector<16xi32>,
      %swap3A_216 = vector.shape_cast %swap3A_215 : vector<16xi32> to vector<16xi32>
      %swap3A_217 = vector.shape_cast %add3A_213 : vector<16xi32> to vector<16xi32>
      tpu.vector_store %arg8[%swap3A_214], %swap3A_217 {strides = array<i32>} : memref<512xi32, #tpu.memory_space<vmem>>, vector<16xi32>,
      %mul3A_218 = arith.constant 4 : i32
      %mul3A_219 = arith.muli %scan3A_190, %mul3A_218 : i32
      %add3A_220 = arith.constant 2 : i32
      %add3A_221 = arith.addi %mul3A_219, %add3A_220 : i32
      %mul3A_222 = arith.constant 16 : i32
      %mul3A_223 = arith.muli %add3A_221, %mul3A_222 : i32
      %get3A_224 = arith.index_cast %mul3A_223 : i32 to index
      %get3A_225 = tpu.vector_load %arg6[%get3A_224] {strides = array<i32>} : memref<512xi32, #tpu.memory_space<vmem>>, vector<16xi32>,
      %get3A_226 = vector.shape_cast %get3A_225 : vector<16xi32> to vector<16xi32>
      %add3A_227 = arith.addi %get3A_226, %get3A_226 : vector<16xi32>
      %swap3A_228 = arith.index_cast %mul3A_223 : i32 to index
      %swap3A_229 = tpu.vector_load %arg8[%swap3A_228] {strides = array<i32>} : memref<512xi32, #tpu.memory_space<vmem>>, vector<16xi32>,
      %swap3A_230 = vector.shape_cast %swap3A_229 : vector<16xi32> to vector<16xi32>
      %swap3A_231 = vector.shape_cast %add3A_227 : vector<16xi32> to vector<16xi32>
      tpu.vector_store %arg8[%swap3A_228], %swap3A_231 {strides = array<i32>} : memref<512xi32, #tpu.memory_space<vmem>>, vector<16xi32>,
      %mul3A_232 = arith.constant 4 : i32
      %mul3A_233 = arith.muli %scan3A_190, %mul3A_232 : i32
      %add3A_234 = arith.constant 3 : i32
      %add3A_235 = arith.addi %mul3A_233, %add3A_234 : i32
      %mul3A_236 = arith.constant 16 : i32
      %mul3A_237 = arith.muli %add3A_235, %mul3A_236 : i32
      %get3A_238 = arith.index_cast %mul3A_237 : i32 to index
      %get3A_239 = tpu.vector_load %arg6[%get3A_238] {strides = array<i32>} : memref<512xi32, #tpu.memory_space<vmem>>, vector<16xi32>,
      %get3A_240 = vector.shape_cast %get3A_239 : vector<16xi32> to vector<16xi32>
      %add3A_241 = arith.addi %get3A_240, %get3A_240 : vector<16xi32>
      %swap3A_242 = arith.index_cast %mul3A_237 : i32 to index
      %swap3A_243 = tpu.vector_load %arg8[%swap3A_242] {strides = array<i32>} : memref<512xi32, #tpu.memory_space<vmem>>, vector<16xi32>,
      %swap3A_244 = vector.shape_cast %swap3A_243 : vector<16xi32> to vector<16xi32>
      %swap3A_245 = vector.shape_cast %add3A_241 : vector<16xi32> to vector<16xi32>
      tpu.vector_store %arg8[%swap3A_242], %swap3A_245 {strides = array<i32>} : memref<512xi32, #tpu.memory_space<vmem>>, vector<16xi32>,
      %scan3A_246 = arith.constant 0 : i32
      scf.yield %scan3A_246 : i32
    }
    %scan3A_69 = arith.constant 8 : i32
    %dma_wait3A_70 = arith.constant 0 : i32
    %dma_wait3A_71 = arith.constant 0 : i32
    %dma_wait3A_72 = tpu.memref_slice %arg3[%dma_wait3A_70, %dma_wait3A_71] : memref<2000000x64xf32, #tpu.memory_space<hbm>> -> memref<256x64xf32, #tpu.memory_space<hbm>>
    %dma_wait3A_73 = arith.constant 0 : i32
    %dma_wait3A_74 = arith.constant 0 : i32
    %dma_wait3A_75 = tpu.memref_slice %arg3[%dma_wait3A_73, %dma_wait3A_74] : memref<2000000x64xf32, #tpu.memory_space<hbm>> -> memref<256x64xf32, #tpu.memory_space<hbm>>
    tpu.wait_dma2 semaphore(%arg14 : memref<!tpu.dma_semaphore, #tpu.memory_space<semaphore_mem>>) src(%dma_wait3A_75 : memref<256x64xf32, #tpu.memory_space<hbm>>) dst(%arg9 : memref<256x64xf32, #tpu.memory_space<vmem>>)
    %scan3A_76 = arith.constant 0 : i32
    %scan3A_77 = arith.constant 0 : i32
    %scan3A_78 = arith.constant 32 : i32
    %scan3A_79 = arith.addi %scan3A_77, %scan3A_78 : i32
    %scan3A_80 = arith.constant 1 : i32
    %scan3A_81 = scf.for %scan3A_190 = %scan3A_77 to %scan3A_79 step %scan3A_80 iter_args(%scan3A_191 = %scan3A_76) -> (i32)  : i32 {
      %mul3A_192 = arith.constant 4 : i32
      %mul3A_193 = arith.muli %scan3A_190, %mul3A_192 : i32
      %add3A_194 = arith.constant 0 : i32
      %add3A_195 = arith.addi %mul3A_193, %add3A_194 : i32
      %mul3A_196 = arith.constant 2 : i32
      %mul3A_197 = arith.muli %mul3A_196, %add3A_195 : i32
      %add3A_198 = arith.constant 0 : i32
      %add3A_199 = arith.addi %mul3A_197, %add3A_198 : i32
      %get3A = arith.index_cast %add3A_199 : i32 to index
      %get3A_200 = arith.constant 0 : index
      %get3A_201 = tpu.vector_load %arg9[%get3A, %get3A_200] {strides = array<i32>} : memref<256x64xf32, #tpu.memory_space<vmem>>, vector<1x16xf32>,
      %get3A_202 = vector.shape_cast %get3A_201 : vector<1x16xf32> to vector<16xf32>
      %add3A_203 = arith.constant 0 : i32
      %add3A_204 = arith.addi %add3A_203, %add3A_195 : i32
      %swap3A = arith.index_cast %add3A_204 : i32 to index
      %swap3A_205 = arith.constant 0 : index
      %swap3A_206 = tpu.vector_load %arg11[%swap3A, %swap3A_205] {strides = array<i32>} : memref<256x128xf32, #tpu.memory_space<vmem>>, vector<1x16xf32>,
      %swap3A_207 = vector.shape_cast %swap3A_206 : vector<1x16xf32> to vector<16xf32>
      %swap3A_208 = vector.shape_cast %get3A_202 : vector<16xf32> to vector<1x16xf32>
      tpu.vector_store %arg11[%swap3A, %swap3A_205], %swap3A_208 {strides = array<i32>} : memref<256x128xf32, #tpu.memory_space<vmem>>, vector<1x16xf32>,
      %mul3A_209 = arith.constant 2 : i32
      %mul3A_210 = arith.muli %mul3A_209, %add3A_195 : i32
      %add3A_211 = arith.constant 0 : i32
      %add3A_212 = arith.addi %mul3A_210, %add3A_211 : i32
      %get3A_213 = arith.index_cast %add3A_212 : i32 to index
      %get3A_214 = arith.constant 16 : index
      %get3A_215 = tpu.vector_load %arg9[%get3A_213, %get3A_214] {strides = array<i32>} : memref<256x64xf32, #tpu.memory_space<vmem>>, vector<1x16xf32>,
      %get3A_216 = vector.shape_cast %get3A_215 : vector<1x16xf32> to vector<16xf32>
      %add3A_217 = arith.constant 0 : i32
      %add3A_218 = arith.addi %add3A_217, %add3A_195 : i32
      %swap3A_219 = arith.index_cast %add3A_218 : i32 to index
      %swap3A_220 = arith.constant 16 : index
      %swap3A_221 = tpu.vector_load %arg11[%swap3A_219, %swap3A_220] {strides = array<i32>} : memref<256x128xf32, #tpu.memory_space<vmem>>, vector<1x16xf32>,
      %swap3A_222 = vector.shape_cast %swap3A_221 : vector<1x16xf32> to vector<16xf32>
      %swap3A_223 = vector.shape_cast %get3A_216 : vector<16xf32> to vector<1x16xf32>
      tpu.vector_store %arg11[%swap3A_219, %swap3A_220], %swap3A_223 {strides = array<i32>} : memref<256x128xf32, #tpu.memory_space<vmem>>, vector<1x16xf32>,
      %mul3A_224 = arith.constant 2 : i32
      %mul3A_225 = arith.muli %mul3A_224, %add3A_195 : i32
      %add3A_226 = arith.constant 0 : i32
      %add3A_227 = arith.addi %mul3A_225, %add3A_226 : i32
      %get3A_228 = arith.index_cast %add3A_227 : i32 to index
      %get3A_229 = arith.constant 32 : index
      %get3A_230 = tpu.vector_load %arg9[%get3A_228, %get3A_229] {strides = array<i32>} : memref<256x64xf32, #tpu.memory_space<vmem>>, vector<1x16xf32>,
      %get3A_231 = vector.shape_cast %get3A_230 : vector<1x16xf32> to vector<16xf32>
      %add3A_232 = arith.constant 0 : i32
      %add3A_233 = arith.addi %add3A_232, %add3A_195 : i32
      %swap3A_234 = arith.index_cast %add3A_233 : i32 to index
      %swap3A_235 = arith.constant 32 : index
      %swap3A_236 = tpu.vector_load %arg11[%swap3A_234, %swap3A_235] {strides = array<i32>} : memref<256x128xf32, #tpu.memory_space<vmem>>, vector<1x16xf32>,
      %swap3A_237 = vector.shape_cast %swap3A_236 : vector<1x16xf32> to vector<16xf32>
      %swap3A_238 = vector.shape_cast %get3A_231 : vector<16xf32> to vector<1x16xf32>
      tpu.vector_store %arg11[%swap3A_234, %swap3A_235], %swap3A_238 {strides = array<i32>} : memref<256x128xf32, #tpu.memory_space<vmem>>, vector<1x16xf32>,
      %mul3A_239 = arith.constant 2 : i32
      %mul3A_240 = arith.muli %mul3A_239, %add3A_195 : i32
      %add3A_241 = arith.constant 0 : i32
      %add3A_242 = arith.addi %mul3A_240, %add3A_241 : i32
      %get3A_243 = arith.index_cast %add3A_242 : i32 to index
      %get3A_244 = arith.constant 48 : index
      %get3A_245 = tpu.vector_load %arg9[%get3A_243, %get3A_244] {strides = array<i32>} : memref<256x64xf32, #tpu.memory_space<vmem>>, vector<1x16xf32>,
      %get3A_246 = vector.shape_cast %get3A_245 : vector<1x16xf32> to vector<16xf32>
      %add3A_247 = arith.constant 0 : i32
      %add3A_248 = arith.addi %add3A_247, %add3A_195 : i32
      %swap3A_249 = arith.index_cast %add3A_248 : i32 to index
      %swap3A_250 = arith.constant 48 : index
      %swap3A_251 = tpu.vector_load %arg11[%swap3A_249, %swap3A_250] {strides = array<i32>} : memref<256x128xf32, #tpu.memory_space<vmem>>, vector<1x16xf32>,
      %swap3A_252 = vector.shape_cast %swap3A_251 : vector<1x16xf32> to vector<16xf32>
      %swap3A_253 = vector.shape_cast %get3A_246 : vector<16xf32> to vector<1x16xf32>
      tpu.vector_store %arg11[%swap3A_249, %swap3A_250], %swap3A_253 {strides = array<i32>} : memref<256x128xf32, #tpu.memory_space<vmem>>, vector<1x16xf32>,
      %mul3A_254 = arith.constant 2 : i32
      %mul3A_255 = arith.muli %mul3A_254, %add3A_195 : i32
      %add3A_256 = arith.constant 1 : i32
      %add3A_257 = arith.addi %mul3A_255, %add3A_256 : i32
      %get3A_258 = arith.index_cast %add3A_257 : i32 to index
      %get3A_259 = arith.constant 0 : index
      %get3A_260 = tpu.vector_load %arg9[%get3A_258, %get3A_259] {strides = array<i32>} : memref<256x64xf32, #tpu.memory_space<vmem>>, vector<1x16xf32>,
      %get3A_261 = vector.shape_cast %get3A_260 : vector<1x16xf32> to vector<16xf32>
      %add3A_262 = arith.constant 0 : i32
      %add3A_263 = arith.addi %add3A_262, %add3A_195 : i32
      %swap3A_264 = arith.index_cast %add3A_263 : i32 to index
      %swap3A_265 = arith.constant 64 : index
      %swap3A_266 = tpu.vector_load %arg11[%swap3A_264, %swap3A_265] {strides = array<i32>} : memref<256x128xf32, #tpu.memory_space<vmem>>, vector<1x16xf32>,
      %swap3A_267 = vector.shape_cast %swap3A_266 : vector<1x16xf32> to vector<16xf32>
      %swap3A_268 = vector.shape_cast %get3A_261 : vector<16xf32> to vector<1x16xf32>
      tpu.vector_store %arg11[%swap3A_264, %swap3A_265], %swap3A_268 {strides = array<i32>} : memref<256x128xf32, #tpu.memory_space<vmem>>, vector<1x16xf32>,
      %mul3A_269 = arith.constant 2 : i32
      %mul3A_270 = arith.muli %mul3A_269, %add3A_195 : i32
      %add3A_271 = arith.constant 1 : i32
      %add3A_272 = arith.addi %mul3A_270, %add3A_271 : i32
      %get3A_273 = arith.index_cast %add3A_272 : i32 to index
      %get3A_274 = arith.constant 16 : index
      %get3A_275 = tpu.vector_load %arg9[%get3A_273, %get3A_274] {strides = array<i32>} : memref<256x64xf32, #tpu.memory_space<vmem>>, vector<1x16xf32>,
      %get3A_276 = vector.shape_cast %get3A_275 : vector<1x16xf32> to vector<16xf32>
      %add3A_277 = arith.constant 0 : i32
      %add3A_278 = arith.addi %add3A_277, %add3A_195 : i32
      %swap3A_279 = arith.index_cast %add3A_278 : i32 to index
      %swap3A_280 = arith.constant 80 : index
      %swap3A_281 = tpu.vector_load %arg11[%swap3A_279, %swap3A_280] {strides = array<i32>} : memref<256x128xf32, #tpu.memory_space<vmem>>, vector<1x16xf32>,
      %swap3A_282 = vector.shape_cast %swap3A_281 : vector<1x16xf32> to vector<16xf32>
      %swap3A_283 = vector.shape_cast %get3A_276 : vector<16xf32> to vector<1x16xf32>
      tpu.vector_store %arg11[%swap3A_279, %swap3A_280], %swap3A_283 {strides = array<i32>} : memref<256x128xf32, #tpu.memory_space<vmem>>, vector<1x16xf32>,
      %mul3A_284 = arith.constant 2 : i32
      %mul3A_285 = arith.muli %mul3A_284, %add3A_195 : i32
      %add3A_286 = arith.constant 1 : i32
      %add3A_287 = arith.addi %mul3A_285, %add3A_286 : i32
      %get3A_288 = arith.index_cast %add3A_287 : i32 to index
      %get3A_289 = arith.constant 32 : index
      %get3A_290 = tpu.vector_load %arg9[%get3A_288, %get3A_289] {strides = array<i32>} : memref<256x64xf32, #tpu.memory_space<vmem>>, vector<1x16xf32>,
      %get3A_291 = vector.shape_cast %get3A_290 : vector<1x16xf32> to vector<16xf32>
      %add3A_292 = arith.constant 0 : i32
      %add3A_293 = arith.addi %add3A_292, %add3A_195 : i32
      %swap3A_294 = arith.index_cast %add3A_293 : i32 to index
      %swap3A_295 = arith.constant 96 : index
      %swap3A_296 = tpu.vector_load %arg11[%swap3A_294, %swap3A_295] {strides = array<i32>} : memref<256x128xf32, #tpu.memory_space<vmem>>, vector<1x16xf32>,
      %swap3A_297 = vector.shape_cast %swap3A_296 : vector<1x16xf32> to vector<16xf32>
      %swap3A_298 = vector.shape_cast %get3A_291 : vector<16xf32> to vector<1x16xf32>
      tpu.vector_store %arg11[%swap3A_294, %swap3A_295], %swap3A_298 {strides = array<i32>} : memref<256x128xf32, #tpu.memory_space<vmem>>, vector<1x16xf32>,
      %mul3A_299 = arith.constant 2 : i32
      %mul3A_300 = arith.muli %mul3A_299, %add3A_195 : i32
      %add3A_301 = arith.constant 1 : i32
      %add3A_302 = arith.addi %mul3A_300, %add3A_301 : i32
      %get3A_303 = arith.index_cast %add3A_302 : i32 to index
      %get3A_304 = arith.constant 48 : index
      %get3A_305 = tpu.vector_load %arg9[%get3A_303, %get3A_304] {strides = array<i32>} : memref<256x64xf32, #tpu.memory_space<vmem>>, vector<1x16xf32>,
      %get3A_306 = vector.shape_cast %get3A_305 : vector<1x16xf32> to vector<16xf32>
      %add3A_307 = arith.constant 0 : i32
      %add3A_308 = arith.addi %add3A_307, %add3A_195 : i32
      %swap3A_309 = arith.index_cast %add3A_308 : i32 to index
      %swap3A_310 = arith.constant 112 : index
      %swap3A_311 = tpu.vector_load %arg11[%swap3A_309, %swap3A_310] {strides = array<i32>} : memref<256x128xf32, #tpu.memory_space<vmem>>, vector<1x16xf32>,
      %swap3A_312 = vector.shape_cast %swap3A_311 : vector<1x16xf32> to vector<16xf32>
      %swap3A_313 = vector.shape_cast %get3A_306 : vector<16xf32> to vector<1x16xf32>
      tpu.vector_store %arg11[%swap3A_309, %swap3A_310], %swap3A_313 {strides = array<i32>} : memref<256x128xf32, #tpu.memory_space<vmem>>, vector<1x16xf32>,
      %mul3A_314 = arith.constant 4 : i32
      %mul3A_315 = arith.muli %scan3A_190, %mul3A_314 : i32
      %add3A_316 = arith.constant 1 : i32
      %add3A_317 = arith.addi %mul3A_315, %add3A_316 : i32
      %mul3A_318 = arith.constant 2 : i32
      %mul3A_319 = arith.muli %mul3A_318, %add3A_317 : i32
      %add3A_320 = arith.constant 0 : i32
      %add3A_321 = arith.addi %mul3A_319, %add3A_320 : i32
      %get3A_322 = arith.index_cast %add3A_321 : i32 to index
      %get3A_323 = arith.constant 0 : index
      %get3A_324 = tpu.vector_load %arg9[%get3A_322, %get3A_323] {strides = array<i32>} : memref<256x64xf32, #tpu.memory_space<vmem>>, vector<1x16xf32>,
      %get3A_325 = vector.shape_cast %get3A_324 : vector<1x16xf32> to vector<16xf32>
      %add3A_326 = arith.constant 0 : i32
      %add3A_327 = arith.addi %add3A_326, %add3A_317 : i32
      %swap3A_328 = arith.index_cast %add3A_327 : i32 to index
      %swap3A_329 = arith.constant 0 : index
      %swap3A_330 = tpu.vector_load %arg11[%swap3A_328, %swap3A_329] {strides = array<i32>} : memref<256x128xf32, #tpu.memory_space<vmem>>, vector<1x16xf32>,
      %swap3A_331 = vector.shape_cast %swap3A_330 : vector<1x16xf32> to vector<16xf32>
      %swap3A_332 = vector.shape_cast %get3A_325 : vector<16xf32> to vector<1x16xf32>
      tpu.vector_store %arg11[%swap3A_328, %swap3A_329], %swap3A_332 {strides = array<i32>} : memref<256x128xf32, #tpu.memory_space<vmem>>, vector<1x16xf32>,
      %mul3A_333 = arith.constant 2 : i32
      %mul3A_334 = arith.muli %mul3A_333, %add3A_317 : i32
      %add3A_335 = arith.constant 0 : i32
      %add3A_336 = arith.addi %mul3A_334, %add3A_335 : i32
      %get3A_337 = arith.index_cast %add3A_336 : i32 to index
      %get3A_338 = arith.constant 16 : index
      %get3A_339 = tpu.vector_load %arg9[%get3A_337, %get3A_338] {strides = array<i32>} : memref<256x64xf32, #tpu.memory_space<vmem>>, vector<1x16xf32>,
      %get3A_340 = vector.shape_cast %get3A_339 : vector<1x16xf32> to vector<16xf32>
      %add3A_341 = arith.constant 0 : i32
      %add3A_342 = arith.addi %add3A_341, %add3A_317 : i32
      %swap3A_343 = arith.index_cast %add3A_342 : i32 to index
      %swap3A_344 = arith.constant 16 : index
      %swap3A_345 = tpu.vector_load %arg11[%swap3A_343, %swap3A_344] {strides = array<i32>} : memref<256x128xf32, #tpu.memory_space<vmem>>, vector<1x16xf32>,
      %swap3A_346 = vector.shape_cast %swap3A_345 : vector<1x16xf32> to vector<16xf32>
      %swap3A_347 = vector.shape_cast %get3A_340 : vector<16xf32> to vector<1x16xf32>
      tpu.vector_store %arg11[%swap3A_343, %swap3A_344], %swap3A_347 {strides = array<i32>} : memref<256x128xf32, #tpu.memory_space<vmem>>, vector<1x16xf32>,
      %mul3A_348 = arith.constant 2 : i32
      %mul3A_349 = arith.muli %mul3A_348, %add3A_317 : i32
      %add3A_350 = arith.constant 0 : i32
      %add3A_351 = arith.addi %mul3A_349, %add3A_350 : i32
      %get3A_352 = arith.index_cast %add3A_351 : i32 to index
      %get3A_353 = arith.constant 32 : index
      %get3A_354 = tpu.vector_load %arg9[%get3A_352, %get3A_353] {strides = array<i32>} : memref<256x64xf32, #tpu.memory_space<vmem>>, vector<1x16xf32>,
      %get3A_355 = vector.shape_cast %get3A_354 : vector<1x16xf32> to vector<16xf32>
      %add3A_356 = arith.constant 0 : i32
      %add3A_357 = arith.addi %add3A_356, %add3A_317 : i32
      %swap3A_358 = arith.index_cast %add3A_357 : i32 to index
      %swap3A_359 = arith.constant 32 : index
      %swap3A_360 = tpu.vector_load %arg11[%swap3A_358, %swap3A_359] {strides = array<i32>} : memref<256x128xf32, #tpu.memory_space<vmem>>, vector<1x16xf32>,
      %swap3A_361 = vector.shape_cast %swap3A_360 : vector<1x16xf32> to vector<16xf32>
      %swap3A_362 = vector.shape_cast %get3A_355 : vector<16xf32> to vector<1x16xf32>
      tpu.vector_store %arg11[%swap3A_358, %swap3A_359], %swap3A_362 {strides = array<i32>} : memref<256x128xf32, #tpu.memory_space<vmem>>, vector<1x16xf32>,
      %mul3A_363 = arith.constant 2 : i32
      %mul3A_364 = arith.muli %mul3A_363, %add3A_317 : i32
      %add3A_365 = arith.constant 0 : i32
      %add3A_366 = arith.addi %mul3A_364, %add3A_365 : i32
      %get3A_367 = arith.index_cast %add3A_366 : i32 to index
      %get3A_368 = arith.constant 48 : index
      %get3A_369 = tpu.vector_load %arg9[%get3A_367, %get3A_368] {strides = array<i32>} : memref<256x64xf32, #tpu.memory_space<vmem>>, vector<1x16xf32>,
      %get3A_370 = vector.shape_cast %get3A_369 : vector<1x16xf32> to vector<16xf32>
      %add3A_371 = arith.constant 0 : i32
      %add3A_372 = arith.addi %add3A_371, %add3A_317 : i32
      %swap3A_373 = arith.index_cast %add3A_372 : i32 to index
      %swap3A_374 = arith.constant 48 : index
      %swap3A_375 = tpu.vector_load %arg11[%swap3A_373, %swap3A_374] {strides = array<i32>} : memref<256x128xf32, #tpu.memory_space<vmem>>, vector<1x16xf32>,
      %swap3A_376 = vector.shape_cast %swap3A_375 : vector<1x16xf32> to vector<16xf32>
      %swap3A_377 = vector.shape_cast %get3A_370 : vector<16xf32> to vector<1x16xf32>
      tpu.vector_store %arg11[%swap3A_373, %swap3A_374], %swap3A_377 {strides = array<i32>} : memref<256x128xf32, #tpu.memory_space<vmem>>, vector<1x16xf32>,
      %mul3A_378 = arith.constant 2 : i32
      %mul3A_379 = arith.muli %mul3A_378, %add3A_317 : i32
      %add3A_380 = arith.constant 1 : i32
      %add3A_381 = arith.addi %mul3A_379, %add3A_380 : i32
      %get3A_382 = arith.index_cast %add3A_381 : i32 to index
      %get3A_383 = arith.constant 0 : index
      %get3A_384 = tpu.vector_load %arg9[%get3A_382, %get3A_383] {strides = array<i32>} : memref<256x64xf32, #tpu.memory_space<vmem>>, vector<1x16xf32>,
      %get3A_385 = vector.shape_cast %get3A_384 : vector<1x16xf32> to vector<16xf32>
      %add3A_386 = arith.constant 0 : i32
      %add3A_387 = arith.addi %add3A_386, %add3A_317 : i32
      %swap3A_388 = arith.index_cast %add3A_387 : i32 to index
      %swap3A_389 = arith.constant 64 : index
      %swap3A_390 = tpu.vector_load %arg11[%swap3A_388, %swap3A_389] {strides = array<i32>} : memref<256x128xf32, #tpu.memory_space<vmem>>, vector<1x16xf32>,
      %swap3A_391 = vector.shape_cast %swap3A_390 : vector<1x16xf32> to vector<16xf32>
      %swap3A_392 = vector.shape_cast %get3A_385 : vector<16xf32> to vector<1x16xf32>
      tpu.vector_store %arg11[%swap3A_388, %swap3A_389], %swap3A_392 {strides = array<i32>} : memref<256x128xf32, #tpu.memory_space<vmem>>, vector<1x16xf32>,
      %mul3A_393 = arith.constant 2 : i32
      %mul3A_394 = arith.muli %mul3A_393, %add3A_317 : i32
      %add3A_395 = arith.constant 1 : i32
      %add3A_396 = arith.addi %mul3A_394, %add3A_395 : i32
      %get3A_397 = arith.index_cast %add3A_396 : i32 to index
      %get3A_398 = arith.constant 16 : index
      %get3A_399 = tpu.vector_load %arg9[%get3A_397, %get3A_398] {strides = array<i32>} : memref<256x64xf32, #tpu.memory_space<vmem>>, vector<1x16xf32>,
      %get3A_400 = vector.shape_cast %get3A_399 : vector<1x16xf32> to vector<16xf32>
      %add3A_401 = arith.constant 0 : i32
      %add3A_402 = arith.addi %add3A_401, %add3A_317 : i32
      %swap3A_403 = arith.index_cast %add3A_402 : i32 to index
      %swap3A_404 = arith.constant 80 : index
      %swap3A_405 = tpu.vector_load %arg11[%swap3A_403, %swap3A_404] {strides = array<i32>} : memref<256x128xf32, #tpu.memory_space<vmem>>, vector<1x16xf32>,
      %swap3A_406 = vector.shape_cast %swap3A_405 : vector<1x16xf32> to vector<16xf32>
      %swap3A_407 = vector.shape_cast %get3A_400 : vector<16xf32> to vector<1x16xf32>
      tpu.vector_store %arg11[%swap3A_403, %swap3A_404], %swap3A_407 {strides = array<i32>} : memref<256x128xf32, #tpu.memory_space<vmem>>, vector<1x16xf32>,
      %mul3A_408 = arith.constant 2 : i32
      %mul3A_409 = arith.muli %mul3A_408, %add3A_317 : i32
      %add3A_410 = arith.constant 1 : i32
      %add3A_411 = arith.addi %mul3A_409, %add3A_410 : i32
      %get3A_412 = arith.index_cast %add3A_411 : i32 to index
      %get3A_413 = arith.constant 32 : index
      %get3A_414 = tpu.vector_load %arg9[%get3A_412, %get3A_413] {strides = array<i32>} : memref<256x64xf32, #tpu.memory_space<vmem>>, vector<1x16xf32>,
      %get3A_415 = vector.shape_cast %get3A_414 : vector<1x16xf32> to vector<16xf32>
      %add3A_416 = arith.constant 0 : i32
      %add3A_417 = arith.addi %add3A_416, %add3A_317 : i32
      %swap3A_418 = arith.index_cast %add3A_417 : i32 to index
      %swap3A_419 = arith.constant 96 : index
      %swap3A_420 = tpu.vector_load %arg11[%swap3A_418, %swap3A_419] {strides = array<i32>} : memref<256x128xf32, #tpu.memory_space<vmem>>, vector<1x16xf32>,
      %swap3A_421 = vector.shape_cast %swap3A_420 : vector<1x16xf32> to vector<16xf32>
      %swap3A_422 = vector.shape_cast %get3A_415 : vector<16xf32> to vector<1x16xf32>
      tpu.vector_store %arg11[%swap3A_418, %swap3A_419], %swap3A_422 {strides = array<i32>} : memref<256x128xf32, #tpu.memory_space<vmem>>, vector<1x16xf32>,
      %mul3A_423 = arith.constant 2 : i32
      %mul3A_424 = arith.muli %mul3A_423, %add3A_317 : i32
      %add3A_425 = arith.constant 1 : i32
      %add3A_426 = arith.addi %mul3A_424, %add3A_425 : i32
      %get3A_427 = arith.index_cast %add3A_426 : i32 to index
      %get3A_428 = arith.constant 48 : index
      %get3A_429 = tpu.vector_load %arg9[%get3A_427, %get3A_428] {strides = array<i32>} : memref<256x64xf32, #tpu.memory_space<vmem>>, vector<1x16xf32>,
      %get3A_430 = vector.shape_cast %get3A_429 : vector<1x16xf32> to vector<16xf32>
      %add3A_431 = arith.constant 0 : i32
      %add3A_432 = arith.addi %add3A_431, %add3A_317 : i32
      %swap3A_433 = arith.index_cast %add3A_432 : i32 to index
      %swap3A_434 = arith.constant 112 : index
      %swap3A_435 = tpu.vector_load %arg11[%swap3A_433, %swap3A_434] {strides = array<i32>} : memref<256x128xf32, #tpu.memory_space<vmem>>, vector<1x16xf32>,
      %swap3A_436 = vector.shape_cast %swap3A_435 : vector<1x16xf32> to vector<16xf32>
      %swap3A_437 = vector.shape_cast %get3A_430 : vector<16xf32> to vector<1x16xf32>
      tpu.vector_store %arg11[%swap3A_433, %swap3A_434], %swap3A_437 {strides = array<i32>} : memref<256x128xf32, #tpu.memory_space<vmem>>, vector<1x16xf32>,
      %mul3A_438 = arith.constant 4 : i32
      %mul3A_439 = arith.muli %scan3A_190, %mul3A_438 : i32
      %add3A_440 = arith.constant 2 : i32
      %add3A_441 = arith.addi %mul3A_439, %add3A_440 : i32
      %mul3A_442 = arith.constant 2 : i32
      %mul3A_443 = arith.muli %mul3A_442, %add3A_441 : i32
      %add3A_444 = arith.constant 0 : i32
      %add3A_445 = arith.addi %mul3A_443, %add3A_444 : i32
      %get3A_446 = arith.index_cast %add3A_445 : i32 to index
      %get3A_447 = arith.constant 0 : index
      %get3A_448 = tpu.vector_load %arg9[%get3A_446, %get3A_447] {strides = array<i32>} : memref<256x64xf32, #tpu.memory_space<vmem>>, vector<1x16xf32>,
      %get3A_449 = vector.shape_cast %get3A_448 : vector<1x16xf32> to vector<16xf32>
      %add3A_450 = arith.constant 0 : i32
      %add3A_451 = arith.addi %add3A_450, %add3A_441 : i32
      %swap3A_452 = arith.index_cast %add3A_451 : i32 to index
      %swap3A_453 = arith.constant 0 : index
      %swap3A_454 = tpu.vector_load %arg11[%swap3A_452, %swap3A_453] {strides = array<i32>} : memref<256x128xf32, #tpu.memory_space<vmem>>, vector<1x16xf32>,
      %swap3A_455 = vector.shape_cast %swap3A_454 : vector<1x16xf32> to vector<16xf32>
      %swap3A_456 = vector.shape_cast %get3A_449 : vector<16xf32> to vector<1x16xf32>
      tpu.vector_store %arg11[%swap3A_452, %swap3A_453], %swap3A_456 {strides = array<i32>} : memref<256x128xf32, #tpu.memory_space<vmem>>, vector<1x16xf32>,
      %mul3A_457 = arith.constant 2 : i32
      %mul3A_458 = arith.muli %mul3A_457, %add3A_441 : i32
      %add3A_459 = arith.constant 0 : i32
      %add3A_460 = arith.addi %mul3A_458, %add3A_459 : i32
      %get3A_461 = arith.index_cast %add3A_460 : i32 to index
      %get3A_462 = arith.constant 16 : index
      %get3A_463 = tpu.vector_load %arg9[%get3A_461, %get3A_462] {strides = array<i32>} : memref<256x64xf32, #tpu.memory_space<vmem>>, vector<1x16xf32>,
      %get3A_464 = vector.shape_cast %get3A_463 : vector<1x16xf32> to vector<16xf32>
      %add3A_465 = arith.constant 0 : i32
      %add3A_466 = arith.addi %add3A_465, %add3A_441 : i32
      %swap3A_467 = arith.index_cast %add3A_466 : i32 to index
      %swap3A_468 = arith.constant 16 : index
      %swap3A_469 = tpu.vector_load %arg11[%swap3A_467, %swap3A_468] {strides = array<i32>} : memref<256x128xf32, #tpu.memory_space<vmem>>, vector<1x16xf32>,
      %swap3A_470 = vector.shape_cast %swap3A_469 : vector<1x16xf32> to vector<16xf32>
      %swap3A_471 = vector.shape_cast %get3A_464 : vector<16xf32> to vector<1x16xf32>
      tpu.vector_store %arg11[%swap3A_467, %swap3A_468], %swap3A_471 {strides = array<i32>} : memref<256x128xf32, #tpu.memory_space<vmem>>, vector<1x16xf32>,
      %mul3A_472 = arith.constant 2 : i32
      %mul3A_473 = arith.muli %mul3A_472, %add3A_441 : i32
      %add3A_474 = arith.constant 0 : i32
      %add3A_475 = arith.addi %mul3A_473, %add3A_474 : i32
      %get3A_476 = arith.index_cast %add3A_475 : i32 to index
      %get3A_477 = arith.constant 32 : index
      %get3A_478 = tpu.vector_load %arg9[%get3A_476, %get3A_477] {strides = array<i32>} : memref<256x64xf32, #tpu.memory_space<vmem>>, vector<1x16xf32>,
      %get3A_479 = vector.shape_cast %get3A_478 : vector<1x16xf32> to vector<16xf32>
      %add3A_480 = arith.constant 0 : i32
      %add3A_481 = arith.addi %add3A_480, %add3A_441 : i32
      %swap3A_482 = arith.index_cast %add3A_481 : i32 to index
      %swap3A_483 = arith.constant 32 : index
      %swap3A_484 = tpu.vector_load %arg11[%swap3A_482, %swap3A_483] {strides = array<i32>} : memref<256x128xf32, #tpu.memory_space<vmem>>, vector<1x16xf32>,
      %swap3A_485 = vector.shape_cast %swap3A_484 : vector<1x16xf32> to vector<16xf32>
      %swap3A_486 = vector.shape_cast %get3A_479 : vector<16xf32> to vector<1x16xf32>
      tpu.vector_store %arg11[%swap3A_482, %swap3A_483], %swap3A_486 {strides = array<i32>} : memref<256x128xf32, #tpu.memory_space<vmem>>, vector<1x16xf32>,
      %mul3A_487 = arith.constant 2 : i32
      %mul3A_488 = arith.muli %mul3A_487, %add3A_441 : i32
      %add3A_489 = arith.constant 0 : i32
      %add3A_490 = arith.addi %mul3A_488, %add3A_489 : i32
      %get3A_491 = arith.index_cast %add3A_490 : i32 to index
      %get3A_492 = arith.constant 48 : index
      %get3A_493 = tpu.vector_load %arg9[%get3A_491, %get3A_492] {strides = array<i32>} : memref<256x64xf32, #tpu.memory_space<vmem>>, vector<1x16xf32>,
      %get3A_494 = vector.shape_cast %get3A_493 : vector<1x16xf32> to vector<16xf32>
      %add3A_495 = arith.constant 0 : i32
      %add3A_496 = arith.addi %add3A_495, %add3A_441 : i32
      %swap3A_497 = arith.index_cast %add3A_496 : i32 to index
      %swap3A_498 = arith.constant 48 : index
      %swap3A_499 = tpu.vector_load %arg11[%swap3A_497, %swap3A_498] {strides = array<i32>} : memref<256x128xf32, #tpu.memory_space<vmem>>, vector<1x16xf32>,
      %swap3A_500 = vector.shape_cast %swap3A_499 : vector<1x16xf32> to vector<16xf32>
      %swap3A_501 = vector.shape_cast %get3A_494 : vector<16xf32> to vector<1x16xf32>
      tpu.vector_store %arg11[%swap3A_497, %swap3A_498], %swap3A_501 {strides = array<i32>} : memref<256x128xf32, #tpu.memory_space<vmem>>, vector<1x16xf32>,
      %mul3A_502 = arith.constant 2 : i32
      %mul3A_503 = arith.muli %mul3A_502, %add3A_441 : i32
      %add3A_504 = arith.constant 1 : i32
      %add3A_505 = arith.addi %mul3A_503, %add3A_504 : i32
      %get3A_506 = arith.index_cast %add3A_505 : i32 to index
      %get3A_507 = arith.constant 0 : index
      %get3A_508 = tpu.vector_load %arg9[%get3A_506, %get3A_507] {strides = array<i32>} : memref<256x64xf32, #tpu.memory_space<vmem>>, vector<1x16xf32>,
      %get3A_509 = vector.shape_cast %get3A_508 : vector<1x16xf32> to vector<16xf32>
      %add3A_510 = arith.constant 0 : i32
      %add3A_511 = arith.addi %add3A_510, %add3A_441 : i32
      %swap3A_512 = arith.index_cast %add3A_511 : i32 to index
      %swap3A_513 = arith.constant 64 : index
      %swap3A_514 = tpu.vector_load %arg11[%swap3A_512, %swap3A_513] {strides = array<i32>} : memref<256x128xf32, #tpu.memory_space<vmem>>, vector<1x16xf32>,
      %swap3A_515 = vector.shape_cast %swap3A_514 : vector<1x16xf32> to vector<16xf32>
      %swap3A_516 = vector.shape_cast %get3A_509 : vector<16xf32> to vector<1x16xf32>
      tpu.vector_store %arg11[%swap3A_512, %swap3A_513], %swap3A_516 {strides = array<i32>} : memref<256x128xf32, #tpu.memory_space<vmem>>, vector<1x16xf32>,
      %mul3A_517 = arith.constant 2 : i32
      %mul3A_518 = arith.muli %mul3A_517, %add3A_441 : i32
      %add3A_519 = arith.constant 1 : i32
      %add3A_520 = arith.addi %mul3A_518, %add3A_519 : i32
      %get3A_521 = arith.index_cast %add3A_520 : i32 to index
      %get3A_522 = arith.constant 16 : index
      %get3A_523 = tpu.vector_load %arg9[%get3A_521, %get3A_522] {strides = array<i32>} : memref<256x64xf32, #tpu.memory_space<vmem>>, vector<1x16xf32>,
      %get3A_524 = vector.shape_cast %get3A_523 : vector<1x16xf32> to vector<16xf32>
      %add3A_525 = arith.constant 0 : i32
      %add3A_526 = arith.addi %add3A_525, %add3A_441 : i32
      %swap3A_527 = arith.index_cast %add3A_526 : i32 to index
      %swap3A_528 = arith.constant 80 : index
      %swap3A_529 = tpu.vector_load %arg11[%swap3A_527, %swap3A_528] {strides = array<i32>} : memref<256x128xf32, #tpu.memory_space<vmem>>, vector<1x16xf32>,
      %swap3A_530 = vector.shape_cast %swap3A_529 : vector<1x16xf32> to vector<16xf32>
      %swap3A_531 = vector.shape_cast %get3A_524 : vector<16xf32> to vector<1x16xf32>
      tpu.vector_store %arg11[%swap3A_527, %swap3A_528], %swap3A_531 {strides = array<i32>} : memref<256x128xf32, #tpu.memory_space<vmem>>, vector<1x16xf32>,
      %mul3A_532 = arith.constant 2 : i32
      %mul3A_533 = arith.muli %mul3A_532, %add3A_441 : i32
      %add3A_534 = arith.constant 1 : i32
      %add3A_535 = arith.addi %mul3A_533, %add3A_534 : i32
      %get3A_536 = arith.index_cast %add3A_535 : i32 to index
      %get3A_537 = arith.constant 32 : index
      %get3A_538 = tpu.vector_load %arg9[%get3A_536, %get3A_537] {strides = array<i32>} : memref<256x64xf32, #tpu.memory_space<vmem>>, vector<1x16xf32>,
      %get3A_539 = vector.shape_cast %get3A_538 : vector<1x16xf32> to vector<16xf32>
      %add3A_540 = arith.constant 0 : i32
      %add3A_541 = arith.addi %add3A_540, %add3A_441 : i32
      %swap3A_542 = arith.index_cast %add3A_541 : i32 to index
      %swap3A_543 = arith.constant 96 : index
      %swap3A_544 = tpu.vector_load %arg11[%swap3A_542, %swap3A_543] {strides = array<i32>} : memref<256x128xf32, #tpu.memory_space<vmem>>, vector<1x16xf32>,
      %swap3A_545 = vector.shape_cast %swap3A_544 : vector<1x16xf32> to vector<16xf32>
      %swap3A_546 = vector.shape_cast %get3A_539 : vector<16xf32> to vector<1x16xf32>
      tpu.vector_store %arg11[%swap3A_542, %swap3A_543], %swap3A_546 {strides = array<i32>} : memref<256x128xf32, #tpu.memory_space<vmem>>, vector<1x16xf32>,
      %mul3A_547 = arith.constant 2 : i32
      %mul3A_548 = arith.muli %mul3A_547, %add3A_441 : i32
      %add3A_549 = arith.constant 1 : i32
      %add3A_550 = arith.addi %mul3A_548, %add3A_549 : i32
      %get3A_551 = arith.index_cast %add3A_550 : i32 to index
      %get3A_552 = arith.constant 48 : index
      %get3A_553 = tpu.vector_load %arg9[%get3A_551, %get3A_552] {strides = array<i32>} : memref<256x64xf32, #tpu.memory_space<vmem>>, vector<1x16xf32>,
      %get3A_554 = vector.shape_cast %get3A_553 : vector<1x16xf32> to vector<16xf32>
      %add3A_555 = arith.constant 0 : i32
      %add3A_556 = arith.addi %add3A_555, %add3A_441 : i32
      %swap3A_557 = arith.index_cast %add3A_556 : i32 to index
      %swap3A_558 = arith.constant 112 : index
      %swap3A_559 = tpu.vector_load %arg11[%swap3A_557, %swap3A_558] {strides = array<i32>} : memref<256x128xf32, #tpu.memory_space<vmem>>, vector<1x16xf32>,
      %swap3A_560 = vector.shape_cast %swap3A_559 : vector<1x16xf32> to vector<16xf32>
      %swap3A_561 = vector.shape_cast %get3A_554 : vector<16xf32> to vector<1x16xf32>
      tpu.vector_store %arg11[%swap3A_557, %swap3A_558], %swap3A_561 {strides = array<i32>} : memref<256x128xf32, #tpu.memory_space<vmem>>, vector<1x16xf32>,
      %mul3A_562 = arith.constant 4 : i32
      %mul3A_563 = arith.muli %scan3A_190, %mul3A_562 : i32
      %add3A_564 = arith.constant 3 : i32
      %add3A_565 = arith.addi %mul3A_563, %add3A_564 : i32
      %mul3A_566 = arith.constant 2 : i32
      %mul3A_567 = arith.muli %mul3A_566, %add3A_565 : i32
      %add3A_568 = arith.constant 0 : i32
      %add3A_569 = arith.addi %mul3A_567, %add3A_568 : i32
      %get3A_570 = arith.index_cast %add3A_569 : i32 to index
      %get3A_571 = arith.constant 0 : index
      %get3A_572 = tpu.vector_load %arg9[%get3A_570, %get3A_571] {strides = array<i32>} : memref<256x64xf32, #tpu.memory_space<vmem>>, vector<1x16xf32>,
      %get3A_573 = vector.shape_cast %get3A_572 : vector<1x16xf32> to vector<16xf32>
      %add3A_574 = arith.constant 0 : i32
      %add3A_575 = arith.addi %add3A_574, %add3A_565 : i32
      %swap3A_576 = arith.index_cast %add3A_575 : i32 to index
      %swap3A_577 = arith.constant 0 : index
      %swap3A_578 = tpu.vector_load %arg11[%swap3A_576, %swap3A_577] {strides = array<i32>} : memref<256x128xf32, #tpu.memory_space<vmem>>, vector<1x16xf32>,
      %swap3A_579 = vector.shape_cast %swap3A_578 : vector<1x16xf32> to vector<16xf32>
      %swap3A_580 = vector.shape_cast %get3A_573 : vector<16xf32> to vector<1x16xf32>
      tpu.vector_store %arg11[%swap3A_576, %swap3A_577], %swap3A_580 {strides = array<i32>} : memref<256x128xf32, #tpu.memory_space<vmem>>, vector<1x16xf32>,
      %mul3A_581 = arith.constant 2 : i32
      %mul3A_582 = arith.muli %mul3A_581, %add3A_565 : i32
      %add3A_583 = arith.constant 0 : i32
      %add3A_584 = arith.addi %mul3A_582, %add3A_583 : i32
      %get3A_585 = arith.index_cast %add3A_584 : i32 to index
      %get3A_586 = arith.constant 16 : index
      %get3A_587 = tpu.vector_load %arg9[%get3A_585, %get3A_586] {strides = array<i32>} : memref<256x64xf32, #tpu.memory_space<vmem>>, vector<1x16xf32>,
      %get3A_588 = vector.shape_cast %get3A_587 : vector<1x16xf32> to vector<16xf32>
      %add3A_589 = arith.constant 0 : i32
      %add3A_590 = arith.addi %add3A_589, %add3A_565 : i32
      %swap3A_591 = arith.index_cast %add3A_590 : i32 to index
      %swap3A_592 = arith.constant 16 : index
      %swap3A_593 = tpu.vector_load %arg11[%swap3A_591, %swap3A_592] {strides = array<i32>} : memref<256x128xf32, #tpu.memory_space<vmem>>, vector<1x16xf32>,
      %swap3A_594 = vector.shape_cast %swap3A_593 : vector<1x16xf32> to vector<16xf32>
      %swap3A_595 = vector.shape_cast %get3A_588 : vector<16xf32> to vector<1x16xf32>
      tpu.vector_store %arg11[%swap3A_591, %swap3A_592], %swap3A_595 {strides = array<i32>} : memref<256x128xf32, #tpu.memory_space<vmem>>, vector<1x16xf32>,
      %mul3A_596 = arith.constant 2 : i32
      %mul3A_597 = arith.muli %mul3A_596, %add3A_565 : i32
      %add3A_598 = arith.constant 0 : i32
      %add3A_599 = arith.addi %mul3A_597, %add3A_598 : i32
      %get3A_600 = arith.index_cast %add3A_599 : i32 to index
      %get3A_601 = arith.constant 32 : index
      %get3A_602 = tpu.vector_load %arg9[%get3A_600, %get3A_601] {strides = array<i32>} : memref<256x64xf32, #tpu.memory_space<vmem>>, vector<1x16xf32>,
      %get3A_603 = vector.shape_cast %get3A_602 : vector<1x16xf32> to vector<16xf32>
      %add3A_604 = arith.constant 0 : i32
      %add3A_605 = arith.addi %add3A_604, %add3A_565 : i32
      %swap3A_606 = arith.index_cast %add3A_605 : i32 to index
      %swap3A_607 = arith.constant 32 : index
      %swap3A_608 = tpu.vector_load %arg11[%swap3A_606, %swap3A_607] {strides = array<i32>} : memref<256x128xf32, #tpu.memory_space<vmem>>, vector<1x16xf32>,
      %swap3A_609 = vector.shape_cast %swap3A_608 : vector<1x16xf32> to vector<16xf32>
      %swap3A_610 = vector.shape_cast %get3A_603 : vector<16xf32> to vector<1x16xf32>
      tpu.vector_store %arg11[%swap3A_606, %swap3A_607], %swap3A_610 {strides = array<i32>} : memref<256x128xf32, #tpu.memory_space<vmem>>, vector<1x16xf32>,
      %mul3A_611 = arith.constant 2 : i32
      %mul3A_612 = arith.muli %mul3A_611, %add3A_565 : i32
      %add3A_613 = arith.constant 0 : i32
      %add3A_614 = arith.addi %mul3A_612, %add3A_613 : i32
      %get3A_615 = arith.index_cast %add3A_614 : i32 to index
      %get3A_616 = arith.constant 48 : index
      %get3A_617 = tpu.vector_load %arg9[%get3A_615, %get3A_616] {strides = array<i32>} : memref<256x64xf32, #tpu.memory_space<vmem>>, vector<1x16xf32>,
      %get3A_618 = vector.shape_cast %get3A_617 : vector<1x16xf32> to vector<16xf32>
      %add3A_619 = arith.constant 0 : i32
      %add3A_620 = arith.addi %add3A_619, %add3A_565 : i32
      %swap3A_621 = arith.index_cast %add3A_620 : i32 to index
      %swap3A_622 = arith.constant 48 : index
      %swap3A_623 = tpu.vector_load %arg11[%swap3A_621, %swap3A_622] {strides = array<i32>} : memref<256x128xf32, #tpu.memory_space<vmem>>, vector<1x16xf32>,
      %swap3A_624 = vector.shape_cast %swap3A_623 : vector<1x16xf32> to vector<16xf32>
      %swap3A_625 = vector.shape_cast %get3A_618 : vector<16xf32> to vector<1x16xf32>
      tpu.vector_store %arg11[%swap3A_621, %swap3A_622], %swap3A_625 {strides = array<i32>} : memref<256x128xf32, #tpu.memory_space<vmem>>, vector<1x16xf32>,
      %mul3A_626 = arith.constant 2 : i32
      %mul3A_627 = arith.muli %mul3A_626, %add3A_565 : i32
      %add3A_628 = arith.constant 1 : i32
      %add3A_629 = arith.addi %mul3A_627, %add3A_628 : i32
      %get3A_630 = arith.index_cast %add3A_629 : i32 to index
      %get3A_631 = arith.constant 0 : index
      %get3A_632 = tpu.vector_load %arg9[%get3A_630, %get3A_631] {strides = array<i32>} : memref<256x64xf32, #tpu.memory_space<vmem>>, vector<1x16xf32>,
      %get3A_633 = vector.shape_cast %get3A_632 : vector<1x16xf32> to vector<16xf32>
      %add3A_634 = arith.constant 0 : i32
      %add3A_635 = arith.addi %add3A_634, %add3A_565 : i32
      %swap3A_636 = arith.index_cast %add3A_635 : i32 to index
      %swap3A_637 = arith.constant 64 : index
      %swap3A_638 = tpu.vector_load %arg11[%swap3A_636, %swap3A_637] {strides = array<i32>} : memref<256x128xf32, #tpu.memory_space<vmem>>, vector<1x16xf32>,
      %swap3A_639 = vector.shape_cast %swap3A_638 : vector<1x16xf32> to vector<16xf32>
      %swap3A_640 = vector.shape_cast %get3A_633 : vector<16xf32> to vector<1x16xf32>
      tpu.vector_store %arg11[%swap3A_636, %swap3A_637], %swap3A_640 {strides = array<i32>} : memref<256x128xf32, #tpu.memory_space<vmem>>, vector<1x16xf32>,
      %mul3A_641 = arith.constant 2 : i32
      %mul3A_642 = arith.muli %mul3A_641, %add3A_565 : i32
      %add3A_643 = arith.constant 1 : i32
      %add3A_644 = arith.addi %mul3A_642, %add3A_643 : i32
      %get3A_645 = arith.index_cast %add3A_644 : i32 to index
      %get3A_646 = arith.constant 16 : index
      %get3A_647 = tpu.vector_load %arg9[%get3A_645, %get3A_646] {strides = array<i32>} : memref<256x64xf32, #tpu.memory_space<vmem>>, vector<1x16xf32>,
      %get3A_648 = vector.shape_cast %get3A_647 : vector<1x16xf32> to vector<16xf32>
      %add3A_649 = arith.constant 0 : i32
      %add3A_650 = arith.addi %add3A_649, %add3A_565 : i32
      %swap3A_651 = arith.index_cast %add3A_650 : i32 to index
      %swap3A_652 = arith.constant 80 : index
      %swap3A_653 = tpu.vector_load %arg11[%swap3A_651, %swap3A_652] {strides = array<i32>} : memref<256x128xf32, #tpu.memory_space<vmem>>, vector<1x16xf32>,
      %swap3A_654 = vector.shape_cast %swap3A_653 : vector<1x16xf32> to vector<16xf32>
      %swap3A_655 = vector.shape_cast %get3A_648 : vector<16xf32> to vector<1x16xf32>
      tpu.vector_store %arg11[%swap3A_651, %swap3A_652], %swap3A_655 {strides = array<i32>} : memref<256x128xf32, #tpu.memory_space<vmem>>, vector<1x16xf32>,
      %mul3A_656 = arith.constant 2 : i32
      %mul3A_657 = arith.muli %mul3A_656, %add3A_565 : i32
      %add3A_658 = arith.constant 1 : i32
      %add3A_659 = arith.addi %mul3A_657, %add3A_658 : i32
      %get3A_660 = arith.index_cast %add3A_659 : i32 to index
      %get3A_661 = arith.constant 32 : index
      %get3A_662 = tpu.vector_load %arg9[%get3A_660, %get3A_661] {strides = array<i32>} : memref<256x64xf32, #tpu.memory_space<vmem>>, vector<1x16xf32>,
      %get3A_663 = vector.shape_cast %get3A_662 : vector<1x16xf32> to vector<16xf32>
      %add3A_664 = arith.constant 0 : i32
      %add3A_665 = arith.addi %add3A_664, %add3A_565 : i32
      %swap3A_666 = arith.index_cast %add3A_665 : i32 to index
      %swap3A_667 = arith.constant 96 : index
      %swap3A_668 = tpu.vector_load %arg11[%swap3A_666, %swap3A_667] {strides = array<i32>} : memref<256x128xf32, #tpu.memory_space<vmem>>, vector<1x16xf32>,
      %swap3A_669 = vector.shape_cast %swap3A_668 : vector<1x16xf32> to vector<16xf32>
      %swap3A_670 = vector.shape_cast %get3A_663 : vector<16xf32> to vector<1x16xf32>
      tpu.vector_store %arg11[%swap3A_666, %swap3A_667], %swap3A_670 {strides = array<i32>} : memref<256x128xf32, #tpu.memory_space<vmem>>, vector<1x16xf32>,
      %mul3A_671 = arith.constant 2 : i32
      %mul3A_672 = arith.muli %mul3A_671, %add3A_565 : i32
      %add3A_673 = arith.constant 1 : i32
      %add3A_674 = arith.addi %mul3A_672, %add3A_673 : i32
      %get3A_675 = arith.index_cast %add3A_674 : i32 to index
      %get3A_676 = arith.constant 48 : index
      %get3A_677 = tpu.vector_load %arg9[%get3A_675, %get3A_676] {strides = array<i32>} : memref<256x64xf32, #tpu.memory_space<vmem>>, vector<1x16xf32>,
      %get3A_678 = vector.shape_cast %get3A_677 : vector<1x16xf32> to vector<16xf32>
      %add3A_679 = arith.constant 0 : i32
      %add3A_680 = arith.addi %add3A_679, %add3A_565 : i32
      %swap3A_681 = arith.index_cast %add3A_680 : i32 to index
      %swap3A_682 = arith.constant 112 : index
      %swap3A_683 = tpu.vector_load %arg11[%swap3A_681, %swap3A_682] {strides = array<i32>} : memref<256x128xf32, #tpu.memory_space<vmem>>, vector<1x16xf32>,
      %swap3A_684 = vector.shape_cast %swap3A_683 : vector<1x16xf32> to vector<16xf32>
      %swap3A_685 = vector.shape_cast %get3A_678 : vector<16xf32> to vector<1x16xf32>
      tpu.vector_store %arg11[%swap3A_681, %swap3A_682], %swap3A_685 {strides = array<i32>} : memref<256x128xf32, #tpu.memory_space<vmem>>, vector<1x16xf32>,
      %scan3A_686 = arith.constant 0 : i32
      scf.yield %scan3A_686 : i32
    }
    %scan3A_82 = arith.constant 32 : i32
    %dma_start3A_83 = arith.constant 0 : i32
    %dma_start3A_84 = arith.constant 0 : i32
    %dma_start3A_85 = tpu.memref_slice %arg9[%dma_start3A_83, %dma_start3A_84] : memref<256x64xf32, #tpu.memory_space<vmem>> -> memref<128x64xf32, #tpu.memory_space<vmem>>
    %dma_start3A_86 = arith.constant 0 : i32
    %dma_start3A_87 = tpu.memref_slice %arg8[%dma_start3A_86] : memref<512xi32, #tpu.memory_space<vmem>> -> memref<128xi32, #tpu.memory_space<vmem>>
    %dma_start3A_88 = arith.constant 0 : i32
    %dma_start3A_89 = arith.constant 0 : i32
    %dma_start3A_90 = tpu.memref_slice %arg3[%dma_start3A_88, %dma_start3A_89] : memref<2000000x64xf32, #tpu.memory_space<hbm>> -> memref<2000000x64xf32, #tpu.memory_space<hbm>>
    tpu.enqueue_indirect_dma source(%dma_start3A_90 : memref<2000000x64xf32, #tpu.memory_space<hbm>>) target(%dma_start3A_85 : memref<128x64xf32, #tpu.memory_space<vmem>>) offsets(%dma_start3A_87 : memref<128xi32, #tpu.memory_space<vmem>>) semaphore(%arg14 : memref<!tpu.dma_semaphore, #tpu.memory_space<semaphore_mem>>)
    %dma_start3A_91 = arith.constant 128 : i32
    %dma_start3A_92 = arith.constant 0 : i32
    %dma_start3A_93 = tpu.memref_slice %arg9[%dma_start3A_91, %dma_start3A_92] : memref<256x64xf32, #tpu.memory_space<vmem>> -> memref<128x64xf32, #tpu.memory_space<vmem>>
    %dma_start3A_94 = arith.constant 128 : i32
    %dma_start3A_95 = tpu.memref_slice %arg8[%dma_start3A_94] : memref<512xi32, #tpu.memory_space<vmem>> -> memref<128xi32, #tpu.memory_space<vmem>>
    %dma_start3A_96 = arith.constant 0 : i32
    %dma_start3A_97 = arith.constant 0 : i32
    %dma_start3A_98 = tpu.memref_slice %arg3[%dma_start3A_96, %dma_start3A_97] : memref<2000000x64xf32, #tpu.memory_space<hbm>> -> memref<2000000x64xf32, #tpu.memory_space<hbm>>
    tpu.enqueue_indirect_dma source(%dma_start3A_98 : memref<2000000x64xf32, #tpu.memory_space<hbm>>) target(%dma_start3A_93 : memref<128x64xf32, #tpu.memory_space<vmem>>) offsets(%dma_start3A_95 : memref<128xi32, #tpu.memory_space<vmem>>) semaphore(%arg14 : memref<!tpu.dma_semaphore, #tpu.memory_space<semaphore_mem>>)
    %dma_wait3A_99 = arith.constant 0 : i32
    %dma_wait3A_100 = arith.constant 0 : i32
    %dma_wait3A_101 = tpu.memref_slice %arg3[%dma_wait3A_99, %dma_wait3A_100] : memref<2000000x64xf32, #tpu.memory_space<hbm>> -> memref<256x64xf32, #tpu.memory_space<hbm>>
    %dma_wait3A_102 = arith.constant 0 : i32
    %dma_wait3A_103 = arith.constant 0 : i32
    %dma_wait3A_104 = tpu.memref_slice %arg3[%dma_wait3A_102, %dma_wait3A_103] : memref<2000000x64xf32, #tpu.memory_space<hbm>> -> memref<256x64xf32, #tpu.memory_space<hbm>>
    tpu.wait_dma2 semaphore(%arg15 : memref<!tpu.dma_semaphore, #tpu.memory_space<semaphore_mem>>) src(%dma_wait3A_104 : memref<256x64xf32, #tpu.memory_space<hbm>>) dst(%arg10 : memref<256x64xf32, #tpu.memory_space<vmem>>)
    %scan3A_105 = arith.constant 0 : i32
    %scan3A_106 = arith.constant 0 : i32
    %scan3A_107 = arith.constant 32 : i32
    %scan3A_108 = arith.addi %scan3A_106, %scan3A_107 : i32
    %scan3A_109 = arith.constant 1 : i32
    %scan3A_110 = scf.for %scan3A_190 = %scan3A_106 to %scan3A_108 step %scan3A_109 iter_args(%scan3A_191 = %scan3A_105) -> (i32)  : i32 {
      %mul3A_192 = arith.constant 4 : i32
      %mul3A_193 = arith.muli %scan3A_190, %mul3A_192 : i32
      %add3A_194 = arith.constant 0 : i32
      %add3A_195 = arith.addi %mul3A_193, %add3A_194 : i32
      %mul3A_196 = arith.constant 2 : i32
      %mul3A_197 = arith.muli %mul3A_196, %add3A_195 : i32
      %add3A_198 = arith.constant 0 : i32
      %add3A_199 = arith.addi %mul3A_197, %add3A_198 : i32
      %get3A = arith.index_cast %add3A_199 : i32 to index
      %get3A_200 = arith.constant 0 : index
      %get3A_201 = tpu.vector_load %arg10[%get3A, %get3A_200] {strides = array<i32>} : memref<256x64xf32, #tpu.memory_space<vmem>>, vector<1x16xf32>,
      %get3A_202 = vector.shape_cast %get3A_201 : vector<1x16xf32> to vector<16xf32>
      %add3A_203 = arith.constant 128 : i32
      %add3A_204 = arith.addi %add3A_203, %add3A_195 : i32
      %swap3A = arith.index_cast %add3A_204 : i32 to index
      %swap3A_205 = arith.constant 0 : index
      %swap3A_206 = tpu.vector_load %arg11[%swap3A, %swap3A_205] {strides = array<i32>} : memref<256x128xf32, #tpu.memory_space<vmem>>, vector<1x16xf32>,
      %swap3A_207 = vector.shape_cast %swap3A_206 : vector<1x16xf32> to vector<16xf32>
      %swap3A_208 = vector.shape_cast %get3A_202 : vector<16xf32> to vector<1x16xf32>
      tpu.vector_store %arg11[%swap3A, %swap3A_205], %swap3A_208 {strides = array<i32>} : memref<256x128xf32, #tpu.memory_space<vmem>>, vector<1x16xf32>,
      %mul3A_209 = arith.constant 2 : i32
      %mul3A_210 = arith.muli %mul3A_209, %add3A_195 : i32
      %add3A_211 = arith.constant 0 : i32
      %add3A_212 = arith.addi %mul3A_210, %add3A_211 : i32
      %get3A_213 = arith.index_cast %add3A_212 : i32 to index
      %get3A_214 = arith.constant 16 : index
      %get3A_215 = tpu.vector_load %arg10[%get3A_213, %get3A_214] {strides = array<i32>} : memref<256x64xf32, #tpu.memory_space<vmem>>, vector<1x16xf32>,
      %get3A_216 = vector.shape_cast %get3A_215 : vector<1x16xf32> to vector<16xf32>
      %add3A_217 = arith.constant 128 : i32
      %add3A_218 = arith.addi %add3A_217, %add3A_195 : i32
      %swap3A_219 = arith.index_cast %add3A_218 : i32 to index
      %swap3A_220 = arith.constant 16 : index
      %swap3A_221 = tpu.vector_load %arg11[%swap3A_219, %swap3A_220] {strides = array<i32>} : memref<256x128xf32, #tpu.memory_space<vmem>>, vector<1x16xf32>,
      %swap3A_222 = vector.shape_cast %swap3A_221 : vector<1x16xf32> to vector<16xf32>
      %swap3A_223 = vector.shape_cast %get3A_216 : vector<16xf32> to vector<1x16xf32>
      tpu.vector_store %arg11[%swap3A_219, %swap3A_220], %swap3A_223 {strides = array<i32>} : memref<256x128xf32, #tpu.memory_space<vmem>>, vector<1x16xf32>,
      %mul3A_224 = arith.constant 2 : i32
      %mul3A_225 = arith.muli %mul3A_224, %add3A_195 : i32
      %add3A_226 = arith.constant 0 : i32
      %add3A_227 = arith.addi %mul3A_225, %add3A_226 : i32
      %get3A_228 = arith.index_cast %add3A_227 : i32 to index
      %get3A_229 = arith.constant 32 : index
      %get3A_230 = tpu.vector_load %arg10[%get3A_228, %get3A_229] {strides = array<i32>} : memref<256x64xf32, #tpu.memory_space<vmem>>, vector<1x16xf32>,
      %get3A_231 = vector.shape_cast %get3A_230 : vector<1x16xf32> to vector<16xf32>
      %add3A_232 = arith.constant 128 : i32
      %add3A_233 = arith.addi %add3A_232, %add3A_195 : i32
      %swap3A_234 = arith.index_cast %add3A_233 : i32 to index
      %swap3A_235 = arith.constant 32 : index
      %swap3A_236 = tpu.vector_load %arg11[%swap3A_234, %swap3A_235] {strides = array<i32>} : memref<256x128xf32, #tpu.memory_space<vmem>>, vector<1x16xf32>,
      %swap3A_237 = vector.shape_cast %swap3A_236 : vector<1x16xf32> to vector<16xf32>
      %swap3A_238 = vector.shape_cast %get3A_231 : vector<16xf32> to vector<1x16xf32>
      tpu.vector_store %arg11[%swap3A_234, %swap3A_235], %swap3A_238 {strides = array<i32>} : memref<256x128xf32, #tpu.memory_space<vmem>>, vector<1x16xf32>,
      %mul3A_239 = arith.constant 2 : i32
      %mul3A_240 = arith.muli %mul3A_239, %add3A_195 : i32
      %add3A_241 = arith.constant 0 : i32
      %add3A_242 = arith.addi %mul3A_240, %add3A_241 : i32
      %get3A_243 = arith.index_cast %add3A_242 : i32 to index
      %get3A_244 = arith.constant 48 : index
      %get3A_245 = tpu.vector_load %arg10[%get3A_243, %get3A_244] {strides = array<i32>} : memref<256x64xf32, #tpu.memory_space<vmem>>, vector<1x16xf32>,
      %get3A_246 = vector.shape_cast %get3A_245 : vector<1x16xf32> to vector<16xf32>
      %add3A_247 = arith.constant 128 : i32
      %add3A_248 = arith.addi %add3A_247, %add3A_195 : i32
      %swap3A_249 = arith.index_cast %add3A_248 : i32 to index
      %swap3A_250 = arith.constant 48 : index
      %swap3A_251 = tpu.vector_load %arg11[%swap3A_249, %swap3A_250] {strides = array<i32>} : memref<256x128xf32, #tpu.memory_space<vmem>>, vector<1x16xf32>,
      %swap3A_252 = vector.shape_cast %swap3A_251 : vector<1x16xf32> to vector<16xf32>
      %swap3A_253 = vector.shape_cast %get3A_246 : vector<16xf32> to vector<1x16xf32>
      tpu.vector_store %arg11[%swap3A_249, %swap3A_250], %swap3A_253 {strides = array<i32>} : memref<256x128xf32, #tpu.memory_space<vmem>>, vector<1x16xf32>,
      %mul3A_254 = arith.constant 2 : i32
      %mul3A_255 = arith.muli %mul3A_254, %add3A_195 : i32
      %add3A_256 = arith.constant 1 : i32
      %add3A_257 = arith.addi %mul3A_255, %add3A_256 : i32
      %get3A_258 = arith.index_cast %add3A_257 : i32 to index
      %get3A_259 = arith.constant 0 : index
      %get3A_260 = tpu.vector_load %arg10[%get3A_258, %get3A_259] {strides = array<i32>} : memref<256x64xf32, #tpu.memory_space<vmem>>, vector<1x16xf32>,
      %get3A_261 = vector.shape_cast %get3A_260 : vector<1x16xf32> to vector<16xf32>
      %add3A_262 = arith.constant 128 : i32
      %add3A_263 = arith.addi %add3A_262, %add3A_195 : i32
      %swap3A_264 = arith.index_cast %add3A_263 : i32 to index
      %swap3A_265 = arith.constant 64 : index
      %swap3A_266 = tpu.vector_load %arg11[%swap3A_264, %swap3A_265] {strides = array<i32>} : memref<256x128xf32, #tpu.memory_space<vmem>>, vector<1x16xf32>,
      %swap3A_267 = vector.shape_cast %swap3A_266 : vector<1x16xf32> to vector<16xf32>
      %swap3A_268 = vector.shape_cast %get3A_261 : vector<16xf32> to vector<1x16xf32>
      tpu.vector_store %arg11[%swap3A_264, %swap3A_265], %swap3A_268 {strides = array<i32>} : memref<256x128xf32, #tpu.memory_space<vmem>>, vector<1x16xf32>,
      %mul3A_269 = arith.constant 2 : i32
      %mul3A_270 = arith.muli %mul3A_269, %add3A_195 : i32
      %add3A_271 = arith.constant 1 : i32
      %add3A_272 = arith.addi %mul3A_270, %add3A_271 : i32
      %get3A_273 = arith.index_cast %add3A_272 : i32 to index
      %get3A_274 = arith.constant 16 : index
      %get3A_275 = tpu.vector_load %arg10[%get3A_273, %get3A_274] {strides = array<i32>} : memref<256x64xf32, #tpu.memory_space<vmem>>, vector<1x16xf32>,
      %get3A_276 = vector.shape_cast %get3A_275 : vector<1x16xf32> to vector<16xf32>
      %add3A_277 = arith.constant 128 : i32
      %add3A_278 = arith.addi %add3A_277, %add3A_195 : i32
      %swap3A_279 = arith.index_cast %add3A_278 : i32 to index
      %swap3A_280 = arith.constant 80 : index
      %swap3A_281 = tpu.vector_load %arg11[%swap3A_279, %swap3A_280] {strides = array<i32>} : memref<256x128xf32, #tpu.memory_space<vmem>>, vector<1x16xf32>,
      %swap3A_282 = vector.shape_cast %swap3A_281 : vector<1x16xf32> to vector<16xf32>
      %swap3A_283 = vector.shape_cast %get3A_276 : vector<16xf32> to vector<1x16xf32>
      tpu.vector_store %arg11[%swap3A_279, %swap3A_280], %swap3A_283 {strides = array<i32>} : memref<256x128xf32, #tpu.memory_space<vmem>>, vector<1x16xf32>,
      %mul3A_284 = arith.constant 2 : i32
      %mul3A_285 = arith.muli %mul3A_284, %add3A_195 : i32
      %add3A_286 = arith.constant 1 : i32
      %add3A_287 = arith.addi %mul3A_285, %add3A_286 : i32
      %get3A_288 = arith.index_cast %add3A_287 : i32 to index
      %get3A_289 = arith.constant 32 : index
      %get3A_290 = tpu.vector_load %arg10[%get3A_288, %get3A_289] {strides = array<i32>} : memref<256x64xf32, #tpu.memory_space<vmem>>, vector<1x16xf32>,
      %get3A_291 = vector.shape_cast %get3A_290 : vector<1x16xf32> to vector<16xf32>
      %add3A_292 = arith.constant 128 : i32
      %add3A_293 = arith.addi %add3A_292, %add3A_195 : i32
      %swap3A_294 = arith.index_cast %add3A_293 : i32 to index
      %swap3A_295 = arith.constant 96 : index
      %swap3A_296 = tpu.vector_load %arg11[%swap3A_294, %swap3A_295] {strides = array<i32>} : memref<256x128xf32, #tpu.memory_space<vmem>>, vector<1x16xf32>,
      %swap3A_297 = vector.shape_cast %swap3A_296 : vector<1x16xf32> to vector<16xf32>
      %swap3A_298 = vector.shape_cast %get3A_291 : vector<16xf32> to vector<1x16xf32>
      tpu.vector_store %arg11[%swap3A_294, %swap3A_295], %swap3A_298 {strides = array<i32>} : memref<256x128xf32, #tpu.memory_space<vmem>>, vector<1x16xf32>,
      %mul3A_299 = arith.constant 2 : i32
      %mul3A_300 = arith.muli %mul3A_299, %add3A_195 : i32
      %add3A_301 = arith.constant 1 : i32
      %add3A_302 = arith.addi %mul3A_300, %add3A_301 : i32
      %get3A_303 = arith.index_cast %add3A_302 : i32 to index
      %get3A_304 = arith.constant 48 : index
      %get3A_305 = tpu.vector_load %arg10[%get3A_303, %get3A_304] {strides = array<i32>} : memref<256x64xf32, #tpu.memory_space<vmem>>, vector<1x16xf32>,
      %get3A_306 = vector.shape_cast %get3A_305 : vector<1x16xf32> to vector<16xf32>
      %add3A_307 = arith.constant 128 : i32
      %add3A_308 = arith.addi %add3A_307, %add3A_195 : i32
      %swap3A_309 = arith.index_cast %add3A_308 : i32 to index
      %swap3A_310 = arith.constant 112 : index
      %swap3A_311 = tpu.vector_load %arg11[%swap3A_309, %swap3A_310] {strides = array<i32>} : memref<256x128xf32, #tpu.memory_space<vmem>>, vector<1x16xf32>,
      %swap3A_312 = vector.shape_cast %swap3A_311 : vector<1x16xf32> to vector<16xf32>
      %swap3A_313 = vector.shape_cast %get3A_306 : vector<16xf32> to vector<1x16xf32>
      tpu.vector_store %arg11[%swap3A_309, %swap3A_310], %swap3A_313 {strides = array<i32>} : memref<256x128xf32, #tpu.memory_space<vmem>>, vector<1x16xf32>,
      %mul3A_314 = arith.constant 4 : i32
      %mul3A_315 = arith.muli %scan3A_190, %mul3A_314 : i32
      %add3A_316 = arith.constant 1 : i32
      %add3A_317 = arith.addi %mul3A_315, %add3A_316 : i32
      %mul3A_318 = arith.constant 2 : i32
      %mul3A_319 = arith.muli %mul3A_318, %add3A_317 : i32
      %add3A_320 = arith.constant 0 : i32
      %add3A_321 = arith.addi %mul3A_319, %add3A_320 : i32
      %get3A_322 = arith.index_cast %add3A_321 : i32 to index
      %get3A_323 = arith.constant 0 : index
      %get3A_324 = tpu.vector_load %arg10[%get3A_322, %get3A_323] {strides = array<i32>} : memref<256x64xf32, #tpu.memory_space<vmem>>, vector<1x16xf32>,
      %get3A_325 = vector.shape_cast %get3A_324 : vector<1x16xf32> to vector<16xf32>
      %add3A_326 = arith.constant 128 : i32
      %add3A_327 = arith.addi %add3A_326, %add3A_317 : i32
      %swap3A_328 = arith.index_cast %add3A_327 : i32 to index
      %swap3A_329 = arith.constant 0 : index
      %swap3A_330 = tpu.vector_load %arg11[%swap3A_328, %swap3A_329] {strides = array<i32>} : memref<256x128xf32, #tpu.memory_space<vmem>>, vector<1x16xf32>,
      %swap3A_331 = vector.shape_cast %swap3A_330 : vector<1x16xf32> to vector<16xf32>
      %swap3A_332 = vector.shape_cast %get3A_325 : vector<16xf32> to vector<1x16xf32>
      tpu.vector_store %arg11[%swap3A_328, %swap3A_329], %swap3A_332 {strides = array<i32>} : memref<256x128xf32, #tpu.memory_space<vmem>>, vector<1x16xf32>,
      %mul3A_333 = arith.constant 2 : i32
      %mul3A_334 = arith.muli %mul3A_333, %add3A_317 : i32
      %add3A_335 = arith.constant 0 : i32
      %add3A_336 = arith.addi %mul3A_334, %add3A_335 : i32
      %get3A_337 = arith.index_cast %add3A_336 : i32 to index
      %get3A_338 = arith.constant 16 : index
      %get3A_339 = tpu.vector_load %arg10[%get3A_337, %get3A_338] {strides = array<i32>} : memref<256x64xf32, #tpu.memory_space<vmem>>, vector<1x16xf32>,
      %get3A_340 = vector.shape_cast %get3A_339 : vector<1x16xf32> to vector<16xf32>
      %add3A_341 = arith.constant 128 : i32
      %add3A_342 = arith.addi %add3A_341, %add3A_317 : i32
      %swap3A_343 = arith.index_cast %add3A_342 : i32 to index
      %swap3A_344 = arith.constant 16 : index
      %swap3A_345 = tpu.vector_load %arg11[%swap3A_343, %swap3A_344] {strides = array<i32>} : memref<256x128xf32, #tpu.memory_space<vmem>>, vector<1x16xf32>,
      %swap3A_346 = vector.shape_cast %swap3A_345 : vector<1x16xf32> to vector<16xf32>
      %swap3A_347 = vector.shape_cast %get3A_340 : vector<16xf32> to vector<1x16xf32>
      tpu.vector_store %arg11[%swap3A_343, %swap3A_344], %swap3A_347 {strides = array<i32>} : memref<256x128xf32, #tpu.memory_space<vmem>>, vector<1x16xf32>,
      %mul3A_348 = arith.constant 2 : i32
      %mul3A_349 = arith.muli %mul3A_348, %add3A_317 : i32
      %add3A_350 = arith.constant 0 : i32
      %add3A_351 = arith.addi %mul3A_349, %add3A_350 : i32
      %get3A_352 = arith.index_cast %add3A_351 : i32 to index
      %get3A_353 = arith.constant 32 : index
      %get3A_354 = tpu.vector_load %arg10[%get3A_352, %get3A_353] {strides = array<i32>} : memref<256x64xf32, #tpu.memory_space<vmem>>, vector<1x16xf32>,
      %get3A_355 = vector.shape_cast %get3A_354 : vector<1x16xf32> to vector<16xf32>
      %add3A_356 = arith.constant 128 : i32
      %add3A_357 = arith.addi %add3A_356, %add3A_317 : i32
      %swap3A_358 = arith.index_cast %add3A_357 : i32 to index
      %swap3A_359 = arith.constant 32 : index
      %swap3A_360 = tpu.vector_load %arg11[%swap3A_358, %swap3A_359] {strides = array<i32>} : memref<256x128xf32, #tpu.memory_space<vmem>>, vector<1x16xf32>,
      %swap3A_361 = vector.shape_cast %swap3A_360 : vector<1x16xf32> to vector<16xf32>
      %swap3A_362 = vector.shape_cast %get3A_355 : vector<16xf32> to vector<1x16xf32>
      tpu.vector_store %arg11[%swap3A_358, %swap3A_359], %swap3A_362 {strides = array<i32>} : memref<256x128xf32, #tpu.memory_space<vmem>>, vector<1x16xf32>,
      %mul3A_363 = arith.constant 2 : i32
      %mul3A_364 = arith.muli %mul3A_363, %add3A_317 : i32
      %add3A_365 = arith.constant 0 : i32
      %add3A_366 = arith.addi %mul3A_364, %add3A_365 : i32
      %get3A_367 = arith.index_cast %add3A_366 : i32 to index
      %get3A_368 = arith.constant 48 : index
      %get3A_369 = tpu.vector_load %arg10[%get3A_367, %get3A_368] {strides = array<i32>} : memref<256x64xf32, #tpu.memory_space<vmem>>, vector<1x16xf32>,
      %get3A_370 = vector.shape_cast %get3A_369 : vector<1x16xf32> to vector<16xf32>
      %add3A_371 = arith.constant 128 : i32
      %add3A_372 = arith.addi %add3A_371, %add3A_317 : i32
      %swap3A_373 = arith.index_cast %add3A_372 : i32 to index
      %swap3A_374 = arith.constant 48 : index
      %swap3A_375 = tpu.vector_load %arg11[%swap3A_373, %swap3A_374] {strides = array<i32>} : memref<256x128xf32, #tpu.memory_space<vmem>>, vector<1x16xf32>,
      %swap3A_376 = vector.shape_cast %swap3A_375 : vector<1x16xf32> to vector<16xf32>
      %swap3A_377 = vector.shape_cast %get3A_370 : vector<16xf32> to vector<1x16xf32>
      tpu.vector_store %arg11[%swap3A_373, %swap3A_374], %swap3A_377 {strides = array<i32>} : memref<256x128xf32, #tpu.memory_space<vmem>>, vector<1x16xf32>,
      %mul3A_378 = arith.constant 2 : i32
      %mul3A_379 = arith.muli %mul3A_378, %add3A_317 : i32
      %add3A_380 = arith.constant 1 : i32
      %add3A_381 = arith.addi %mul3A_379, %add3A_380 : i32
      %get3A_382 = arith.index_cast %add3A_381 : i32 to index
      %get3A_383 = arith.constant 0 : index
      %get3A_384 = tpu.vector_load %arg10[%get3A_382, %get3A_383] {strides = array<i32>} : memref<256x64xf32, #tpu.memory_space<vmem>>, vector<1x16xf32>,
      %get3A_385 = vector.shape_cast %get3A_384 : vector<1x16xf32> to vector<16xf32>
      %add3A_386 = arith.constant 128 : i32
      %add3A_387 = arith.addi %add3A_386, %add3A_317 : i32
      %swap3A_388 = arith.index_cast %add3A_387 : i32 to index
      %swap3A_389 = arith.constant 64 : index
      %swap3A_390 = tpu.vector_load %arg11[%swap3A_388, %swap3A_389] {strides = array<i32>} : memref<256x128xf32, #tpu.memory_space<vmem>>, vector<1x16xf32>,
      %swap3A_391 = vector.shape_cast %swap3A_390 : vector<1x16xf32> to vector<16xf32>
      %swap3A_392 = vector.shape_cast %get3A_385 : vector<16xf32> to vector<1x16xf32>
      tpu.vector_store %arg11[%swap3A_388, %swap3A_389], %swap3A_392 {strides = array<i32>} : memref<256x128xf32, #tpu.memory_space<vmem>>, vector<1x16xf32>,
      %mul3A_393 = arith.constant 2 : i32
      %mul3A_394 = arith.muli %mul3A_393, %add3A_317 : i32
      %add3A_395 = arith.constant 1 : i32
      %add3A_396 = arith.addi %mul3A_394, %add3A_395 : i32
      %get3A_397 = arith.index_cast %add3A_396 : i32 to index
      %get3A_398 = arith.constant 16 : index
      %get3A_399 = tpu.vector_load %arg10[%get3A_397, %get3A_398] {strides = array<i32>} : memref<256x64xf32, #tpu.memory_space<vmem>>, vector<1x16xf32>,
      %get3A_400 = vector.shape_cast %get3A_399 : vector<1x16xf32> to vector<16xf32>
      %add3A_401 = arith.constant 128 : i32
      %add3A_402 = arith.addi %add3A_401, %add3A_317 : i32
      %swap3A_403 = arith.index_cast %add3A_402 : i32 to index
      %swap3A_404 = arith.constant 80 : index
      %swap3A_405 = tpu.vector_load %arg11[%swap3A_403, %swap3A_404] {strides = array<i32>} : memref<256x128xf32, #tpu.memory_space<vmem>>, vector<1x16xf32>,
      %swap3A_406 = vector.shape_cast %swap3A_405 : vector<1x16xf32> to vector<16xf32>
      %swap3A_407 = vector.shape_cast %get3A_400 : vector<16xf32> to vector<1x16xf32>
      tpu.vector_store %arg11[%swap3A_403, %swap3A_404], %swap3A_407 {strides = array<i32>} : memref<256x128xf32, #tpu.memory_space<vmem>>, vector<1x16xf32>,
      %mul3A_408 = arith.constant 2 : i32
      %mul3A_409 = arith.muli %mul3A_408, %add3A_317 : i32
      %add3A_410 = arith.constant 1 : i32
      %add3A_411 = arith.addi %mul3A_409, %add3A_410 : i32
      %get3A_412 = arith.index_cast %add3A_411 : i32 to index
      %get3A_413 = arith.constant 32 : index
      %get3A_414 = tpu.vector_load %arg10[%get3A_412, %get3A_413] {strides = array<i32>} : memref<256x64xf32, #tpu.memory_space<vmem>>, vector<1x16xf32>,
      %get3A_415 = vector.shape_cast %get3A_414 : vector<1x16xf32> to vector<16xf32>
      %add3A_416 = arith.constant 128 : i32
      %add3A_417 = arith.addi %add3A_416, %add3A_317 : i32
      %swap3A_418 = arith.index_cast %add3A_417 : i32 to index
      %swap3A_419 = arith.constant 96 : index
      %swap3A_420 = tpu.vector_load %arg11[%swap3A_418, %swap3A_419] {strides = array<i32>} : memref<256x128xf32, #tpu.memory_space<vmem>>, vector<1x16xf32>,
      %swap3A_421 = vector.shape_cast %swap3A_420 : vector<1x16xf32> to vector<16xf32>
      %swap3A_422 = vector.shape_cast %get3A_415 : vector<16xf32> to vector<1x16xf32>
      tpu.vector_store %arg11[%swap3A_418, %swap3A_419], %swap3A_422 {strides = array<i32>} : memref<256x128xf32, #tpu.memory_space<vmem>>, vector<1x16xf32>,
      %mul3A_423 = arith.constant 2 : i32
      %mul3A_424 = arith.muli %mul3A_423, %add3A_317 : i32
      %add3A_425 = arith.constant 1 : i32
      %add3A_426 = arith.addi %mul3A_424, %add3A_425 : i32
      %get3A_427 = arith.index_cast %add3A_426 : i32 to index
      %get3A_428 = arith.constant 48 : index
      %get3A_429 = tpu.vector_load %arg10[%get3A_427, %get3A_428] {strides = array<i32>} : memref<256x64xf32, #tpu.memory_space<vmem>>, vector<1x16xf32>,
      %get3A_430 = vector.shape_cast %get3A_429 : vector<1x16xf32> to vector<16xf32>
      %add3A_431 = arith.constant 128 : i32
      %add3A_432 = arith.addi %add3A_431, %add3A_317 : i32
      %swap3A_433 = arith.index_cast %add3A_432 : i32 to index
      %swap3A_434 = arith.constant 112 : index
      %swap3A_435 = tpu.vector_load %arg11[%swap3A_433, %swap3A_434] {strides = array<i32>} : memref<256x128xf32, #tpu.memory_space<vmem>>, vector<1x16xf32>,
      %swap3A_436 = vector.shape_cast %swap3A_435 : vector<1x16xf32> to vector<16xf32>
      %swap3A_437 = vector.shape_cast %get3A_430 : vector<16xf32> to vector<1x16xf32>
      tpu.vector_store %arg11[%swap3A_433, %swap3A_434], %swap3A_437 {strides = array<i32>} : memref<256x128xf32, #tpu.memory_space<vmem>>, vector<1x16xf32>,
      %mul3A_438 = arith.constant 4 : i32
      %mul3A_439 = arith.muli %scan3A_190, %mul3A_438 : i32
      %add3A_440 = arith.constant 2 : i32
      %add3A_441 = arith.addi %mul3A_439, %add3A_440 : i32
      %mul3A_442 = arith.constant 2 : i32
      %mul3A_443 = arith.muli %mul3A_442, %add3A_441 : i32
      %add3A_444 = arith.constant 0 : i32
      %add3A_445 = arith.addi %mul3A_443, %add3A_444 : i32
      %get3A_446 = arith.index_cast %add3A_445 : i32 to index
      %get3A_447 = arith.constant 0 : index
      %get3A_448 = tpu.vector_load %arg10[%get3A_446, %get3A_447] {strides = array<i32>} : memref<256x64xf32, #tpu.memory_space<vmem>>, vector<1x16xf32>,
      %get3A_449 = vector.shape_cast %get3A_448 : vector<1x16xf32> to vector<16xf32>
      %add3A_450 = arith.constant 128 : i32
      %add3A_451 = arith.addi %add3A_450, %add3A_441 : i32
      %swap3A_452 = arith.index_cast %add3A_451 : i32 to index
      %swap3A_453 = arith.constant 0 : index
      %swap3A_454 = tpu.vector_load %arg11[%swap3A_452, %swap3A_453] {strides = array<i32>} : memref<256x128xf32, #tpu.memory_space<vmem>>, vector<1x16xf32>,
      %swap3A_455 = vector.shape_cast %swap3A_454 : vector<1x16xf32> to vector<16xf32>
      %swap3A_456 = vector.shape_cast %get3A_449 : vector<16xf32> to vector<1x16xf32>
      tpu.vector_store %arg11[%swap3A_452, %swap3A_453], %swap3A_456 {strides = array<i32>} : memref<256x128xf32, #tpu.memory_space<vmem>>, vector<1x16xf32>,
      %mul3A_457 = arith.constant 2 : i32
      %mul3A_458 = arith.muli %mul3A_457, %add3A_441 : i32
      %add3A_459 = arith.constant 0 : i32
      %add3A_460 = arith.addi %mul3A_458, %add3A_459 : i32
      %get3A_461 = arith.index_cast %add3A_460 : i32 to index
      %get3A_462 = arith.constant 16 : index
      %get3A_463 = tpu.vector_load %arg10[%get3A_461, %get3A_462] {strides = array<i32>} : memref<256x64xf32, #tpu.memory_space<vmem>>, vector<1x16xf32>,
      %get3A_464 = vector.shape_cast %get3A_463 : vector<1x16xf32> to vector<16xf32>
      %add3A_465 = arith.constant 128 : i32
      %add3A_466 = arith.addi %add3A_465, %add3A_441 : i32
      %swap3A_467 = arith.index_cast %add3A_466 : i32 to index
      %swap3A_468 = arith.constant 16 : index
      %swap3A_469 = tpu.vector_load %arg11[%swap3A_467, %swap3A_468] {strides = array<i32>} : memref<256x128xf32, #tpu.memory_space<vmem>>, vector<1x16xf32>,
      %swap3A_470 = vector.shape_cast %swap3A_469 : vector<1x16xf32> to vector<16xf32>
      %swap3A_471 = vector.shape_cast %get3A_464 : vector<16xf32> to vector<1x16xf32>
      tpu.vector_store %arg11[%swap3A_467, %swap3A_468], %swap3A_471 {strides = array<i32>} : memref<256x128xf32, #tpu.memory_space<vmem>>, vector<1x16xf32>,
      %mul3A_472 = arith.constant 2 : i32
      %mul3A_473 = arith.muli %mul3A_472, %add3A_441 : i32
      %add3A_474 = arith.constant 0 : i32
      %add3A_475 = arith.addi %mul3A_473, %add3A_474 : i32
      %get3A_476 = arith.index_cast %add3A_475 : i32 to index
      %get3A_477 = arith.constant 32 : index
      %get3A_478 = tpu.vector_load %arg10[%get3A_476, %get3A_477] {strides = array<i32>} : memref<256x64xf32, #tpu.memory_space<vmem>>, vector<1x16xf32>,
      %get3A_479 = vector.shape_cast %get3A_478 : vector<1x16xf32> to vector<16xf32>
      %add3A_480 = arith.constant 128 : i32
      %add3A_481 = arith.addi %add3A_480, %add3A_441 : i32
      %swap3A_482 = arith.index_cast %add3A_481 : i32 to index
      %swap3A_483 = arith.constant 32 : index
      %swap3A_484 = tpu.vector_load %arg11[%swap3A_482, %swap3A_483] {strides = array<i32>} : memref<256x128xf32, #tpu.memory_space<vmem>>, vector<1x16xf32>,
      %swap3A_485 = vector.shape_cast %swap3A_484 : vector<1x16xf32> to vector<16xf32>
      %swap3A_486 = vector.shape_cast %get3A_479 : vector<16xf32> to vector<1x16xf32>
      tpu.vector_store %arg11[%swap3A_482, %swap3A_483], %swap3A_486 {strides = array<i32>} : memref<256x128xf32, #tpu.memory_space<vmem>>, vector<1x16xf32>,
      %mul3A_487 = arith.constant 2 : i32
      %mul3A_488 = arith.muli %mul3A_487, %add3A_441 : i32
      %add3A_489 = arith.constant 0 : i32
      %add3A_490 = arith.addi %mul3A_488, %add3A_489 : i32
      %get3A_491 = arith.index_cast %add3A_490 : i32 to index
      %get3A_492 = arith.constant 48 : index
      %get3A_493 = tpu.vector_load %arg10[%get3A_491, %get3A_492] {strides = array<i32>} : memref<256x64xf32, #tpu.memory_space<vmem>>, vector<1x16xf32>,
      %get3A_494 = vector.shape_cast %get3A_493 : vector<1x16xf32> to vector<16xf32>
      %add3A_495 = arith.constant 128 : i32
      %add3A_496 = arith.addi %add3A_495, %add3A_441 : i32
      %swap3A_497 = arith.index_cast %add3A_496 : i32 to index
      %swap3A_498 = arith.constant 48 : index
      %swap3A_499 = tpu.vector_load %arg11[%swap3A_497, %swap3A_498] {strides = array<i32>} : memref<256x128xf32, #tpu.memory_space<vmem>>, vector<1x16xf32>,
      %swap3A_500 = vector.shape_cast %swap3A_499 : vector<1x16xf32> to vector<16xf32>
      %swap3A_501 = vector.shape_cast %get3A_494 : vector<16xf32> to vector<1x16xf32>
      tpu.vector_store %arg11[%swap3A_497, %swap3A_498], %swap3A_501 {strides = array<i32>} : memref<256x128xf32, #tpu.memory_space<vmem>>, vector<1x16xf32>,
      %mul3A_502 = arith.constant 2 : i32
      %mul3A_503 = arith.muli %mul3A_502, %add3A_441 : i32
      %add3A_504 = arith.constant 1 : i32
      %add3A_505 = arith.addi %mul3A_503, %add3A_504 : i32
      %get3A_506 = arith.index_cast %add3A_505 : i32 to index
      %get3A_507 = arith.constant 0 : index
      %get3A_508 = tpu.vector_load %arg10[%get3A_506, %get3A_507] {strides = array<i32>} : memref<256x64xf32, #tpu.memory_space<vmem>>, vector<1x16xf32>,
      %get3A_509 = vector.shape_cast %get3A_508 : vector<1x16xf32> to vector<16xf32>
      %add3A_510 = arith.constant 128 : i32
      %add3A_511 = arith.addi %add3A_510, %add3A_441 : i32
      %swap3A_512 = arith.index_cast %add3A_511 : i32 to index
      %swap3A_513 = arith.constant 64 : index
      %swap3A_514 = tpu.vector_load %arg11[%swap3A_512, %swap3A_513] {strides = array<i32>} : memref<256x128xf32, #tpu.memory_space<vmem>>, vector<1x16xf32>,
      %swap3A_515 = vector.shape_cast %swap3A_514 : vector<1x16xf32> to vector<16xf32>
      %swap3A_516 = vector.shape_cast %get3A_509 : vector<16xf32> to vector<1x16xf32>
      tpu.vector_store %arg11[%swap3A_512, %swap3A_513], %swap3A_516 {strides = array<i32>} : memref<256x128xf32, #tpu.memory_space<vmem>>, vector<1x16xf32>,
      %mul3A_517 = arith.constant 2 : i32
      %mul3A_518 = arith.muli %mul3A_517, %add3A_441 : i32
      %add3A_519 = arith.constant 1 : i32
      %add3A_520 = arith.addi %mul3A_518, %add3A_519 : i32
      %get3A_521 = arith.index_cast %add3A_520 : i32 to index
      %get3A_522 = arith.constant 16 : index
      %get3A_523 = tpu.vector_load %arg10[%get3A_521, %get3A_522] {strides = array<i32>} : memref<256x64xf32, #tpu.memory_space<vmem>>, vector<1x16xf32>,
      %get3A_524 = vector.shape_cast %get3A_523 : vector<1x16xf32> to vector<16xf32>
      %add3A_525 = arith.constant 128 : i32
      %add3A_526 = arith.addi %add3A_525, %add3A_441 : i32
      %swap3A_527 = arith.index_cast %add3A_526 : i32 to index
      %swap3A_528 = arith.constant 80 : index
      %swap3A_529 = tpu.vector_load %arg11[%swap3A_527, %swap3A_528] {strides = array<i32>} : memref<256x128xf32, #tpu.memory_space<vmem>>, vector<1x16xf32>,
      %swap3A_530 = vector.shape_cast %swap3A_529 : vector<1x16xf32> to vector<16xf32>
      %swap3A_531 = vector.shape_cast %get3A_524 : vector<16xf32> to vector<1x16xf32>
      tpu.vector_store %arg11[%swap3A_527, %swap3A_528], %swap3A_531 {strides = array<i32>} : memref<256x128xf32, #tpu.memory_space<vmem>>, vector<1x16xf32>,
      %mul3A_532 = arith.constant 2 : i32
      %mul3A_533 = arith.muli %mul3A_532, %add3A_441 : i32
      %add3A_534 = arith.constant 1 : i32
      %add3A_535 = arith.addi %mul3A_533, %add3A_534 : i32
      %get3A_536 = arith.index_cast %add3A_535 : i32 to index
      %get3A_537 = arith.constant 32 : index
      %get3A_538 = tpu.vector_load %arg10[%get3A_536, %get3A_537] {strides = array<i32>} : memref<256x64xf32, #tpu.memory_space<vmem>>, vector<1x16xf32>,
      %get3A_539 = vector.shape_cast %get3A_538 : vector<1x16xf32> to vector<16xf32>
      %add3A_540 = arith.constant 128 : i32
      %add3A_541 = arith.addi %add3A_540, %add3A_441 : i32
      %swap3A_542 = arith.index_cast %add3A_541 : i32 to index
      %swap3A_543 = arith.constant 96 : index
      %swap3A_544 = tpu.vector_load %arg11[%swap3A_542, %swap3A_543] {strides = array<i32>} : memref<256x128xf32, #tpu.memory_space<vmem>>, vector<1x16xf32>,
      %swap3A_545 = vector.shape_cast %swap3A_544 : vector<1x16xf32> to vector<16xf32>
      %swap3A_546 = vector.shape_cast %get3A_539 : vector<16xf32> to vector<1x16xf32>
      tpu.vector_store %arg11[%swap3A_542, %swap3A_543], %swap3A_546 {strides = array<i32>} : memref<256x128xf32, #tpu.memory_space<vmem>>, vector<1x16xf32>,
      %mul3A_547 = arith.constant 2 : i32
      %mul3A_548 = arith.muli %mul3A_547, %add3A_441 : i32
      %add3A_549 = arith.constant 1 : i32
      %add3A_550 = arith.addi %mul3A_548, %add3A_549 : i32
      %get3A_551 = arith.index_cast %add3A_550 : i32 to index
      %get3A_552 = arith.constant 48 : index
      %get3A_553 = tpu.vector_load %arg10[%get3A_551, %get3A_552] {strides = array<i32>} : memref<256x64xf32, #tpu.memory_space<vmem>>, vector<1x16xf32>,
      %get3A_554 = vector.shape_cast %get3A_553 : vector<1x16xf32> to vector<16xf32>
      %add3A_555 = arith.constant 128 : i32
      %add3A_556 = arith.addi %add3A_555, %add3A_441 : i32
      %swap3A_557 = arith.index_cast %add3A_556 : i32 to index
      %swap3A_558 = arith.constant 112 : index
      %swap3A_559 = tpu.vector_load %arg11[%swap3A_557, %swap3A_558] {strides = array<i32>} : memref<256x128xf32, #tpu.memory_space<vmem>>, vector<1x16xf32>,
      %swap3A_560 = vector.shape_cast %swap3A_559 : vector<1x16xf32> to vector<16xf32>
      %swap3A_561 = vector.shape_cast %get3A_554 : vector<16xf32> to vector<1x16xf32>
      tpu.vector_store %arg11[%swap3A_557, %swap3A_558], %swap3A_561 {strides = array<i32>} : memref<256x128xf32, #tpu.memory_space<vmem>>, vector<1x16xf32>,
      %mul3A_562 = arith.constant 4 : i32
      %mul3A_563 = arith.muli %scan3A_190, %mul3A_562 : i32
      %add3A_564 = arith.constant 3 : i32
      %add3A_565 = arith.addi %mul3A_563, %add3A_564 : i32
      %mul3A_566 = arith.constant 2 : i32
      %mul3A_567 = arith.muli %mul3A_566, %add3A_565 : i32
      %add3A_568 = arith.constant 0 : i32
      %add3A_569 = arith.addi %mul3A_567, %add3A_568 : i32
      %get3A_570 = arith.index_cast %add3A_569 : i32 to index
      %get3A_571 = arith.constant 0 : index
      %get3A_572 = tpu.vector_load %arg10[%get3A_570, %get3A_571] {strides = array<i32>} : memref<256x64xf32, #tpu.memory_space<vmem>>, vector<1x16xf32>,
      %get3A_573 = vector.shape_cast %get3A_572 : vector<1x16xf32> to vector<16xf32>
      %add3A_574 = arith.constant 128 : i32
      %add3A_575 = arith.addi %add3A_574, %add3A_565 : i32
      %swap3A_576 = arith.index_cast %add3A_575 : i32 to index
      %swap3A_577 = arith.constant 0 : index
      %swap3A_578 = tpu.vector_load %arg11[%swap3A_576, %swap3A_577] {strides = array<i32>} : memref<256x128xf32, #tpu.memory_space<vmem>>, vector<1x16xf32>,
      %swap3A_579 = vector.shape_cast %swap3A_578 : vector<1x16xf32> to vector<16xf32>
      %swap3A_580 = vector.shape_cast %get3A_573 : vector<16xf32> to vector<1x16xf32>
      tpu.vector_store %arg11[%swap3A_576, %swap3A_577], %swap3A_580 {strides = array<i32>} : memref<256x128xf32, #tpu.memory_space<vmem>>, vector<1x16xf32>,
      %mul3A_581 = arith.constant 2 : i32
      %mul3A_582 = arith.muli %mul3A_581, %add3A_565 : i32
      %add3A_583 = arith.constant 0 : i32
      %add3A_584 = arith.addi %mul3A_582, %add3A_583 : i32
      %get3A_585 = arith.index_cast %add3A_584 : i32 to index
      %get3A_586 = arith.constant 16 : index
      %get3A_587 = tpu.vector_load %arg10[%get3A_585, %get3A_586] {strides = array<i32>} : memref<256x64xf32, #tpu.memory_space<vmem>>, vector<1x16xf32>,
      %get3A_588 = vector.shape_cast %get3A_587 : vector<1x16xf32> to vector<16xf32>
      %add3A_589 = arith.constant 128 : i32
      %add3A_590 = arith.addi %add3A_589, %add3A_565 : i32
      %swap3A_591 = arith.index_cast %add3A_590 : i32 to index
      %swap3A_592 = arith.constant 16 : index
      %swap3A_593 = tpu.vector_load %arg11[%swap3A_591, %swap3A_592] {strides = array<i32>} : memref<256x128xf32, #tpu.memory_space<vmem>>, vector<1x16xf32>,
      %swap3A_594 = vector.shape_cast %swap3A_593 : vector<1x16xf32> to vector<16xf32>
      %swap3A_595 = vector.shape_cast %get3A_588 : vector<16xf32> to vector<1x16xf32>
      tpu.vector_store %arg11[%swap3A_591, %swap3A_592], %swap3A_595 {strides = array<i32>} : memref<256x128xf32, #tpu.memory_space<vmem>>, vector<1x16xf32>,
      %mul3A_596 = arith.constant 2 : i32
      %mul3A_597 = arith.muli %mul3A_596, %add3A_565 : i32
      %add3A_598 = arith.constant 0 : i32
      %add3A_599 = arith.addi %mul3A_597, %add3A_598 : i32
      %get3A_600 = arith.index_cast %add3A_599 : i32 to index
      %get3A_601 = arith.constant 32 : index
      %get3A_602 = tpu.vector_load %arg10[%get3A_600, %get3A_601] {strides = array<i32>} : memref<256x64xf32, #tpu.memory_space<vmem>>, vector<1x16xf32>,
      %get3A_603 = vector.shape_cast %get3A_602 : vector<1x16xf32> to vector<16xf32>
      %add3A_604 = arith.constant 128 : i32
      %add3A_605 = arith.addi %add3A_604, %add3A_565 : i32
      %swap3A_606 = arith.index_cast %add3A_605 : i32 to index
      %swap3A_607 = arith.constant 32 : index
      %swap3A_608 = tpu.vector_load %arg11[%swap3A_606, %swap3A_607] {strides = array<i32>} : memref<256x128xf32, #tpu.memory_space<vmem>>, vector<1x16xf32>,
      %swap3A_609 = vector.shape_cast %swap3A_608 : vector<1x16xf32> to vector<16xf32>
      %swap3A_610 = vector.shape_cast %get3A_603 : vector<16xf32> to vector<1x16xf32>
      tpu.vector_store %arg11[%swap3A_606, %swap3A_607], %swap3A_610 {strides = array<i32>} : memref<256x128xf32, #tpu.memory_space<vmem>>, vector<1x16xf32>,
      %mul3A_611 = arith.constant 2 : i32
      %mul3A_612 = arith.muli %mul3A_611, %add3A_565 : i32
      %add3A_613 = arith.constant 0 : i32
      %add3A_614 = arith.addi %mul3A_612, %add3A_613 : i32
      %get3A_615 = arith.index_cast %add3A_614 : i32 to index
      %get3A_616 = arith.constant 48 : index
      %get3A_617 = tpu.vector_load %arg10[%get3A_615, %get3A_616] {strides = array<i32>} : memref<256x64xf32, #tpu.memory_space<vmem>>, vector<1x16xf32>,
      %get3A_618 = vector.shape_cast %get3A_617 : vector<1x16xf32> to vector<16xf32>
      %add3A_619 = arith.constant 128 : i32
      %add3A_620 = arith.addi %add3A_619, %add3A_565 : i32
      %swap3A_621 = arith.index_cast %add3A_620 : i32 to index
      %swap3A_622 = arith.constant 48 : index
      %swap3A_623 = tpu.vector_load %arg11[%swap3A_621, %swap3A_622] {strides = array<i32>} : memref<256x128xf32, #tpu.memory_space<vmem>>, vector<1x16xf32>,
      %swap3A_624 = vector.shape_cast %swap3A_623 : vector<1x16xf32> to vector<16xf32>
      %swap3A_625 = vector.shape_cast %get3A_618 : vector<16xf32> to vector<1x16xf32>
      tpu.vector_store %arg11[%swap3A_621, %swap3A_622], %swap3A_625 {strides = array<i32>} : memref<256x128xf32, #tpu.memory_space<vmem>>, vector<1x16xf32>,
      %mul3A_626 = arith.constant 2 : i32
      %mul3A_627 = arith.muli %mul3A_626, %add3A_565 : i32
      %add3A_628 = arith.constant 1 : i32
      %add3A_629 = arith.addi %mul3A_627, %add3A_628 : i32
      %get3A_630 = arith.index_cast %add3A_629 : i32 to index
      %get3A_631 = arith.constant 0 : index
      %get3A_632 = tpu.vector_load %arg10[%get3A_630, %get3A_631] {strides = array<i32>} : memref<256x64xf32, #tpu.memory_space<vmem>>, vector<1x16xf32>,
      %get3A_633 = vector.shape_cast %get3A_632 : vector<1x16xf32> to vector<16xf32>
      %add3A_634 = arith.constant 128 : i32
      %add3A_635 = arith.addi %add3A_634, %add3A_565 : i32
      %swap3A_636 = arith.index_cast %add3A_635 : i32 to index
      %swap3A_637 = arith.constant 64 : index
      %swap3A_638 = tpu.vector_load %arg11[%swap3A_636, %swap3A_637] {strides = array<i32>} : memref<256x128xf32, #tpu.memory_space<vmem>>, vector<1x16xf32>,
      %swap3A_639 = vector.shape_cast %swap3A_638 : vector<1x16xf32> to vector<16xf32>
      %swap3A_640 = vector.shape_cast %get3A_633 : vector<16xf32> to vector<1x16xf32>
      tpu.vector_store %arg11[%swap3A_636, %swap3A_637], %swap3A_640 {strides = array<i32>} : memref<256x128xf32, #tpu.memory_space<vmem>>, vector<1x16xf32>,
      %mul3A_641 = arith.constant 2 : i32
      %mul3A_642 = arith.muli %mul3A_641, %add3A_565 : i32
      %add3A_643 = arith.constant 1 : i32
      %add3A_644 = arith.addi %mul3A_642, %add3A_643 : i32
      %get3A_645 = arith.index_cast %add3A_644 : i32 to index
      %get3A_646 = arith.constant 16 : index
      %get3A_647 = tpu.vector_load %arg10[%get3A_645, %get3A_646] {strides = array<i32>} : memref<256x64xf32, #tpu.memory_space<vmem>>, vector<1x16xf32>,
      %get3A_648 = vector.shape_cast %get3A_647 : vector<1x16xf32> to vector<16xf32>
      %add3A_649 = arith.constant 128 : i32
      %add3A_650 = arith.addi %add3A_649, %add3A_565 : i32
      %swap3A_651 = arith.index_cast %add3A_650 : i32 to index
      %swap3A_652 = arith.constant 80 : index
      %swap3A_653 = tpu.vector_load %arg11[%swap3A_651, %swap3A_652] {strides = array<i32>} : memref<256x128xf32, #tpu.memory_space<vmem>>, vector<1x16xf32>,
      %swap3A_654 = vector.shape_cast %swap3A_653 : vector<1x16xf32> to vector<16xf32>
      %swap3A_655 = vector.shape_cast %get3A_648 : vector<16xf32> to vector<1x16xf32>
      tpu.vector_store %arg11[%swap3A_651, %swap3A_652], %swap3A_655 {strides = array<i32>} : memref<256x128xf32, #tpu.memory_space<vmem>>, vector<1x16xf32>,
      %mul3A_656 = arith.constant 2 : i32
      %mul3A_657 = arith.muli %mul3A_656, %add3A_565 : i32
      %add3A_658 = arith.constant 1 : i32
      %add3A_659 = arith.addi %mul3A_657, %add3A_658 : i32
      %get3A_660 = arith.index_cast %add3A_659 : i32 to index
      %get3A_661 = arith.constant 32 : index
      %get3A_662 = tpu.vector_load %arg10[%get3A_660, %get3A_661] {strides = array<i32>} : memref<256x64xf32, #tpu.memory_space<vmem>>, vector<1x16xf32>,
      %get3A_663 = vector.shape_cast %get3A_662 : vector<1x16xf32> to vector<16xf32>
      %add3A_664 = arith.constant 128 : i32
      %add3A_665 = arith.addi %add3A_664, %add3A_565 : i32
      %swap3A_666 = arith.index_cast %add3A_665 : i32 to index
      %swap3A_667 = arith.constant 96 : index
      %swap3A_668 = tpu.vector_load %arg11[%swap3A_666, %swap3A_667] {strides = array<i32>} : memref<256x128xf32, #tpu.memory_space<vmem>>, vector<1x16xf32>,
      %swap3A_669 = vector.shape_cast %swap3A_668 : vector<1x16xf32> to vector<16xf32>
      %swap3A_670 = vector.shape_cast %get3A_663 : vector<16xf32> to vector<1x16xf32>
      tpu.vector_store %arg11[%swap3A_666, %swap3A_667], %swap3A_670 {strides = array<i32>} : memref<256x128xf32, #tpu.memory_space<vmem>>, vector<1x16xf32>,
      %mul3A_671 = arith.constant 2 : i32
      %mul3A_672 = arith.muli %mul3A_671, %add3A_565 : i32
      %add3A_673 = arith.constant 1 : i32
      %add3A_674 = arith.addi %mul3A_672, %add3A_673 : i32
      %get3A_675 = arith.index_cast %add3A_674 : i32 to index
      %get3A_676 = arith.constant 48 : index
      %get3A_677 = tpu.vector_load %arg10[%get3A_675, %get3A_676] {strides = array<i32>} : memref<256x64xf32, #tpu.memory_space<vmem>>, vector<1x16xf32>,
      %get3A_678 = vector.shape_cast %get3A_677 : vector<1x16xf32> to vector<16xf32>
      %add3A_679 = arith.constant 128 : i32
      %add3A_680 = arith.addi %add3A_679, %add3A_565 : i32
      %swap3A_681 = arith.index_cast %add3A_680 : i32 to index
      %swap3A_682 = arith.constant 112 : index
      %swap3A_683 = tpu.vector_load %arg11[%swap3A_681, %swap3A_682] {strides = array<i32>} : memref<256x128xf32, #tpu.memory_space<vmem>>, vector<1x16xf32>,
      %swap3A_684 = vector.shape_cast %swap3A_683 : vector<1x16xf32> to vector<16xf32>
      %swap3A_685 = vector.shape_cast %get3A_678 : vector<16xf32> to vector<1x16xf32>
      tpu.vector_store %arg11[%swap3A_681, %swap3A_682], %swap3A_685 {strides = array<i32>} : memref<256x128xf32, #tpu.memory_space<vmem>>, vector<1x16xf32>,
      %scan3A_686 = arith.constant 0 : i32
      scf.yield %scan3A_686 : i32
    }
    %scan3A_111 = arith.constant 32 : i32
    %dma_start3A_112 = arith.constant 0 : i32
    %dma_start3A_113 = arith.constant 0 : i32
    %dma_start3A_114 = tpu.memref_slice %arg10[%dma_start3A_112, %dma_start3A_113] : memref<256x64xf32, #tpu.memory_space<vmem>> -> memref<128x64xf32, #tpu.memory_space<vmem>>
    %dma_start3A_115 = arith.constant 256 : i32
    %dma_start3A_116 = tpu.memref_slice %arg8[%dma_start3A_115] : memref<512xi32, #tpu.memory_space<vmem>> -> memref<128xi32, #tpu.memory_space<vmem>>
    %dma_start3A_117 = arith.constant 0 : i32
    %dma_start3A_118 = arith.constant 0 : i32
    %dma_start3A_119 = tpu.memref_slice %arg3[%dma_start3A_117, %dma_start3A_118] : memref<2000000x64xf32, #tpu.memory_space<hbm>> -> memref<2000000x64xf32, #tpu.memory_space<hbm>>
    tpu.enqueue_indirect_dma source(%dma_start3A_119 : memref<2000000x64xf32, #tpu.memory_space<hbm>>) target(%dma_start3A_114 : memref<128x64xf32, #tpu.memory_space<vmem>>) offsets(%dma_start3A_116 : memref<128xi32, #tpu.memory_space<vmem>>) semaphore(%arg15 : memref<!tpu.dma_semaphore, #tpu.memory_space<semaphore_mem>>)
    %dma_start3A_120 = arith.constant 128 : i32
    %dma_start3A_121 = arith.constant 0 : i32
    %dma_start3A_122 = tpu.memref_slice %arg10[%dma_start3A_120, %dma_start3A_121] : memref<256x64xf32, #tpu.memory_space<vmem>> -> memref<128x64xf32, #tpu.memory_space<vmem>>
    %dma_start3A_123 = arith.constant 384 : i32
    %dma_start3A_124 = tpu.memref_slice %arg8[%dma_start3A_123] : memref<512xi32, #tpu.memory_space<vmem>> -> memref<128xi32, #tpu.memory_space<vmem>>
    %dma_start3A_125 = arith.constant 0 : i32
    %dma_start3A_126 = arith.constant 0 : i32
    %dma_start3A_127 = tpu.memref_slice %arg3[%dma_start3A_125, %dma_start3A_126] : memref<2000000x64xf32, #tpu.memory_space<hbm>> -> memref<2000000x64xf32, #tpu.memory_space<hbm>>
    tpu.enqueue_indirect_dma source(%dma_start3A_127 : memref<2000000x64xf32, #tpu.memory_space<hbm>>) target(%dma_start3A_122 : memref<128x64xf32, #tpu.memory_space<vmem>>) offsets(%dma_start3A_124 : memref<128xi32, #tpu.memory_space<vmem>>) semaphore(%arg15 : memref<!tpu.dma_semaphore, #tpu.memory_space<semaphore_mem>>)
    %dma_start3A_128 = arith.constant 2 : i32
    %dma_start3A_129 = tpu.memref_slice %arg2[%dma_start3A_128, %mul3A_2] : memref<200x16384xi32, #tpu.memory_space<hbm>> -> memref<1x512xi32, #tpu.memory_space<hbm>>
    %dma_start3A_130 = tpu.memref_squeeze %dma_start3A_129 : memref<1x512xi32, #tpu.memory_space<hbm>> -> memref<512xi32, #tpu.memory_space<hbm>>
    %dma_start3A_131 = tpu.memref_slice %arg2[%dma_start3A_128, %mul3A_2] : memref<200x16384xi32, #tpu.memory_space<hbm>> -> memref<1x512xi32, #tpu.memory_space<hbm>>
    %dma_start3A_132 = tpu.memref_squeeze %dma_start3A_131 : memref<1x512xi32, #tpu.memory_space<hbm>> -> memref<512xi32, #tpu.memory_space<hbm>>
    tpu.enqueue_dma source(%dma_start3A_132 : memref<512xi32, #tpu.memory_space<hbm>>) target(%arg5 : memref<512xi32, #tpu.memory_space<vmem>>) target_semaphore(%arg12 : memref<!tpu.dma_semaphore, #tpu.memory_space<semaphore_mem>>)
    %scan3A_133 = arith.constant 0 : i32
    %scan3A_134 = arith.constant 0 : i32
    %scan3A_135 = arith.constant 99 : i32
    %scan3A_136 = arith.addi %scan3A_134, %scan3A_135 : i32
    %scan3A_137 = arith.constant 1 : i32
    %scan3A_138 = scf.for %scan3A_190 = %scan3A_134 to %scan3A_136 step %scan3A_137 iter_args(%scan3A_191 = %scan3A_133) -> (i32)  : i32 {
      %dma_wait3A_192 = arith.constant 0 : i32
      %dma_wait3A_193 = arith.constant 0 : i32
      %dma_wait3A_194 = tpu.memref_slice %arg2[%dma_wait3A_192, %dma_wait3A_193] : memref<200x16384xi32, #tpu.memory_space<hbm>> -> memref<1x512xi32, #tpu.memory_space<hbm>>
      %dma_wait3A_195 = tpu.memref_squeeze %dma_wait3A_194 : memref<1x512xi32, #tpu.memory_space<hbm>> -> memref<512xi32, #tpu.memory_space<hbm>>
      %dma_wait3A_196 = arith.constant 0 : i32
      %dma_wait3A_197 = tpu.memref_slice %arg2[%dma_wait3A_192, %dma_wait3A_196] : memref<200x16384xi32, #tpu.memory_space<hbm>> -> memref<1x512xi32, #tpu.memory_space<hbm>>
      %dma_wait3A_198 = tpu.memref_squeeze %dma_wait3A_197 : memref<1x512xi32, #tpu.memory_space<hbm>> -> memref<512xi32, #tpu.memory_space<hbm>>
      tpu.wait_dma2 semaphore(%arg12 : memref<!tpu.dma_semaphore, #tpu.memory_space<semaphore_mem>>) src(%dma_wait3A_198 : memref<512xi32, #tpu.memory_space<hbm>>) dst(%arg5 : memref<512xi32, #tpu.memory_space<vmem>>)
      %scan3A_199 = arith.constant 0 : i32
      %scan3A_200 = arith.constant 0 : i32
      %scan3A_201 = arith.constant 8 : i32
      %scan3A_202 = arith.addi %scan3A_200, %scan3A_201 : i32
      %scan3A_203 = arith.constant 1 : i32
      %scan3A_204 = scf.for %scan3A_354 = %scan3A_200 to %scan3A_202 step %scan3A_203 iter_args(%scan3A_355 = %scan3A_199) -> (i32)  : i32 {
        %mul3A_356 = arith.constant 4 : i32
        %mul3A_357 = arith.muli %scan3A_354, %mul3A_356 : i32
        %add3A_358 = arith.constant 0 : i32
        %add3A_359 = arith.addi %mul3A_357, %add3A_358 : i32
        %mul3A_360 = arith.constant 16 : i32
        %mul3A_361 = arith.muli %add3A_359, %mul3A_360 : i32
        %get3A = arith.index_cast %mul3A_361 : i32 to index
        %get3A_362 = tpu.vector_load %arg5[%get3A] {strides = array<i32>} : memref<512xi32, #tpu.memory_space<vmem>>, vector<16xi32>,
        %get3A_363 = vector.shape_cast %get3A_362 : vector<16xi32> to vector<16xi32>
        %add3A_364 = arith.addi %get3A_363, %get3A_363 : vector<16xi32>
        %swap3A = arith.index_cast %mul3A_361 : i32 to index
        %swap3A_365 = tpu.vector_load %arg7[%swap3A] {strides = array<i32>} : memref<512xi32, #tpu.memory_space<vmem>>, vector<16xi32>,
        %swap3A_366 = vector.shape_cast %swap3A_365 : vector<16xi32> to vector<16xi32>
        %swap3A_367 = vector.shape_cast %add3A_364 : vector<16xi32> to vector<16xi32>
        tpu.vector_store %arg7[%swap3A], %swap3A_367 {strides = array<i32>} : memref<512xi32, #tpu.memory_space<vmem>>, vector<16xi32>,
        %mul3A_368 = arith.constant 4 : i32
        %mul3A_369 = arith.muli %scan3A_354, %mul3A_368 : i32
        %add3A_370 = arith.constant 1 : i32
        %add3A_371 = arith.addi %mul3A_369, %add3A_370 : i32
        %mul3A_372 = arith.constant 16 : i32
        %mul3A_373 = arith.muli %add3A_371, %mul3A_372 : i32
        %get3A_374 = arith.index_cast %mul3A_373 : i32 to index
        %get3A_375 = tpu.vector_load %arg5[%get3A_374] {strides = array<i32>} : memref<512xi32, #tpu.memory_space<vmem>>, vector<16xi32>,
        %get3A_376 = vector.shape_cast %get3A_375 : vector<16xi32> to vector<16xi32>
        %add3A_377 = arith.addi %get3A_376, %get3A_376 : vector<16xi32>
        %swap3A_378 = arith.index_cast %mul3A_373 : i32 to index
        %swap3A_379 = tpu.vector_load %arg7[%swap3A_378] {strides = array<i32>} : memref<512xi32, #tpu.memory_space<vmem>>, vector<16xi32>,
        %swap3A_380 = vector.shape_cast %swap3A_379 : vector<16xi32> to vector<16xi32>
        %swap3A_381 = vector.shape_cast %add3A_377 : vector<16xi32> to vector<16xi32>
        tpu.vector_store %arg7[%swap3A_378], %swap3A_381 {strides = array<i32>} : memref<512xi32, #tpu.memory_space<vmem>>, vector<16xi32>,
        %mul3A_382 = arith.constant 4 : i32
        %mul3A_383 = arith.muli %scan3A_354, %mul3A_382 : i32
        %add3A_384 = arith.constant 2 : i32
        %add3A_385 = arith.addi %mul3A_383, %add3A_384 : i32
        %mul3A_386 = arith.constant 16 : i32
        %mul3A_387 = arith.muli %add3A_385, %mul3A_386 : i32
        %get3A_388 = arith.index_cast %mul3A_387 : i32 to index
        %get3A_389 = tpu.vector_load %arg5[%get3A_388] {strides = array<i32>} : memref<512xi32, #tpu.memory_space<vmem>>, vector<16xi32>,
        %get3A_390 = vector.shape_cast %get3A_389 : vector<16xi32> to vector<16xi32>
        %add3A_391 = arith.addi %get3A_390, %get3A_390 : vector<16xi32>
        %swap3A_392 = arith.index_cast %mul3A_387 : i32 to index
        %swap3A_393 = tpu.vector_load %arg7[%swap3A_392] {strides = array<i32>} : memref<512xi32, #tpu.memory_space<vmem>>, vector<16xi32>,
        %swap3A_394 = vector.shape_cast %swap3A_393 : vector<16xi32> to vector<16xi32>
        %swap3A_395 = vector.shape_cast %add3A_391 : vector<16xi32> to vector<16xi32>
        tpu.vector_store %arg7[%swap3A_392], %swap3A_395 {strides = array<i32>} : memref<512xi32, #tpu.memory_space<vmem>>, vector<16xi32>,
        %mul3A_396 = arith.constant 4 : i32
        %mul3A_397 = arith.muli %scan3A_354, %mul3A_396 : i32
        %add3A_398 = arith.constant 3 : i32
        %add3A_399 = arith.addi %mul3A_397, %add3A_398 : i32
        %mul3A_400 = arith.constant 16 : i32
        %mul3A_401 = arith.muli %add3A_399, %mul3A_400 : i32
        %get3A_402 = arith.index_cast %mul3A_401 : i32 to index
        %get3A_403 = tpu.vector_load %arg5[%get3A_402] {strides = array<i32>} : memref<512xi32, #tpu.memory_space<vmem>>, vector<16xi32>,
        %get3A_404 = vector.shape_cast %get3A_403 : vector<16xi32> to vector<16xi32>
        %add3A_405 = arith.addi %get3A_404, %get3A_404 : vector<16xi32>
        %swap3A_406 = arith.index_cast %mul3A_401 : i32 to index
        %swap3A_407 = tpu.vector_load %arg7[%swap3A_406] {strides = array<i32>} : memref<512xi32, #tpu.memory_space<vmem>>, vector<16xi32>,
        %swap3A_408 = vector.shape_cast %swap3A_407 : vector<16xi32> to vector<16xi32>
        %swap3A_409 = vector.shape_cast %add3A_405 : vector<16xi32> to vector<16xi32>
        tpu.vector_store %arg7[%swap3A_406], %swap3A_409 {strides = array<i32>} : memref<512xi32, #tpu.memory_space<vmem>>, vector<16xi32>,
        %scan3A_410 = arith.constant 0 : i32
        scf.yield %scan3A_410 : i32
      }
      %scan3A_205 = arith.constant 8 : i32
      %dma_wait3A_206 = arith.constant 0 : i32
      %dma_wait3A_207 = arith.constant 0 : i32
      %dma_wait3A_208 = tpu.memref_slice %arg3[%dma_wait3A_206, %dma_wait3A_207] : memref<2000000x64xf32, #tpu.memory_space<hbm>> -> memref<256x64xf32, #tpu.memory_space<hbm>>
      %dma_wait3A_209 = arith.constant 0 : i32
      %dma_wait3A_210 = arith.constant 0 : i32
      %dma_wait3A_211 = tpu.memref_slice %arg3[%dma_wait3A_209, %dma_wait3A_210] : memref<2000000x64xf32, #tpu.memory_space<hbm>> -> memref<256x64xf32, #tpu.memory_space<hbm>>
      tpu.wait_dma2 semaphore(%arg14 : memref<!tpu.dma_semaphore, #tpu.memory_space<semaphore_mem>>) src(%dma_wait3A_211 : memref<256x64xf32, #tpu.memory_space<hbm>>) dst(%arg9 : memref<256x64xf32, #tpu.memory_space<vmem>>)
      %scan3A_212 = arith.constant 0 : i32
      %scan3A_213 = arith.constant 0 : i32
      %scan3A_214 = arith.constant 32 : i32
      %scan3A_215 = arith.addi %scan3A_213, %scan3A_214 : i32
      %scan3A_216 = arith.constant 1 : i32
      %scan3A_217 = scf.for %scan3A_354 = %scan3A_213 to %scan3A_215 step %scan3A_216 iter_args(%scan3A_355 = %scan3A_212) -> (i32)  : i32 {
        %mul3A_356 = arith.constant 4 : i32
        %mul3A_357 = arith.muli %scan3A_354, %mul3A_356 : i32
        %add3A_358 = arith.constant 0 : i32
        %add3A_359 = arith.addi %mul3A_357, %add3A_358 : i32
        %mul3A_360 = arith.constant 2 : i32
        %mul3A_361 = arith.muli %mul3A_360, %add3A_359 : i32
        %add3A_362 = arith.constant 0 : i32
        %add3A_363 = arith.addi %mul3A_361, %add3A_362 : i32
        %get3A = arith.index_cast %add3A_363 : i32 to index
        %get3A_364 = arith.constant 0 : index
        %get3A_365 = tpu.vector_load %arg9[%get3A, %get3A_364] {strides = array<i32>} : memref<256x64xf32, #tpu.memory_space<vmem>>, vector<1x16xf32>,
        %get3A_366 = vector.shape_cast %get3A_365 : vector<1x16xf32> to vector<16xf32>
        %add3A_367 = arith.constant 0 : i32
        %add3A_368 = arith.addi %add3A_367, %add3A_359 : i32
        %swap3A = arith.index_cast %add3A_368 : i32 to index
        %swap3A_369 = arith.constant 0 : index
        %swap3A_370 = tpu.vector_load %arg11[%swap3A, %swap3A_369] {strides = array<i32>} : memref<256x128xf32, #tpu.memory_space<vmem>>, vector<1x16xf32>,
        %swap3A_371 = vector.shape_cast %swap3A_370 : vector<1x16xf32> to vector<16xf32>
        %swap3A_372 = vector.shape_cast %get3A_366 : vector<16xf32> to vector<1x16xf32>
        tpu.vector_store %arg11[%swap3A, %swap3A_369], %swap3A_372 {add = true, strides = array<i32>} : memref<256x128xf32, #tpu.memory_space<vmem>>, vector<1x16xf32>,
        %mul3A_373 = arith.constant 2 : i32
        %mul3A_374 = arith.muli %mul3A_373, %add3A_359 : i32
        %add3A_375 = arith.constant 0 : i32
        %add3A_376 = arith.addi %mul3A_374, %add3A_375 : i32
        %get3A_377 = arith.index_cast %add3A_376 : i32 to index
        %get3A_378 = arith.constant 16 : index
        %get3A_379 = tpu.vector_load %arg9[%get3A_377, %get3A_378] {strides = array<i32>} : memref<256x64xf32, #tpu.memory_space<vmem>>, vector<1x16xf32>,
        %get3A_380 = vector.shape_cast %get3A_379 : vector<1x16xf32> to vector<16xf32>
        %add3A_381 = arith.constant 0 : i32
        %add3A_382 = arith.addi %add3A_381, %add3A_359 : i32
        %swap3A_383 = arith.index_cast %add3A_382 : i32 to index
        %swap3A_384 = arith.constant 16 : index
        %swap3A_385 = tpu.vector_load %arg11[%swap3A_383, %swap3A_384] {strides = array<i32>} : memref<256x128xf32, #tpu.memory_space<vmem>>, vector<1x16xf32>,
        %swap3A_386 = vector.shape_cast %swap3A_385 : vector<1x16xf32> to vector<16xf32>
        %swap3A_387 = vector.shape_cast %get3A_380 : vector<16xf32> to vector<1x16xf32>
        tpu.vector_store %arg11[%swap3A_383, %swap3A_384], %swap3A_387 {add = true, strides = array<i32>} : memref<256x128xf32, #tpu.memory_space<vmem>>, vector<1x16xf32>,
        %mul3A_388 = arith.constant 2 : i32
        %mul3A_389 = arith.muli %mul3A_388, %add3A_359 : i32
        %add3A_390 = arith.constant 0 : i32
        %add3A_391 = arith.addi %mul3A_389, %add3A_390 : i32
        %get3A_392 = arith.index_cast %add3A_391 : i32 to index
        %get3A_393 = arith.constant 32 : index
        %get3A_394 = tpu.vector_load %arg9[%get3A_392, %get3A_393] {strides = array<i32>} : memref<256x64xf32, #tpu.memory_space<vmem>>, vector<1x16xf32>,
        %get3A_395 = vector.shape_cast %get3A_394 : vector<1x16xf32> to vector<16xf32>
        %add3A_396 = arith.constant 0 : i32
        %add3A_397 = arith.addi %add3A_396, %add3A_359 : i32
        %swap3A_398 = arith.index_cast %add3A_397 : i32 to index
        %swap3A_399 = arith.constant 32 : index
        %swap3A_400 = tpu.vector_load %arg11[%swap3A_398, %swap3A_399] {strides = array<i32>} : memref<256x128xf32, #tpu.memory_space<vmem>>, vector<1x16xf32>,
        %swap3A_401 = vector.shape_cast %swap3A_400 : vector<1x16xf32> to vector<16xf32>
        %swap3A_402 = vector.shape_cast %get3A_395 : vector<16xf32> to vector<1x16xf32>
        tpu.vector_store %arg11[%swap3A_398, %swap3A_399], %swap3A_402 {add = true, strides = array<i32>} : memref<256x128xf32, #tpu.memory_space<vmem>>, vector<1x16xf32>,
        %mul3A_403 = arith.constant 2 : i32
        %mul3A_404 = arith.muli %mul3A_403, %add3A_359 : i32
        %add3A_405 = arith.constant 0 : i32
        %add3A_406 = arith.addi %mul3A_404, %add3A_405 : i32
        %get3A_407 = arith.index_cast %add3A_406 : i32 to index
        %get3A_408 = arith.constant 48 : index
        %get3A_409 = tpu.vector_load %arg9[%get3A_407, %get3A_408] {strides = array<i32>} : memref<256x64xf32, #tpu.memory_space<vmem>>, vector<1x16xf32>,
        %get3A_410 = vector.shape_cast %get3A_409 : vector<1x16xf32> to vector<16xf32>
        %add3A_411 = arith.constant 0 : i32
        %add3A_412 = arith.addi %add3A_411, %add3A_359 : i32
        %swap3A_413 = arith.index_cast %add3A_412 : i32 to index
        %swap3A_414 = arith.constant 48 : index
        %swap3A_415 = tpu.vector_load %arg11[%swap3A_413, %swap3A_414] {strides = array<i32>} : memref<256x128xf32, #tpu.memory_space<vmem>>, vector<1x16xf32>,
        %swap3A_416 = vector.shape_cast %swap3A_415 : vector<1x16xf32> to vector<16xf32>
        %swap3A_417 = vector.shape_cast %get3A_410 : vector<16xf32> to vector<1x16xf32>
        tpu.vector_store %arg11[%swap3A_413, %swap3A_414], %swap3A_417 {add = true, strides = array<i32>} : memref<256x128xf32, #tpu.memory_space<vmem>>, vector<1x16xf32>,
        %mul3A_418 = arith.constant 2 : i32
        %mul3A_419 = arith.muli %mul3A_418, %add3A_359 : i32
        %add3A_420 = arith.constant 1 : i32
        %add3A_421 = arith.addi %mul3A_419, %add3A_420 : i32
        %get3A_422 = arith.index_cast %add3A_421 : i32 to index
        %get3A_423 = arith.constant 0 : index
        %get3A_424 = tpu.vector_load %arg9[%get3A_422, %get3A_423] {strides = array<i32>} : memref<256x64xf32, #tpu.memory_space<vmem>>, vector<1x16xf32>,
        %get3A_425 = vector.shape_cast %get3A_424 : vector<1x16xf32> to vector<16xf32>
        %add3A_426 = arith.constant 0 : i32
        %add3A_427 = arith.addi %add3A_426, %add3A_359 : i32
        %swap3A_428 = arith.index_cast %add3A_427 : i32 to index
        %swap3A_429 = arith.constant 64 : index
        %swap3A_430 = tpu.vector_load %arg11[%swap3A_428, %swap3A_429] {strides = array<i32>} : memref<256x128xf32, #tpu.memory_space<vmem>>, vector<1x16xf32>,
        %swap3A_431 = vector.shape_cast %swap3A_430 : vector<1x16xf32> to vector<16xf32>
        %swap3A_432 = vector.shape_cast %get3A_425 : vector<16xf32> to vector<1x16xf32>
        tpu.vector_store %arg11[%swap3A_428, %swap3A_429], %swap3A_432 {add = true, strides = array<i32>} : memref<256x128xf32, #tpu.memory_space<vmem>>, vector<1x16xf32>,
        %mul3A_433 = arith.constant 2 : i32
        %mul3A_434 = arith.muli %mul3A_433, %add3A_359 : i32
        %add3A_435 = arith.constant 1 : i32
        %add3A_436 = arith.addi %mul3A_434, %add3A_435 : i32
        %get3A_437 = arith.index_cast %add3A_436 : i32 to index
        %get3A_438 = arith.constant 16 : index
        %get3A_439 = tpu.vector_load %arg9[%get3A_437, %get3A_438] {strides = array<i32>} : memref<256x64xf32, #tpu.memory_space<vmem>>, vector<1x16xf32>,
        %get3A_440 = vector.shape_cast %get3A_439 : vector<1x16xf32> to vector<16xf32>
        %add3A_441 = arith.constant 0 : i32
        %add3A_442 = arith.addi %add3A_441, %add3A_359 : i32
        %swap3A_443 = arith.index_cast %add3A_442 : i32 to index
        %swap3A_444 = arith.constant 80 : index
        %swap3A_445 = tpu.vector_load %arg11[%swap3A_443, %swap3A_444] {strides = array<i32>} : memref<256x128xf32, #tpu.memory_space<vmem>>, vector<1x16xf32>,
        %swap3A_446 = vector.shape_cast %swap3A_445 : vector<1x16xf32> to vector<16xf32>
        %swap3A_447 = vector.shape_cast %get3A_440 : vector<16xf32> to vector<1x16xf32>
        tpu.vector_store %arg11[%swap3A_443, %swap3A_444], %swap3A_447 {add = true, strides = array<i32>} : memref<256x128xf32, #tpu.memory_space<vmem>>, vector<1x16xf32>,
        %mul3A_448 = arith.constant 2 : i32
        %mul3A_449 = arith.muli %mul3A_448, %add3A_359 : i32
        %add3A_450 = arith.constant 1 : i32
        %add3A_451 = arith.addi %mul3A_449, %add3A_450 : i32
        %get3A_452 = arith.index_cast %add3A_451 : i32 to index
        %get3A_453 = arith.constant 32 : index
        %get3A_454 = tpu.vector_load %arg9[%get3A_452, %get3A_453] {strides = array<i32>} : memref<256x64xf32, #tpu.memory_space<vmem>>, vector<1x16xf32>,
        %get3A_455 = vector.shape_cast %get3A_454 : vector<1x16xf32> to vector<16xf32>
        %add3A_456 = arith.constant 0 : i32
        %add3A_457 = arith.addi %add3A_456, %add3A_359 : i32
        %swap3A_458 = arith.index_cast %add3A_457 : i32 to index
        %swap3A_459 = arith.constant 96 : index
        %swap3A_460 = tpu.vector_load %arg11[%swap3A_458, %swap3A_459] {strides = array<i32>} : memref<256x128xf32, #tpu.memory_space<vmem>>, vector<1x16xf32>,
        %swap3A_461 = vector.shape_cast %swap3A_460 : vector<1x16xf32> to vector<16xf32>
        %swap3A_462 = vector.shape_cast %get3A_455 : vector<16xf32> to vector<1x16xf32>
        tpu.vector_store %arg11[%swap3A_458, %swap3A_459], %swap3A_462 {add = true, strides = array<i32>} : memref<256x128xf32, #tpu.memory_space<vmem>>, vector<1x16xf32>,
        %mul3A_463 = arith.constant 2 : i32
        %mul3A_464 = arith.muli %mul3A_463, %add3A_359 : i32
        %add3A_465 = arith.constant 1 : i32
        %add3A_466 = arith.addi %mul3A_464, %add3A_465 : i32
        %get3A_467 = arith.index_cast %add3A_466 : i32 to index
        %get3A_468 = arith.constant 48 : index
        %get3A_469 = tpu.vector_load %arg9[%get3A_467, %get3A_468] {strides = array<i32>} : memref<256x64xf32, #tpu.memory_space<vmem>>, vector<1x16xf32>,
        %get3A_470 = vector.shape_cast %get3A_469 : vector<1x16xf32> to vector<16xf32>
        %add3A_471 = arith.constant 0 : i32
        %add3A_472 = arith.addi %add3A_471, %add3A_359 : i32
        %swap3A_473 = arith.index_cast %add3A_472 : i32 to index
        %swap3A_474 = arith.constant 112 : index
        %swap3A_475 = tpu.vector_load %arg11[%swap3A_473, %swap3A_474] {strides = array<i32>} : memref<256x128xf32, #tpu.memory_space<vmem>>, vector<1x16xf32>,
        %swap3A_476 = vector.shape_cast %swap3A_475 : vector<1x16xf32> to vector<16xf32>
        %swap3A_477 = vector.shape_cast %get3A_470 : vector<16xf32> to vector<1x16xf32>
        tpu.vector_store %arg11[%swap3A_473, %swap3A_474], %swap3A_477 {add = true, strides = array<i32>} : memref<256x128xf32, #tpu.memory_space<vmem>>, vector<1x16xf32>,
        %mul3A_478 = arith.constant 4 : i32
        %mul3A_479 = arith.muli %scan3A_354, %mul3A_478 : i32
        %add3A_480 = arith.constant 1 : i32
        %add3A_481 = arith.addi %mul3A_479, %add3A_480 : i32
        %mul3A_482 = arith.constant 2 : i32
        %mul3A_483 = arith.muli %mul3A_482, %add3A_481 : i32
        %add3A_484 = arith.constant 0 : i32
        %add3A_485 = arith.addi %mul3A_483, %add3A_484 : i32
        %get3A_486 = arith.index_cast %add3A_485 : i32 to index
        %get3A_487 = arith.constant 0 : index
        %get3A_488 = tpu.vector_load %arg9[%get3A_486, %get3A_487] {strides = array<i32>} : memref<256x64xf32, #tpu.memory_space<vmem>>, vector<1x16xf32>,
        %get3A_489 = vector.shape_cast %get3A_488 : vector<1x16xf32> to vector<16xf32>
        %add3A_490 = arith.constant 0 : i32
        %add3A_491 = arith.addi %add3A_490, %add3A_481 : i32
        %swap3A_492 = arith.index_cast %add3A_491 : i32 to index
        %swap3A_493 = arith.constant 0 : index
        %swap3A_494 = tpu.vector_load %arg11[%swap3A_492, %swap3A_493] {strides = array<i32>} : memref<256x128xf32, #tpu.memory_space<vmem>>, vector<1x16xf32>,
        %swap3A_495 = vector.shape_cast %swap3A_494 : vector<1x16xf32> to vector<16xf32>
        %swap3A_496 = vector.shape_cast %get3A_489 : vector<16xf32> to vector<1x16xf32>
        tpu.vector_store %arg11[%swap3A_492, %swap3A_493], %swap3A_496 {add = true, strides = array<i32>} : memref<256x128xf32, #tpu.memory_space<vmem>>, vector<1x16xf32>,
        %mul3A_497 = arith.constant 2 : i32
        %mul3A_498 = arith.muli %mul3A_497, %add3A_481 : i32
        %add3A_499 = arith.constant 0 : i32
        %add3A_500 = arith.addi %mul3A_498, %add3A_499 : i32
        %get3A_501 = arith.index_cast %add3A_500 : i32 to index
        %get3A_502 = arith.constant 16 : index
        %get3A_503 = tpu.vector_load %arg9[%get3A_501, %get3A_502] {strides = array<i32>} : memref<256x64xf32, #tpu.memory_space<vmem>>, vector<1x16xf32>,
        %get3A_504 = vector.shape_cast %get3A_503 : vector<1x16xf32> to vector<16xf32>
        %add3A_505 = arith.constant 0 : i32
        %add3A_506 = arith.addi %add3A_505, %add3A_481 : i32
        %swap3A_507 = arith.index_cast %add3A_506 : i32 to index
        %swap3A_508 = arith.constant 16 : index
        %swap3A_509 = tpu.vector_load %arg11[%swap3A_507, %swap3A_508] {strides = array<i32>} : memref<256x128xf32, #tpu.memory_space<vmem>>, vector<1x16xf32>,
        %swap3A_510 = vector.shape_cast %swap3A_509 : vector<1x16xf32> to vector<16xf32>
        %swap3A_511 = vector.shape_cast %get3A_504 : vector<16xf32> to vector<1x16xf32>
        tpu.vector_store %arg11[%swap3A_507, %swap3A_508], %swap3A_511 {add = true, strides = array<i32>} : memref<256x128xf32, #tpu.memory_space<vmem>>, vector<1x16xf32>,
        %mul3A_512 = arith.constant 2 : i32
        %mul3A_513 = arith.muli %mul3A_512, %add3A_481 : i32
        %add3A_514 = arith.constant 0 : i32
        %add3A_515 = arith.addi %mul3A_513, %add3A_514 : i32
        %get3A_516 = arith.index_cast %add3A_515 : i32 to index
        %get3A_517 = arith.constant 32 : index
        %get3A_518 = tpu.vector_load %arg9[%get3A_516, %get3A_517] {strides = array<i32>} : memref<256x64xf32, #tpu.memory_space<vmem>>, vector<1x16xf32>,
        %get3A_519 = vector.shape_cast %get3A_518 : vector<1x16xf32> to vector<16xf32>
        %add3A_520 = arith.constant 0 : i32
        %add3A_521 = arith.addi %add3A_520, %add3A_481 : i32
        %swap3A_522 = arith.index_cast %add3A_521 : i32 to index
        %swap3A_523 = arith.constant 32 : index
        %swap3A_524 = tpu.vector_load %arg11[%swap3A_522, %swap3A_523] {strides = array<i32>} : memref<256x128xf32, #tpu.memory_space<vmem>>, vector<1x16xf32>,
        %swap3A_525 = vector.shape_cast %swap3A_524 : vector<1x16xf32> to vector<16xf32>
        %swap3A_526 = vector.shape_cast %get3A_519 : vector<16xf32> to vector<1x16xf32>
        tpu.vector_store %arg11[%swap3A_522, %swap3A_523], %swap3A_526 {add = true, strides = array<i32>} : memref<256x128xf32, #tpu.memory_space<vmem>>, vector<1x16xf32>,
        %mul3A_527 = arith.constant 2 : i32
        %mul3A_528 = arith.muli %mul3A_527, %add3A_481 : i32
        %add3A_529 = arith.constant 0 : i32
        %add3A_530 = arith.addi %mul3A_528, %add3A_529 : i32
        %get3A_531 = arith.index_cast %add3A_530 : i32 to index
        %get3A_532 = arith.constant 48 : index
        %get3A_533 = tpu.vector_load %arg9[%get3A_531, %get3A_532] {strides = array<i32>} : memref<256x64xf32, #tpu.memory_space<vmem>>, vector<1x16xf32>,
        %get3A_534 = vector.shape_cast %get3A_533 : vector<1x16xf32> to vector<16xf32>
        %add3A_535 = arith.constant 0 : i32
        %add3A_536 = arith.addi %add3A_535, %add3A_481 : i32
        %swap3A_537 = arith.index_cast %add3A_536 : i32 to index
        %swap3A_538 = arith.constant 48 : index
        %swap3A_539 = tpu.vector_load %arg11[%swap3A_537, %swap3A_538] {strides = array<i32>} : memref<256x128xf32, #tpu.memory_space<vmem>>, vector<1x16xf32>,
        %swap3A_540 = vector.shape_cast %swap3A_539 : vector<1x16xf32> to vector<16xf32>
        %swap3A_541 = vector.shape_cast %get3A_534 : vector<16xf32> to vector<1x16xf32>
        tpu.vector_store %arg11[%swap3A_537, %swap3A_538], %swap3A_541 {add = true, strides = array<i32>} : memref<256x128xf32, #tpu.memory_space<vmem>>, vector<1x16xf32>,
        %mul3A_542 = arith.constant 2 : i32
        %mul3A_543 = arith.muli %mul3A_542, %add3A_481 : i32
        %add3A_544 = arith.constant 1 : i32
        %add3A_545 = arith.addi %mul3A_543, %add3A_544 : i32
        %get3A_546 = arith.index_cast %add3A_545 : i32 to index
        %get3A_547 = arith.constant 0 : index
        %get3A_548 = tpu.vector_load %arg9[%get3A_546, %get3A_547] {strides = array<i32>} : memref<256x64xf32, #tpu.memory_space<vmem>>, vector<1x16xf32>,
        %get3A_549 = vector.shape_cast %get3A_548 : vector<1x16xf32> to vector<16xf32>
        %add3A_550 = arith.constant 0 : i32
        %add3A_551 = arith.addi %add3A_550, %add3A_481 : i32
        %swap3A_552 = arith.index_cast %add3A_551 : i32 to index
        %swap3A_553 = arith.constant 64 : index
        %swap3A_554 = tpu.vector_load %arg11[%swap3A_552, %swap3A_553] {strides = array<i32>} : memref<256x128xf32, #tpu.memory_space<vmem>>, vector<1x16xf32>,
        %swap3A_555 = vector.shape_cast %swap3A_554 : vector<1x16xf32> to vector<16xf32>
        %swap3A_556 = vector.shape_cast %get3A_549 : vector<16xf32> to vector<1x16xf32>
        tpu.vector_store %arg11[%swap3A_552, %swap3A_553], %swap3A_556 {add = true, strides = array<i32>} : memref<256x128xf32, #tpu.memory_space<vmem>>, vector<1x16xf32>,
        %mul3A_557 = arith.constant 2 : i32
        %mul3A_558 = arith.muli %mul3A_557, %add3A_481 : i32
        %add3A_559 = arith.constant 1 : i32
        %add3A_560 = arith.addi %mul3A_558, %add3A_559 : i32
        %get3A_561 = arith.index_cast %add3A_560 : i32 to index
        %get3A_562 = arith.constant 16 : index
        %get3A_563 = tpu.vector_load %arg9[%get3A_561, %get3A_562] {strides = array<i32>} : memref<256x64xf32, #tpu.memory_space<vmem>>, vector<1x16xf32>,
        %get3A_564 = vector.shape_cast %get3A_563 : vector<1x16xf32> to vector<16xf32>
        %add3A_565 = arith.constant 0 : i32
        %add3A_566 = arith.addi %add3A_565, %add3A_481 : i32
        %swap3A_567 = arith.index_cast %add3A_566 : i32 to index
        %swap3A_568 = arith.constant 80 : index
        %swap3A_569 = tpu.vector_load %arg11[%swap3A_567, %swap3A_568] {strides = array<i32>} : memref<256x128xf32, #tpu.memory_space<vmem>>, vector<1x16xf32>,
        %swap3A_570 = vector.shape_cast %swap3A_569 : vector<1x16xf32> to vector<16xf32>
        %swap3A_571 = vector.shape_cast %get3A_564 : vector<16xf32> to vector<1x16xf32>
        tpu.vector_store %arg11[%swap3A_567, %swap3A_568], %swap3A_571 {add = true, strides = array<i32>} : memref<256x128xf32, #tpu.memory_space<vmem>>, vector<1x16xf32>,
        %mul3A_572 = arith.constant 2 : i32
        %mul3A_573 = arith.muli %mul3A_572, %add3A_481 : i32
        %add3A_574 = arith.constant 1 : i32
        %add3A_575 = arith.addi %mul3A_573, %add3A_574 : i32
        %get3A_576 = arith.index_cast %add3A_575 : i32 to index
        %get3A_577 = arith.constant 32 : index
        %get3A_578 = tpu.vector_load %arg9[%get3A_576, %get3A_577] {strides = array<i32>} : memref<256x64xf32, #tpu.memory_space<vmem>>, vector<1x16xf32>,
        %get3A_579 = vector.shape_cast %get3A_578 : vector<1x16xf32> to vector<16xf32>
        %add3A_580 = arith.constant 0 : i32
        %add3A_581 = arith.addi %add3A_580, %add3A_481 : i32
        %swap3A_582 = arith.index_cast %add3A_581 : i32 to index
        %swap3A_583 = arith.constant 96 : index
        %swap3A_584 = tpu.vector_load %arg11[%swap3A_582, %swap3A_583] {strides = array<i32>} : memref<256x128xf32, #tpu.memory_space<vmem>>, vector<1x16xf32>,
        %swap3A_585 = vector.shape_cast %swap3A_584 : vector<1x16xf32> to vector<16xf32>
        %swap3A_586 = vector.shape_cast %get3A_579 : vector<16xf32> to vector<1x16xf32>
        tpu.vector_store %arg11[%swap3A_582, %swap3A_583], %swap3A_586 {add = true, strides = array<i32>} : memref<256x128xf32, #tpu.memory_space<vmem>>, vector<1x16xf32>,
        %mul3A_587 = arith.constant 2 : i32
        %mul3A_588 = arith.muli %mul3A_587, %add3A_481 : i32
        %add3A_589 = arith.constant 1 : i32
        %add3A_590 = arith.addi %mul3A_588, %add3A_589 : i32
        %get3A_591 = arith.index_cast %add3A_590 : i32 to index
        %get3A_592 = arith.constant 48 : index
        %get3A_593 = tpu.vector_load %arg9[%get3A_591, %get3A_592] {strides = array<i32>} : memref<256x64xf32, #tpu.memory_space<vmem>>, vector<1x16xf32>,
        %get3A_594 = vector.shape_cast %get3A_593 : vector<1x16xf32> to vector<16xf32>
        %add3A_595 = arith.constant 0 : i32
        %add3A_596 = arith.addi %add3A_595, %add3A_481 : i32
        %swap3A_597 = arith.index_cast %add3A_596 : i32 to index
        %swap3A_598 = arith.constant 112 : index
        %swap3A_599 = tpu.vector_load %arg11[%swap3A_597, %swap3A_598] {strides = array<i32>} : memref<256x128xf32, #tpu.memory_space<vmem>>, vector<1x16xf32>,
        %swap3A_600 = vector.shape_cast %swap3A_599 : vector<1x16xf32> to vector<16xf32>
        %swap3A_601 = vector.shape_cast %get3A_594 : vector<16xf32> to vector<1x16xf32>
        tpu.vector_store %arg11[%swap3A_597, %swap3A_598], %swap3A_601 {add = true, strides = array<i32>} : memref<256x128xf32, #tpu.memory_space<vmem>>, vector<1x16xf32>,
        %mul3A_602 = arith.constant 4 : i32
        %mul3A_603 = arith.muli %scan3A_354, %mul3A_602 : i32
        %add3A_604 = arith.constant 2 : i32
        %add3A_605 = arith.addi %mul3A_603, %add3A_604 : i32
        %mul3A_606 = arith.constant 2 : i32
        %mul3A_607 = arith.muli %mul3A_606, %add3A_605 : i32
        %add3A_608 = arith.constant 0 : i32
        %add3A_609 = arith.addi %mul3A_607, %add3A_608 : i32
        %get3A_610 = arith.index_cast %add3A_609 : i32 to index
        %get3A_611 = arith.constant 0 : index
        %get3A_612 = tpu.vector_load %arg9[%get3A_610, %get3A_611] {strides = array<i32>} : memref<256x64xf32, #tpu.memory_space<vmem>>, vector<1x16xf32>,
        %get3A_613 = vector.shape_cast %get3A_612 : vector<1x16xf32> to vector<16xf32>
        %add3A_614 = arith.constant 0 : i32
        %add3A_615 = arith.addi %add3A_614, %add3A_605 : i32
        %swap3A_616 = arith.index_cast %add3A_615 : i32 to index
        %swap3A_617 = arith.constant 0 : index
        %swap3A_618 = tpu.vector_load %arg11[%swap3A_616, %swap3A_617] {strides = array<i32>} : memref<256x128xf32, #tpu.memory_space<vmem>>, vector<1x16xf32>,
        %swap3A_619 = vector.shape_cast %swap3A_618 : vector<1x16xf32> to vector<16xf32>
        %swap3A_620 = vector.shape_cast %get3A_613 : vector<16xf32> to vector<1x16xf32>
        tpu.vector_store %arg11[%swap3A_616, %swap3A_617], %swap3A_620 {add = true, strides = array<i32>} : memref<256x128xf32, #tpu.memory_space<vmem>>, vector<1x16xf32>,
        %mul3A_621 = arith.constant 2 : i32
        %mul3A_622 = arith.muli %mul3A_621, %add3A_605 : i32
        %add3A_623 = arith.constant 0 : i32
        %add3A_624 = arith.addi %mul3A_622, %add3A_623 : i32
        %get3A_625 = arith.index_cast %add3A_624 : i32 to index
        %get3A_626 = arith.constant 16 : index
        %get3A_627 = tpu.vector_load %arg9[%get3A_625, %get3A_626] {strides = array<i32>} : memref<256x64xf32, #tpu.memory_space<vmem>>, vector<1x16xf32>,
        %get3A_628 = vector.shape_cast %get3A_627 : vector<1x16xf32> to vector<16xf32>
        %add3A_629 = arith.constant 0 : i32
        %add3A_630 = arith.addi %add3A_629, %add3A_605 : i32
        %swap3A_631 = arith.index_cast %add3A_630 : i32 to index
        %swap3A_632 = arith.constant 16 : index
        %swap3A_633 = tpu.vector_load %arg11[%swap3A_631, %swap3A_632] {strides = array<i32>} : memref<256x128xf32, #tpu.memory_space<vmem>>, vector<1x16xf32>,
        %swap3A_634 = vector.shape_cast %swap3A_633 : vector<1x16xf32> to vector<16xf32>
        %swap3A_635 = vector.shape_cast %get3A_628 : vector<16xf32> to vector<1x16xf32>
        tpu.vector_store %arg11[%swap3A_631, %swap3A_632], %swap3A_635 {add = true, strides = array<i32>} : memref<256x128xf32, #tpu.memory_space<vmem>>, vector<1x16xf32>,
        %mul3A_636 = arith.constant 2 : i32
        %mul3A_637 = arith.muli %mul3A_636, %add3A_605 : i32
        %add3A_638 = arith.constant 0 : i32
        %add3A_639 = arith.addi %mul3A_637, %add3A_638 : i32
        %get3A_640 = arith.index_cast %add3A_639 : i32 to index
        %get3A_641 = arith.constant 32 : index
        %get3A_642 = tpu.vector_load %arg9[%get3A_640, %get3A_641] {strides = array<i32>} : memref<256x64xf32, #tpu.memory_space<vmem>>, vector<1x16xf32>,
        %get3A_643 = vector.shape_cast %get3A_642 : vector<1x16xf32> to vector<16xf32>
        %add3A_644 = arith.constant 0 : i32
        %add3A_645 = arith.addi %add3A_644, %add3A_605 : i32
        %swap3A_646 = arith.index_cast %add3A_645 : i32 to index
        %swap3A_647 = arith.constant 32 : index
        %swap3A_648 = tpu.vector_load %arg11[%swap3A_646, %swap3A_647] {strides = array<i32>} : memref<256x128xf32, #tpu.memory_space<vmem>>, vector<1x16xf32>,
        %swap3A_649 = vector.shape_cast %swap3A_648 : vector<1x16xf32> to vector<16xf32>
        %swap3A_650 = vector.shape_cast %get3A_643 : vector<16xf32> to vector<1x16xf32>
        tpu.vector_store %arg11[%swap3A_646, %swap3A_647], %swap3A_650 {add = true, strides = array<i32>} : memref<256x128xf32, #tpu.memory_space<vmem>>, vector<1x16xf32>,
        %mul3A_651 = arith.constant 2 : i32
        %mul3A_652 = arith.muli %mul3A_651, %add3A_605 : i32
        %add3A_653 = arith.constant 0 : i32
        %add3A_654 = arith.addi %mul3A_652, %add3A_653 : i32
        %get3A_655 = arith.index_cast %add3A_654 : i32 to index
        %get3A_656 = arith.constant 48 : index
        %get3A_657 = tpu.vector_load %arg9[%get3A_655, %get3A_656] {strides = array<i32>} : memref<256x64xf32, #tpu.memory_space<vmem>>, vector<1x16xf32>,
        %get3A_658 = vector.shape_cast %get3A_657 : vector<1x16xf32> to vector<16xf32>
        %add3A_659 = arith.constant 0 : i32
        %add3A_660 = arith.addi %add3A_659, %add3A_605 : i32
        %swap3A_661 = arith.index_cast %add3A_660 : i32 to index
        %swap3A_662 = arith.constant 48 : index
        %swap3A_663 = tpu.vector_load %arg11[%swap3A_661, %swap3A_662] {strides = array<i32>} : memref<256x128xf32, #tpu.memory_space<vmem>>, vector<1x16xf32>,
        %swap3A_664 = vector.shape_cast %swap3A_663 : vector<1x16xf32> to vector<16xf32>
        %swap3A_665 = vector.shape_cast %get3A_658 : vector<16xf32> to vector<1x16xf32>
        tpu.vector_store %arg11[%swap3A_661, %swap3A_662], %swap3A_665 {add = true, strides = array<i32>} : memref<256x128xf32, #tpu.memory_space<vmem>>, vector<1x16xf32>,
        %mul3A_666 = arith.constant 2 : i32
        %mul3A_667 = arith.muli %mul3A_666, %add3A_605 : i32
        %add3A_668 = arith.constant 1 : i32
        %add3A_669 = arith.addi %mul3A_667, %add3A_668 : i32
        %get3A_670 = arith.index_cast %add3A_669 : i32 to index
        %get3A_671 = arith.constant 0 : index
        %get3A_672 = tpu.vector_load %arg9[%get3A_670, %get3A_671] {strides = array<i32>} : memref<256x64xf32, #tpu.memory_space<vmem>>, vector<1x16xf32>,
        %get3A_673 = vector.shape_cast %get3A_672 : vector<1x16xf32> to vector<16xf32>
        %add3A_674 = arith.constant 0 : i32
        %add3A_675 = arith.addi %add3A_674, %add3A_605 : i32
        %swap3A_676 = arith.index_cast %add3A_675 : i32 to index
        %swap3A_677 = arith.constant 64 : index
        %swap3A_678 = tpu.vector_load %arg11[%swap3A_676, %swap3A_677] {strides = array<i32>} : memref<256x128xf32, #tpu.memory_space<vmem>>, vector<1x16xf32>,
        %swap3A_679 = vector.shape_cast %swap3A_678 : vector<1x16xf32> to vector<16xf32>
        %swap3A_680 = vector.shape_cast %get3A_673 : vector<16xf32> to vector<1x16xf32>
        tpu.vector_store %arg11[%swap3A_676, %swap3A_677], %swap3A_680 {add = true, strides = array<i32>} : memref<256x128xf32, #tpu.memory_space<vmem>>, vector<1x16xf32>,
        %mul3A_681 = arith.constant 2 : i32
        %mul3A_682 = arith.muli %mul3A_681, %add3A_605 : i32
        %add3A_683 = arith.constant 1 : i32
        %add3A_684 = arith.addi %mul3A_682, %add3A_683 : i32
        %get3A_685 = arith.index_cast %add3A_684 : i32 to index
        %get3A_686 = arith.constant 16 : index
        %get3A_687 = tpu.vector_load %arg9[%get3A_685, %get3A_686] {strides = array<i32>} : memref<256x64xf32, #tpu.memory_space<vmem>>, vector<1x16xf32>,
        %get3A_688 = vector.shape_cast %get3A_687 : vector<1x16xf32> to vector<16xf32>
        %add3A_689 = arith.constant 0 : i32
        %add3A_690 = arith.addi %add3A_689, %add3A_605 : i32
        %swap3A_691 = arith.index_cast %add3A_690 : i32 to index
        %swap3A_692 = arith.constant 80 : index
        %swap3A_693 = tpu.vector_load %arg11[%swap3A_691, %swap3A_692] {strides = array<i32>} : memref<256x128xf32, #tpu.memory_space<vmem>>, vector<1x16xf32>,
        %swap3A_694 = vector.shape_cast %swap3A_693 : vector<1x16xf32> to vector<16xf32>
        %swap3A_695 = vector.shape_cast %get3A_688 : vector<16xf32> to vector<1x16xf32>
        tpu.vector_store %arg11[%swap3A_691, %swap3A_692], %swap3A_695 {add = true, strides = array<i32>} : memref<256x128xf32, #tpu.memory_space<vmem>>, vector<1x16xf32>,
        %mul3A_696 = arith.constant 2 : i32
        %mul3A_697 = arith.muli %mul3A_696, %add3A_605 : i32
        %add3A_698 = arith.constant 1 : i32
        %add3A_699 = arith.addi %mul3A_697, %add3A_698 : i32
        %get3A_700 = arith.index_cast %add3A_699 : i32 to index
        %get3A_701 = arith.constant 32 : index
        %get3A_702 = tpu.vector_load %arg9[%get3A_700, %get3A_701] {strides = array<i32>} : memref<256x64xf32, #tpu.memory_space<vmem>>, vector<1x16xf32>,
        %get3A_703 = vector.shape_cast %get3A_702 : vector<1x16xf32> to vector<16xf32>
        %add3A_704 = arith.constant 0 : i32
        %add3A_705 = arith.addi %add3A_704, %add3A_605 : i32
        %swap3A_706 = arith.index_cast %add3A_705 : i32 to index
        %swap3A_707 = arith.constant 96 : index
        %swap3A_708 = tpu.vector_load %arg11[%swap3A_706, %swap3A_707] {strides = array<i32>} : memref<256x128xf32, #tpu.memory_space<vmem>>, vector<1x16xf32>,
        %swap3A_709 = vector.shape_cast %swap3A_708 : vector<1x16xf32> to vector<16xf32>
        %swap3A_710 = vector.shape_cast %get3A_703 : vector<16xf32> to vector<1x16xf32>
        tpu.vector_store %arg11[%swap3A_706, %swap3A_707], %swap3A_710 {add = true, strides = array<i32>} : memref<256x128xf32, #tpu.memory_space<vmem>>, vector<1x16xf32>,
        %mul3A_711 = arith.constant 2 : i32
        %mul3A_712 = arith.muli %mul3A_711, %add3A_605 : i32
        %add3A_713 = arith.constant 1 : i32
        %add3A_714 = arith.addi %mul3A_712, %add3A_713 : i32
        %get3A_715 = arith.index_cast %add3A_714 : i32 to index
        %get3A_716 = arith.constant 48 : index
        %get3A_717 = tpu.vector_load %arg9[%get3A_715, %get3A_716] {strides = array<i32>} : memref<256x64xf32, #tpu.memory_space<vmem>>, vector<1x16xf32>,
        %get3A_718 = vector.shape_cast %get3A_717 : vector<1x16xf32> to vector<16xf32>
        %add3A_719 = arith.constant 0 : i32
        %add3A_720 = arith.addi %add3A_719, %add3A_605 : i32
        %swap3A_721 = arith.index_cast %add3A_720 : i32 to index
        %swap3A_722 = arith.constant 112 : index
        %swap3A_723 = tpu.vector_load %arg11[%swap3A_721, %swap3A_722] {strides = array<i32>} : memref<256x128xf32, #tpu.memory_space<vmem>>, vector<1x16xf32>,
        %swap3A_724 = vector.shape_cast %swap3A_723 : vector<1x16xf32> to vector<16xf32>
        %swap3A_725 = vector.shape_cast %get3A_718 : vector<16xf32> to vector<1x16xf32>
        tpu.vector_store %arg11[%swap3A_721, %swap3A_722], %swap3A_725 {add = true, strides = array<i32>} : memref<256x128xf32, #tpu.memory_space<vmem>>, vector<1x16xf32>,
        %mul3A_726 = arith.constant 4 : i32
        %mul3A_727 = arith.muli %scan3A_354, %mul3A_726 : i32
        %add3A_728 = arith.constant 3 : i32
        %add3A_729 = arith.addi %mul3A_727, %add3A_728 : i32
        %mul3A_730 = arith.constant 2 : i32
        %mul3A_731 = arith.muli %mul3A_730, %add3A_729 : i32
        %add3A_732 = arith.constant 0 : i32
        %add3A_733 = arith.addi %mul3A_731, %add3A_732 : i32
        %get3A_734 = arith.index_cast %add3A_733 : i32 to index
        %get3A_735 = arith.constant 0 : index
        %get3A_736 = tpu.vector_load %arg9[%get3A_734, %get3A_735] {strides = array<i32>} : memref<256x64xf32, #tpu.memory_space<vmem>>, vector<1x16xf32>,
        %get3A_737 = vector.shape_cast %get3A_736 : vector<1x16xf32> to vector<16xf32>
        %add3A_738 = arith.constant 0 : i32
        %add3A_739 = arith.addi %add3A_738, %add3A_729 : i32
        %swap3A_740 = arith.index_cast %add3A_739 : i32 to index
        %swap3A_741 = arith.constant 0 : index
        %swap3A_742 = tpu.vector_load %arg11[%swap3A_740, %swap3A_741] {strides = array<i32>} : memref<256x128xf32, #tpu.memory_space<vmem>>, vector<1x16xf32>,
        %swap3A_743 = vector.shape_cast %swap3A_742 : vector<1x16xf32> to vector<16xf32>
        %swap3A_744 = vector.shape_cast %get3A_737 : vector<16xf32> to vector<1x16xf32>
        tpu.vector_store %arg11[%swap3A_740, %swap3A_741], %swap3A_744 {add = true, strides = array<i32>} : memref<256x128xf32, #tpu.memory_space<vmem>>, vector<1x16xf32>,
        %mul3A_745 = arith.constant 2 : i32
        %mul3A_746 = arith.muli %mul3A_745, %add3A_729 : i32
        %add3A_747 = arith.constant 0 : i32
        %add3A_748 = arith.addi %mul3A_746, %add3A_747 : i32
        %get3A_749 = arith.index_cast %add3A_748 : i32 to index
        %get3A_750 = arith.constant 16 : index
        %get3A_751 = tpu.vector_load %arg9[%get3A_749, %get3A_750] {strides = array<i32>} : memref<256x64xf32, #tpu.memory_space<vmem>>, vector<1x16xf32>,
        %get3A_752 = vector.shape_cast %get3A_751 : vector<1x16xf32> to vector<16xf32>
        %add3A_753 = arith.constant 0 : i32
        %add3A_754 = arith.addi %add3A_753, %add3A_729 : i32
        %swap3A_755 = arith.index_cast %add3A_754 : i32 to index
        %swap3A_756 = arith.constant 16 : index
        %swap3A_757 = tpu.vector_load %arg11[%swap3A_755, %swap3A_756] {strides = array<i32>} : memref<256x128xf32, #tpu.memory_space<vmem>>, vector<1x16xf32>,
        %swap3A_758 = vector.shape_cast %swap3A_757 : vector<1x16xf32> to vector<16xf32>
        %swap3A_759 = vector.shape_cast %get3A_752 : vector<16xf32> to vector<1x16xf32>
        tpu.vector_store %arg11[%swap3A_755, %swap3A_756], %swap3A_759 {add = true, strides = array<i32>} : memref<256x128xf32, #tpu.memory_space<vmem>>, vector<1x16xf32>,
        %mul3A_760 = arith.constant 2 : i32
        %mul3A_761 = arith.muli %mul3A_760, %add3A_729 : i32
        %add3A_762 = arith.constant 0 : i32
        %add3A_763 = arith.addi %mul3A_761, %add3A_762 : i32
        %get3A_764 = arith.index_cast %add3A_763 : i32 to index
        %get3A_765 = arith.constant 32 : index
        %get3A_766 = tpu.vector_load %arg9[%get3A_764, %get3A_765] {strides = array<i32>} : memref<256x64xf32, #tpu.memory_space<vmem>>, vector<1x16xf32>,
        %get3A_767 = vector.shape_cast %get3A_766 : vector<1x16xf32> to vector<16xf32>
        %add3A_768 = arith.constant 0 : i32
        %add3A_769 = arith.addi %add3A_768, %add3A_729 : i32
        %swap3A_770 = arith.index_cast %add3A_769 : i32 to index
        %swap3A_771 = arith.constant 32 : index
        %swap3A_772 = tpu.vector_load %arg11[%swap3A_770, %swap3A_771] {strides = array<i32>} : memref<256x128xf32, #tpu.memory_space<vmem>>, vector<1x16xf32>,
        %swap3A_773 = vector.shape_cast %swap3A_772 : vector<1x16xf32> to vector<16xf32>
        %swap3A_774 = vector.shape_cast %get3A_767 : vector<16xf32> to vector<1x16xf32>
        tpu.vector_store %arg11[%swap3A_770, %swap3A_771], %swap3A_774 {add = true, strides = array<i32>} : memref<256x128xf32, #tpu.memory_space<vmem>>, vector<1x16xf32>,
        %mul3A_775 = arith.constant 2 : i32
        %mul3A_776 = arith.muli %mul3A_775, %add3A_729 : i32
        %add3A_777 = arith.constant 0 : i32
        %add3A_778 = arith.addi %mul3A_776, %add3A_777 : i32
        %get3A_779 = arith.index_cast %add3A_778 : i32 to index
        %get3A_780 = arith.constant 48 : index
        %get3A_781 = tpu.vector_load %arg9[%get3A_779, %get3A_780] {strides = array<i32>} : memref<256x64xf32, #tpu.memory_space<vmem>>, vector<1x16xf32>,
        %get3A_782 = vector.shape_cast %get3A_781 : vector<1x16xf32> to vector<16xf32>
        %add3A_783 = arith.constant 0 : i32
        %add3A_784 = arith.addi %add3A_783, %add3A_729 : i32
        %swap3A_785 = arith.index_cast %add3A_784 : i32 to index
        %swap3A_786 = arith.constant 48 : index
        %swap3A_787 = tpu.vector_load %arg11[%swap3A_785, %swap3A_786] {strides = array<i32>} : memref<256x128xf32, #tpu.memory_space<vmem>>, vector<1x16xf32>,
        %swap3A_788 = vector.shape_cast %swap3A_787 : vector<1x16xf32> to vector<16xf32>
        %swap3A_789 = vector.shape_cast %get3A_782 : vector<16xf32> to vector<1x16xf32>
        tpu.vector_store %arg11[%swap3A_785, %swap3A_786], %swap3A_789 {add = true, strides = array<i32>} : memref<256x128xf32, #tpu.memory_space<vmem>>, vector<1x16xf32>,
        %mul3A_790 = arith.constant 2 : i32
        %mul3A_791 = arith.muli %mul3A_790, %add3A_729 : i32
        %add3A_792 = arith.constant 1 : i32
        %add3A_793 = arith.addi %mul3A_791, %add3A_792 : i32
        %get3A_794 = arith.index_cast %add3A_793 : i32 to index
        %get3A_795 = arith.constant 0 : index
        %get3A_796 = tpu.vector_load %arg9[%get3A_794, %get3A_795] {strides = array<i32>} : memref<256x64xf32, #tpu.memory_space<vmem>>, vector<1x16xf32>,
        %get3A_797 = vector.shape_cast %get3A_796 : vector<1x16xf32> to vector<16xf32>
        %add3A_798 = arith.constant 0 : i32
        %add3A_799 = arith.addi %add3A_798, %add3A_729 : i32
        %swap3A_800 = arith.index_cast %add3A_799 : i32 to index
        %swap3A_801 = arith.constant 64 : index
        %swap3A_802 = tpu.vector_load %arg11[%swap3A_800, %swap3A_801] {strides = array<i32>} : memref<256x128xf32, #tpu.memory_space<vmem>>, vector<1x16xf32>,
        %swap3A_803 = vector.shape_cast %swap3A_802 : vector<1x16xf32> to vector<16xf32>
        %swap3A_804 = vector.shape_cast %get3A_797 : vector<16xf32> to vector<1x16xf32>
        tpu.vector_store %arg11[%swap3A_800, %swap3A_801], %swap3A_804 {add = true, strides = array<i32>} : memref<256x128xf32, #tpu.memory_space<vmem>>, vector<1x16xf32>,
        %mul3A_805 = arith.constant 2 : i32
        %mul3A_806 = arith.muli %mul3A_805, %add3A_729 : i32
        %add3A_807 = arith.constant 1 : i32
        %add3A_808 = arith.addi %mul3A_806, %add3A_807 : i32
        %get3A_809 = arith.index_cast %add3A_808 : i32 to index
        %get3A_810 = arith.constant 16 : index
        %get3A_811 = tpu.vector_load %arg9[%get3A_809, %get3A_810] {strides = array<i32>} : memref<256x64xf32, #tpu.memory_space<vmem>>, vector<1x16xf32>,
        %get3A_812 = vector.shape_cast %get3A_811 : vector<1x16xf32> to vector<16xf32>
        %add3A_813 = arith.constant 0 : i32
        %add3A_814 = arith.addi %add3A_813, %add3A_729 : i32
        %swap3A_815 = arith.index_cast %add3A_814 : i32 to index
        %swap3A_816 = arith.constant 80 : index
        %swap3A_817 = tpu.vector_load %arg11[%swap3A_815, %swap3A_816] {strides = array<i32>} : memref<256x128xf32, #tpu.memory_space<vmem>>, vector<1x16xf32>,
        %swap3A_818 = vector.shape_cast %swap3A_817 : vector<1x16xf32> to vector<16xf32>
        %swap3A_819 = vector.shape_cast %get3A_812 : vector<16xf32> to vector<1x16xf32>
        tpu.vector_store %arg11[%swap3A_815, %swap3A_816], %swap3A_819 {add = true, strides = array<i32>} : memref<256x128xf32, #tpu.memory_space<vmem>>, vector<1x16xf32>,
        %mul3A_820 = arith.constant 2 : i32
        %mul3A_821 = arith.muli %mul3A_820, %add3A_729 : i32
        %add3A_822 = arith.constant 1 : i32
        %add3A_823 = arith.addi %mul3A_821, %add3A_822 : i32
        %get3A_824 = arith.index_cast %add3A_823 : i32 to index
        %get3A_825 = arith.constant 32 : index
        %get3A_826 = tpu.vector_load %arg9[%get3A_824, %get3A_825] {strides = array<i32>} : memref<256x64xf32, #tpu.memory_space<vmem>>, vector<1x16xf32>,
        %get3A_827 = vector.shape_cast %get3A_826 : vector<1x16xf32> to vector<16xf32>
        %add3A_828 = arith.constant 0 : i32
        %add3A_829 = arith.addi %add3A_828, %add3A_729 : i32
        %swap3A_830 = arith.index_cast %add3A_829 : i32 to index
        %swap3A_831 = arith.constant 96 : index
        %swap3A_832 = tpu.vector_load %arg11[%swap3A_830, %swap3A_831] {strides = array<i32>} : memref<256x128xf32, #tpu.memory_space<vmem>>, vector<1x16xf32>,
        %swap3A_833 = vector.shape_cast %swap3A_832 : vector<1x16xf32> to vector<16xf32>
        %swap3A_834 = vector.shape_cast %get3A_827 : vector<16xf32> to vector<1x16xf32>
        tpu.vector_store %arg11[%swap3A_830, %swap3A_831], %swap3A_834 {add = true, strides = array<i32>} : memref<256x128xf32, #tpu.memory_space<vmem>>, vector<1x16xf32>,
        %mul3A_835 = arith.constant 2 : i32
        %mul3A_836 = arith.muli %mul3A_835, %add3A_729 : i32
        %add3A_837 = arith.constant 1 : i32
        %add3A_838 = arith.addi %mul3A_836, %add3A_837 : i32
        %get3A_839 = arith.index_cast %add3A_838 : i32 to index
        %get3A_840 = arith.constant 48 : index
        %get3A_841 = tpu.vector_load %arg9[%get3A_839, %get3A_840] {strides = array<i32>} : memref<256x64xf32, #tpu.memory_space<vmem>>, vector<1x16xf32>,
        %get3A_842 = vector.shape_cast %get3A_841 : vector<1x16xf32> to vector<16xf32>
        %add3A_843 = arith.constant 0 : i32
        %add3A_844 = arith.addi %add3A_843, %add3A_729 : i32
        %swap3A_845 = arith.index_cast %add3A_844 : i32 to index
        %swap3A_846 = arith.constant 112 : index
        %swap3A_847 = tpu.vector_load %arg11[%swap3A_845, %swap3A_846] {strides = array<i32>} : memref<256x128xf32, #tpu.memory_space<vmem>>, vector<1x16xf32>,
        %swap3A_848 = vector.shape_cast %swap3A_847 : vector<1x16xf32> to vector<16xf32>
        %swap3A_849 = vector.shape_cast %get3A_842 : vector<16xf32> to vector<1x16xf32>
        tpu.vector_store %arg11[%swap3A_845, %swap3A_846], %swap3A_849 {add = true, strides = array<i32>} : memref<256x128xf32, #tpu.memory_space<vmem>>, vector<1x16xf32>,
        %scan3A_850 = arith.constant 0 : i32
        scf.yield %scan3A_850 : i32
      }
      %scan3A_218 = arith.constant 32 : i32
      %dma_start3A_219 = arith.constant 0 : i32
      %dma_start3A_220 = arith.constant 0 : i32
      %dma_start3A_221 = tpu.memref_slice %arg9[%dma_start3A_219, %dma_start3A_220] : memref<256x64xf32, #tpu.memory_space<vmem>> -> memref<128x64xf32, #tpu.memory_space<vmem>>
      %dma_start3A_222 = arith.constant 0 : i32
      %dma_start3A_223 = tpu.memref_slice %arg7[%dma_start3A_222] : memref<512xi32, #tpu.memory_space<vmem>> -> memref<128xi32, #tpu.memory_space<vmem>>
      %dma_start3A_224 = arith.constant 0 : i32
      %dma_start3A_225 = arith.constant 0 : i32
      %dma_start3A_226 = tpu.memref_slice %arg3[%dma_start3A_224, %dma_start3A_225] : memref<2000000x64xf32, #tpu.memory_space<hbm>> -> memref<2000000x64xf32, #tpu.memory_space<hbm>>
      tpu.enqueue_indirect_dma source(%dma_start3A_226 : memref<2000000x64xf32, #tpu.memory_space<hbm>>) target(%dma_start3A_221 : memref<128x64xf32, #tpu.memory_space<vmem>>) offsets(%dma_start3A_223 : memref<128xi32, #tpu.memory_space<vmem>>) semaphore(%arg14 : memref<!tpu.dma_semaphore, #tpu.memory_space<semaphore_mem>>)
      %dma_start3A_227 = arith.constant 128 : i32
      %dma_start3A_228 = arith.constant 0 : i32
      %dma_start3A_229 = tpu.memref_slice %arg9[%dma_start3A_227, %dma_start3A_228] : memref<256x64xf32, #tpu.memory_space<vmem>> -> memref<128x64xf32, #tpu.memory_space<vmem>>
      %dma_start3A_230 = arith.constant 128 : i32
      %dma_start3A_231 = tpu.memref_slice %arg7[%dma_start3A_230] : memref<512xi32, #tpu.memory_space<vmem>> -> memref<128xi32, #tpu.memory_space<vmem>>
      %dma_start3A_232 = arith.constant 0 : i32
      %dma_start3A_233 = arith.constant 0 : i32
      %dma_start3A_234 = tpu.memref_slice %arg3[%dma_start3A_232, %dma_start3A_233] : memref<2000000x64xf32, #tpu.memory_space<hbm>> -> memref<2000000x64xf32, #tpu.memory_space<hbm>>
      tpu.enqueue_indirect_dma source(%dma_start3A_234 : memref<2000000x64xf32, #tpu.memory_space<hbm>>) target(%dma_start3A_229 : memref<128x64xf32, #tpu.memory_space<vmem>>) offsets(%dma_start3A_231 : memref<128xi32, #tpu.memory_space<vmem>>) semaphore(%arg14 : memref<!tpu.dma_semaphore, #tpu.memory_space<semaphore_mem>>)
      %dma_wait3A_235 = arith.constant 0 : i32
      %dma_wait3A_236 = arith.constant 0 : i32
      %dma_wait3A_237 = tpu.memref_slice %arg3[%dma_wait3A_235, %dma_wait3A_236] : memref<2000000x64xf32, #tpu.memory_space<hbm>> -> memref<256x64xf32, #tpu.memory_space<hbm>>
      %dma_wait3A_238 = arith.constant 0 : i32
      %dma_wait3A_239 = arith.constant 0 : i32
      %dma_wait3A_240 = tpu.memref_slice %arg3[%dma_wait3A_238, %dma_wait3A_239] : memref<2000000x64xf32, #tpu.memory_space<hbm>> -> memref<256x64xf32, #tpu.memory_space<hbm>>
      tpu.wait_dma2 semaphore(%arg15 : memref<!tpu.dma_semaphore, #tpu.memory_space<semaphore_mem>>) src(%dma_wait3A_240 : memref<256x64xf32, #tpu.memory_space<hbm>>) dst(%arg10 : memref<256x64xf32, #tpu.memory_space<vmem>>)
      %scan3A_241 = arith.constant 0 : i32
      %scan3A_242 = arith.constant 0 : i32
      %scan3A_243 = arith.constant 32 : i32
      %scan3A_244 = arith.addi %scan3A_242, %scan3A_243 : i32
      %scan3A_245 = arith.constant 1 : i32
      %scan3A_246 = scf.for %scan3A_354 = %scan3A_242 to %scan3A_244 step %scan3A_245 iter_args(%scan3A_355 = %scan3A_241) -> (i32)  : i32 {
        %mul3A_356 = arith.constant 4 : i32
        %mul3A_357 = arith.muli %scan3A_354, %mul3A_356 : i32
        %add3A_358 = arith.constant 0 : i32
        %add3A_359 = arith.addi %mul3A_357, %add3A_358 : i32
        %mul3A_360 = arith.constant 2 : i32
        %mul3A_361 = arith.muli %mul3A_360, %add3A_359 : i32
        %add3A_362 = arith.constant 0 : i32
        %add3A_363 = arith.addi %mul3A_361, %add3A_362 : i32
        %get3A = arith.index_cast %add3A_363 : i32 to index
        %get3A_364 = arith.constant 0 : index
        %get3A_365 = tpu.vector_load %arg10[%get3A, %get3A_364] {strides = array<i32>} : memref<256x64xf32, #tpu.memory_space<vmem>>, vector<1x16xf32>,
        %get3A_366 = vector.shape_cast %get3A_365 : vector<1x16xf32> to vector<16xf32>
        %add3A_367 = arith.constant 128 : i32
        %add3A_368 = arith.addi %add3A_367, %add3A_359 : i32
        %swap3A = arith.index_cast %add3A_368 : i32 to index
        %swap3A_369 = arith.constant 0 : index
        %swap3A_370 = tpu.vector_load %arg11[%swap3A, %swap3A_369] {strides = array<i32>} : memref<256x128xf32, #tpu.memory_space<vmem>>, vector<1x16xf32>,
        %swap3A_371 = vector.shape_cast %swap3A_370 : vector<1x16xf32> to vector<16xf32>
        %swap3A_372 = vector.shape_cast %get3A_366 : vector<16xf32> to vector<1x16xf32>
        tpu.vector_store %arg11[%swap3A, %swap3A_369], %swap3A_372 {add = true, strides = array<i32>} : memref<256x128xf32, #tpu.memory_space<vmem>>, vector<1x16xf32>,
        %mul3A_373 = arith.constant 2 : i32
        %mul3A_374 = arith.muli %mul3A_373, %add3A_359 : i32
        %add3A_375 = arith.constant 0 : i32
        %add3A_376 = arith.addi %mul3A_374, %add3A_375 : i32
        %get3A_377 = arith.index_cast %add3A_376 : i32 to index
        %get3A_378 = arith.constant 16 : index
        %get3A_379 = tpu.vector_load %arg10[%get3A_377, %get3A_378] {strides = array<i32>} : memref<256x64xf32, #tpu.memory_space<vmem>>, vector<1x16xf32>,
        %get3A_380 = vector.shape_cast %get3A_379 : vector<1x16xf32> to vector<16xf32>
        %add3A_381 = arith.constant 128 : i32
        %add3A_382 = arith.addi %add3A_381, %add3A_359 : i32
        %swap3A_383 = arith.index_cast %add3A_382 : i32 to index
        %swap3A_384 = arith.constant 16 : index
        %swap3A_385 = tpu.vector_load %arg11[%swap3A_383, %swap3A_384] {strides = array<i32>} : memref<256x128xf32, #tpu.memory_space<vmem>>, vector<1x16xf32>,
        %swap3A_386 = vector.shape_cast %swap3A_385 : vector<1x16xf32> to vector<16xf32>
        %swap3A_387 = vector.shape_cast %get3A_380 : vector<16xf32> to vector<1x16xf32>
        tpu.vector_store %arg11[%swap3A_383, %swap3A_384], %swap3A_387 {add = true, strides = array<i32>} : memref<256x128xf32, #tpu.memory_space<vmem>>, vector<1x16xf32>,
        %mul3A_388 = arith.constant 2 : i32
        %mul3A_389 = arith.muli %mul3A_388, %add3A_359 : i32
        %add3A_390 = arith.constant 0 : i32
        %add3A_391 = arith.addi %mul3A_389, %add3A_390 : i32
        %get3A_392 = arith.index_cast %add3A_391 : i32 to index
        %get3A_393 = arith.constant 32 : index
        %get3A_394 = tpu.vector_load %arg10[%get3A_392, %get3A_393] {strides = array<i32>} : memref<256x64xf32, #tpu.memory_space<vmem>>, vector<1x16xf32>,
        %get3A_395 = vector.shape_cast %get3A_394 : vector<1x16xf32> to vector<16xf32>
        %add3A_396 = arith.constant 128 : i32
        %add3A_397 = arith.addi %add3A_396, %add3A_359 : i32
        %swap3A_398 = arith.index_cast %add3A_397 : i32 to index
        %swap3A_399 = arith.constant 32 : index
        %swap3A_400 = tpu.vector_load %arg11[%swap3A_398, %swap3A_399] {strides = array<i32>} : memref<256x128xf32, #tpu.memory_space<vmem>>, vector<1x16xf32>,
        %swap3A_401 = vector.shape_cast %swap3A_400 : vector<1x16xf32> to vector<16xf32>
        %swap3A_402 = vector.shape_cast %get3A_395 : vector<16xf32> to vector<1x16xf32>
        tpu.vector_store %arg11[%swap3A_398, %swap3A_399], %swap3A_402 {add = true, strides = array<i32>} : memref<256x128xf32, #tpu.memory_space<vmem>>, vector<1x16xf32>,
        %mul3A_403 = arith.constant 2 : i32
        %mul3A_404 = arith.muli %mul3A_403, %add3A_359 : i32
        %add3A_405 = arith.constant 0 : i32
        %add3A_406 = arith.addi %mul3A_404, %add3A_405 : i32
        %get3A_407 = arith.index_cast %add3A_406 : i32 to index
        %get3A_408 = arith.constant 48 : index
        %get3A_409 = tpu.vector_load %arg10[%get3A_407, %get3A_408] {strides = array<i32>} : memref<256x64xf32, #tpu.memory_space<vmem>>, vector<1x16xf32>,
        %get3A_410 = vector.shape_cast %get3A_409 : vector<1x16xf32> to vector<16xf32>
        %add3A_411 = arith.constant 128 : i32
        %add3A_412 = arith.addi %add3A_411, %add3A_359 : i32
        %swap3A_413 = arith.index_cast %add3A_412 : i32 to index
        %swap3A_414 = arith.constant 48 : index
        %swap3A_415 = tpu.vector_load %arg11[%swap3A_413, %swap3A_414] {strides = array<i32>} : memref<256x128xf32, #tpu.memory_space<vmem>>, vector<1x16xf32>,
        %swap3A_416 = vector.shape_cast %swap3A_415 : vector<1x16xf32> to vector<16xf32>
        %swap3A_417 = vector.shape_cast %get3A_410 : vector<16xf32> to vector<1x16xf32>
        tpu.vector_store %arg11[%swap3A_413, %swap3A_414], %swap3A_417 {add = true, strides = array<i32>} : memref<256x128xf32, #tpu.memory_space<vmem>>, vector<1x16xf32>,
        %mul3A_418 = arith.constant 2 : i32
        %mul3A_419 = arith.muli %mul3A_418, %add3A_359 : i32
        %add3A_420 = arith.constant 1 : i32
        %add3A_421 = arith.addi %mul3A_419, %add3A_420 : i32
        %get3A_422 = arith.index_cast %add3A_421 : i32 to index
        %get3A_423 = arith.constant 0 : index
        %get3A_424 = tpu.vector_load %arg10[%get3A_422, %get3A_423] {strides = array<i32>} : memref<256x64xf32, #tpu.memory_space<vmem>>, vector<1x16xf32>,
        %get3A_425 = vector.shape_cast %get3A_424 : vector<1x16xf32> to vector<16xf32>
        %add3A_426 = arith.constant 128 : i32
        %add3A_427 = arith.addi %add3A_426, %add3A_359 : i32
        %swap3A_428 = arith.index_cast %add3A_427 : i32 to index
        %swap3A_429 = arith.constant 64 : index
        %swap3A_430 = tpu.vector_load %arg11[%swap3A_428, %swap3A_429] {strides = array<i32>} : memref<256x128xf32, #tpu.memory_space<vmem>>, vector<1x16xf32>,
        %swap3A_431 = vector.shape_cast %swap3A_430 : vector<1x16xf32> to vector<16xf32>
        %swap3A_432 = vector.shape_cast %get3A_425 : vector<16xf32> to vector<1x16xf32>
        tpu.vector_store %arg11[%swap3A_428, %swap3A_429], %swap3A_432 {add = true, strides = array<i32>} : memref<256x128xf32, #tpu.memory_space<vmem>>, vector<1x16xf32>,
        %mul3A_433 = arith.constant 2 : i32
        %mul3A_434 = arith.muli %mul3A_433, %add3A_359 : i32
        %add3A_435 = arith.constant 1 : i32
        %add3A_436 = arith.addi %mul3A_434, %add3A_435 : i32
        %get3A_437 = arith.index_cast %add3A_436 : i32 to index
        %get3A_438 = arith.constant 16 : index
        %get3A_439 = tpu.vector_load %arg10[%get3A_437, %get3A_438] {strides = array<i32>} : memref<256x64xf32, #tpu.memory_space<vmem>>, vector<1x16xf32>,
        %get3A_440 = vector.shape_cast %get3A_439 : vector<1x16xf32> to vector<16xf32>
        %add3A_441 = arith.constant 128 : i32
        %add3A_442 = arith.addi %add3A_441, %add3A_359 : i32
        %swap3A_443 = arith.index_cast %add3A_442 : i32 to index
        %swap3A_444 = arith.constant 80 : index
        %swap3A_445 = tpu.vector_load %arg11[%swap3A_443, %swap3A_444] {strides = array<i32>} : memref<256x128xf32, #tpu.memory_space<vmem>>, vector<1x16xf32>,
        %swap3A_446 = vector.shape_cast %swap3A_445 : vector<1x16xf32> to vector<16xf32>
        %swap3A_447 = vector.shape_cast %get3A_440 : vector<16xf32> to vector<1x16xf32>
        tpu.vector_store %arg11[%swap3A_443, %swap3A_444], %swap3A_447 {add = true, strides = array<i32>} : memref<256x128xf32, #tpu.memory_space<vmem>>, vector<1x16xf32>,
        %mul3A_448 = arith.constant 2 : i32
        %mul3A_449 = arith.muli %mul3A_448, %add3A_359 : i32
        %add3A_450 = arith.constant 1 : i32
        %add3A_451 = arith.addi %mul3A_449, %add3A_450 : i32
        %get3A_452 = arith.index_cast %add3A_451 : i32 to index
        %get3A_453 = arith.constant 32 : index
        %get3A_454 = tpu.vector_load %arg10[%get3A_452, %get3A_453] {strides = array<i32>} : memref<256x64xf32, #tpu.memory_space<vmem>>, vector<1x16xf32>,
        %get3A_455 = vector.shape_cast %get3A_454 : vector<1x16xf32> to vector<16xf32>
        %add3A_456 = arith.constant 128 : i32
        %add3A_457 = arith.addi %add3A_456, %add3A_359 : i32
        %swap3A_458 = arith.index_cast %add3A_457 : i32 to index
        %swap3A_459 = arith.constant 96 : index
        %swap3A_460 = tpu.vector_load %arg11[%swap3A_458, %swap3A_459] {strides = array<i32>} : memref<256x128xf32, #tpu.memory_space<vmem>>, vector<1x16xf32>,
        %swap3A_461 = vector.shape_cast %swap3A_460 : vector<1x16xf32> to vector<16xf32>
        %swap3A_462 = vector.shape_cast %get3A_455 : vector<16xf32> to vector<1x16xf32>
        tpu.vector_store %arg11[%swap3A_458, %swap3A_459], %swap3A_462 {add = true, strides = array<i32>} : memref<256x128xf32, #tpu.memory_space<vmem>>, vector<1x16xf32>,
        %mul3A_463 = arith.constant 2 : i32
        %mul3A_464 = arith.muli %mul3A_463, %add3A_359 : i32
        %add3A_465 = arith.constant 1 : i32
        %add3A_466 = arith.addi %mul3A_464, %add3A_465 : i32
        %get3A_467 = arith.index_cast %add3A_466 : i32 to index
        %get3A_468 = arith.constant 48 : index
        %get3A_469 = tpu.vector_load %arg10[%get3A_467, %get3A_468] {strides = array<i32>} : memref<256x64xf32, #tpu.memory_space<vmem>>, vector<1x16xf32>,
        %get3A_470 = vector.shape_cast %get3A_469 : vector<1x16xf32> to vector<16xf32>
        %add3A_471 = arith.constant 128 : i32
        %add3A_472 = arith.addi %add3A_471, %add3A_359 : i32
        %swap3A_473 = arith.index_cast %add3A_472 : i32 to index
        %swap3A_474 = arith.constant 112 : index
        %swap3A_475 = tpu.vector_load %arg11[%swap3A_473, %swap3A_474] {strides = array<i32>} : memref<256x128xf32, #tpu.memory_space<vmem>>, vector<1x16xf32>,
        %swap3A_476 = vector.shape_cast %swap3A_475 : vector<1x16xf32> to vector<16xf32>
        %swap3A_477 = vector.shape_cast %get3A_470 : vector<16xf32> to vector<1x16xf32>
        tpu.vector_store %arg11[%swap3A_473, %swap3A_474], %swap3A_477 {add = true, strides = array<i32>} : memref<256x128xf32, #tpu.memory_space<vmem>>, vector<1x16xf32>,
        %mul3A_478 = arith.constant 4 : i32
        %mul3A_479 = arith.muli %scan3A_354, %mul3A_478 : i32
        %add3A_480 = arith.constant 1 : i32
        %add3A_481 = arith.addi %mul3A_479, %add3A_480 : i32
        %mul3A_482 = arith.constant 2 : i32
        %mul3A_483 = arith.muli %mul3A_482, %add3A_481 : i32
        %add3A_484 = arith.constant 0 : i32
        %add3A_485 = arith.addi %mul3A_483, %add3A_484 : i32
        %get3A_486 = arith.index_cast %add3A_485 : i32 to index
        %get3A_487 = arith.constant 0 : index
        %get3A_488 = tpu.vector_load %arg10[%get3A_486, %get3A_487] {strides = array<i32>} : memref<256x64xf32, #tpu.memory_space<vmem>>, vector<1x16xf32>,
        %get3A_489 = vector.shape_cast %get3A_488 : vector<1x16xf32> to vector<16xf32>
        %add3A_490 = arith.constant 128 : i32
        %add3A_491 = arith.addi %add3A_490, %add3A_481 : i32
        %swap3A_492 = arith.index_cast %add3A_491 : i32 to index
        %swap3A_493 = arith.constant 0 : index
        %swap3A_494 = tpu.vector_load %arg11[%swap3A_492, %swap3A_493] {strides = array<i32>} : memref<256x128xf32, #tpu.memory_space<vmem>>, vector<1x16xf32>,
        %swap3A_495 = vector.shape_cast %swap3A_494 : vector<1x16xf32> to vector<16xf32>
        %swap3A_496 = vector.shape_cast %get3A_489 : vector<16xf32> to vector<1x16xf32>
        tpu.vector_store %arg11[%swap3A_492, %swap3A_493], %swap3A_496 {add = true, strides = array<i32>} : memref<256x128xf32, #tpu.memory_space<vmem>>, vector<1x16xf32>,
        %mul3A_497 = arith.constant 2 : i32
        %mul3A_498 = arith.muli %mul3A_497, %add3A_481 : i32
        %add3A_499 = arith.constant 0 : i32
        %add3A_500 = arith.addi %mul3A_498, %add3A_499 : i32
        %get3A_501 = arith.index_cast %add3A_500 : i32 to index
        %get3A_502 = arith.constant 16 : index
        %get3A_503 = tpu.vector_load %arg10[%get3A_501, %get3A_502] {strides = array<i32>} : memref<256x64xf32, #tpu.memory_space<vmem>>, vector<1x16xf32>,
        %get3A_504 = vector.shape_cast %get3A_503 : vector<1x16xf32> to vector<16xf32>
        %add3A_505 = arith.constant 128 : i32
        %add3A_506 = arith.addi %add3A_505, %add3A_481 : i32
        %swap3A_507 = arith.index_cast %add3A_506 : i32 to index
        %swap3A_508 = arith.constant 16 : index
        %swap3A_509 = tpu.vector_load %arg11[%swap3A_507, %swap3A_508] {strides = array<i32>} : memref<256x128xf32, #tpu.memory_space<vmem>>, vector<1x16xf32>,
        %swap3A_510 = vector.shape_cast %swap3A_509 : vector<1x16xf32> to vector<16xf32>
        %swap3A_511 = vector.shape_cast %get3A_504 : vector<16xf32> to vector<1x16xf32>
        tpu.vector_store %arg11[%swap3A_507, %swap3A_508], %swap3A_511 {add = true, strides = array<i32>} : memref<256x128xf32, #tpu.memory_space<vmem>>, vector<1x16xf32>,
        %mul3A_512 = arith.constant 2 : i32
        %mul3A_513 = arith.muli %mul3A_512, %add3A_481 : i32
        %add3A_514 = arith.constant 0 : i32
        %add3A_515 = arith.addi %mul3A_513, %add3A_514 : i32
        %get3A_516 = arith.index_cast %add3A_515 : i32 to index
        %get3A_517 = arith.constant 32 : index
        %get3A_518 = tpu.vector_load %arg10[%get3A_516, %get3A_517] {strides = array<i32>} : memref<256x64xf32, #tpu.memory_space<vmem>>, vector<1x16xf32>,
        %get3A_519 = vector.shape_cast %get3A_518 : vector<1x16xf32> to vector<16xf32>
        %add3A_520 = arith.constant 128 : i32
        %add3A_521 = arith.addi %add3A_520, %add3A_481 : i32
        %swap3A_522 = arith.index_cast %add3A_521 : i32 to index
        %swap3A_523 = arith.constant 32 : index
        %swap3A_524 = tpu.vector_load %arg11[%swap3A_522, %swap3A_523] {strides = array<i32>} : memref<256x128xf32, #tpu.memory_space<vmem>>, vector<1x16xf32>,
        %swap3A_525 = vector.shape_cast %swap3A_524 : vector<1x16xf32> to vector<16xf32>
        %swap3A_526 = vector.shape_cast %get3A_519 : vector<16xf32> to vector<1x16xf32>
        tpu.vector_store %arg11[%swap3A_522, %swap3A_523], %swap3A_526 {add = true, strides = array<i32>} : memref<256x128xf32, #tpu.memory_space<vmem>>, vector<1x16xf32>,
        %mul3A_527 = arith.constant 2 : i32
        %mul3A_528 = arith.muli %mul3A_527, %add3A_481 : i32
        %add3A_529 = arith.constant 0 : i32
        %add3A_530 = arith.addi %mul3A_528, %add3A_529 : i32
        %get3A_531 = arith.index_cast %add3A_530 : i32 to index
        %get3A_532 = arith.constant 48 : index
        %get3A_533 = tpu.vector_load %arg10[%get3A_531, %get3A_532] {strides = array<i32>} : memref<256x64xf32, #tpu.memory_space<vmem>>, vector<1x16xf32>,
        %get3A_534 = vector.shape_cast %get3A_533 : vector<1x16xf32> to vector<16xf32>
        %add3A_535 = arith.constant 128 : i32
        %add3A_536 = arith.addi %add3A_535, %add3A_481 : i32
        %swap3A_537 = arith.index_cast %add3A_536 : i32 to index
        %swap3A_538 = arith.constant 48 : index
        %swap3A_539 = tpu.vector_load %arg11[%swap3A_537, %swap3A_538] {strides = array<i32>} : memref<256x128xf32, #tpu.memory_space<vmem>>, vector<1x16xf32>,
        %swap3A_540 = vector.shape_cast %swap3A_539 : vector<1x16xf32> to vector<16xf32>
        %swap3A_541 = vector.shape_cast %get3A_534 : vector<16xf32> to vector<1x16xf32>
        tpu.vector_store %arg11[%swap3A_537, %swap3A_538], %swap3A_541 {add = true, strides = array<i32>} : memref<256x128xf32, #tpu.memory_space<vmem>>, vector<1x16xf32>,
        %mul3A_542 = arith.constant 2 : i32
        %mul3A_543 = arith.muli %mul3A_542, %add3A_481 : i32
        %add3A_544 = arith.constant 1 : i32
        %add3A_545 = arith.addi %mul3A_543, %add3A_544 : i32
        %get3A_546 = arith.index_cast %add3A_545 : i32 to index
        %get3A_547 = arith.constant 0 : index
        %get3A_548 = tpu.vector_load %arg10[%get3A_546, %get3A_547] {strides = array<i32>} : memref<256x64xf32, #tpu.memory_space<vmem>>, vector<1x16xf32>,
        %get3A_549 = vector.shape_cast %get3A_548 : vector<1x16xf32> to vector<16xf32>
        %add3A_550 = arith.constant 128 : i32
        %add3A_551 = arith.addi %add3A_550, %add3A_481 : i32
        %swap3A_552 = arith.index_cast %add3A_551 : i32 to index
        %swap3A_553 = arith.constant 64 : index
        %swap3A_554 = tpu.vector_load %arg11[%swap3A_552, %swap3A_553] {strides = array<i32>} : memref<256x128xf32, #tpu.memory_space<vmem>>, vector<1x16xf32>,
        %swap3A_555 = vector.shape_cast %swap3A_554 : vector<1x16xf32> to vector<16xf32>
        %swap3A_556 = vector.shape_cast %get3A_549 : vector<16xf32> to vector<1x16xf32>
        tpu.vector_store %arg11[%swap3A_552, %swap3A_553], %swap3A_556 {add = true, strides = array<i32>} : memref<256x128xf32, #tpu.memory_space<vmem>>, vector<1x16xf32>,
        %mul3A_557 = arith.constant 2 : i32
        %mul3A_558 = arith.muli %mul3A_557, %add3A_481 : i32
        %add3A_559 = arith.constant 1 : i32
        %add3A_560 = arith.addi %mul3A_558, %add3A_559 : i32
        %get3A_561 = arith.index_cast %add3A_560 : i32 to index
        %get3A_562 = arith.constant 16 : index
        %get3A_563 = tpu.vector_load %arg10[%get3A_561, %get3A_562] {strides = array<i32>} : memref<256x64xf32, #tpu.memory_space<vmem>>, vector<1x16xf32>,
        %get3A_564 = vector.shape_cast %get3A_563 : vector<1x16xf32> to vector<16xf32>
        %add3A_565 = arith.constant 128 : i32
        %add3A_566 = arith.addi %add3A_565, %add3A_481 : i32
        %swap3A_567 = arith.index_cast %add3A_566 : i32 to index
        %swap3A_568 = arith.constant 80 : index
        %swap3A_569 = tpu.vector_load %arg11[%swap3A_567, %swap3A_568] {strides = array<i32>} : memref<256x128xf32, #tpu.memory_space<vmem>>, vector<1x16xf32>,
        %swap3A_570 = vector.shape_cast %swap3A_569 : vector<1x16xf32> to vector<16xf32>
        %swap3A_571 = vector.shape_cast %get3A_564 : vector<16xf32> to vector<1x16xf32>
        tpu.vector_store %arg11[%swap3A_567, %swap3A_568], %swap3A_571 {add = true, strides = array<i32>} : memref<256x128xf32, #tpu.memory_space<vmem>>, vector<1x16xf32>,
        %mul3A_572 = arith.constant 2 : i32
        %mul3A_573 = arith.muli %mul3A_572, %add3A_481 : i32
        %add3A_574 = arith.constant 1 : i32
        %add3A_575 = arith.addi %mul3A_573, %add3A_574 : i32
        %get3A_576 = arith.index_cast %add3A_575 : i32 to index
        %get3A_577 = arith.constant 32 : index
        %get3A_578 = tpu.vector_load %arg10[%get3A_576, %get3A_577] {strides = array<i32>} : memref<256x64xf32, #tpu.memory_space<vmem>>, vector<1x16xf32>,
        %get3A_579 = vector.shape_cast %get3A_578 : vector<1x16xf32> to vector<16xf32>
        %add3A_580 = arith.constant 128 : i32
        %add3A_581 = arith.addi %add3A_580, %add3A_481 : i32
        %swap3A_582 = arith.index_cast %add3A_581 : i32 to index
        %swap3A_583 = arith.constant 96 : index
        %swap3A_584 = tpu.vector_load %arg11[%swap3A_582, %swap3A_583] {strides = array<i32>} : memref<256x128xf32, #tpu.memory_space<vmem>>, vector<1x16xf32>,
        %swap3A_585 = vector.shape_cast %swap3A_584 : vector<1x16xf32> to vector<16xf32>
        %swap3A_586 = vector.shape_cast %get3A_579 : vector<16xf32> to vector<1x16xf32>
        tpu.vector_store %arg11[%swap3A_582, %swap3A_583], %swap3A_586 {add = true, strides = array<i32>} : memref<256x128xf32, #tpu.memory_space<vmem>>, vector<1x16xf32>,
        %mul3A_587 = arith.constant 2 : i32
        %mul3A_588 = arith.muli %mul3A_587, %add3A_481 : i32
        %add3A_589 = arith.constant 1 : i32
        %add3A_590 = arith.addi %mul3A_588, %add3A_589 : i32
        %get3A_591 = arith.index_cast %add3A_590 : i32 to index
        %get3A_592 = arith.constant 48 : index
        %get3A_593 = tpu.vector_load %arg10[%get3A_591, %get3A_592] {strides = array<i32>} : memref<256x64xf32, #tpu.memory_space<vmem>>, vector<1x16xf32>,
        %get3A_594 = vector.shape_cast %get3A_593 : vector<1x16xf32> to vector<16xf32>
        %add3A_595 = arith.constant 128 : i32
        %add3A_596 = arith.addi %add3A_595, %add3A_481 : i32
        %swap3A_597 = arith.index_cast %add3A_596 : i32 to index
        %swap3A_598 = arith.constant 112 : index
        %swap3A_599 = tpu.vector_load %arg11[%swap3A_597, %swap3A_598] {strides = array<i32>} : memref<256x128xf32, #tpu.memory_space<vmem>>, vector<1x16xf32>,
        %swap3A_600 = vector.shape_cast %swap3A_599 : vector<1x16xf32> to vector<16xf32>
        %swap3A_601 = vector.shape_cast %get3A_594 : vector<16xf32> to vector<1x16xf32>
        tpu.vector_store %arg11[%swap3A_597, %swap3A_598], %swap3A_601 {add = true, strides = array<i32>} : memref<256x128xf32, #tpu.memory_space<vmem>>, vector<1x16xf32>,
        %mul3A_602 = arith.constant 4 : i32
        %mul3A_603 = arith.muli %scan3A_354, %mul3A_602 : i32
        %add3A_604 = arith.constant 2 : i32
        %add3A_605 = arith.addi %mul3A_603, %add3A_604 : i32
        %mul3A_606 = arith.constant 2 : i32
        %mul3A_607 = arith.muli %mul3A_606, %add3A_605 : i32
        %add3A_608 = arith.constant 0 : i32
        %add3A_609 = arith.addi %mul3A_607, %add3A_608 : i32
        %get3A_610 = arith.index_cast %add3A_609 : i32 to index
        %get3A_611 = arith.constant 0 : index
        %get3A_612 = tpu.vector_load %arg10[%get3A_610, %get3A_611] {strides = array<i32>} : memref<256x64xf32, #tpu.memory_space<vmem>>, vector<1x16xf32>,
        %get3A_613 = vector.shape_cast %get3A_612 : vector<1x16xf32> to vector<16xf32>
        %add3A_614 = arith.constant 128 : i32
        %add3A_615 = arith.addi %add3A_614, %add3A_605 : i32
        %swap3A_616 = arith.index_cast %add3A_615 : i32 to index
        %swap3A_617 = arith.constant 0 : index
        %swap3A_618 = tpu.vector_load %arg11[%swap3A_616, %swap3A_617] {strides = array<i32>} : memref<256x128xf32, #tpu.memory_space<vmem>>, vector<1x16xf32>,
        %swap3A_619 = vector.shape_cast %swap3A_618 : vector<1x16xf32> to vector<16xf32>
        %swap3A_620 = vector.shape_cast %get3A_613 : vector<16xf32> to vector<1x16xf32>
        tpu.vector_store %arg11[%swap3A_616, %swap3A_617], %swap3A_620 {add = true, strides = array<i32>} : memref<256x128xf32, #tpu.memory_space<vmem>>, vector<1x16xf32>,
        %mul3A_621 = arith.constant 2 : i32
        %mul3A_622 = arith.muli %mul3A_621, %add3A_605 : i32
        %add3A_623 = arith.constant 0 : i32
        %add3A_624 = arith.addi %mul3A_622, %add3A_623 : i32
        %get3A_625 = arith.index_cast %add3A_624 : i32 to index
        %get3A_626 = arith.constant 16 : index
        %get3A_627 = tpu.vector_load %arg10[%get3A_625, %get3A_626] {strides = array<i32>} : memref<256x64xf32, #tpu.memory_space<vmem>>, vector<1x16xf32>,
        %get3A_628 = vector.shape_cast %get3A_627 : vector<1x16xf32> to vector<16xf32>
        %add3A_629 = arith.constant 128 : i32
        %add3A_630 = arith.addi %add3A_629, %add3A_605 : i32
        %swap3A_631 = arith.index_cast %add3A_630 : i32 to index
        %swap3A_632 = arith.constant 16 : index
        %swap3A_633 = tpu.vector_load %arg11[%swap3A_631, %swap3A_632] {strides = array<i32>} : memref<256x128xf32, #tpu.memory_space<vmem>>, vector<1x16xf32>,
        %swap3A_634 = vector.shape_cast %swap3A_633 : vector<1x16xf32> to vector<16xf32>
        %swap3A_635 = vector.shape_cast %get3A_628 : vector<16xf32> to vector<1x16xf32>
        tpu.vector_store %arg11[%swap3A_631, %swap3A_632], %swap3A_635 {add = true, strides = array<i32>} : memref<256x128xf32, #tpu.memory_space<vmem>>, vector<1x16xf32>,
        %mul3A_636 = arith.constant 2 : i32
        %mul3A_637 = arith.muli %mul3A_636, %add3A_605 : i32
        %add3A_638 = arith.constant 0 : i32
        %add3A_639 = arith.addi %mul3A_637, %add3A_638 : i32
        %get3A_640 = arith.index_cast %add3A_639 : i32 to index
        %get3A_641 = arith.constant 32 : index
        %get3A_642 = tpu.vector_load %arg10[%get3A_640, %get3A_641] {strides = array<i32>} : memref<256x64xf32, #tpu.memory_space<vmem>>, vector<1x16xf32>,
        %get3A_643 = vector.shape_cast %get3A_642 : vector<1x16xf32> to vector<16xf32>
        %add3A_644 = arith.constant 128 : i32
        %add3A_645 = arith.addi %add3A_644, %add3A_605 : i32
        %swap3A_646 = arith.index_cast %add3A_645 : i32 to index
        %swap3A_647 = arith.constant 32 : index
        %swap3A_648 = tpu.vector_load %arg11[%swap3A_646, %swap3A_647] {strides = array<i32>} : memref<256x128xf32, #tpu.memory_space<vmem>>, vector<1x16xf32>,
        %swap3A_649 = vector.shape_cast %swap3A_648 : vector<1x16xf32> to vector<16xf32>
        %swap3A_650 = vector.shape_cast %get3A_643 : vector<16xf32> to vector<1x16xf32>
        tpu.vector_store %arg11[%swap3A_646, %swap3A_647], %swap3A_650 {add = true, strides = array<i32>} : memref<256x128xf32, #tpu.memory_space<vmem>>, vector<1x16xf32>,
        %mul3A_651 = arith.constant 2 : i32
        %mul3A_652 = arith.muli %mul3A_651, %add3A_605 : i32
        %add3A_653 = arith.constant 0 : i32
        %add3A_654 = arith.addi %mul3A_652, %add3A_653 : i32
        %get3A_655 = arith.index_cast %add3A_654 : i32 to index
        %get3A_656 = arith.constant 48 : index
        %get3A_657 = tpu.vector_load %arg10[%get3A_655, %get3A_656] {strides = array<i32>} : memref<256x64xf32, #tpu.memory_space<vmem>>, vector<1x16xf32>,
        %get3A_658 = vector.shape_cast %get3A_657 : vector<1x16xf32> to vector<16xf32>
        %add3A_659 = arith.constant 128 : i32
        %add3A_660 = arith.addi %add3A_659, %add3A_605 : i32
        %swap3A_661 = arith.index_cast %add3A_660 : i32 to index
        %swap3A_662 = arith.constant 48 : index
        %swap3A_663 = tpu.vector_load %arg11[%swap3A_661, %swap3A_662] {strides = array<i32>} : memref<256x128xf32, #tpu.memory_space<vmem>>, vector<1x16xf32>,
        %swap3A_664 = vector.shape_cast %swap3A_663 : vector<1x16xf32> to vector<16xf32>
        %swap3A_665 = vector.shape_cast %get3A_658 : vector<16xf32> to vector<1x16xf32>
        tpu.vector_store %arg11[%swap3A_661, %swap3A_662], %swap3A_665 {add = true, strides = array<i32>} : memref<256x128xf32, #tpu.memory_space<vmem>>, vector<1x16xf32>,
        %mul3A_666 = arith.constant 2 : i32
        %mul3A_667 = arith.muli %mul3A_666, %add3A_605 : i32
        %add3A_668 = arith.constant 1 : i32
        %add3A_669 = arith.addi %mul3A_667, %add3A_668 : i32
        %get3A_670 = arith.index_cast %add3A_669 : i32 to index
        %get3A_671 = arith.constant 0 : index
        %get3A_672 = tpu.vector_load %arg10[%get3A_670, %get3A_671] {strides = array<i32>} : memref<256x64xf32, #tpu.memory_space<vmem>>, vector<1x16xf32>,
        %get3A_673 = vector.shape_cast %get3A_672 : vector<1x16xf32> to vector<16xf32>
        %add3A_674 = arith.constant 128 : i32
        %add3A_675 = arith.addi %add3A_674, %add3A_605 : i32
        %swap3A_676 = arith.index_cast %add3A_675 : i32 to index
        %swap3A_677 = arith.constant 64 : index
        %swap3A_678 = tpu.vector_load %arg11[%swap3A_676, %swap3A_677] {strides = array<i32>} : memref<256x128xf32, #tpu.memory_space<vmem>>, vector<1x16xf32>,
        %swap3A_679 = vector.shape_cast %swap3A_678 : vector<1x16xf32> to vector<16xf32>
        %swap3A_680 = vector.shape_cast %get3A_673 : vector<16xf32> to vector<1x16xf32>
        tpu.vector_store %arg11[%swap3A_676, %swap3A_677], %swap3A_680 {add = true, strides = array<i32>} : memref<256x128xf32, #tpu.memory_space<vmem>>, vector<1x16xf32>,
        %mul3A_681 = arith.constant 2 : i32
        %mul3A_682 = arith.muli %mul3A_681, %add3A_605 : i32
        %add3A_683 = arith.constant 1 : i32
        %add3A_684 = arith.addi %mul3A_682, %add3A_683 : i32
        %get3A_685 = arith.index_cast %add3A_684 : i32 to index
        %get3A_686 = arith.constant 16 : index
        %get3A_687 = tpu.vector_load %arg10[%get3A_685, %get3A_686] {strides = array<i32>} : memref<256x64xf32, #tpu.memory_space<vmem>>, vector<1x16xf32>,
        %get3A_688 = vector.shape_cast %get3A_687 : vector<1x16xf32> to vector<16xf32>
        %add3A_689 = arith.constant 128 : i32
        %add3A_690 = arith.addi %add3A_689, %add3A_605 : i32
        %swap3A_691 = arith.index_cast %add3A_690 : i32 to index
        %swap3A_692 = arith.constant 80 : index
        %swap3A_693 = tpu.vector_load %arg11[%swap3A_691, %swap3A_692] {strides = array<i32>} : memref<256x128xf32, #tpu.memory_space<vmem>>, vector<1x16xf32>,
        %swap3A_694 = vector.shape_cast %swap3A_693 : vector<1x16xf32> to vector<16xf32>
        %swap3A_695 = vector.shape_cast %get3A_688 : vector<16xf32> to vector<1x16xf32>
        tpu.vector_store %arg11[%swap3A_691, %swap3A_692], %swap3A_695 {add = true, strides = array<i32>} : memref<256x128xf32, #tpu.memory_space<vmem>>, vector<1x16xf32>,
        %mul3A_696 = arith.constant 2 : i32
        %mul3A_697 = arith.muli %mul3A_696, %add3A_605 : i32
        %add3A_698 = arith.constant 1 : i32
        %add3A_699 = arith.addi %mul3A_697, %add3A_698 : i32
        %get3A_700 = arith.index_cast %add3A_699 : i32 to index
        %get3A_701 = arith.constant 32 : index
        %get3A_702 = tpu.vector_load %arg10[%get3A_700, %get3A_701] {strides = array<i32>} : memref<256x64xf32, #tpu.memory_space<vmem>>, vector<1x16xf32>,
        %get3A_703 = vector.shape_cast %get3A_702 : vector<1x16xf32> to vector<16xf32>
        %add3A_704 = arith.constant 128 : i32
        %add3A_705 = arith.addi %add3A_704, %add3A_605 : i32
        %swap3A_706 = arith.index_cast %add3A_705 : i32 to index
        %swap3A_707 = arith.constant 96 : index
        %swap3A_708 = tpu.vector_load %arg11[%swap3A_706, %swap3A_707] {strides = array<i32>} : memref<256x128xf32, #tpu.memory_space<vmem>>, vector<1x16xf32>,
        %swap3A_709 = vector.shape_cast %swap3A_708 : vector<1x16xf32> to vector<16xf32>
        %swap3A_710 = vector.shape_cast %get3A_703 : vector<16xf32> to vector<1x16xf32>
        tpu.vector_store %arg11[%swap3A_706, %swap3A_707], %swap3A_710 {add = true, strides = array<i32>} : memref<256x128xf32, #tpu.memory_space<vmem>>, vector<1x16xf32>,
        %mul3A_711 = arith.constant 2 : i32
        %mul3A_712 = arith.muli %mul3A_711, %add3A_605 : i32
        %add3A_713 = arith.constant 1 : i32
        %add3A_714 = arith.addi %mul3A_712, %add3A_713 : i32
        %get3A_715 = arith.index_cast %add3A_714 : i32 to index
        %get3A_716 = arith.constant 48 : index
        %get3A_717 = tpu.vector_load %arg10[%get3A_715, %get3A_716] {strides = array<i32>} : memref<256x64xf32, #tpu.memory_space<vmem>>, vector<1x16xf32>,
        %get3A_718 = vector.shape_cast %get3A_717 : vector<1x16xf32> to vector<16xf32>
        %add3A_719 = arith.constant 128 : i32
        %add3A_720 = arith.addi %add3A_719, %add3A_605 : i32
        %swap3A_721 = arith.index_cast %add3A_720 : i32 to index
        %swap3A_722 = arith.constant 112 : index
        %swap3A_723 = tpu.vector_load %arg11[%swap3A_721, %swap3A_722] {strides = array<i32>} : memref<256x128xf32, #tpu.memory_space<vmem>>, vector<1x16xf32>,
        %swap3A_724 = vector.shape_cast %swap3A_723 : vector<1x16xf32> to vector<16xf32>
        %swap3A_725 = vector.shape_cast %get3A_718 : vector<16xf32> to vector<1x16xf32>
        tpu.vector_store %arg11[%swap3A_721, %swap3A_722], %swap3A_725 {add = true, strides = array<i32>} : memref<256x128xf32, #tpu.memory_space<vmem>>, vector<1x16xf32>,
        %mul3A_726 = arith.constant 4 : i32
        %mul3A_727 = arith.muli %scan3A_354, %mul3A_726 : i32
        %add3A_728 = arith.constant 3 : i32
        %add3A_729 = arith.addi %mul3A_727, %add3A_728 : i32
        %mul3A_730 = arith.constant 2 : i32
        %mul3A_731 = arith.muli %mul3A_730, %add3A_729 : i32
        %add3A_732 = arith.constant 0 : i32
        %add3A_733 = arith.addi %mul3A_731, %add3A_732 : i32
        %get3A_734 = arith.index_cast %add3A_733 : i32 to index
        %get3A_735 = arith.constant 0 : index
        %get3A_736 = tpu.vector_load %arg10[%get3A_734, %get3A_735] {strides = array<i32>} : memref<256x64xf32, #tpu.memory_space<vmem>>, vector<1x16xf32>,
        %get3A_737 = vector.shape_cast %get3A_736 : vector<1x16xf32> to vector<16xf32>
        %add3A_738 = arith.constant 128 : i32
        %add3A_739 = arith.addi %add3A_738, %add3A_729 : i32
        %swap3A_740 = arith.index_cast %add3A_739 : i32 to index
        %swap3A_741 = arith.constant 0 : index
        %swap3A_742 = tpu.vector_load %arg11[%swap3A_740, %swap3A_741] {strides = array<i32>} : memref<256x128xf32, #tpu.memory_space<vmem>>, vector<1x16xf32>,
        %swap3A_743 = vector.shape_cast %swap3A_742 : vector<1x16xf32> to vector<16xf32>
        %swap3A_744 = vector.shape_cast %get3A_737 : vector<16xf32> to vector<1x16xf32>
        tpu.vector_store %arg11[%swap3A_740, %swap3A_741], %swap3A_744 {add = true, strides = array<i32>} : memref<256x128xf32, #tpu.memory_space<vmem>>, vector<1x16xf32>,
        %mul3A_745 = arith.constant 2 : i32
        %mul3A_746 = arith.muli %mul3A_745, %add3A_729 : i32
        %add3A_747 = arith.constant 0 : i32
        %add3A_748 = arith.addi %mul3A_746, %add3A_747 : i32
        %get3A_749 = arith.index_cast %add3A_748 : i32 to index
        %get3A_750 = arith.constant 16 : index
        %get3A_751 = tpu.vector_load %arg10[%get3A_749, %get3A_750] {strides = array<i32>} : memref<256x64xf32, #tpu.memory_space<vmem>>, vector<1x16xf32>,
        %get3A_752 = vector.shape_cast %get3A_751 : vector<1x16xf32> to vector<16xf32>
        %add3A_753 = arith.constant 128 : i32
        %add3A_754 = arith.addi %add3A_753, %add3A_729 : i32
        %swap3A_755 = arith.index_cast %add3A_754 : i32 to index
        %swap3A_756 = arith.constant 16 : index
        %swap3A_757 = tpu.vector_load %arg11[%swap3A_755, %swap3A_756] {strides = array<i32>} : memref<256x128xf32, #tpu.memory_space<vmem>>, vector<1x16xf32>,
        %swap3A_758 = vector.shape_cast %swap3A_757 : vector<1x16xf32> to vector<16xf32>
        %swap3A_759 = vector.shape_cast %get3A_752 : vector<16xf32> to vector<1x16xf32>
        tpu.vector_store %arg11[%swap3A_755, %swap3A_756], %swap3A_759 {add = true, strides = array<i32>} : memref<256x128xf32, #tpu.memory_space<vmem>>, vector<1x16xf32>,
        %mul3A_760 = arith.constant 2 : i32
        %mul3A_761 = arith.muli %mul3A_760, %add3A_729 : i32
        %add3A_762 = arith.constant 0 : i32
        %add3A_763 = arith.addi %mul3A_761, %add3A_762 : i32
        %get3A_764 = arith.index_cast %add3A_763 : i32 to index
        %get3A_765 = arith.constant 32 : index
        %get3A_766 = tpu.vector_load %arg10[%get3A_764, %get3A_765] {strides = array<i32>} : memref<256x64xf32, #tpu.memory_space<vmem>>, vector<1x16xf32>,
        %get3A_767 = vector.shape_cast %get3A_766 : vector<1x16xf32> to vector<16xf32>
        %add3A_768 = arith.constant 128 : i32
        %add3A_769 = arith.addi %add3A_768, %add3A_729 : i32
        %swap3A_770 = arith.index_cast %add3A_769 : i32 to index
        %swap3A_771 = arith.constant 32 : index
        %swap3A_772 = tpu.vector_load %arg11[%swap3A_770, %swap3A_771] {strides = array<i32>} : memref<256x128xf32, #tpu.memory_space<vmem>>, vector<1x16xf32>,
        %swap3A_773 = vector.shape_cast %swap3A_772 : vector<1x16xf32> to vector<16xf32>
        %swap3A_774 = vector.shape_cast %get3A_767 : vector<16xf32> to vector<1x16xf32>
        tpu.vector_store %arg11[%swap3A_770, %swap3A_771], %swap3A_774 {add = true, strides = array<i32>} : memref<256x128xf32, #tpu.memory_space<vmem>>, vector<1x16xf32>,
        %mul3A_775 = arith.constant 2 : i32
        %mul3A_776 = arith.muli %mul3A_775, %add3A_729 : i32
        %add3A_777 = arith.constant 0 : i32
        %add3A_778 = arith.addi %mul3A_776, %add3A_777 : i32
        %get3A_779 = arith.index_cast %add3A_778 : i32 to index
        %get3A_780 = arith.constant 48 : index
        %get3A_781 = tpu.vector_load %arg10[%get3A_779, %get3A_780] {strides = array<i32>} : memref<256x64xf32, #tpu.memory_space<vmem>>, vector<1x16xf32>,
        %get3A_782 = vector.shape_cast %get3A_781 : vector<1x16xf32> to vector<16xf32>
        %add3A_783 = arith.constant 128 : i32
        %add3A_784 = arith.addi %add3A_783, %add3A_729 : i32
        %swap3A_785 = arith.index_cast %add3A_784 : i32 to index
        %swap3A_786 = arith.constant 48 : index
        %swap3A_787 = tpu.vector_load %arg11[%swap3A_785, %swap3A_786] {strides = array<i32>} : memref<256x128xf32, #tpu.memory_space<vmem>>, vector<1x16xf32>,
        %swap3A_788 = vector.shape_cast %swap3A_787 : vector<1x16xf32> to vector<16xf32>
        %swap3A_789 = vector.shape_cast %get3A_782 : vector<16xf32> to vector<1x16xf32>
        tpu.vector_store %arg11[%swap3A_785, %swap3A_786], %swap3A_789 {add = true, strides = array<i32>} : memref<256x128xf32, #tpu.memory_space<vmem>>, vector<1x16xf32>,
        %mul3A_790 = arith.constant 2 : i32
        %mul3A_791 = arith.muli %mul3A_790, %add3A_729 : i32
        %add3A_792 = arith.constant 1 : i32
        %add3A_793 = arith.addi %mul3A_791, %add3A_792 : i32
        %get3A_794 = arith.index_cast %add3A_793 : i32 to index
        %get3A_795 = arith.constant 0 : index
        %get3A_796 = tpu.vector_load %arg10[%get3A_794, %get3A_795] {strides = array<i32>} : memref<256x64xf32, #tpu.memory_space<vmem>>, vector<1x16xf32>,
        %get3A_797 = vector.shape_cast %get3A_796 : vector<1x16xf32> to vector<16xf32>
        %add3A_798 = arith.constant 128 : i32
        %add3A_799 = arith.addi %add3A_798, %add3A_729 : i32
        %swap3A_800 = arith.index_cast %add3A_799 : i32 to index
        %swap3A_801 = arith.constant 64 : index
        %swap3A_802 = tpu.vector_load %arg11[%swap3A_800, %swap3A_801] {strides = array<i32>} : memref<256x128xf32, #tpu.memory_space<vmem>>, vector<1x16xf32>,
        %swap3A_803 = vector.shape_cast %swap3A_802 : vector<1x16xf32> to vector<16xf32>
        %swap3A_804 = vector.shape_cast %get3A_797 : vector<16xf32> to vector<1x16xf32>
        tpu.vector_store %arg11[%swap3A_800, %swap3A_801], %swap3A_804 {add = true, strides = array<i32>} : memref<256x128xf32, #tpu.memory_space<vmem>>, vector<1x16xf32>,
        %mul3A_805 = arith.constant 2 : i32
        %mul3A_806 = arith.muli %mul3A_805, %add3A_729 : i32
        %add3A_807 = arith.constant 1 : i32
        %add3A_808 = arith.addi %mul3A_806, %add3A_807 : i32
        %get3A_809 = arith.index_cast %add3A_808 : i32 to index
        %get3A_810 = arith.constant 16 : index
        %get3A_811 = tpu.vector_load %arg10[%get3A_809, %get3A_810] {strides = array<i32>} : memref<256x64xf32, #tpu.memory_space<vmem>>, vector<1x16xf32>,
        %get3A_812 = vector.shape_cast %get3A_811 : vector<1x16xf32> to vector<16xf32>
        %add3A_813 = arith.constant 128 : i32
        %add3A_814 = arith.addi %add3A_813, %add3A_729 : i32
        %swap3A_815 = arith.index_cast %add3A_814 : i32 to index
        %swap3A_816 = arith.constant 80 : index
        %swap3A_817 = tpu.vector_load %arg11[%swap3A_815, %swap3A_816] {strides = array<i32>} : memref<256x128xf32, #tpu.memory_space<vmem>>, vector<1x16xf32>,
        %swap3A_818 = vector.shape_cast %swap3A_817 : vector<1x16xf32> to vector<16xf32>
        %swap3A_819 = vector.shape_cast %get3A_812 : vector<16xf32> to vector<1x16xf32>
        tpu.vector_store %arg11[%swap3A_815, %swap3A_816], %swap3A_819 {add = true, strides = array<i32>} : memref<256x128xf32, #tpu.memory_space<vmem>>, vector<1x16xf32>,
        %mul3A_820 = arith.constant 2 : i32
        %mul3A_821 = arith.muli %mul3A_820, %add3A_729 : i32
        %add3A_822 = arith.constant 1 : i32
        %add3A_823 = arith.addi %mul3A_821, %add3A_822 : i32
        %get3A_824 = arith.index_cast %add3A_823 : i32 to index
        %get3A_825 = arith.constant 32 : index
        %get3A_826 = tpu.vector_load %arg10[%get3A_824, %get3A_825] {strides = array<i32>} : memref<256x64xf32, #tpu.memory_space<vmem>>, vector<1x16xf32>,
        %get3A_827 = vector.shape_cast %get3A_826 : vector<1x16xf32> to vector<16xf32>
        %add3A_828 = arith.constant 128 : i32
        %add3A_829 = arith.addi %add3A_828, %add3A_729 : i32
        %swap3A_830 = arith.index_cast %add3A_829 : i32 to index
        %swap3A_831 = arith.constant 96 : index
        %swap3A_832 = tpu.vector_load %arg11[%swap3A_830, %swap3A_831] {strides = array<i32>} : memref<256x128xf32, #tpu.memory_space<vmem>>, vector<1x16xf32>,
        %swap3A_833 = vector.shape_cast %swap3A_832 : vector<1x16xf32> to vector<16xf32>
        %swap3A_834 = vector.shape_cast %get3A_827 : vector<16xf32> to vector<1x16xf32>
        tpu.vector_store %arg11[%swap3A_830, %swap3A_831], %swap3A_834 {add = true, strides = array<i32>} : memref<256x128xf32, #tpu.memory_space<vmem>>, vector<1x16xf32>,
        %mul3A_835 = arith.constant 2 : i32
        %mul3A_836 = arith.muli %mul3A_835, %add3A_729 : i32
        %add3A_837 = arith.constant 1 : i32
        %add3A_838 = arith.addi %mul3A_836, %add3A_837 : i32
        %get3A_839 = arith.index_cast %add3A_838 : i32 to index
        %get3A_840 = arith.constant 48 : index
        %get3A_841 = tpu.vector_load %arg10[%get3A_839, %get3A_840] {strides = array<i32>} : memref<256x64xf32, #tpu.memory_space<vmem>>, vector<1x16xf32>,
        %get3A_842 = vector.shape_cast %get3A_841 : vector<1x16xf32> to vector<16xf32>
        %add3A_843 = arith.constant 128 : i32
        %add3A_844 = arith.addi %add3A_843, %add3A_729 : i32
        %swap3A_845 = arith.index_cast %add3A_844 : i32 to index
        %swap3A_846 = arith.constant 112 : index
        %swap3A_847 = tpu.vector_load %arg11[%swap3A_845, %swap3A_846] {strides = array<i32>} : memref<256x128xf32, #tpu.memory_space<vmem>>, vector<1x16xf32>,
        %swap3A_848 = vector.shape_cast %swap3A_847 : vector<1x16xf32> to vector<16xf32>
        %swap3A_849 = vector.shape_cast %get3A_842 : vector<16xf32> to vector<1x16xf32>
        tpu.vector_store %arg11[%swap3A_845, %swap3A_846], %swap3A_849 {add = true, strides = array<i32>} : memref<256x128xf32, #tpu.memory_space<vmem>>, vector<1x16xf32>,
        %scan3A_850 = arith.constant 0 : i32
        scf.yield %scan3A_850 : i32
      }
      %scan3A_247 = arith.constant 32 : i32
      %dma_start3A_248 = arith.constant 0 : i32
      %dma_start3A_249 = arith.constant 0 : i32
      %dma_start3A_250 = tpu.memref_slice %arg10[%dma_start3A_248, %dma_start3A_249] : memref<256x64xf32, #tpu.memory_space<vmem>> -> memref<128x64xf32, #tpu.memory_space<vmem>>
      %dma_start3A_251 = arith.constant 256 : i32
      %dma_start3A_252 = tpu.memref_slice %arg7[%dma_start3A_251] : memref<512xi32, #tpu.memory_space<vmem>> -> memref<128xi32, #tpu.memory_space<vmem>>
      %dma_start3A_253 = arith.constant 0 : i32
      %dma_start3A_254 = arith.constant 0 : i32
      %dma_start3A_255 = tpu.memref_slice %arg3[%dma_start3A_253, %dma_start3A_254] : memref<2000000x64xf32, #tpu.memory_space<hbm>> -> memref<2000000x64xf32, #tpu.memory_space<hbm>>
      tpu.enqueue_indirect_dma source(%dma_start3A_255 : memref<2000000x64xf32, #tpu.memory_space<hbm>>) target(%dma_start3A_250 : memref<128x64xf32, #tpu.memory_space<vmem>>) offsets(%dma_start3A_252 : memref<128xi32, #tpu.memory_space<vmem>>) semaphore(%arg15 : memref<!tpu.dma_semaphore, #tpu.memory_space<semaphore_mem>>)
      %dma_start3A_256 = arith.constant 128 : i32
      %dma_start3A_257 = arith.constant 0 : i32
      %dma_start3A_258 = tpu.memref_slice %arg10[%dma_start3A_256, %dma_start3A_257] : memref<256x64xf32, #tpu.memory_space<vmem>> -> memref<128x64xf32, #tpu.memory_space<vmem>>
      %dma_start3A_259 = arith.constant 384 : i32
      %dma_start3A_260 = tpu.memref_slice %arg7[%dma_start3A_259] : memref<512xi32, #tpu.memory_space<vmem>> -> memref<128xi32, #tpu.memory_space<vmem>>
      %dma_start3A_261 = arith.constant 0 : i32
      %dma_start3A_262 = arith.constant 0 : i32
      %dma_start3A_263 = tpu.memref_slice %arg3[%dma_start3A_261, %dma_start3A_262] : memref<2000000x64xf32, #tpu.memory_space<hbm>> -> memref<2000000x64xf32, #tpu.memory_space<hbm>>
      tpu.enqueue_indirect_dma source(%dma_start3A_263 : memref<2000000x64xf32, #tpu.memory_space<hbm>>) target(%dma_start3A_258 : memref<128x64xf32, #tpu.memory_space<vmem>>) offsets(%dma_start3A_260 : memref<128xi32, #tpu.memory_space<vmem>>) semaphore(%arg15 : memref<!tpu.dma_semaphore, #tpu.memory_space<semaphore_mem>>)
      %mul3A_264 = arith.constant 2 : i32
      %mul3A_265 = arith.muli %mul3A_264, %scan3A_190 : i32
      %add3A_266 = arith.constant 3 : i32
      %add3A_267 = arith.addi %mul3A_265, %add3A_266 : i32
      %dma_start3A_268 = tpu.memref_slice %arg2[%add3A_267, %mul3A_2] : memref<200x16384xi32, #tpu.memory_space<hbm>> -> memref<1x512xi32, #tpu.memory_space<hbm>>
      %dma_start3A_269 = tpu.memref_squeeze %dma_start3A_268 : memref<1x512xi32, #tpu.memory_space<hbm>> -> memref<512xi32, #tpu.memory_space<hbm>>
      %dma_start3A_270 = tpu.memref_slice %arg2[%add3A_267, %mul3A_2] : memref<200x16384xi32, #tpu.memory_space<hbm>> -> memref<1x512xi32, #tpu.memory_space<hbm>>
      %dma_start3A_271 = tpu.memref_squeeze %dma_start3A_270 : memref<1x512xi32, #tpu.memory_space<hbm>> -> memref<512xi32, #tpu.memory_space<hbm>>
      tpu.enqueue_dma source(%dma_start3A_271 : memref<512xi32, #tpu.memory_space<hbm>>) target(%arg6 : memref<512xi32, #tpu.memory_space<vmem>>) target_semaphore(%arg13 : memref<!tpu.dma_semaphore, #tpu.memory_space<semaphore_mem>>)
      %dma_wait3A_272 = arith.constant 0 : i32
      %dma_wait3A_273 = arith.constant 0 : i32
      %dma_wait3A_274 = tpu.memref_slice %arg2[%dma_wait3A_272, %dma_wait3A_273] : memref<200x16384xi32, #tpu.memory_space<hbm>> -> memref<1x512xi32, #tpu.memory_space<hbm>>
      %dma_wait3A_275 = tpu.memref_squeeze %dma_wait3A_274 : memref<1x512xi32, #tpu.memory_space<hbm>> -> memref<512xi32, #tpu.memory_space<hbm>>
      %dma_wait3A_276 = arith.constant 0 : i32
      %dma_wait3A_277 = tpu.memref_slice %arg2[%dma_wait3A_272, %dma_wait3A_276] : memref<200x16384xi32, #tpu.memory_space<hbm>> -> memref<1x512xi32, #tpu.memory_space<hbm>>
      %dma_wait3A_278 = tpu.memref_squeeze %dma_wait3A_277 : memref<1x512xi32, #tpu.memory_space<hbm>> -> memref<512xi32, #tpu.memory_space<hbm>>
      tpu.wait_dma2 semaphore(%arg13 : memref<!tpu.dma_semaphore, #tpu.memory_space<semaphore_mem>>) src(%dma_wait3A_278 : memref<512xi32, #tpu.memory_space<hbm>>) dst(%arg6 : memref<512xi32, #tpu.memory_space<vmem>>)
      %scan3A_279 = arith.constant 0 : i32
      %scan3A_280 = arith.constant 0 : i32
      %scan3A_281 = arith.constant 8 : i32
      %scan3A_282 = arith.addi %scan3A_280, %scan3A_281 : i32
      %scan3A_283 = arith.constant 1 : i32
      %scan3A_284 = scf.for %scan3A_354 = %scan3A_280 to %scan3A_282 step %scan3A_283 iter_args(%scan3A_355 = %scan3A_279) -> (i32)  : i32 {
        %mul3A_356 = arith.constant 4 : i32
        %mul3A_357 = arith.muli %scan3A_354, %mul3A_356 : i32
        %add3A_358 = arith.constant 0 : i32
        %add3A_359 = arith.addi %mul3A_357, %add3A_358 : i32
        %mul3A_360 = arith.constant 16 : i32
        %mul3A_361 = arith.muli %add3A_359, %mul3A_360 : i32
        %get3A = arith.index_cast %mul3A_361 : i32 to index
        %get3A_362 = tpu.vector_load %arg6[%get3A] {strides = array<i32>} : memref<512xi32, #tpu.memory_space<vmem>>, vector<16xi32>,
        %get3A_363 = vector.shape_cast %get3A_362 : vector<16xi32> to vector<16xi32>
        %add3A_364 = arith.addi %get3A_363, %get3A_363 : vector<16xi32>
        %swap3A = arith.index_cast %mul3A_361 : i32 to index
        %swap3A_365 = tpu.vector_load %arg8[%swap3A] {strides = array<i32>} : memref<512xi32, #tpu.memory_space<vmem>>, vector<16xi32>,
        %swap3A_366 = vector.shape_cast %swap3A_365 : vector<16xi32> to vector<16xi32>
        %swap3A_367 = vector.shape_cast %add3A_364 : vector<16xi32> to vector<16xi32>
        tpu.vector_store %arg8[%swap3A], %swap3A_367 {strides = array<i32>} : memref<512xi32, #tpu.memory_space<vmem>>, vector<16xi32>,
        %mul3A_368 = arith.constant 4 : i32
        %mul3A_369 = arith.muli %scan3A_354, %mul3A_368 : i32
        %add3A_370 = arith.constant 1 : i32
        %add3A_371 = arith.addi %mul3A_369, %add3A_370 : i32
        %mul3A_372 = arith.constant 16 : i32
        %mul3A_373 = arith.muli %add3A_371, %mul3A_372 : i32
        %get3A_374 = arith.index_cast %mul3A_373 : i32 to index
        %get3A_375 = tpu.vector_load %arg6[%get3A_374] {strides = array<i32>} : memref<512xi32, #tpu.memory_space<vmem>>, vector<16xi32>,
        %get3A_376 = vector.shape_cast %get3A_375 : vector<16xi32> to vector<16xi32>
        %add3A_377 = arith.addi %get3A_376, %get3A_376 : vector<16xi32>
        %swap3A_378 = arith.index_cast %mul3A_373 : i32 to index
        %swap3A_379 = tpu.vector_load %arg8[%swap3A_378] {strides = array<i32>} : memref<512xi32, #tpu.memory_space<vmem>>, vector<16xi32>,
        %swap3A_380 = vector.shape_cast %swap3A_379 : vector<16xi32> to vector<16xi32>
        %swap3A_381 = vector.shape_cast %add3A_377 : vector<16xi32> to vector<16xi32>
        tpu.vector_store %arg8[%swap3A_378], %swap3A_381 {strides = array<i32>} : memref<512xi32, #tpu.memory_space<vmem>>, vector<16xi32>,
        %mul3A_382 = arith.constant 4 : i32
        %mul3A_383 = arith.muli %scan3A_354, %mul3A_382 : i32
        %add3A_384 = arith.constant 2 : i32
        %add3A_385 = arith.addi %mul3A_383, %add3A_384 : i32
        %mul3A_386 = arith.constant 16 : i32
        %mul3A_387 = arith.muli %add3A_385, %mul3A_386 : i32
        %get3A_388 = arith.index_cast %mul3A_387 : i32 to index
        %get3A_389 = tpu.vector_load %arg6[%get3A_388] {strides = array<i32>} : memref<512xi32, #tpu.memory_space<vmem>>, vector<16xi32>,
        %get3A_390 = vector.shape_cast %get3A_389 : vector<16xi32> to vector<16xi32>
        %add3A_391 = arith.addi %get3A_390, %get3A_390 : vector<16xi32>
        %swap3A_392 = arith.index_cast %mul3A_387 : i32 to index
        %swap3A_393 = tpu.vector_load %arg8[%swap3A_392] {strides = array<i32>} : memref<512xi32, #tpu.memory_space<vmem>>, vector<16xi32>,
        %swap3A_394 = vector.shape_cast %swap3A_393 : vector<16xi32> to vector<16xi32>
        %swap3A_395 = vector.shape_cast %add3A_391 : vector<16xi32> to vector<16xi32>
        tpu.vector_store %arg8[%swap3A_392], %swap3A_395 {strides = array<i32>} : memref<512xi32, #tpu.memory_space<vmem>>, vector<16xi32>,
        %mul3A_396 = arith.constant 4 : i32
        %mul3A_397 = arith.muli %scan3A_354, %mul3A_396 : i32
        %add3A_398 = arith.constant 3 : i32
        %add3A_399 = arith.addi %mul3A_397, %add3A_398 : i32
        %mul3A_400 = arith.constant 16 : i32
        %mul3A_401 = arith.muli %add3A_399, %mul3A_400 : i32
        %get3A_402 = arith.index_cast %mul3A_401 : i32 to index
        %get3A_403 = tpu.vector_load %arg6[%get3A_402] {strides = array<i32>} : memref<512xi32, #tpu.memory_space<vmem>>, vector<16xi32>,
        %get3A_404 = vector.shape_cast %get3A_403 : vector<16xi32> to vector<16xi32>
        %add3A_405 = arith.addi %get3A_404, %get3A_404 : vector<16xi32>
        %swap3A_406 = arith.index_cast %mul3A_401 : i32 to index
        %swap3A_407 = tpu.vector_load %arg8[%swap3A_406] {strides = array<i32>} : memref<512xi32, #tpu.memory_space<vmem>>, vector<16xi32>,
        %swap3A_408 = vector.shape_cast %swap3A_407 : vector<16xi32> to vector<16xi32>
        %swap3A_409 = vector.shape_cast %add3A_405 : vector<16xi32> to vector<16xi32>
        tpu.vector_store %arg8[%swap3A_406], %swap3A_409 {strides = array<i32>} : memref<512xi32, #tpu.memory_space<vmem>>, vector<16xi32>,
        %scan3A_410 = arith.constant 0 : i32
        scf.yield %scan3A_410 : i32
      }
      %scan3A_285 = arith.constant 8 : i32
      %dma_wait3A_286 = arith.constant 0 : i32
      %dma_wait3A_287 = arith.constant 0 : i32
      %dma_wait3A_288 = tpu.memref_slice %arg3[%dma_wait3A_286, %dma_wait3A_287] : memref<2000000x64xf32, #tpu.memory_space<hbm>> -> memref<256x64xf32, #tpu.memory_space<hbm>>
      %dma_wait3A_289 = arith.constant 0 : i32
      %dma_wait3A_290 = arith.constant 0 : i32
      %dma_wait3A_291 = tpu.memref_slice %arg3[%dma_wait3A_289, %dma_wait3A_290] : memref<2000000x64xf32, #tpu.memory_space<hbm>> -> memref<256x64xf32, #tpu.memory_space<hbm>>
      tpu.wait_dma2 semaphore(%arg14 : memref<!tpu.dma_semaphore, #tpu.memory_space<semaphore_mem>>) src(%dma_wait3A_291 : memref<256x64xf32, #tpu.memory_space<hbm>>) dst(%arg9 : memref<256x64xf32, #tpu.memory_space<vmem>>)
      %scan3A_292 = arith.constant 0 : i32
      %scan3A_293 = arith.constant 0 : i32
      %scan3A_294 = arith.constant 32 : i32
      %scan3A_295 = arith.addi %scan3A_293, %scan3A_294 : i32
      %scan3A_296 = arith.constant 1 : i32
      %scan3A_297 = scf.for %scan3A_354 = %scan3A_293 to %scan3A_295 step %scan3A_296 iter_args(%scan3A_355 = %scan3A_292) -> (i32)  : i32 {
        %mul3A_356 = arith.constant 4 : i32
        %mul3A_357 = arith.muli %scan3A_354, %mul3A_356 : i32
        %add3A_358 = arith.constant 0 : i32
        %add3A_359 = arith.addi %mul3A_357, %add3A_358 : i32
        %mul3A_360 = arith.constant 2 : i32
        %mul3A_361 = arith.muli %mul3A_360, %add3A_359 : i32
        %add3A_362 = arith.constant 0 : i32
        %add3A_363 = arith.addi %mul3A_361, %add3A_362 : i32
        %get3A = arith.index_cast %add3A_363 : i32 to index
        %get3A_364 = arith.constant 0 : index
        %get3A_365 = tpu.vector_load %arg9[%get3A, %get3A_364] {strides = array<i32>} : memref<256x64xf32, #tpu.memory_space<vmem>>, vector<1x16xf32>,
        %get3A_366 = vector.shape_cast %get3A_365 : vector<1x16xf32> to vector<16xf32>
        %add3A_367 = arith.constant 0 : i32
        %add3A_368 = arith.addi %add3A_367, %add3A_359 : i32
        %swap3A = arith.index_cast %add3A_368 : i32 to index
        %swap3A_369 = arith.constant 0 : index
        %swap3A_370 = tpu.vector_load %arg11[%swap3A, %swap3A_369] {strides = array<i32>} : memref<256x128xf32, #tpu.memory_space<vmem>>, vector<1x16xf32>,
        %swap3A_371 = vector.shape_cast %swap3A_370 : vector<1x16xf32> to vector<16xf32>
        %swap3A_372 = vector.shape_cast %get3A_366 : vector<16xf32> to vector<1x16xf32>
        tpu.vector_store %arg11[%swap3A, %swap3A_369], %swap3A_372 {add = true, strides = array<i32>} : memref<256x128xf32, #tpu.memory_space<vmem>>, vector<1x16xf32>,
        %mul3A_373 = arith.constant 2 : i32
        %mul3A_374 = arith.muli %mul3A_373, %add3A_359 : i32
        %add3A_375 = arith.constant 0 : i32
        %add3A_376 = arith.addi %mul3A_374, %add3A_375 : i32
        %get3A_377 = arith.index_cast %add3A_376 : i32 to index
        %get3A_378 = arith.constant 16 : index
        %get3A_379 = tpu.vector_load %arg9[%get3A_377, %get3A_378] {strides = array<i32>} : memref<256x64xf32, #tpu.memory_space<vmem>>, vector<1x16xf32>,
        %get3A_380 = vector.shape_cast %get3A_379 : vector<1x16xf32> to vector<16xf32>
        %add3A_381 = arith.constant 0 : i32
        %add3A_382 = arith.addi %add3A_381, %add3A_359 : i32
        %swap3A_383 = arith.index_cast %add3A_382 : i32 to index
        %swap3A_384 = arith.constant 16 : index
        %swap3A_385 = tpu.vector_load %arg11[%swap3A_383, %swap3A_384] {strides = array<i32>} : memref<256x128xf32, #tpu.memory_space<vmem>>, vector<1x16xf32>,
        %swap3A_386 = vector.shape_cast %swap3A_385 : vector<1x16xf32> to vector<16xf32>
        %swap3A_387 = vector.shape_cast %get3A_380 : vector<16xf32> to vector<1x16xf32>
        tpu.vector_store %arg11[%swap3A_383, %swap3A_384], %swap3A_387 {add = true, strides = array<i32>} : memref<256x128xf32, #tpu.memory_space<vmem>>, vector<1x16xf32>,
        %mul3A_388 = arith.constant 2 : i32
        %mul3A_389 = arith.muli %mul3A_388, %add3A_359 : i32
        %add3A_390 = arith.constant 0 : i32
        %add3A_391 = arith.addi %mul3A_389, %add3A_390 : i32
        %get3A_392 = arith.index_cast %add3A_391 : i32 to index
        %get3A_393 = arith.constant 32 : index
        %get3A_394 = tpu.vector_load %arg9[%get3A_392, %get3A_393] {strides = array<i32>} : memref<256x64xf32, #tpu.memory_space<vmem>>, vector<1x16xf32>,
        %get3A_395 = vector.shape_cast %get3A_394 : vector<1x16xf32> to vector<16xf32>
        %add3A_396 = arith.constant 0 : i32
        %add3A_397 = arith.addi %add3A_396, %add3A_359 : i32
        %swap3A_398 = arith.index_cast %add3A_397 : i32 to index
        %swap3A_399 = arith.constant 32 : index
        %swap3A_400 = tpu.vector_load %arg11[%swap3A_398, %swap3A_399] {strides = array<i32>} : memref<256x128xf32, #tpu.memory_space<vmem>>, vector<1x16xf32>,
        %swap3A_401 = vector.shape_cast %swap3A_400 : vector<1x16xf32> to vector<16xf32>
        %swap3A_402 = vector.shape_cast %get3A_395 : vector<16xf32> to vector<1x16xf32>
        tpu.vector_store %arg11[%swap3A_398, %swap3A_399], %swap3A_402 {add = true, strides = array<i32>} : memref<256x128xf32, #tpu.memory_space<vmem>>, vector<1x16xf32>,
        %mul3A_403 = arith.constant 2 : i32
        %mul3A_404 = arith.muli %mul3A_403, %add3A_359 : i32
        %add3A_405 = arith.constant 0 : i32
        %add3A_406 = arith.addi %mul3A_404, %add3A_405 : i32
        %get3A_407 = arith.index_cast %add3A_406 : i32 to index
        %get3A_408 = arith.constant 48 : index
        %get3A_409 = tpu.vector_load %arg9[%get3A_407, %get3A_408] {strides = array<i32>} : memref<256x64xf32, #tpu.memory_space<vmem>>, vector<1x16xf32>,
        %get3A_410 = vector.shape_cast %get3A_409 : vector<1x16xf32> to vector<16xf32>
        %add3A_411 = arith.constant 0 : i32
        %add3A_412 = arith.addi %add3A_411, %add3A_359 : i32
        %swap3A_413 = arith.index_cast %add3A_412 : i32 to index
        %swap3A_414 = arith.constant 48 : index
        %swap3A_415 = tpu.vector_load %arg11[%swap3A_413, %swap3A_414] {strides = array<i32>} : memref<256x128xf32, #tpu.memory_space<vmem>>, vector<1x16xf32>,
        %swap3A_416 = vector.shape_cast %swap3A_415 : vector<1x16xf32> to vector<16xf32>
        %swap3A_417 = vector.shape_cast %get3A_410 : vector<16xf32> to vector<1x16xf32>
        tpu.vector_store %arg11[%swap3A_413, %swap3A_414], %swap3A_417 {add = true, strides = array<i32>} : memref<256x128xf32, #tpu.memory_space<vmem>>, vector<1x16xf32>,
        %mul3A_418 = arith.constant 2 : i32
        %mul3A_419 = arith.muli %mul3A_418, %add3A_359 : i32
        %add3A_420 = arith.constant 1 : i32
        %add3A_421 = arith.addi %mul3A_419, %add3A_420 : i32
        %get3A_422 = arith.index_cast %add3A_421 : i32 to index
        %get3A_423 = arith.constant 0 : index
        %get3A_424 = tpu.vector_load %arg9[%get3A_422, %get3A_423] {strides = array<i32>} : memref<256x64xf32, #tpu.memory_space<vmem>>, vector<1x16xf32>,
        %get3A_425 = vector.shape_cast %get3A_424 : vector<1x16xf32> to vector<16xf32>
        %add3A_426 = arith.constant 0 : i32
        %add3A_427 = arith.addi %add3A_426, %add3A_359 : i32
        %swap3A_428 = arith.index_cast %add3A_427 : i32 to index
        %swap3A_429 = arith.constant 64 : index
        %swap3A_430 = tpu.vector_load %arg11[%swap3A_428, %swap3A_429] {strides = array<i32>} : memref<256x128xf32, #tpu.memory_space<vmem>>, vector<1x16xf32>,
        %swap3A_431 = vector.shape_cast %swap3A_430 : vector<1x16xf32> to vector<16xf32>
        %swap3A_432 = vector.shape_cast %get3A_425 : vector<16xf32> to vector<1x16xf32>
        tpu.vector_store %arg11[%swap3A_428, %swap3A_429], %swap3A_432 {add = true, strides = array<i32>} : memref<256x128xf32, #tpu.memory_space<vmem>>, vector<1x16xf32>,
        %mul3A_433 = arith.constant 2 : i32
        %mul3A_434 = arith.muli %mul3A_433, %add3A_359 : i32
        %add3A_435 = arith.constant 1 : i32
        %add3A_436 = arith.addi %mul3A_434, %add3A_435 : i32
        %get3A_437 = arith.index_cast %add3A_436 : i32 to index
        %get3A_438 = arith.constant 16 : index
        %get3A_439 = tpu.vector_load %arg9[%get3A_437, %get3A_438] {strides = array<i32>} : memref<256x64xf32, #tpu.memory_space<vmem>>, vector<1x16xf32>,
        %get3A_440 = vector.shape_cast %get3A_439 : vector<1x16xf32> to vector<16xf32>
        %add3A_441 = arith.constant 0 : i32
        %add3A_442 = arith.addi %add3A_441, %add3A_359 : i32
        %swap3A_443 = arith.index_cast %add3A_442 : i32 to index
        %swap3A_444 = arith.constant 80 : index
        %swap3A_445 = tpu.vector_load %arg11[%swap3A_443, %swap3A_444] {strides = array<i32>} : memref<256x128xf32, #tpu.memory_space<vmem>>, vector<1x16xf32>,
        %swap3A_446 = vector.shape_cast %swap3A_445 : vector<1x16xf32> to vector<16xf32>
        %swap3A_447 = vector.shape_cast %get3A_440 : vector<16xf32> to vector<1x16xf32>
        tpu.vector_store %arg11[%swap3A_443, %swap3A_444], %swap3A_447 {add = true, strides = array<i32>} : memref<256x128xf32, #tpu.memory_space<vmem>>, vector<1x16xf32>,
        %mul3A_448 = arith.constant 2 : i32
        %mul3A_449 = arith.muli %mul3A_448, %add3A_359 : i32
        %add3A_450 = arith.constant 1 : i32
        %add3A_451 = arith.addi %mul3A_449, %add3A_450 : i32
        %get3A_452 = arith.index_cast %add3A_451 : i32 to index
        %get3A_453 = arith.constant 32 : index
        %get3A_454 = tpu.vector_load %arg9[%get3A_452, %get3A_453] {strides = array<i32>} : memref<256x64xf32, #tpu.memory_space<vmem>>, vector<1x16xf32>,
        %get3A_455 = vector.shape_cast %get3A_454 : vector<1x16xf32> to vector<16xf32>
        %add3A_456 = arith.constant 0 : i32
        %add3A_457 = arith.addi %add3A_456, %add3A_359 : i32
        %swap3A_458 = arith.index_cast %add3A_457 : i32 to index
        %swap3A_459 = arith.constant 96 : index
        %swap3A_460 = tpu.vector_load %arg11[%swap3A_458, %swap3A_459] {strides = array<i32>} : memref<256x128xf32, #tpu.memory_space<vmem>>, vector<1x16xf32>,
        %swap3A_461 = vector.shape_cast %swap3A_460 : vector<1x16xf32> to vector<16xf32>
        %swap3A_462 = vector.shape_cast %get3A_455 : vector<16xf32> to vector<1x16xf32>
        tpu.vector_store %arg11[%swap3A_458, %swap3A_459], %swap3A_462 {add = true, strides = array<i32>} : memref<256x128xf32, #tpu.memory_space<vmem>>, vector<1x16xf32>,
        %mul3A_463 = arith.constant 2 : i32
        %mul3A_464 = arith.muli %mul3A_463, %add3A_359 : i32
        %add3A_465 = arith.constant 1 : i32
        %add3A_466 = arith.addi %mul3A_464, %add3A_465 : i32
        %get3A_467 = arith.index_cast %add3A_466 : i32 to index
        %get3A_468 = arith.constant 48 : index
        %get3A_469 = tpu.vector_load %arg9[%get3A_467, %get3A_468] {strides = array<i32>} : memref<256x64xf32, #tpu.memory_space<vmem>>, vector<1x16xf32>,
        %get3A_470 = vector.shape_cast %get3A_469 : vector<1x16xf32> to vector<16xf32>
        %add3A_471 = arith.constant 0 : i32
        %add3A_472 = arith.addi %add3A_471, %add3A_359 : i32
        %swap3A_473 = arith.index_cast %add3A_472 : i32 to index
        %swap3A_474 = arith.constant 112 : index
        %swap3A_475 = tpu.vector_load %arg11[%swap3A_473, %swap3A_474] {strides = array<i32>} : memref<256x128xf32, #tpu.memory_space<vmem>>, vector<1x16xf32>,
        %swap3A_476 = vector.shape_cast %swap3A_475 : vector<1x16xf32> to vector<16xf32>
        %swap3A_477 = vector.shape_cast %get3A_470 : vector<16xf32> to vector<1x16xf32>
        tpu.vector_store %arg11[%swap3A_473, %swap3A_474], %swap3A_477 {add = true, strides = array<i32>} : memref<256x128xf32, #tpu.memory_space<vmem>>, vector<1x16xf32>,
        %mul3A_478 = arith.constant 4 : i32
        %mul3A_479 = arith.muli %scan3A_354, %mul3A_478 : i32
        %add3A_480 = arith.constant 1 : i32
        %add3A_481 = arith.addi %mul3A_479, %add3A_480 : i32
        %mul3A_482 = arith.constant 2 : i32
        %mul3A_483 = arith.muli %mul3A_482, %add3A_481 : i32
        %add3A_484 = arith.constant 0 : i32
        %add3A_485 = arith.addi %mul3A_483, %add3A_484 : i32
        %get3A_486 = arith.index_cast %add3A_485 : i32 to index
        %get3A_487 = arith.constant 0 : index
        %get3A_488 = tpu.vector_load %arg9[%get3A_486, %get3A_487] {strides = array<i32>} : memref<256x64xf32, #tpu.memory_space<vmem>>, vector<1x16xf32>,
        %get3A_489 = vector.shape_cast %get3A_488 : vector<1x16xf32> to vector<16xf32>
        %add3A_490 = arith.constant 0 : i32
        %add3A_491 = arith.addi %add3A_490, %add3A_481 : i32
        %swap3A_492 = arith.index_cast %add3A_491 : i32 to index
        %swap3A_493 = arith.constant 0 : index
        %swap3A_494 = tpu.vector_load %arg11[%swap3A_492, %swap3A_493] {strides = array<i32>} : memref<256x128xf32, #tpu.memory_space<vmem>>, vector<1x16xf32>,
        %swap3A_495 = vector.shape_cast %swap3A_494 : vector<1x16xf32> to vector<16xf32>
        %swap3A_496 = vector.shape_cast %get3A_489 : vector<16xf32> to vector<1x16xf32>
        tpu.vector_store %arg11[%swap3A_492, %swap3A_493], %swap3A_496 {add = true, strides = array<i32>} : memref<256x128xf32, #tpu.memory_space<vmem>>, vector<1x16xf32>,
        %mul3A_497 = arith.constant 2 : i32
        %mul3A_498 = arith.muli %mul3A_497, %add3A_481 : i32
        %add3A_499 = arith.constant 0 : i32
        %add3A_500 = arith.addi %mul3A_498, %add3A_499 : i32
        %get3A_501 = arith.index_cast %add3A_500 : i32 to index
        %get3A_502 = arith.constant 16 : index
        %get3A_503 = tpu.vector_load %arg9[%get3A_501, %get3A_502] {strides = array<i32>} : memref<256x64xf32, #tpu.memory_space<vmem>>, vector<1x16xf32>,
        %get3A_504 = vector.shape_cast %get3A_503 : vector<1x16xf32> to vector<16xf32>
        %add3A_505 = arith.constant 0 : i32
        %add3A_506 = arith.addi %add3A_505, %add3A_481 : i32
        %swap3A_507 = arith.index_cast %add3A_506 : i32 to index
        %swap3A_508 = arith.constant 16 : index
        %swap3A_509 = tpu.vector_load %arg11[%swap3A_507, %swap3A_508] {strides = array<i32>} : memref<256x128xf32, #tpu.memory_space<vmem>>, vector<1x16xf32>,
        %swap3A_510 = vector.shape_cast %swap3A_509 : vector<1x16xf32> to vector<16xf32>
        %swap3A_511 = vector.shape_cast %get3A_504 : vector<16xf32> to vector<1x16xf32>
        tpu.vector_store %arg11[%swap3A_507, %swap3A_508], %swap3A_511 {add = true, strides = array<i32>} : memref<256x128xf32, #tpu.memory_space<vmem>>, vector<1x16xf32>,
        %mul3A_512 = arith.constant 2 : i32
        %mul3A_513 = arith.muli %mul3A_512, %add3A_481 : i32
        %add3A_514 = arith.constant 0 : i32
        %add3A_515 = arith.addi %mul3A_513, %add3A_514 : i32
        %get3A_516 = arith.index_cast %add3A_515 : i32 to index
        %get3A_517 = arith.constant 32 : index
        %get3A_518 = tpu.vector_load %arg9[%get3A_516, %get3A_517] {strides = array<i32>} : memref<256x64xf32, #tpu.memory_space<vmem>>, vector<1x16xf32>,
        %get3A_519 = vector.shape_cast %get3A_518 : vector<1x16xf32> to vector<16xf32>
        %add3A_520 = arith.constant 0 : i32
        %add3A_521 = arith.addi %add3A_520, %add3A_481 : i32
        %swap3A_522 = arith.index_cast %add3A_521 : i32 to index
        %swap3A_523 = arith.constant 32 : index
        %swap3A_524 = tpu.vector_load %arg11[%swap3A_522, %swap3A_523] {strides = array<i32>} : memref<256x128xf32, #tpu.memory_space<vmem>>, vector<1x16xf32>,
        %swap3A_525 = vector.shape_cast %swap3A_524 : vector<1x16xf32> to vector<16xf32>
        %swap3A_526 = vector.shape_cast %get3A_519 : vector<16xf32> to vector<1x16xf32>
        tpu.vector_store %arg11[%swap3A_522, %swap3A_523], %swap3A_526 {add = true, strides = array<i32>} : memref<256x128xf32, #tpu.memory_space<vmem>>, vector<1x16xf32>,
        %mul3A_527 = arith.constant 2 : i32
        %mul3A_528 = arith.muli %mul3A_527, %add3A_481 : i32
        %add3A_529 = arith.constant 0 : i32
        %add3A_530 = arith.addi %mul3A_528, %add3A_529 : i32
        %get3A_531 = arith.index_cast %add3A_530 : i32 to index
        %get3A_532 = arith.constant 48 : index
        %get3A_533 = tpu.vector_load %arg9[%get3A_531, %get3A_532] {strides = array<i32>} : memref<256x64xf32, #tpu.memory_space<vmem>>, vector<1x16xf32>,
        %get3A_534 = vector.shape_cast %get3A_533 : vector<1x16xf32> to vector<16xf32>
        %add3A_535 = arith.constant 0 : i32
        %add3A_536 = arith.addi %add3A_535, %add3A_481 : i32
        %swap3A_537 = arith.index_cast %add3A_536 : i32 to index
        %swap3A_538 = arith.constant 48 : index
        %swap3A_539 = tpu.vector_load %arg11[%swap3A_537, %swap3A_538] {strides = array<i32>} : memref<256x128xf32, #tpu.memory_space<vmem>>, vector<1x16xf32>,
        %swap3A_540 = vector.shape_cast %swap3A_539 : vector<1x16xf32> to vector<16xf32>
        %swap3A_541 = vector.shape_cast %get3A_534 : vector<16xf32> to vector<1x16xf32>
        tpu.vector_store %arg11[%swap3A_537, %swap3A_538], %swap3A_541 {add = true, strides = array<i32>} : memref<256x128xf32, #tpu.memory_space<vmem>>, vector<1x16xf32>,
        %mul3A_542 = arith.constant 2 : i32
        %mul3A_543 = arith.muli %mul3A_542, %add3A_481 : i32
        %add3A_544 = arith.constant 1 : i32
        %add3A_545 = arith.addi %mul3A_543, %add3A_544 : i32
        %get3A_546 = arith.index_cast %add3A_545 : i32 to index
        %get3A_547 = arith.constant 0 : index
        %get3A_548 = tpu.vector_load %arg9[%get3A_546, %get3A_547] {strides = array<i32>} : memref<256x64xf32, #tpu.memory_space<vmem>>, vector<1x16xf32>,
        %get3A_549 = vector.shape_cast %get3A_548 : vector<1x16xf32> to vector<16xf32>
        %add3A_550 = arith.constant 0 : i32
        %add3A_551 = arith.addi %add3A_550, %add3A_481 : i32
        %swap3A_552 = arith.index_cast %add3A_551 : i32 to index
        %swap3A_553 = arith.constant 64 : index
        %swap3A_554 = tpu.vector_load %arg11[%swap3A_552, %swap3A_553] {strides = array<i32>} : memref<256x128xf32, #tpu.memory_space<vmem>>, vector<1x16xf32>,
        %swap3A_555 = vector.shape_cast %swap3A_554 : vector<1x16xf32> to vector<16xf32>
        %swap3A_556 = vector.shape_cast %get3A_549 : vector<16xf32> to vector<1x16xf32>
        tpu.vector_store %arg11[%swap3A_552, %swap3A_553], %swap3A_556 {add = true, strides = array<i32>} : memref<256x128xf32, #tpu.memory_space<vmem>>, vector<1x16xf32>,
        %mul3A_557 = arith.constant 2 : i32
        %mul3A_558 = arith.muli %mul3A_557, %add3A_481 : i32
        %add3A_559 = arith.constant 1 : i32
        %add3A_560 = arith.addi %mul3A_558, %add3A_559 : i32
        %get3A_561 = arith.index_cast %add3A_560 : i32 to index
        %get3A_562 = arith.constant 16 : index
        %get3A_563 = tpu.vector_load %arg9[%get3A_561, %get3A_562] {strides = array<i32>} : memref<256x64xf32, #tpu.memory_space<vmem>>, vector<1x16xf32>,
        %get3A_564 = vector.shape_cast %get3A_563 : vector<1x16xf32> to vector<16xf32>
        %add3A_565 = arith.constant 0 : i32
        %add3A_566 = arith.addi %add3A_565, %add3A_481 : i32
        %swap3A_567 = arith.index_cast %add3A_566 : i32 to index
        %swap3A_568 = arith.constant 80 : index
        %swap3A_569 = tpu.vector_load %arg11[%swap3A_567, %swap3A_568] {strides = array<i32>} : memref<256x128xf32, #tpu.memory_space<vmem>>, vector<1x16xf32>,
        %swap3A_570 = vector.shape_cast %swap3A_569 : vector<1x16xf32> to vector<16xf32>
        %swap3A_571 = vector.shape_cast %get3A_564 : vector<16xf32> to vector<1x16xf32>
        tpu.vector_store %arg11[%swap3A_567, %swap3A_568], %swap3A_571 {add = true, strides = array<i32>} : memref<256x128xf32, #tpu.memory_space<vmem>>, vector<1x16xf32>,
        %mul3A_572 = arith.constant 2 : i32
        %mul3A_573 = arith.muli %mul3A_572, %add3A_481 : i32
        %add3A_574 = arith.constant 1 : i32
        %add3A_575 = arith.addi %mul3A_573, %add3A_574 : i32
        %get3A_576 = arith.index_cast %add3A_575 : i32 to index
        %get3A_577 = arith.constant 32 : index
        %get3A_578 = tpu.vector_load %arg9[%get3A_576, %get3A_577] {strides = array<i32>} : memref<256x64xf32, #tpu.memory_space<vmem>>, vector<1x16xf32>,
        %get3A_579 = vector.shape_cast %get3A_578 : vector<1x16xf32> to vector<16xf32>
        %add3A_580 = arith.constant 0 : i32
        %add3A_581 = arith.addi %add3A_580, %add3A_481 : i32
        %swap3A_582 = arith.index_cast %add3A_581 : i32 to index
        %swap3A_583 = arith.constant 96 : index
        %swap3A_584 = tpu.vector_load %arg11[%swap3A_582, %swap3A_583] {strides = array<i32>} : memref<256x128xf32, #tpu.memory_space<vmem>>, vector<1x16xf32>,
        %swap3A_585 = vector.shape_cast %swap3A_584 : vector<1x16xf32> to vector<16xf32>
        %swap3A_586 = vector.shape_cast %get3A_579 : vector<16xf32> to vector<1x16xf32>
        tpu.vector_store %arg11[%swap3A_582, %swap3A_583], %swap3A_586 {add = true, strides = array<i32>} : memref<256x128xf32, #tpu.memory_space<vmem>>, vector<1x16xf32>,
        %mul3A_587 = arith.constant 2 : i32
        %mul3A_588 = arith.muli %mul3A_587, %add3A_481 : i32
        %add3A_589 = arith.constant 1 : i32
        %add3A_590 = arith.addi %mul3A_588, %add3A_589 : i32
        %get3A_591 = arith.index_cast %add3A_590 : i32 to index
        %get3A_592 = arith.constant 48 : index
        %get3A_593 = tpu.vector_load %arg9[%get3A_591, %get3A_592] {strides = array<i32>} : memref<256x64xf32, #tpu.memory_space<vmem>>, vector<1x16xf32>,
        %get3A_594 = vector.shape_cast %get3A_593 : vector<1x16xf32> to vector<16xf32>
        %add3A_595 = arith.constant 0 : i32
        %add3A_596 = arith.addi %add3A_595, %add3A_481 : i32
        %swap3A_597 = arith.index_cast %add3A_596 : i32 to index
        %swap3A_598 = arith.constant 112 : index
        %swap3A_599 = tpu.vector_load %arg11[%swap3A_597, %swap3A_598] {strides = array<i32>} : memref<256x128xf32, #tpu.memory_space<vmem>>, vector<1x16xf32>,
        %swap3A_600 = vector.shape_cast %swap3A_599 : vector<1x16xf32> to vector<16xf32>
        %swap3A_601 = vector.shape_cast %get3A_594 : vector<16xf32> to vector<1x16xf32>
        tpu.vector_store %arg11[%swap3A_597, %swap3A_598], %swap3A_601 {add = true, strides = array<i32>} : memref<256x128xf32, #tpu.memory_space<vmem>>, vector<1x16xf32>,
        %mul3A_602 = arith.constant 4 : i32
        %mul3A_603 = arith.muli %scan3A_354, %mul3A_602 : i32
        %add3A_604 = arith.constant 2 : i32
        %add3A_605 = arith.addi %mul3A_603, %add3A_604 : i32
        %mul3A_606 = arith.constant 2 : i32
        %mul3A_607 = arith.muli %mul3A_606, %add3A_605 : i32
        %add3A_608 = arith.constant 0 : i32
        %add3A_609 = arith.addi %mul3A_607, %add3A_608 : i32
        %get3A_610 = arith.index_cast %add3A_609 : i32 to index
        %get3A_611 = arith.constant 0 : index
        %get3A_612 = tpu.vector_load %arg9[%get3A_610, %get3A_611] {strides = array<i32>} : memref<256x64xf32, #tpu.memory_space<vmem>>, vector<1x16xf32>,
        %get3A_613 = vector.shape_cast %get3A_612 : vector<1x16xf32> to vector<16xf32>
        %add3A_614 = arith.constant 0 : i32
        %add3A_615 = arith.addi %add3A_614, %add3A_605 : i32
        %swap3A_616 = arith.index_cast %add3A_615 : i32 to index
        %swap3A_617 = arith.constant 0 : index
        %swap3A_618 = tpu.vector_load %arg11[%swap3A_616, %swap3A_617] {strides = array<i32>} : memref<256x128xf32, #tpu.memory_space<vmem>>, vector<1x16xf32>,
        %swap3A_619 = vector.shape_cast %swap3A_618 : vector<1x16xf32> to vector<16xf32>
        %swap3A_620 = vector.shape_cast %get3A_613 : vector<16xf32> to vector<1x16xf32>
        tpu.vector_store %arg11[%swap3A_616, %swap3A_617], %swap3A_620 {add = true, strides = array<i32>} : memref<256x128xf32, #tpu.memory_space<vmem>>, vector<1x16xf32>,
        %mul3A_621 = arith.constant 2 : i32
        %mul3A_622 = arith.muli %mul3A_621, %add3A_605 : i32
        %add3A_623 = arith.constant 0 : i32
        %add3A_624 = arith.addi %mul3A_622, %add3A_623 : i32
        %get3A_625 = arith.index_cast %add3A_624 : i32 to index
        %get3A_626 = arith.constant 16 : index
        %get3A_627 = tpu.vector_load %arg9[%get3A_625, %get3A_626] {strides = array<i32>} : memref<256x64xf32, #tpu.memory_space<vmem>>, vector<1x16xf32>,
        %get3A_628 = vector.shape_cast %get3A_627 : vector<1x16xf32> to vector<16xf32>
        %add3A_629 = arith.constant 0 : i32
        %add3A_630 = arith.addi %add3A_629, %add3A_605 : i32
        %swap3A_631 = arith.index_cast %add3A_630 : i32 to index
        %swap3A_632 = arith.constant 16 : index
        %swap3A_633 = tpu.vector_load %arg11[%swap3A_631, %swap3A_632] {strides = array<i32>} : memref<256x128xf32, #tpu.memory_space<vmem>>, vector<1x16xf32>,
        %swap3A_634 = vector.shape_cast %swap3A_633 : vector<1x16xf32> to vector<16xf32>
        %swap3A_635 = vector.shape_cast %get3A_628 : vector<16xf32> to vector<1x16xf32>
        tpu.vector_store %arg11[%swap3A_631, %swap3A_632], %swap3A_635 {add = true, strides = array<i32>} : memref<256x128xf32, #tpu.memory_space<vmem>>, vector<1x16xf32>,
        %mul3A_636 = arith.constant 2 : i32
        %mul3A_637 = arith.muli %mul3A_636, %add3A_605 : i32
        %add3A_638 = arith.constant 0 : i32
        %add3A_639 = arith.addi %mul3A_637, %add3A_638 : i32
        %get3A_640 = arith.index_cast %add3A_639 : i32 to index
        %get3A_641 = arith.constant 32 : index
        %get3A_642 = tpu.vector_load %arg9[%get3A_640, %get3A_641] {strides = array<i32>} : memref<256x64xf32, #tpu.memory_space<vmem>>, vector<1x16xf32>,
        %get3A_643 = vector.shape_cast %get3A_642 : vector<1x16xf32> to vector<16xf32>
        %add3A_644 = arith.constant 0 : i32
        %add3A_645 = arith.addi %add3A_644, %add3A_605 : i32
        %swap3A_646 = arith.index_cast %add3A_645 : i32 to index
        %swap3A_647 = arith.constant 32 : index
        %swap3A_648 = tpu.vector_load %arg11[%swap3A_646, %swap3A_647] {strides = array<i32>} : memref<256x128xf32, #tpu.memory_space<vmem>>, vector<1x16xf32>,
        %swap3A_649 = vector.shape_cast %swap3A_648 : vector<1x16xf32> to vector<16xf32>
        %swap3A_650 = vector.shape_cast %get3A_643 : vector<16xf32> to vector<1x16xf32>
        tpu.vector_store %arg11[%swap3A_646, %swap3A_647], %swap3A_650 {add = true, strides = array<i32>} : memref<256x128xf32, #tpu.memory_space<vmem>>, vector<1x16xf32>,
        %mul3A_651 = arith.constant 2 : i32
        %mul3A_652 = arith.muli %mul3A_651, %add3A_605 : i32
        %add3A_653 = arith.constant 0 : i32
        %add3A_654 = arith.addi %mul3A_652, %add3A_653 : i32
        %get3A_655 = arith.index_cast %add3A_654 : i32 to index
        %get3A_656 = arith.constant 48 : index
        %get3A_657 = tpu.vector_load %arg9[%get3A_655, %get3A_656] {strides = array<i32>} : memref<256x64xf32, #tpu.memory_space<vmem>>, vector<1x16xf32>,
        %get3A_658 = vector.shape_cast %get3A_657 : vector<1x16xf32> to vector<16xf32>
        %add3A_659 = arith.constant 0 : i32
        %add3A_660 = arith.addi %add3A_659, %add3A_605 : i32
        %swap3A_661 = arith.index_cast %add3A_660 : i32 to index
        %swap3A_662 = arith.constant 48 : index
        %swap3A_663 = tpu.vector_load %arg11[%swap3A_661, %swap3A_662] {strides = array<i32>} : memref<256x128xf32, #tpu.memory_space<vmem>>, vector<1x16xf32>,
        %swap3A_664 = vector.shape_cast %swap3A_663 : vector<1x16xf32> to vector<16xf32>
        %swap3A_665 = vector.shape_cast %get3A_658 : vector<16xf32> to vector<1x16xf32>
        tpu.vector_store %arg11[%swap3A_661, %swap3A_662], %swap3A_665 {add = true, strides = array<i32>} : memref<256x128xf32, #tpu.memory_space<vmem>>, vector<1x16xf32>,
        %mul3A_666 = arith.constant 2 : i32
        %mul3A_667 = arith.muli %mul3A_666, %add3A_605 : i32
        %add3A_668 = arith.constant 1 : i32
        %add3A_669 = arith.addi %mul3A_667, %add3A_668 : i32
        %get3A_670 = arith.index_cast %add3A_669 : i32 to index
        %get3A_671 = arith.constant 0 : index
        %get3A_672 = tpu.vector_load %arg9[%get3A_670, %get3A_671] {strides = array<i32>} : memref<256x64xf32, #tpu.memory_space<vmem>>, vector<1x16xf32>,
        %get3A_673 = vector.shape_cast %get3A_672 : vector<1x16xf32> to vector<16xf32>
        %add3A_674 = arith.constant 0 : i32
        %add3A_675 = arith.addi %add3A_674, %add3A_605 : i32
        %swap3A_676 = arith.index_cast %add3A_675 : i32 to index
        %swap3A_677 = arith.constant 64 : index
        %swap3A_678 = tpu.vector_load %arg11[%swap3A_676, %swap3A_677] {strides = array<i32>} : memref<256x128xf32, #tpu.memory_space<vmem>>, vector<1x16xf32>,
        %swap3A_679 = vector.shape_cast %swap3A_678 : vector<1x16xf32> to vector<16xf32>
        %swap3A_680 = vector.shape_cast %get3A_673 : vector<16xf32> to vector<1x16xf32>
        tpu.vector_store %arg11[%swap3A_676, %swap3A_677], %swap3A_680 {add = true, strides = array<i32>} : memref<256x128xf32, #tpu.memory_space<vmem>>, vector<1x16xf32>,
        %mul3A_681 = arith.constant 2 : i32
        %mul3A_682 = arith.muli %mul3A_681, %add3A_605 : i32
        %add3A_683 = arith.constant 1 : i32
        %add3A_684 = arith.addi %mul3A_682, %add3A_683 : i32
        %get3A_685 = arith.index_cast %add3A_684 : i32 to index
        %get3A_686 = arith.constant 16 : index
        %get3A_687 = tpu.vector_load %arg9[%get3A_685, %get3A_686] {strides = array<i32>} : memref<256x64xf32, #tpu.memory_space<vmem>>, vector<1x16xf32>,
        %get3A_688 = vector.shape_cast %get3A_687 : vector<1x16xf32> to vector<16xf32>
        %add3A_689 = arith.constant 0 : i32
        %add3A_690 = arith.addi %add3A_689, %add3A_605 : i32
        %swap3A_691 = arith.index_cast %add3A_690 : i32 to index
        %swap3A_692 = arith.constant 80 : index
        %swap3A_693 = tpu.vector_load %arg11[%swap3A_691, %swap3A_692] {strides = array<i32>} : memref<256x128xf32, #tpu.memory_space<vmem>>, vector<1x16xf32>,
        %swap3A_694 = vector.shape_cast %swap3A_693 : vector<1x16xf32> to vector<16xf32>
        %swap3A_695 = vector.shape_cast %get3A_688 : vector<16xf32> to vector<1x16xf32>
        tpu.vector_store %arg11[%swap3A_691, %swap3A_692], %swap3A_695 {add = true, strides = array<i32>} : memref<256x128xf32, #tpu.memory_space<vmem>>, vector<1x16xf32>,
        %mul3A_696 = arith.constant 2 : i32
        %mul3A_697 = arith.muli %mul3A_696, %add3A_605 : i32
        %add3A_698 = arith.constant 1 : i32
        %add3A_699 = arith.addi %mul3A_697, %add3A_698 : i32
        %get3A_700 = arith.index_cast %add3A_699 : i32 to index
        %get3A_701 = arith.constant 32 : index
        %get3A_702 = tpu.vector_load %arg9[%get3A_700, %get3A_701] {strides = array<i32>} : memref<256x64xf32, #tpu.memory_space<vmem>>, vector<1x16xf32>,
        %get3A_703 = vector.shape_cast %get3A_702 : vector<1x16xf32> to vector<16xf32>
        %add3A_704 = arith.constant 0 : i32
        %add3A_705 = arith.addi %add3A_704, %add3A_605 : i32
        %swap3A_706 = arith.index_cast %add3A_705 : i32 to index
        %swap3A_707 = arith.constant 96 : index
        %swap3A_708 = tpu.vector_load %arg11[%swap3A_706, %swap3A_707] {strides = array<i32>} : memref<256x128xf32, #tpu.memory_space<vmem>>, vector<1x16xf32>,
        %swap3A_709 = vector.shape_cast %swap3A_708 : vector<1x16xf32> to vector<16xf32>
        %swap3A_710 = vector.shape_cast %get3A_703 : vector<16xf32> to vector<1x16xf32>
        tpu.vector_store %arg11[%swap3A_706, %swap3A_707], %swap3A_710 {add = true, strides = array<i32>} : memref<256x128xf32, #tpu.memory_space<vmem>>, vector<1x16xf32>,
        %mul3A_711 = arith.constant 2 : i32
        %mul3A_712 = arith.muli %mul3A_711, %add3A_605 : i32
        %add3A_713 = arith.constant 1 : i32
        %add3A_714 = arith.addi %mul3A_712, %add3A_713 : i32
        %get3A_715 = arith.index_cast %add3A_714 : i32 to index
        %get3A_716 = arith.constant 48 : index
        %get3A_717 = tpu.vector_load %arg9[%get3A_715, %get3A_716] {strides = array<i32>} : memref<256x64xf32, #tpu.memory_space<vmem>>, vector<1x16xf32>,
        %get3A_718 = vector.shape_cast %get3A_717 : vector<1x16xf32> to vector<16xf32>
        %add3A_719 = arith.constant 0 : i32
        %add3A_720 = arith.addi %add3A_719, %add3A_605 : i32
        %swap3A_721 = arith.index_cast %add3A_720 : i32 to index
        %swap3A_722 = arith.constant 112 : index
        %swap3A_723 = tpu.vector_load %arg11[%swap3A_721, %swap3A_722] {strides = array<i32>} : memref<256x128xf32, #tpu.memory_space<vmem>>, vector<1x16xf32>,
        %swap3A_724 = vector.shape_cast %swap3A_723 : vector<1x16xf32> to vector<16xf32>
        %swap3A_725 = vector.shape_cast %get3A_718 : vector<16xf32> to vector<1x16xf32>
        tpu.vector_store %arg11[%swap3A_721, %swap3A_722], %swap3A_725 {add = true, strides = array<i32>} : memref<256x128xf32, #tpu.memory_space<vmem>>, vector<1x16xf32>,
        %mul3A_726 = arith.constant 4 : i32
        %mul3A_727 = arith.muli %scan3A_354, %mul3A_726 : i32
        %add3A_728 = arith.constant 3 : i32
        %add3A_729 = arith.addi %mul3A_727, %add3A_728 : i32
        %mul3A_730 = arith.constant 2 : i32
        %mul3A_731 = arith.muli %mul3A_730, %add3A_729 : i32
        %add3A_732 = arith.constant 0 : i32
        %add3A_733 = arith.addi %mul3A_731, %add3A_732 : i32
        %get3A_734 = arith.index_cast %add3A_733 : i32 to index
        %get3A_735 = arith.constant 0 : index
        %get3A_736 = tpu.vector_load %arg9[%get3A_734, %get3A_735] {strides = array<i32>} : memref<256x64xf32, #tpu.memory_space<vmem>>, vector<1x16xf32>,
        %get3A_737 = vector.shape_cast %get3A_736 : vector<1x16xf32> to vector<16xf32>
        %add3A_738 = arith.constant 0 : i32
        %add3A_739 = arith.addi %add3A_738, %add3A_729 : i32
        %swap3A_740 = arith.index_cast %add3A_739 : i32 to index
        %swap3A_741 = arith.constant 0 : index
        %swap3A_742 = tpu.vector_load %arg11[%swap3A_740, %swap3A_741] {strides = array<i32>} : memref<256x128xf32, #tpu.memory_space<vmem>>, vector<1x16xf32>,
        %swap3A_743 = vector.shape_cast %swap3A_742 : vector<1x16xf32> to vector<16xf32>
        %swap3A_744 = vector.shape_cast %get3A_737 : vector<16xf32> to vector<1x16xf32>
        tpu.vector_store %arg11[%swap3A_740, %swap3A_741], %swap3A_744 {add = true, strides = array<i32>} : memref<256x128xf32, #tpu.memory_space<vmem>>, vector<1x16xf32>,
        %mul3A_745 = arith.constant 2 : i32
        %mul3A_746 = arith.muli %mul3A_745, %add3A_729 : i32
        %add3A_747 = arith.constant 0 : i32
        %add3A_748 = arith.addi %mul3A_746, %add3A_747 : i32
        %get3A_749 = arith.index_cast %add3A_748 : i32 to index
        %get3A_750 = arith.constant 16 : index
        %get3A_751 = tpu.vector_load %arg9[%get3A_749, %get3A_750] {strides = array<i32>} : memref<256x64xf32, #tpu.memory_space<vmem>>, vector<1x16xf32>,
        %get3A_752 = vector.shape_cast %get3A_751 : vector<1x16xf32> to vector<16xf32>
        %add3A_753 = arith.constant 0 : i32
        %add3A_754 = arith.addi %add3A_753, %add3A_729 : i32
        %swap3A_755 = arith.index_cast %add3A_754 : i32 to index
        %swap3A_756 = arith.constant 16 : index
        %swap3A_757 = tpu.vector_load %arg11[%swap3A_755, %swap3A_756] {strides = array<i32>} : memref<256x128xf32, #tpu.memory_space<vmem>>, vector<1x16xf32>,
        %swap3A_758 = vector.shape_cast %swap3A_757 : vector<1x16xf32> to vector<16xf32>
        %swap3A_759 = vector.shape_cast %get3A_752 : vector<16xf32> to vector<1x16xf32>
        tpu.vector_store %arg11[%swap3A_755, %swap3A_756], %swap3A_759 {add = true, strides = array<i32>} : memref<256x128xf32, #tpu.memory_space<vmem>>, vector<1x16xf32>,
        %mul3A_760 = arith.constant 2 : i32
        %mul3A_761 = arith.muli %mul3A_760, %add3A_729 : i32
        %add3A_762 = arith.constant 0 : i32
        %add3A_763 = arith.addi %mul3A_761, %add3A_762 : i32
        %get3A_764 = arith.index_cast %add3A_763 : i32 to index
        %get3A_765 = arith.constant 32 : index
        %get3A_766 = tpu.vector_load %arg9[%get3A_764, %get3A_765] {strides = array<i32>} : memref<256x64xf32, #tpu.memory_space<vmem>>, vector<1x16xf32>,
        %get3A_767 = vector.shape_cast %get3A_766 : vector<1x16xf32> to vector<16xf32>
        %add3A_768 = arith.constant 0 : i32
        %add3A_769 = arith.addi %add3A_768, %add3A_729 : i32
        %swap3A_770 = arith.index_cast %add3A_769 : i32 to index
        %swap3A_771 = arith.constant 32 : index
        %swap3A_772 = tpu.vector_load %arg11[%swap3A_770, %swap3A_771] {strides = array<i32>} : memref<256x128xf32, #tpu.memory_space<vmem>>, vector<1x16xf32>,
        %swap3A_773 = vector.shape_cast %swap3A_772 : vector<1x16xf32> to vector<16xf32>
        %swap3A_774 = vector.shape_cast %get3A_767 : vector<16xf32> to vector<1x16xf32>
        tpu.vector_store %arg11[%swap3A_770, %swap3A_771], %swap3A_774 {add = true, strides = array<i32>} : memref<256x128xf32, #tpu.memory_space<vmem>>, vector<1x16xf32>,
        %mul3A_775 = arith.constant 2 : i32
        %mul3A_776 = arith.muli %mul3A_775, %add3A_729 : i32
        %add3A_777 = arith.constant 0 : i32
        %add3A_778 = arith.addi %mul3A_776, %add3A_777 : i32
        %get3A_779 = arith.index_cast %add3A_778 : i32 to index
        %get3A_780 = arith.constant 48 : index
        %get3A_781 = tpu.vector_load %arg9[%get3A_779, %get3A_780] {strides = array<i32>} : memref<256x64xf32, #tpu.memory_space<vmem>>, vector<1x16xf32>,
        %get3A_782 = vector.shape_cast %get3A_781 : vector<1x16xf32> to vector<16xf32>
        %add3A_783 = arith.constant 0 : i32
        %add3A_784 = arith.addi %add3A_783, %add3A_729 : i32
        %swap3A_785 = arith.index_cast %add3A_784 : i32 to index
        %swap3A_786 = arith.constant 48 : index
        %swap3A_787 = tpu.vector_load %arg11[%swap3A_785, %swap3A_786] {strides = array<i32>} : memref<256x128xf32, #tpu.memory_space<vmem>>, vector<1x16xf32>,
        %swap3A_788 = vector.shape_cast %swap3A_787 : vector<1x16xf32> to vector<16xf32>
        %swap3A_789 = vector.shape_cast %get3A_782 : vector<16xf32> to vector<1x16xf32>
        tpu.vector_store %arg11[%swap3A_785, %swap3A_786], %swap3A_789 {add = true, strides = array<i32>} : memref<256x128xf32, #tpu.memory_space<vmem>>, vector<1x16xf32>,
        %mul3A_790 = arith.constant 2 : i32
        %mul3A_791 = arith.muli %mul3A_790, %add3A_729 : i32
        %add3A_792 = arith.constant 1 : i32
        %add3A_793 = arith.addi %mul3A_791, %add3A_792 : i32
        %get3A_794 = arith.index_cast %add3A_793 : i32 to index
        %get3A_795 = arith.constant 0 : index
        %get3A_796 = tpu.vector_load %arg9[%get3A_794, %get3A_795] {strides = array<i32>} : memref<256x64xf32, #tpu.memory_space<vmem>>, vector<1x16xf32>,
        %get3A_797 = vector.shape_cast %get3A_796 : vector<1x16xf32> to vector<16xf32>
        %add3A_798 = arith.constant 0 : i32
        %add3A_799 = arith.addi %add3A_798, %add3A_729 : i32
        %swap3A_800 = arith.index_cast %add3A_799 : i32 to index
        %swap3A_801 = arith.constant 64 : index
        %swap3A_802 = tpu.vector_load %arg11[%swap3A_800, %swap3A_801] {strides = array<i32>} : memref<256x128xf32, #tpu.memory_space<vmem>>, vector<1x16xf32>,
        %swap3A_803 = vector.shape_cast %swap3A_802 : vector<1x16xf32> to vector<16xf32>
        %swap3A_804 = vector.shape_cast %get3A_797 : vector<16xf32> to vector<1x16xf32>
        tpu.vector_store %arg11[%swap3A_800, %swap3A_801], %swap3A_804 {add = true, strides = array<i32>} : memref<256x128xf32, #tpu.memory_space<vmem>>, vector<1x16xf32>,
        %mul3A_805 = arith.constant 2 : i32
        %mul3A_806 = arith.muli %mul3A_805, %add3A_729 : i32
        %add3A_807 = arith.constant 1 : i32
        %add3A_808 = arith.addi %mul3A_806, %add3A_807 : i32
        %get3A_809 = arith.index_cast %add3A_808 : i32 to index
        %get3A_810 = arith.constant 16 : index
        %get3A_811 = tpu.vector_load %arg9[%get3A_809, %get3A_810] {strides = array<i32>} : memref<256x64xf32, #tpu.memory_space<vmem>>, vector<1x16xf32>,
        %get3A_812 = vector.shape_cast %get3A_811 : vector<1x16xf32> to vector<16xf32>
        %add3A_813 = arith.constant 0 : i32
        %add3A_814 = arith.addi %add3A_813, %add3A_729 : i32
        %swap3A_815 = arith.index_cast %add3A_814 : i32 to index
        %swap3A_816 = arith.constant 80 : index
        %swap3A_817 = tpu.vector_load %arg11[%swap3A_815, %swap3A_816] {strides = array<i32>} : memref<256x128xf32, #tpu.memory_space<vmem>>, vector<1x16xf32>,
        %swap3A_818 = vector.shape_cast %swap3A_817 : vector<1x16xf32> to vector<16xf32>
        %swap3A_819 = vector.shape_cast %get3A_812 : vector<16xf32> to vector<1x16xf32>
        tpu.vector_store %arg11[%swap3A_815, %swap3A_816], %swap3A_819 {add = true, strides = array<i32>} : memref<256x128xf32, #tpu.memory_space<vmem>>, vector<1x16xf32>,
        %mul3A_820 = arith.constant 2 : i32
        %mul3A_821 = arith.muli %mul3A_820, %add3A_729 : i32
        %add3A_822 = arith.constant 1 : i32
        %add3A_823 = arith.addi %mul3A_821, %add3A_822 : i32
        %get3A_824 = arith.index_cast %add3A_823 : i32 to index
        %get3A_825 = arith.constant 32 : index
        %get3A_826 = tpu.vector_load %arg9[%get3A_824, %get3A_825] {strides = array<i32>} : memref<256x64xf32, #tpu.memory_space<vmem>>, vector<1x16xf32>,
        %get3A_827 = vector.shape_cast %get3A_826 : vector<1x16xf32> to vector<16xf32>
        %add3A_828 = arith.constant 0 : i32
        %add3A_829 = arith.addi %add3A_828, %add3A_729 : i32
        %swap3A_830 = arith.index_cast %add3A_829 : i32 to index
        %swap3A_831 = arith.constant 96 : index
        %swap3A_832 = tpu.vector_load %arg11[%swap3A_830, %swap3A_831] {strides = array<i32>} : memref<256x128xf32, #tpu.memory_space<vmem>>, vector<1x16xf32>,
        %swap3A_833 = vector.shape_cast %swap3A_832 : vector<1x16xf32> to vector<16xf32>
        %swap3A_834 = vector.shape_cast %get3A_827 : vector<16xf32> to vector<1x16xf32>
        tpu.vector_store %arg11[%swap3A_830, %swap3A_831], %swap3A_834 {add = true, strides = array<i32>} : memref<256x128xf32, #tpu.memory_space<vmem>>, vector<1x16xf32>,
        %mul3A_835 = arith.constant 2 : i32
        %mul3A_836 = arith.muli %mul3A_835, %add3A_729 : i32
        %add3A_837 = arith.constant 1 : i32
        %add3A_838 = arith.addi %mul3A_836, %add3A_837 : i32
        %get3A_839 = arith.index_cast %add3A_838 : i32 to index
        %get3A_840 = arith.constant 48 : index
        %get3A_841 = tpu.vector_load %arg9[%get3A_839, %get3A_840] {strides = array<i32>} : memref<256x64xf32, #tpu.memory_space<vmem>>, vector<1x16xf32>,
        %get3A_842 = vector.shape_cast %get3A_841 : vector<1x16xf32> to vector<16xf32>
        %add3A_843 = arith.constant 0 : i32
        %add3A_844 = arith.addi %add3A_843, %add3A_729 : i32
        %swap3A_845 = arith.index_cast %add3A_844 : i32 to index
        %swap3A_846 = arith.constant 112 : index
        %swap3A_847 = tpu.vector_load %arg11[%swap3A_845, %swap3A_846] {strides = array<i32>} : memref<256x128xf32, #tpu.memory_space<vmem>>, vector<1x16xf32>,
        %swap3A_848 = vector.shape_cast %swap3A_847 : vector<1x16xf32> to vector<16xf32>
        %swap3A_849 = vector.shape_cast %get3A_842 : vector<16xf32> to vector<1x16xf32>
        tpu.vector_store %arg11[%swap3A_845, %swap3A_846], %swap3A_849 {add = true, strides = array<i32>} : memref<256x128xf32, #tpu.memory_space<vmem>>, vector<1x16xf32>,
        %scan3A_850 = arith.constant 0 : i32
        scf.yield %scan3A_850 : i32
      }
      %scan3A_298 = arith.constant 32 : i32
      %dma_start3A_299 = arith.constant 0 : i32
      %dma_start3A_300 = arith.constant 0 : i32
      %dma_start3A_301 = tpu.memref_slice %arg9[%dma_start3A_299, %dma_start3A_300] : memref<256x64xf32, #tpu.memory_space<vmem>> -> memref<128x64xf32, #tpu.memory_space<vmem>>
      %dma_start3A_302 = arith.constant 0 : i32
      %dma_start3A_303 = tpu.memref_slice %arg8[%dma_start3A_302] : memref<512xi32, #tpu.memory_space<vmem>> -> memref<128xi32, #tpu.memory_space<vmem>>
      %dma_start3A_304 = arith.constant 0 : i32
      %dma_start3A_305 = arith.constant 0 : i32
      %dma_start3A_306 = tpu.memref_slice %arg3[%dma_start3A_304, %dma_start3A_305] : memref<2000000x64xf32, #tpu.memory_space<hbm>> -> memref<2000000x64xf32, #tpu.memory_space<hbm>>
      tpu.enqueue_indirect_dma source(%dma_start3A_306 : memref<2000000x64xf32, #tpu.memory_space<hbm>>) target(%dma_start3A_301 : memref<128x64xf32, #tpu.memory_space<vmem>>) offsets(%dma_start3A_303 : memref<128xi32, #tpu.memory_space<vmem>>) semaphore(%arg14 : memref<!tpu.dma_semaphore, #tpu.memory_space<semaphore_mem>>)
      %dma_start3A_307 = arith.constant 128 : i32
      %dma_start3A_308 = arith.constant 0 : i32
      %dma_start3A_309 = tpu.memref_slice %arg9[%dma_start3A_307, %dma_start3A_308] : memref<256x64xf32, #tpu.memory_space<vmem>> -> memref<128x64xf32, #tpu.memory_space<vmem>>
      %dma_start3A_310 = arith.constant 128 : i32
      %dma_start3A_311 = tpu.memref_slice %arg8[%dma_start3A_310] : memref<512xi32, #tpu.memory_space<vmem>> -> memref<128xi32, #tpu.memory_space<vmem>>
      %dma_start3A_312 = arith.constant 0 : i32
      %dma_start3A_313 = arith.constant 0 : i32
      %dma_start3A_314 = tpu.memref_slice %arg3[%dma_start3A_312, %dma_start3A_313] : memref<2000000x64xf32, #tpu.memory_space<hbm>> -> memref<2000000x64xf32, #tpu.memory_space<hbm>>
      tpu.enqueue_indirect_dma source(%dma_start3A_314 : memref<2000000x64xf32, #tpu.memory_space<hbm>>) target(%dma_start3A_309 : memref<128x64xf32, #tpu.memory_space<vmem>>) offsets(%dma_start3A_311 : memref<128xi32, #tpu.memory_space<vmem>>) semaphore(%arg14 : memref<!tpu.dma_semaphore, #tpu.memory_space<semaphore_mem>>)
      %dma_wait3A_315 = arith.constant 0 : i32
      %dma_wait3A_316 = arith.constant 0 : i32
      %dma_wait3A_317 = tpu.memref_slice %arg3[%dma_wait3A_315, %dma_wait3A_316] : memref<2000000x64xf32, #tpu.memory_space<hbm>> -> memref<256x64xf32, #tpu.memory_space<hbm>>
      %dma_wait3A_318 = arith.constant 0 : i32
      %dma_wait3A_319 = arith.constant 0 : i32
      %dma_wait3A_320 = tpu.memref_slice %arg3[%dma_wait3A_318, %dma_wait3A_319] : memref<2000000x64xf32, #tpu.memory_space<hbm>> -> memref<256x64xf32, #tpu.memory_space<hbm>>
      tpu.wait_dma2 semaphore(%arg15 : memref<!tpu.dma_semaphore, #tpu.memory_space<semaphore_mem>>) src(%dma_wait3A_320 : memref<256x64xf32, #tpu.memory_space<hbm>>) dst(%arg10 : memref<256x64xf32, #tpu.memory_space<vmem>>)
      %scan3A_321 = arith.constant 0 : i32
      %scan3A_322 = arith.constant 0 : i32
      %scan3A_323 = arith.constant 32 : i32
      %scan3A_324 = arith.addi %scan3A_322, %scan3A_323 : i32
      %scan3A_325 = arith.constant 1 : i32
      %scan3A_326 = scf.for %scan3A_354 = %scan3A_322 to %scan3A_324 step %scan3A_325 iter_args(%scan3A_355 = %scan3A_321) -> (i32)  : i32 {
        %mul3A_356 = arith.constant 4 : i32
        %mul3A_357 = arith.muli %scan3A_354, %mul3A_356 : i32
        %add3A_358 = arith.constant 0 : i32
        %add3A_359 = arith.addi %mul3A_357, %add3A_358 : i32
        %mul3A_360 = arith.constant 2 : i32
        %mul3A_361 = arith.muli %mul3A_360, %add3A_359 : i32
        %add3A_362 = arith.constant 0 : i32
        %add3A_363 = arith.addi %mul3A_361, %add3A_362 : i32
        %get3A = arith.index_cast %add3A_363 : i32 to index
        %get3A_364 = arith.constant 0 : index
        %get3A_365 = tpu.vector_load %arg10[%get3A, %get3A_364] {strides = array<i32>} : memref<256x64xf32, #tpu.memory_space<vmem>>, vector<1x16xf32>,
        %get3A_366 = vector.shape_cast %get3A_365 : vector<1x16xf32> to vector<16xf32>
        %add3A_367 = arith.constant 128 : i32
        %add3A_368 = arith.addi %add3A_367, %add3A_359 : i32
        %swap3A = arith.index_cast %add3A_368 : i32 to index
        %swap3A_369 = arith.constant 0 : index
        %swap3A_370 = tpu.vector_load %arg11[%swap3A, %swap3A_369] {strides = array<i32>} : memref<256x128xf32, #tpu.memory_space<vmem>>, vector<1x16xf32>,
        %swap3A_371 = vector.shape_cast %swap3A_370 : vector<1x16xf32> to vector<16xf32>
        %swap3A_372 = vector.shape_cast %get3A_366 : vector<16xf32> to vector<1x16xf32>
        tpu.vector_store %arg11[%swap3A, %swap3A_369], %swap3A_372 {add = true, strides = array<i32>} : memref<256x128xf32, #tpu.memory_space<vmem>>, vector<1x16xf32>,
        %mul3A_373 = arith.constant 2 : i32
        %mul3A_374 = arith.muli %mul3A_373, %add3A_359 : i32
        %add3A_375 = arith.constant 0 : i32
        %add3A_376 = arith.addi %mul3A_374, %add3A_375 : i32
        %get3A_377 = arith.index_cast %add3A_376 : i32 to index
        %get3A_378 = arith.constant 16 : index
        %get3A_379 = tpu.vector_load %arg10[%get3A_377, %get3A_378] {strides = array<i32>} : memref<256x64xf32, #tpu.memory_space<vmem>>, vector<1x16xf32>,
        %get3A_380 = vector.shape_cast %get3A_379 : vector<1x16xf32> to vector<16xf32>
        %add3A_381 = arith.constant 128 : i32
        %add3A_382 = arith.addi %add3A_381, %add3A_359 : i32
        %swap3A_383 = arith.index_cast %add3A_382 : i32 to index
        %swap3A_384 = arith.constant 16 : index
        %swap3A_385 = tpu.vector_load %arg11[%swap3A_383, %swap3A_384] {strides = array<i32>} : memref<256x128xf32, #tpu.memory_space<vmem>>, vector<1x16xf32>,
        %swap3A_386 = vector.shape_cast %swap3A_385 : vector<1x16xf32> to vector<16xf32>
        %swap3A_387 = vector.shape_cast %get3A_380 : vector<16xf32> to vector<1x16xf32>
        tpu.vector_store %arg11[%swap3A_383, %swap3A_384], %swap3A_387 {add = true, strides = array<i32>} : memref<256x128xf32, #tpu.memory_space<vmem>>, vector<1x16xf32>,
        %mul3A_388 = arith.constant 2 : i32
        %mul3A_389 = arith.muli %mul3A_388, %add3A_359 : i32
        %add3A_390 = arith.constant 0 : i32
        %add3A_391 = arith.addi %mul3A_389, %add3A_390 : i32
        %get3A_392 = arith.index_cast %add3A_391 : i32 to index
        %get3A_393 = arith.constant 32 : index
        %get3A_394 = tpu.vector_load %arg10[%get3A_392, %get3A_393] {strides = array<i32>} : memref<256x64xf32, #tpu.memory_space<vmem>>, vector<1x16xf32>,
        %get3A_395 = vector.shape_cast %get3A_394 : vector<1x16xf32> to vector<16xf32>
        %add3A_396 = arith.constant 128 : i32
        %add3A_397 = arith.addi %add3A_396, %add3A_359 : i32
        %swap3A_398 = arith.index_cast %add3A_397 : i32 to index
        %swap3A_399 = arith.constant 32 : index
        %swap3A_400 = tpu.vector_load %arg11[%swap3A_398, %swap3A_399] {strides = array<i32>} : memref<256x128xf32, #tpu.memory_space<vmem>>, vector<1x16xf32>,
        %swap3A_401 = vector.shape_cast %swap3A_400 : vector<1x16xf32> to vector<16xf32>
        %swap3A_402 = vector.shape_cast %get3A_395 : vector<16xf32> to vector<1x16xf32>
        tpu.vector_store %arg11[%swap3A_398, %swap3A_399], %swap3A_402 {add = true, strides = array<i32>} : memref<256x128xf32, #tpu.memory_space<vmem>>, vector<1x16xf32>,
        %mul3A_403 = arith.constant 2 : i32
        %mul3A_404 = arith.muli %mul3A_403, %add3A_359 : i32
        %add3A_405 = arith.constant 0 : i32
        %add3A_406 = arith.addi %mul3A_404, %add3A_405 : i32
        %get3A_407 = arith.index_cast %add3A_406 : i32 to index
        %get3A_408 = arith.constant 48 : index
        %get3A_409 = tpu.vector_load %arg10[%get3A_407, %get3A_408] {strides = array<i32>} : memref<256x64xf32, #tpu.memory_space<vmem>>, vector<1x16xf32>,
        %get3A_410 = vector.shape_cast %get3A_409 : vector<1x16xf32> to vector<16xf32>
        %add3A_411 = arith.constant 128 : i32
        %add3A_412 = arith.addi %add3A_411, %add3A_359 : i32
        %swap3A_413 = arith.index_cast %add3A_412 : i32 to index
        %swap3A_414 = arith.constant 48 : index
        %swap3A_415 = tpu.vector_load %arg11[%swap3A_413, %swap3A_414] {strides = array<i32>} : memref<256x128xf32, #tpu.memory_space<vmem>>, vector<1x16xf32>,
        %swap3A_416 = vector.shape_cast %swap3A_415 : vector<1x16xf32> to vector<16xf32>
        %swap3A_417 = vector.shape_cast %get3A_410 : vector<16xf32> to vector<1x16xf32>
        tpu.vector_store %arg11[%swap3A_413, %swap3A_414], %swap3A_417 {add = true, strides = array<i32>} : memref<256x128xf32, #tpu.memory_space<vmem>>, vector<1x16xf32>,
        %mul3A_418 = arith.constant 2 : i32
        %mul3A_419 = arith.muli %mul3A_418, %add3A_359 : i32
        %add3A_420 = arith.constant 1 : i32
        %add3A_421 = arith.addi %mul3A_419, %add3A_420 : i32
        %get3A_422 = arith.index_cast %add3A_421 : i32 to index
        %get3A_423 = arith.constant 0 : index
        %get3A_424 = tpu.vector_load %arg10[%get3A_422, %get3A_423] {strides = array<i32>} : memref<256x64xf32, #tpu.memory_space<vmem>>, vector<1x16xf32>,
        %get3A_425 = vector.shape_cast %get3A_424 : vector<1x16xf32> to vector<16xf32>
        %add3A_426 = arith.constant 128 : i32
        %add3A_427 = arith.addi %add3A_426, %add3A_359 : i32
        %swap3A_428 = arith.index_cast %add3A_427 : i32 to index
        %swap3A_429 = arith.constant 64 : index
        %swap3A_430 = tpu.vector_load %arg11[%swap3A_428, %swap3A_429] {strides = array<i32>} : memref<256x128xf32, #tpu.memory_space<vmem>>, vector<1x16xf32>,
        %swap3A_431 = vector.shape_cast %swap3A_430 : vector<1x16xf32> to vector<16xf32>
        %swap3A_432 = vector.shape_cast %get3A_425 : vector<16xf32> to vector<1x16xf32>
        tpu.vector_store %arg11[%swap3A_428, %swap3A_429], %swap3A_432 {add = true, strides = array<i32>} : memref<256x128xf32, #tpu.memory_space<vmem>>, vector<1x16xf32>,
        %mul3A_433 = arith.constant 2 : i32
        %mul3A_434 = arith.muli %mul3A_433, %add3A_359 : i32
        %add3A_435 = arith.constant 1 : i32
        %add3A_436 = arith.addi %mul3A_434, %add3A_435 : i32
        %get3A_437 = arith.index_cast %add3A_436 : i32 to index
        %get3A_438 = arith.constant 16 : index
        %get3A_439 = tpu.vector_load %arg10[%get3A_437, %get3A_438] {strides = array<i32>} : memref<256x64xf32, #tpu.memory_space<vmem>>, vector<1x16xf32>,
        %get3A_440 = vector.shape_cast %get3A_439 : vector<1x16xf32> to vector<16xf32>
        %add3A_441 = arith.constant 128 : i32
        %add3A_442 = arith.addi %add3A_441, %add3A_359 : i32
        %swap3A_443 = arith.index_cast %add3A_442 : i32 to index
        %swap3A_444 = arith.constant 80 : index
        %swap3A_445 = tpu.vector_load %arg11[%swap3A_443, %swap3A_444] {strides = array<i32>} : memref<256x128xf32, #tpu.memory_space<vmem>>, vector<1x16xf32>,
        %swap3A_446 = vector.shape_cast %swap3A_445 : vector<1x16xf32> to vector<16xf32>
        %swap3A_447 = vector.shape_cast %get3A_440 : vector<16xf32> to vector<1x16xf32>
        tpu.vector_store %arg11[%swap3A_443, %swap3A_444], %swap3A_447 {add = true, strides = array<i32>} : memref<256x128xf32, #tpu.memory_space<vmem>>, vector<1x16xf32>,
        %mul3A_448 = arith.constant 2 : i32
        %mul3A_449 = arith.muli %mul3A_448, %add3A_359 : i32
        %add3A_450 = arith.constant 1 : i32
        %add3A_451 = arith.addi %mul3A_449, %add3A_450 : i32
        %get3A_452 = arith.index_cast %add3A_451 : i32 to index
        %get3A_453 = arith.constant 32 : index
        %get3A_454 = tpu.vector_load %arg10[%get3A_452, %get3A_453] {strides = array<i32>} : memref<256x64xf32, #tpu.memory_space<vmem>>, vector<1x16xf32>,
        %get3A_455 = vector.shape_cast %get3A_454 : vector<1x16xf32> to vector<16xf32>
        %add3A_456 = arith.constant 128 : i32
        %add3A_457 = arith.addi %add3A_456, %add3A_359 : i32
        %swap3A_458 = arith.index_cast %add3A_457 : i32 to index
        %swap3A_459 = arith.constant 96 : index
        %swap3A_460 = tpu.vector_load %arg11[%swap3A_458, %swap3A_459] {strides = array<i32>} : memref<256x128xf32, #tpu.memory_space<vmem>>, vector<1x16xf32>,
        %swap3A_461 = vector.shape_cast %swap3A_460 : vector<1x16xf32> to vector<16xf32>
        %swap3A_462 = vector.shape_cast %get3A_455 : vector<16xf32> to vector<1x16xf32>
        tpu.vector_store %arg11[%swap3A_458, %swap3A_459], %swap3A_462 {add = true, strides = array<i32>} : memref<256x128xf32, #tpu.memory_space<vmem>>, vector<1x16xf32>,
        %mul3A_463 = arith.constant 2 : i32
        %mul3A_464 = arith.muli %mul3A_463, %add3A_359 : i32
        %add3A_465 = arith.constant 1 : i32
        %add3A_466 = arith.addi %mul3A_464, %add3A_465 : i32
        %get3A_467 = arith.index_cast %add3A_466 : i32 to index
        %get3A_468 = arith.constant 48 : index
        %get3A_469 = tpu.vector_load %arg10[%get3A_467, %get3A_468] {strides = array<i32>} : memref<256x64xf32, #tpu.memory_space<vmem>>, vector<1x16xf32>,
        %get3A_470 = vector.shape_cast %get3A_469 : vector<1x16xf32> to vector<16xf32>
        %add3A_471 = arith.constant 128 : i32
        %add3A_472 = arith.addi %add3A_471, %add3A_359 : i32
        %swap3A_473 = arith.index_cast %add3A_472 : i32 to index
        %swap3A_474 = arith.constant 112 : index
        %swap3A_475 = tpu.vector_load %arg11[%swap3A_473, %swap3A_474] {strides = array<i32>} : memref<256x128xf32, #tpu.memory_space<vmem>>, vector<1x16xf32>,
        %swap3A_476 = vector.shape_cast %swap3A_475 : vector<1x16xf32> to vector<16xf32>
        %swap3A_477 = vector.shape_cast %get3A_470 : vector<16xf32> to vector<1x16xf32>
        tpu.vector_store %arg11[%swap3A_473, %swap3A_474], %swap3A_477 {add = true, strides = array<i32>} : memref<256x128xf32, #tpu.memory_space<vmem>>, vector<1x16xf32>,
        %mul3A_478 = arith.constant 4 : i32
        %mul3A_479 = arith.muli %scan3A_354, %mul3A_478 : i32
        %add3A_480 = arith.constant 1 : i32
        %add3A_481 = arith.addi %mul3A_479, %add3A_480 : i32
        %mul3A_482 = arith.constant 2 : i32
        %mul3A_483 = arith.muli %mul3A_482, %add3A_481 : i32
        %add3A_484 = arith.constant 0 : i32
        %add3A_485 = arith.addi %mul3A_483, %add3A_484 : i32
        %get3A_486 = arith.index_cast %add3A_485 : i32 to index
        %get3A_487 = arith.constant 0 : index
        %get3A_488 = tpu.vector_load %arg10[%get3A_486, %get3A_487] {strides = array<i32>} : memref<256x64xf32, #tpu.memory_space<vmem>>, vector<1x16xf32>,
        %get3A_489 = vector.shape_cast %get3A_488 : vector<1x16xf32> to vector<16xf32>
        %add3A_490 = arith.constant 128 : i32
        %add3A_491 = arith.addi %add3A_490, %add3A_481 : i32
        %swap3A_492 = arith.index_cast %add3A_491 : i32 to index
        %swap3A_493 = arith.constant 0 : index
        %swap3A_494 = tpu.vector_load %arg11[%swap3A_492, %swap3A_493] {strides = array<i32>} : memref<256x128xf32, #tpu.memory_space<vmem>>, vector<1x16xf32>,
        %swap3A_495 = vector.shape_cast %swap3A_494 : vector<1x16xf32> to vector<16xf32>
        %swap3A_496 = vector.shape_cast %get3A_489 : vector<16xf32> to vector<1x16xf32>
        tpu.vector_store %arg11[%swap3A_492, %swap3A_493], %swap3A_496 {add = true, strides = array<i32>} : memref<256x128xf32, #tpu.memory_space<vmem>>, vector<1x16xf32>,
        %mul3A_497 = arith.constant 2 : i32
        %mul3A_498 = arith.muli %mul3A_497, %add3A_481 : i32
        %add3A_499 = arith.constant 0 : i32
        %add3A_500 = arith.addi %mul3A_498, %add3A_499 : i32
        %get3A_501 = arith.index_cast %add3A_500 : i32 to index
        %get3A_502 = arith.constant 16 : index
        %get3A_503 = tpu.vector_load %arg10[%get3A_501, %get3A_502] {strides = array<i32>} : memref<256x64xf32, #tpu.memory_space<vmem>>, vector<1x16xf32>,
        %get3A_504 = vector.shape_cast %get3A_503 : vector<1x16xf32> to vector<16xf32>
        %add3A_505 = arith.constant 128 : i32
        %add3A_506 = arith.addi %add3A_505, %add3A_481 : i32
        %swap3A_507 = arith.index_cast %add3A_506 : i32 to index
        %swap3A_508 = arith.constant 16 : index
        %swap3A_509 = tpu.vector_load %arg11[%swap3A_507, %swap3A_508] {strides = array<i32>} : memref<256x128xf32, #tpu.memory_space<vmem>>, vector<1x16xf32>,
        %swap3A_510 = vector.shape_cast %swap3A_509 : vector<1x16xf32> to vector<16xf32>
        %swap3A_511 = vector.shape_cast %get3A_504 : vector<16xf32> to vector<1x16xf32>
        tpu.vector_store %arg11[%swap3A_507, %swap3A_508], %swap3A_511 {add = true, strides = array<i32>} : memref<256x128xf32, #tpu.memory_space<vmem>>, vector<1x16xf32>,
        %mul3A_512 = arith.constant 2 : i32
        %mul3A_513 = arith.muli %mul3A_512, %add3A_481 : i32
        %add3A_514 = arith.constant 0 : i32
        %add3A_515 = arith.addi %mul3A_513, %add3A_514 : i32
        %get3A_516 = arith.index_cast %add3A_515 : i32 to index
        %get3A_517 = arith.constant 32 : index
        %get3A_518 = tpu.vector_load %arg10[%get3A_516, %get3A_517] {strides = array<i32>} : memref<256x64xf32, #tpu.memory_space<vmem>>, vector<1x16xf32>,
        %get3A_519 = vector.shape_cast %get3A_518 : vector<1x16xf32> to vector<16xf32>
        %add3A_520 = arith.constant 128 : i32
        %add3A_521 = arith.addi %add3A_520, %add3A_481 : i32
        %swap3A_522 = arith.index_cast %add3A_521 : i32 to index
        %swap3A_523 = arith.constant 32 : index
        %swap3A_524 = tpu.vector_load %arg11[%swap3A_522, %swap3A_523] {strides = array<i32>} : memref<256x128xf32, #tpu.memory_space<vmem>>, vector<1x16xf32>,
        %swap3A_525 = vector.shape_cast %swap3A_524 : vector<1x16xf32> to vector<16xf32>
        %swap3A_526 = vector.shape_cast %get3A_519 : vector<16xf32> to vector<1x16xf32>
        tpu.vector_store %arg11[%swap3A_522, %swap3A_523], %swap3A_526 {add = true, strides = array<i32>} : memref<256x128xf32, #tpu.memory_space<vmem>>, vector<1x16xf32>,
        %mul3A_527 = arith.constant 2 : i32
        %mul3A_528 = arith.muli %mul3A_527, %add3A_481 : i32
        %add3A_529 = arith.constant 0 : i32
        %add3A_530 = arith.addi %mul3A_528, %add3A_529 : i32
        %get3A_531 = arith.index_cast %add3A_530 : i32 to index
        %get3A_532 = arith.constant 48 : index
        %get3A_533 = tpu.vector_load %arg10[%get3A_531, %get3A_532] {strides = array<i32>} : memref<256x64xf32, #tpu.memory_space<vmem>>, vector<1x16xf32>,
        %get3A_534 = vector.shape_cast %get3A_533 : vector<1x16xf32> to vector<16xf32>
        %add3A_535 = arith.constant 128 : i32
        %add3A_536 = arith.addi %add3A_535, %add3A_481 : i32
        %swap3A_537 = arith.index_cast %add3A_536 : i32 to index
        %swap3A_538 = arith.constant 48 : index
        %swap3A_539 = tpu.vector_load %arg11[%swap3A_537, %swap3A_538] {strides = array<i32>} : memref<256x128xf32, #tpu.memory_space<vmem>>, vector<1x16xf32>,
        %swap3A_540 = vector.shape_cast %swap3A_539 : vector<1x16xf32> to vector<16xf32>
        %swap3A_541 = vector.shape_cast %get3A_534 : vector<16xf32> to vector<1x16xf32>
        tpu.vector_store %arg11[%swap3A_537, %swap3A_538], %swap3A_541 {add = true, strides = array<i32>} : memref<256x128xf32, #tpu.memory_space<vmem>>, vector<1x16xf32>,
        %mul3A_542 = arith.constant 2 : i32
        %mul3A_543 = arith.muli %mul3A_542, %add3A_481 : i32
        %add3A_544 = arith.constant 1 : i32
        %add3A_545 = arith.addi %mul3A_543, %add3A_544 : i32
        %get3A_546 = arith.index_cast %add3A_545 : i32 to index
        %get3A_547 = arith.constant 0 : index
        %get3A_548 = tpu.vector_load %arg10[%get3A_546, %get3A_547] {strides = array<i32>} : memref<256x64xf32, #tpu.memory_space<vmem>>, vector<1x16xf32>,
        %get3A_549 = vector.shape_cast %get3A_548 : vector<1x16xf32> to vector<16xf32>
        %add3A_550 = arith.constant 128 : i32
        %add3A_551 = arith.addi %add3A_550, %add3A_481 : i32
        %swap3A_552 = arith.index_cast %add3A_551 : i32 to index
        %swap3A_553 = arith.constant 64 : index
        %swap3A_554 = tpu.vector_load %arg11[%swap3A_552, %swap3A_553] {strides = array<i32>} : memref<256x128xf32, #tpu.memory_space<vmem>>, vector<1x16xf32>,
        %swap3A_555 = vector.shape_cast %swap3A_554 : vector<1x16xf32> to vector<16xf32>
        %swap3A_556 = vector.shape_cast %get3A_549 : vector<16xf32> to vector<1x16xf32>
        tpu.vector_store %arg11[%swap3A_552, %swap3A_553], %swap3A_556 {add = true, strides = array<i32>} : memref<256x128xf32, #tpu.memory_space<vmem>>, vector<1x16xf32>,
        %mul3A_557 = arith.constant 2 : i32
        %mul3A_558 = arith.muli %mul3A_557, %add3A_481 : i32
        %add3A_559 = arith.constant 1 : i32
        %add3A_560 = arith.addi %mul3A_558, %add3A_559 : i32
        %get3A_561 = arith.index_cast %add3A_560 : i32 to index
        %get3A_562 = arith.constant 16 : index
        %get3A_563 = tpu.vector_load %arg10[%get3A_561, %get3A_562] {strides = array<i32>} : memref<256x64xf32, #tpu.memory_space<vmem>>, vector<1x16xf32>,
        %get3A_564 = vector.shape_cast %get3A_563 : vector<1x16xf32> to vector<16xf32>
        %add3A_565 = arith.constant 128 : i32
        %add3A_566 = arith.addi %add3A_565, %add3A_481 : i32
        %swap3A_567 = arith.index_cast %add3A_566 : i32 to index
        %swap3A_568 = arith.constant 80 : index
        %swap3A_569 = tpu.vector_load %arg11[%swap3A_567, %swap3A_568] {strides = array<i32>} : memref<256x128xf32, #tpu.memory_space<vmem>>, vector<1x16xf32>,
        %swap3A_570 = vector.shape_cast %swap3A_569 : vector<1x16xf32> to vector<16xf32>
        %swap3A_571 = vector.shape_cast %get3A_564 : vector<16xf32> to vector<1x16xf32>
        tpu.vector_store %arg11[%swap3A_567, %swap3A_568], %swap3A_571 {add = true, strides = array<i32>} : memref<256x128xf32, #tpu.memory_space<vmem>>, vector<1x16xf32>,
        %mul3A_572 = arith.constant 2 : i32
        %mul3A_573 = arith.muli %mul3A_572, %add3A_481 : i32
        %add3A_574 = arith.constant 1 : i32
        %add3A_575 = arith.addi %mul3A_573, %add3A_574 : i32
        %get3A_576 = arith.index_cast %add3A_575 : i32 to index
        %get3A_577 = arith.constant 32 : index
        %get3A_578 = tpu.vector_load %arg10[%get3A_576, %get3A_577] {strides = array<i32>} : memref<256x64xf32, #tpu.memory_space<vmem>>, vector<1x16xf32>,
        %get3A_579 = vector.shape_cast %get3A_578 : vector<1x16xf32> to vector<16xf32>
        %add3A_580 = arith.constant 128 : i32
        %add3A_581 = arith.addi %add3A_580, %add3A_481 : i32
        %swap3A_582 = arith.index_cast %add3A_581 : i32 to index
        %swap3A_583 = arith.constant 96 : index
        %swap3A_584 = tpu.vector_load %arg11[%swap3A_582, %swap3A_583] {strides = array<i32>} : memref<256x128xf32, #tpu.memory_space<vmem>>, vector<1x16xf32>,
        %swap3A_585 = vector.shape_cast %swap3A_584 : vector<1x16xf32> to vector<16xf32>
        %swap3A_586 = vector.shape_cast %get3A_579 : vector<16xf32> to vector<1x16xf32>
        tpu.vector_store %arg11[%swap3A_582, %swap3A_583], %swap3A_586 {add = true, strides = array<i32>} : memref<256x128xf32, #tpu.memory_space<vmem>>, vector<1x16xf32>,
        %mul3A_587 = arith.constant 2 : i32
        %mul3A_588 = arith.muli %mul3A_587, %add3A_481 : i32
        %add3A_589 = arith.constant 1 : i32
        %add3A_590 = arith.addi %mul3A_588, %add3A_589 : i32
        %get3A_591 = arith.index_cast %add3A_590 : i32 to index
        %get3A_592 = arith.constant 48 : index
        %get3A_593 = tpu.vector_load %arg10[%get3A_591, %get3A_592] {strides = array<i32>} : memref<256x64xf32, #tpu.memory_space<vmem>>, vector<1x16xf32>,
        %get3A_594 = vector.shape_cast %get3A_593 : vector<1x16xf32> to vector<16xf32>
        %add3A_595 = arith.constant 128 : i32
        %add3A_596 = arith.addi %add3A_595, %add3A_481 : i32
        %swap3A_597 = arith.index_cast %add3A_596 : i32 to index
        %swap3A_598 = arith.constant 112 : index
        %swap3A_599 = tpu.vector_load %arg11[%swap3A_597, %swap3A_598] {strides = array<i32>} : memref<256x128xf32, #tpu.memory_space<vmem>>, vector<1x16xf32>,
        %swap3A_600 = vector.shape_cast %swap3A_599 : vector<1x16xf32> to vector<16xf32>
        %swap3A_601 = vector.shape_cast %get3A_594 : vector<16xf32> to vector<1x16xf32>
        tpu.vector_store %arg11[%swap3A_597, %swap3A_598], %swap3A_601 {add = true, strides = array<i32>} : memref<256x128xf32, #tpu.memory_space<vmem>>, vector<1x16xf32>,
        %mul3A_602 = arith.constant 4 : i32
        %mul3A_603 = arith.muli %scan3A_354, %mul3A_602 : i32
        %add3A_604 = arith.constant 2 : i32
        %add3A_605 = arith.addi %mul3A_603, %add3A_604 : i32
        %mul3A_606 = arith.constant 2 : i32
        %mul3A_607 = arith.muli %mul3A_606, %add3A_605 : i32
        %add3A_608 = arith.constant 0 : i32
        %add3A_609 = arith.addi %mul3A_607, %add3A_608 : i32
        %get3A_610 = arith.index_cast %add3A_609 : i32 to index
        %get3A_611 = arith.constant 0 : index
        %get3A_612 = tpu.vector_load %arg10[%get3A_610, %get3A_611] {strides = array<i32>} : memref<256x64xf32, #tpu.memory_space<vmem>>, vector<1x16xf32>,
        %get3A_613 = vector.shape_cast %get3A_612 : vector<1x16xf32> to vector<16xf32>
        %add3A_614 = arith.constant 128 : i32
        %add3A_615 = arith.addi %add3A_614, %add3A_605 : i32
        %swap3A_616 = arith.index_cast %add3A_615 : i32 to index
        %swap3A_617 = arith.constant 0 : index
        %swap3A_618 = tpu.vector_load %arg11[%swap3A_616, %swap3A_617] {strides = array<i32>} : memref<256x128xf32, #tpu.memory_space<vmem>>, vector<1x16xf32>,
        %swap3A_619 = vector.shape_cast %swap3A_618 : vector<1x16xf32> to vector<16xf32>
        %swap3A_620 = vector.shape_cast %get3A_613 : vector<16xf32> to vector<1x16xf32>
        tpu.vector_store %arg11[%swap3A_616, %swap3A_617], %swap3A_620 {add = true, strides = array<i32>} : memref<256x128xf32, #tpu.memory_space<vmem>>, vector<1x16xf32>,
        %mul3A_621 = arith.constant 2 : i32
        %mul3A_622 = arith.muli %mul3A_621, %add3A_605 : i32
        %add3A_623 = arith.constant 0 : i32
        %add3A_624 = arith.addi %mul3A_622, %add3A_623 : i32
        %get3A_625 = arith.index_cast %add3A_624 : i32 to index
        %get3A_626 = arith.constant 16 : index
        %get3A_627 = tpu.vector_load %arg10[%get3A_625, %get3A_626] {strides = array<i32>} : memref<256x64xf32, #tpu.memory_space<vmem>>, vector<1x16xf32>,
        %get3A_628 = vector.shape_cast %get3A_627 : vector<1x16xf32> to vector<16xf32>
        %add3A_629 = arith.constant 128 : i32
        %add3A_630 = arith.addi %add3A_629, %add3A_605 : i32
        %swap3A_631 = arith.index_cast %add3A_630 : i32 to index
        %swap3A_632 = arith.constant 16 : index
        %swap3A_633 = tpu.vector_load %arg11[%swap3A_631, %swap3A_632] {strides = array<i32>} : memref<256x128xf32, #tpu.memory_space<vmem>>, vector<1x16xf32>,
        %swap3A_634 = vector.shape_cast %swap3A_633 : vector<1x16xf32> to vector<16xf32>
        %swap3A_635 = vector.shape_cast %get3A_628 : vector<16xf32> to vector<1x16xf32>
        tpu.vector_store %arg11[%swap3A_631, %swap3A_632], %swap3A_635 {add = true, strides = array<i32>} : memref<256x128xf32, #tpu.memory_space<vmem>>, vector<1x16xf32>,
        %mul3A_636 = arith.constant 2 : i32
        %mul3A_637 = arith.muli %mul3A_636, %add3A_605 : i32
        %add3A_638 = arith.constant 0 : i32
        %add3A_639 = arith.addi %mul3A_637, %add3A_638 : i32
        %get3A_640 = arith.index_cast %add3A_639 : i32 to index
        %get3A_641 = arith.constant 32 : index
        %get3A_642 = tpu.vector_load %arg10[%get3A_640, %get3A_641] {strides = array<i32>} : memref<256x64xf32, #tpu.memory_space<vmem>>, vector<1x16xf32>,
        %get3A_643 = vector.shape_cast %get3A_642 : vector<1x16xf32> to vector<16xf32>
        %add3A_644 = arith.constant 128 : i32
        %add3A_645 = arith.addi %add3A_644, %add3A_605 : i32
        %swap3A_646 = arith.index_cast %add3A_645 : i32 to index
        %swap3A_647 = arith.constant 32 : index
        %swap3A_648 = tpu.vector_load %arg11[%swap3A_646, %swap3A_647] {strides = array<i32>} : memref<256x128xf32, #tpu.memory_space<vmem>>, vector<1x16xf32>,
        %swap3A_649 = vector.shape_cast %swap3A_648 : vector<1x16xf32> to vector<16xf32>
        %swap3A_650 = vector.shape_cast %get3A_643 : vector<16xf32> to vector<1x16xf32>
        tpu.vector_store %arg11[%swap3A_646, %swap3A_647], %swap3A_650 {add = true, strides = array<i32>} : memref<256x128xf32, #tpu.memory_space<vmem>>, vector<1x16xf32>,
        %mul3A_651 = arith.constant 2 : i32
        %mul3A_652 = arith.muli %mul3A_651, %add3A_605 : i32
        %add3A_653 = arith.constant 0 : i32
        %add3A_654 = arith.addi %mul3A_652, %add3A_653 : i32
        %get3A_655 = arith.index_cast %add3A_654 : i32 to index
        %get3A_656 = arith.constant 48 : index
        %get3A_657 = tpu.vector_load %arg10[%get3A_655, %get3A_656] {strides = array<i32>} : memref<256x64xf32, #tpu.memory_space<vmem>>, vector<1x16xf32>,
        %get3A_658 = vector.shape_cast %get3A_657 : vector<1x16xf32> to vector<16xf32>
        %add3A_659 = arith.constant 128 : i32
        %add3A_660 = arith.addi %add3A_659, %add3A_605 : i32
        %swap3A_661 = arith.index_cast %add3A_660 : i32 to index
        %swap3A_662 = arith.constant 48 : index
        %swap3A_663 = tpu.vector_load %arg11[%swap3A_661, %swap3A_662] {strides = array<i32>} : memref<256x128xf32, #tpu.memory_space<vmem>>, vector<1x16xf32>,
        %swap3A_664 = vector.shape_cast %swap3A_663 : vector<1x16xf32> to vector<16xf32>
        %swap3A_665 = vector.shape_cast %get3A_658 : vector<16xf32> to vector<1x16xf32>
        tpu.vector_store %arg11[%swap3A_661, %swap3A_662], %swap3A_665 {add = true, strides = array<i32>} : memref<256x128xf32, #tpu.memory_space<vmem>>, vector<1x16xf32>,
        %mul3A_666 = arith.constant 2 : i32
        %mul3A_667 = arith.muli %mul3A_666, %add3A_605 : i32
        %add3A_668 = arith.constant 1 : i32
        %add3A_669 = arith.addi %mul3A_667, %add3A_668 : i32
        %get3A_670 = arith.index_cast %add3A_669 : i32 to index
        %get3A_671 = arith.constant 0 : index
        %get3A_672 = tpu.vector_load %arg10[%get3A_670, %get3A_671] {strides = array<i32>} : memref<256x64xf32, #tpu.memory_space<vmem>>, vector<1x16xf32>,
        %get3A_673 = vector.shape_cast %get3A_672 : vector<1x16xf32> to vector<16xf32>
        %add3A_674 = arith.constant 128 : i32
        %add3A_675 = arith.addi %add3A_674, %add3A_605 : i32
        %swap3A_676 = arith.index_cast %add3A_675 : i32 to index
        %swap3A_677 = arith.constant 64 : index
        %swap3A_678 = tpu.vector_load %arg11[%swap3A_676, %swap3A_677] {strides = array<i32>} : memref<256x128xf32, #tpu.memory_space<vmem>>, vector<1x16xf32>,
        %swap3A_679 = vector.shape_cast %swap3A_678 : vector<1x16xf32> to vector<16xf32>
        %swap3A_680 = vector.shape_cast %get3A_673 : vector<16xf32> to vector<1x16xf32>
        tpu.vector_store %arg11[%swap3A_676, %swap3A_677], %swap3A_680 {add = true, strides = array<i32>} : memref<256x128xf32, #tpu.memory_space<vmem>>, vector<1x16xf32>,
        %mul3A_681 = arith.constant 2 : i32
        %mul3A_682 = arith.muli %mul3A_681, %add3A_605 : i32
        %add3A_683 = arith.constant 1 : i32
        %add3A_684 = arith.addi %mul3A_682, %add3A_683 : i32
        %get3A_685 = arith.index_cast %add3A_684 : i32 to index
        %get3A_686 = arith.constant 16 : index
        %get3A_687 = tpu.vector_load %arg10[%get3A_685, %get3A_686] {strides = array<i32>} : memref<256x64xf32, #tpu.memory_space<vmem>>, vector<1x16xf32>,
        %get3A_688 = vector.shape_cast %get3A_687 : vector<1x16xf32> to vector<16xf32>
        %add3A_689 = arith.constant 128 : i32
        %add3A_690 = arith.addi %add3A_689, %add3A_605 : i32
        %swap3A_691 = arith.index_cast %add3A_690 : i32 to index
        %swap3A_692 = arith.constant 80 : index
        %swap3A_693 = tpu.vector_load %arg11[%swap3A_691, %swap3A_692] {strides = array<i32>} : memref<256x128xf32, #tpu.memory_space<vmem>>, vector<1x16xf32>,
        %swap3A_694 = vector.shape_cast %swap3A_693 : vector<1x16xf32> to vector<16xf32>
        %swap3A_695 = vector.shape_cast %get3A_688 : vector<16xf32> to vector<1x16xf32>
        tpu.vector_store %arg11[%swap3A_691, %swap3A_692], %swap3A_695 {add = true, strides = array<i32>} : memref<256x128xf32, #tpu.memory_space<vmem>>, vector<1x16xf32>,
        %mul3A_696 = arith.constant 2 : i32
        %mul3A_697 = arith.muli %mul3A_696, %add3A_605 : i32
        %add3A_698 = arith.constant 1 : i32
        %add3A_699 = arith.addi %mul3A_697, %add3A_698 : i32
        %get3A_700 = arith.index_cast %add3A_699 : i32 to index
        %get3A_701 = arith.constant 32 : index
        %get3A_702 = tpu.vector_load %arg10[%get3A_700, %get3A_701] {strides = array<i32>} : memref<256x64xf32, #tpu.memory_space<vmem>>, vector<1x16xf32>,
        %get3A_703 = vector.shape_cast %get3A_702 : vector<1x16xf32> to vector<16xf32>
        %add3A_704 = arith.constant 128 : i32
        %add3A_705 = arith.addi %add3A_704, %add3A_605 : i32
        %swap3A_706 = arith.index_cast %add3A_705 : i32 to index
        %swap3A_707 = arith.constant 96 : index
        %swap3A_708 = tpu.vector_load %arg11[%swap3A_706, %swap3A_707] {strides = array<i32>} : memref<256x128xf32, #tpu.memory_space<vmem>>, vector<1x16xf32>,
        %swap3A_709 = vector.shape_cast %swap3A_708 : vector<1x16xf32> to vector<16xf32>
        %swap3A_710 = vector.shape_cast %get3A_703 : vector<16xf32> to vector<1x16xf32>
        tpu.vector_store %arg11[%swap3A_706, %swap3A_707], %swap3A_710 {add = true, strides = array<i32>} : memref<256x128xf32, #tpu.memory_space<vmem>>, vector<1x16xf32>,
        %mul3A_711 = arith.constant 2 : i32
        %mul3A_712 = arith.muli %mul3A_711, %add3A_605 : i32
        %add3A_713 = arith.constant 1 : i32
        %add3A_714 = arith.addi %mul3A_712, %add3A_713 : i32
        %get3A_715 = arith.index_cast %add3A_714 : i32 to index
        %get3A_716 = arith.constant 48 : index
        %get3A_717 = tpu.vector_load %arg10[%get3A_715, %get3A_716] {strides = array<i32>} : memref<256x64xf32, #tpu.memory_space<vmem>>, vector<1x16xf32>,
        %get3A_718 = vector.shape_cast %get3A_717 : vector<1x16xf32> to vector<16xf32>
        %add3A_719 = arith.constant 128 : i32
        %add3A_720 = arith.addi %add3A_719, %add3A_605 : i32
        %swap3A_721 = arith.index_cast %add3A_720 : i32 to index
        %swap3A_722 = arith.constant 112 : index
        %swap3A_723 = tpu.vector_load %arg11[%swap3A_721, %swap3A_722] {strides = array<i32>} : memref<256x128xf32, #tpu.memory_space<vmem>>, vector<1x16xf32>,
        %swap3A_724 = vector.shape_cast %swap3A_723 : vector<1x16xf32> to vector<16xf32>
        %swap3A_725 = vector.shape_cast %get3A_718 : vector<16xf32> to vector<1x16xf32>
        tpu.vector_store %arg11[%swap3A_721, %swap3A_722], %swap3A_725 {add = true, strides = array<i32>} : memref<256x128xf32, #tpu.memory_space<vmem>>, vector<1x16xf32>,
        %mul3A_726 = arith.constant 4 : i32
        %mul3A_727 = arith.muli %scan3A_354, %mul3A_726 : i32
        %add3A_728 = arith.constant 3 : i32
        %add3A_729 = arith.addi %mul3A_727, %add3A_728 : i32
        %mul3A_730 = arith.constant 2 : i32
        %mul3A_731 = arith.muli %mul3A_730, %add3A_729 : i32
        %add3A_732 = arith.constant 0 : i32
        %add3A_733 = arith.addi %mul3A_731, %add3A_732 : i32
        %get3A_734 = arith.index_cast %add3A_733 : i32 to index
        %get3A_735 = arith.constant 0 : index
        %get3A_736 = tpu.vector_load %arg10[%get3A_734, %get3A_735] {strides = array<i32>} : memref<256x64xf32, #tpu.memory_space<vmem>>, vector<1x16xf32>,
        %get3A_737 = vector.shape_cast %get3A_736 : vector<1x16xf32> to vector<16xf32>
        %add3A_738 = arith.constant 128 : i32
        %add3A_739 = arith.addi %add3A_738, %add3A_729 : i32
        %swap3A_740 = arith.index_cast %add3A_739 : i32 to index
        %swap3A_741 = arith.constant 0 : index
        %swap3A_742 = tpu.vector_load %arg11[%swap3A_740, %swap3A_741] {strides = array<i32>} : memref<256x128xf32, #tpu.memory_space<vmem>>, vector<1x16xf32>,
        %swap3A_743 = vector.shape_cast %swap3A_742 : vector<1x16xf32> to vector<16xf32>
        %swap3A_744 = vector.shape_cast %get3A_737 : vector<16xf32> to vector<1x16xf32>
        tpu.vector_store %arg11[%swap3A_740, %swap3A_741], %swap3A_744 {add = true, strides = array<i32>} : memref<256x128xf32, #tpu.memory_space<vmem>>, vector<1x16xf32>,
        %mul3A_745 = arith.constant 2 : i32
        %mul3A_746 = arith.muli %mul3A_745, %add3A_729 : i32
        %add3A_747 = arith.constant 0 : i32
        %add3A_748 = arith.addi %mul3A_746, %add3A_747 : i32
        %get3A_749 = arith.index_cast %add3A_748 : i32 to index
        %get3A_750 = arith.constant 16 : index
        %get3A_751 = tpu.vector_load %arg10[%get3A_749, %get3A_750] {strides = array<i32>} : memref<256x64xf32, #tpu.memory_space<vmem>>, vector<1x16xf32>,
        %get3A_752 = vector.shape_cast %get3A_751 : vector<1x16xf32> to vector<16xf32>
        %add3A_753 = arith.constant 128 : i32
        %add3A_754 = arith.addi %add3A_753, %add3A_729 : i32
        %swap3A_755 = arith.index_cast %add3A_754 : i32 to index
        %swap3A_756 = arith.constant 16 : index
        %swap3A_757 = tpu.vector_load %arg11[%swap3A_755, %swap3A_756] {strides = array<i32>} : memref<256x128xf32, #tpu.memory_space<vmem>>, vector<1x16xf32>,
        %swap3A_758 = vector.shape_cast %swap3A_757 : vector<1x16xf32> to vector<16xf32>
        %swap3A_759 = vector.shape_cast %get3A_752 : vector<16xf32> to vector<1x16xf32>
        tpu.vector_store %arg11[%swap3A_755, %swap3A_756], %swap3A_759 {add = true, strides = array<i32>} : memref<256x128xf32, #tpu.memory_space<vmem>>, vector<1x16xf32>,
        %mul3A_760 = arith.constant 2 : i32
        %mul3A_761 = arith.muli %mul3A_760, %add3A_729 : i32
        %add3A_762 = arith.constant 0 : i32
        %add3A_763 = arith.addi %mul3A_761, %add3A_762 : i32
        %get3A_764 = arith.index_cast %add3A_763 : i32 to index
        %get3A_765 = arith.constant 32 : index
        %get3A_766 = tpu.vector_load %arg10[%get3A_764, %get3A_765] {strides = array<i32>} : memref<256x64xf32, #tpu.memory_space<vmem>>, vector<1x16xf32>,
        %get3A_767 = vector.shape_cast %get3A_766 : vector<1x16xf32> to vector<16xf32>
        %add3A_768 = arith.constant 128 : i32
        %add3A_769 = arith.addi %add3A_768, %add3A_729 : i32
        %swap3A_770 = arith.index_cast %add3A_769 : i32 to index
        %swap3A_771 = arith.constant 32 : index
        %swap3A_772 = tpu.vector_load %arg11[%swap3A_770, %swap3A_771] {strides = array<i32>} : memref<256x128xf32, #tpu.memory_space<vmem>>, vector<1x16xf32>,
        %swap3A_773 = vector.shape_cast %swap3A_772 : vector<1x16xf32> to vector<16xf32>
        %swap3A_774 = vector.shape_cast %get3A_767 : vector<16xf32> to vector<1x16xf32>
        tpu.vector_store %arg11[%swap3A_770, %swap3A_771], %swap3A_774 {add = true, strides = array<i32>} : memref<256x128xf32, #tpu.memory_space<vmem>>, vector<1x16xf32>,
        %mul3A_775 = arith.constant 2 : i32
        %mul3A_776 = arith.muli %mul3A_775, %add3A_729 : i32
        %add3A_777 = arith.constant 0 : i32
        %add3A_778 = arith.addi %mul3A_776, %add3A_777 : i32
        %get3A_779 = arith.index_cast %add3A_778 : i32 to index
        %get3A_780 = arith.constant 48 : index
        %get3A_781 = tpu.vector_load %arg10[%get3A_779, %get3A_780] {strides = array<i32>} : memref<256x64xf32, #tpu.memory_space<vmem>>, vector<1x16xf32>,
        %get3A_782 = vector.shape_cast %get3A_781 : vector<1x16xf32> to vector<16xf32>
        %add3A_783 = arith.constant 128 : i32
        %add3A_784 = arith.addi %add3A_783, %add3A_729 : i32
        %swap3A_785 = arith.index_cast %add3A_784 : i32 to index
        %swap3A_786 = arith.constant 48 : index
        %swap3A_787 = tpu.vector_load %arg11[%swap3A_785, %swap3A_786] {strides = array<i32>} : memref<256x128xf32, #tpu.memory_space<vmem>>, vector<1x16xf32>,
        %swap3A_788 = vector.shape_cast %swap3A_787 : vector<1x16xf32> to vector<16xf32>
        %swap3A_789 = vector.shape_cast %get3A_782 : vector<16xf32> to vector<1x16xf32>
        tpu.vector_store %arg11[%swap3A_785, %swap3A_786], %swap3A_789 {add = true, strides = array<i32>} : memref<256x128xf32, #tpu.memory_space<vmem>>, vector<1x16xf32>,
        %mul3A_790 = arith.constant 2 : i32
        %mul3A_791 = arith.muli %mul3A_790, %add3A_729 : i32
        %add3A_792 = arith.constant 1 : i32
        %add3A_793 = arith.addi %mul3A_791, %add3A_792 : i32
        %get3A_794 = arith.index_cast %add3A_793 : i32 to index
        %get3A_795 = arith.constant 0 : index
        %get3A_796 = tpu.vector_load %arg10[%get3A_794, %get3A_795] {strides = array<i32>} : memref<256x64xf32, #tpu.memory_space<vmem>>, vector<1x16xf32>,
        %get3A_797 = vector.shape_cast %get3A_796 : vector<1x16xf32> to vector<16xf32>
        %add3A_798 = arith.constant 128 : i32
        %add3A_799 = arith.addi %add3A_798, %add3A_729 : i32
        %swap3A_800 = arith.index_cast %add3A_799 : i32 to index
        %swap3A_801 = arith.constant 64 : index
        %swap3A_802 = tpu.vector_load %arg11[%swap3A_800, %swap3A_801] {strides = array<i32>} : memref<256x128xf32, #tpu.memory_space<vmem>>, vector<1x16xf32>,
        %swap3A_803 = vector.shape_cast %swap3A_802 : vector<1x16xf32> to vector<16xf32>
        %swap3A_804 = vector.shape_cast %get3A_797 : vector<16xf32> to vector<1x16xf32>
        tpu.vector_store %arg11[%swap3A_800, %swap3A_801], %swap3A_804 {add = true, strides = array<i32>} : memref<256x128xf32, #tpu.memory_space<vmem>>, vector<1x16xf32>,
        %mul3A_805 = arith.constant 2 : i32
        %mul3A_806 = arith.muli %mul3A_805, %add3A_729 : i32
        %add3A_807 = arith.constant 1 : i32
        %add3A_808 = arith.addi %mul3A_806, %add3A_807 : i32
        %get3A_809 = arith.index_cast %add3A_808 : i32 to index
        %get3A_810 = arith.constant 16 : index
        %get3A_811 = tpu.vector_load %arg10[%get3A_809, %get3A_810] {strides = array<i32>} : memref<256x64xf32, #tpu.memory_space<vmem>>, vector<1x16xf32>,
        %get3A_812 = vector.shape_cast %get3A_811 : vector<1x16xf32> to vector<16xf32>
        %add3A_813 = arith.constant 128 : i32
        %add3A_814 = arith.addi %add3A_813, %add3A_729 : i32
        %swap3A_815 = arith.index_cast %add3A_814 : i32 to index
        %swap3A_816 = arith.constant 80 : index
        %swap3A_817 = tpu.vector_load %arg11[%swap3A_815, %swap3A_816] {strides = array<i32>} : memref<256x128xf32, #tpu.memory_space<vmem>>, vector<1x16xf32>,
        %swap3A_818 = vector.shape_cast %swap3A_817 : vector<1x16xf32> to vector<16xf32>
        %swap3A_819 = vector.shape_cast %get3A_812 : vector<16xf32> to vector<1x16xf32>
        tpu.vector_store %arg11[%swap3A_815, %swap3A_816], %swap3A_819 {add = true, strides = array<i32>} : memref<256x128xf32, #tpu.memory_space<vmem>>, vector<1x16xf32>,
        %mul3A_820 = arith.constant 2 : i32
        %mul3A_821 = arith.muli %mul3A_820, %add3A_729 : i32
        %add3A_822 = arith.constant 1 : i32
        %add3A_823 = arith.addi %mul3A_821, %add3A_822 : i32
        %get3A_824 = arith.index_cast %add3A_823 : i32 to index
        %get3A_825 = arith.constant 32 : index
        %get3A_826 = tpu.vector_load %arg10[%get3A_824, %get3A_825] {strides = array<i32>} : memref<256x64xf32, #tpu.memory_space<vmem>>, vector<1x16xf32>,
        %get3A_827 = vector.shape_cast %get3A_826 : vector<1x16xf32> to vector<16xf32>
        %add3A_828 = arith.constant 128 : i32
        %add3A_829 = arith.addi %add3A_828, %add3A_729 : i32
        %swap3A_830 = arith.index_cast %add3A_829 : i32 to index
        %swap3A_831 = arith.constant 96 : index
        %swap3A_832 = tpu.vector_load %arg11[%swap3A_830, %swap3A_831] {strides = array<i32>} : memref<256x128xf32, #tpu.memory_space<vmem>>, vector<1x16xf32>,
        %swap3A_833 = vector.shape_cast %swap3A_832 : vector<1x16xf32> to vector<16xf32>
        %swap3A_834 = vector.shape_cast %get3A_827 : vector<16xf32> to vector<1x16xf32>
        tpu.vector_store %arg11[%swap3A_830, %swap3A_831], %swap3A_834 {add = true, strides = array<i32>} : memref<256x128xf32, #tpu.memory_space<vmem>>, vector<1x16xf32>,
        %mul3A_835 = arith.constant 2 : i32
        %mul3A_836 = arith.muli %mul3A_835, %add3A_729 : i32
        %add3A_837 = arith.constant 1 : i32
        %add3A_838 = arith.addi %mul3A_836, %add3A_837 : i32
        %get3A_839 = arith.index_cast %add3A_838 : i32 to index
        %get3A_840 = arith.constant 48 : index
        %get3A_841 = tpu.vector_load %arg10[%get3A_839, %get3A_840] {strides = array<i32>} : memref<256x64xf32, #tpu.memory_space<vmem>>, vector<1x16xf32>,
        %get3A_842 = vector.shape_cast %get3A_841 : vector<1x16xf32> to vector<16xf32>
        %add3A_843 = arith.constant 128 : i32
        %add3A_844 = arith.addi %add3A_843, %add3A_729 : i32
        %swap3A_845 = arith.index_cast %add3A_844 : i32 to index
        %swap3A_846 = arith.constant 112 : index
        %swap3A_847 = tpu.vector_load %arg11[%swap3A_845, %swap3A_846] {strides = array<i32>} : memref<256x128xf32, #tpu.memory_space<vmem>>, vector<1x16xf32>,
        %swap3A_848 = vector.shape_cast %swap3A_847 : vector<1x16xf32> to vector<16xf32>
        %swap3A_849 = vector.shape_cast %get3A_842 : vector<16xf32> to vector<1x16xf32>
        tpu.vector_store %arg11[%swap3A_845, %swap3A_846], %swap3A_849 {add = true, strides = array<i32>} : memref<256x128xf32, #tpu.memory_space<vmem>>, vector<1x16xf32>,
        %scan3A_850 = arith.constant 0 : i32
        scf.yield %scan3A_850 : i32
      }
      %scan3A_327 = arith.constant 32 : i32
      %dma_start3A_328 = arith.constant 0 : i32
      %dma_start3A_329 = arith.constant 0 : i32
      %dma_start3A_330 = tpu.memref_slice %arg10[%dma_start3A_328, %dma_start3A_329] : memref<256x64xf32, #tpu.memory_space<vmem>> -> memref<128x64xf32, #tpu.memory_space<vmem>>
      %dma_start3A_331 = arith.constant 256 : i32
      %dma_start3A_332 = tpu.memref_slice %arg8[%dma_start3A_331] : memref<512xi32, #tpu.memory_space<vmem>> -> memref<128xi32, #tpu.memory_space<vmem>>
      %dma_start3A_333 = arith.constant 0 : i32
      %dma_start3A_334 = arith.constant 0 : i32
      %dma_start3A_335 = tpu.memref_slice %arg3[%dma_start3A_333, %dma_start3A_334] : memref<2000000x64xf32, #tpu.memory_space<hbm>> -> memref<2000000x64xf32, #tpu.memory_space<hbm>>
      tpu.enqueue_indirect_dma source(%dma_start3A_335 : memref<2000000x64xf32, #tpu.memory_space<hbm>>) target(%dma_start3A_330 : memref<128x64xf32, #tpu.memory_space<vmem>>) offsets(%dma_start3A_332 : memref<128xi32, #tpu.memory_space<vmem>>) semaphore(%arg15 : memref<!tpu.dma_semaphore, #tpu.memory_space<semaphore_mem>>)
      %dma_start3A_336 = arith.constant 128 : i32
      %dma_start3A_337 = arith.constant 0 : i32
      %dma_start3A_338 = tpu.memref_slice %arg10[%dma_start3A_336, %dma_start3A_337] : memref<256x64xf32, #tpu.memory_space<vmem>> -> memref<128x64xf32, #tpu.memory_space<vmem>>
      %dma_start3A_339 = arith.constant 384 : i32
      %dma_start3A_340 = tpu.memref_slice %arg8[%dma_start3A_339] : memref<512xi32, #tpu.memory_space<vmem>> -> memref<128xi32, #tpu.memory_space<vmem>>
      %dma_start3A_341 = arith.constant 0 : i32
      %dma_start3A_342 = arith.constant 0 : i32
      %dma_start3A_343 = tpu.memref_slice %arg3[%dma_start3A_341, %dma_start3A_342] : memref<2000000x64xf32, #tpu.memory_space<hbm>> -> memref<2000000x64xf32, #tpu.memory_space<hbm>>
      tpu.enqueue_indirect_dma source(%dma_start3A_343 : memref<2000000x64xf32, #tpu.memory_space<hbm>>) target(%dma_start3A_338 : memref<128x64xf32, #tpu.memory_space<vmem>>) offsets(%dma_start3A_340 : memref<128xi32, #tpu.memory_space<vmem>>) semaphore(%arg15 : memref<!tpu.dma_semaphore, #tpu.memory_space<semaphore_mem>>)
      %mul3A_344 = arith.constant 2 : i32
      %mul3A_345 = arith.muli %mul3A_344, %scan3A_190 : i32
      %add3A_346 = arith.constant 4 : i32
      %add3A_347 = arith.addi %mul3A_345, %add3A_346 : i32
      %min3A = arith.constant 199 : i32
      %min3A_348 = arith.minsi %add3A_347, %min3A : i32
      %dma_start3A_349 = tpu.memref_slice %arg2[%min3A_348, %mul3A_2] : memref<200x16384xi32, #tpu.memory_space<hbm>> -> memref<1x512xi32, #tpu.memory_space<hbm>>
      %dma_start3A_350 = tpu.memref_squeeze %dma_start3A_349 : memref<1x512xi32, #tpu.memory_space<hbm>> -> memref<512xi32, #tpu.memory_space<hbm>>
      %dma_start3A_351 = tpu.memref_slice %arg2[%min3A_348, %mul3A_2] : memref<200x16384xi32, #tpu.memory_space<hbm>> -> memref<1x512xi32, #tpu.memory_space<hbm>>
      %dma_start3A_352 = tpu.memref_squeeze %dma_start3A_351 : memref<1x512xi32, #tpu.memory_space<hbm>> -> memref<512xi32, #tpu.memory_space<hbm>>
      tpu.enqueue_dma source(%dma_start3A_352 : memref<512xi32, #tpu.memory_space<hbm>>) target(%arg5 : memref<512xi32, #tpu.memory_space<vmem>>) target_semaphore(%arg12 : memref<!tpu.dma_semaphore, #tpu.memory_space<semaphore_mem>>)
      %scan3A_353 = arith.constant 0 : i32
      scf.yield %scan3A_353 : i32
    }
    %scan3A_139 = arith.constant 99 : i32
    %dma_wait3A_140 = arith.constant 0 : i32
    %dma_wait3A_141 = arith.constant 0 : i32
    %dma_wait3A_142 = tpu.memref_slice %arg3[%dma_wait3A_140, %dma_wait3A_141] : memref<2000000x64xf32, #tpu.memory_space<hbm>> -> memref<256x64xf32, #tpu.memory_space<hbm>>
    %dma_wait3A_143 = arith.constant 0 : i32
    %dma_wait3A_144 = arith.constant 0 : i32
    %dma_wait3A_145 = tpu.memref_slice %arg3[%dma_wait3A_143, %dma_wait3A_144] : memref<2000000x64xf32, #tpu.memory_space<hbm>> -> memref<256x64xf32, #tpu.memory_space<hbm>>
    tpu.wait_dma2 semaphore(%arg14 : memref<!tpu.dma_semaphore, #tpu.memory_space<semaphore_mem>>) src(%dma_wait3A_145 : memref<256x64xf32, #tpu.memory_space<hbm>>) dst(%arg9 : memref<256x64xf32, #tpu.memory_space<vmem>>)
    %scan3A_146 = arith.constant 0 : i32
    %scan3A_147 = arith.constant 0 : i32
    %scan3A_148 = arith.constant 32 : i32
    %scan3A_149 = arith.addi %scan3A_147, %scan3A_148 : i32
    %scan3A_150 = arith.constant 1 : i32
    %scan3A_151 = scf.for %scan3A_190 = %scan3A_147 to %scan3A_149 step %scan3A_150 iter_args(%scan3A_191 = %scan3A_146) -> (i32)  : i32 {
      %mul3A_192 = arith.constant 4 : i32
      %mul3A_193 = arith.muli %scan3A_190, %mul3A_192 : i32
      %add3A_194 = arith.constant 0 : i32
      %add3A_195 = arith.addi %mul3A_193, %add3A_194 : i32
      %mul3A_196 = arith.constant 2 : i32
      %mul3A_197 = arith.muli %mul3A_196, %add3A_195 : i32
      %add3A_198 = arith.constant 0 : i32
      %add3A_199 = arith.addi %mul3A_197, %add3A_198 : i32
      %get3A = arith.index_cast %add3A_199 : i32 to index
      %get3A_200 = arith.constant 0 : index
      %get3A_201 = tpu.vector_load %arg9[%get3A, %get3A_200] {strides = array<i32>} : memref<256x64xf32, #tpu.memory_space<vmem>>, vector<1x16xf32>,
      %get3A_202 = vector.shape_cast %get3A_201 : vector<1x16xf32> to vector<16xf32>
      %add3A_203 = arith.constant 0 : i32
      %add3A_204 = arith.addi %add3A_203, %add3A_195 : i32
      %swap3A = arith.index_cast %add3A_204 : i32 to index
      %swap3A_205 = arith.constant 0 : index
      %swap3A_206 = tpu.vector_load %arg11[%swap3A, %swap3A_205] {strides = array<i32>} : memref<256x128xf32, #tpu.memory_space<vmem>>, vector<1x16xf32>,
      %swap3A_207 = vector.shape_cast %swap3A_206 : vector<1x16xf32> to vector<16xf32>
      %swap3A_208 = vector.shape_cast %get3A_202 : vector<16xf32> to vector<1x16xf32>
      tpu.vector_store %arg11[%swap3A, %swap3A_205], %swap3A_208 {add = true, strides = array<i32>} : memref<256x128xf32, #tpu.memory_space<vmem>>, vector<1x16xf32>,
      %mul3A_209 = arith.constant 2 : i32
      %mul3A_210 = arith.muli %mul3A_209, %add3A_195 : i32
      %add3A_211 = arith.constant 0 : i32
      %add3A_212 = arith.addi %mul3A_210, %add3A_211 : i32
      %get3A_213 = arith.index_cast %add3A_212 : i32 to index
      %get3A_214 = arith.constant 16 : index
      %get3A_215 = tpu.vector_load %arg9[%get3A_213, %get3A_214] {strides = array<i32>} : memref<256x64xf32, #tpu.memory_space<vmem>>, vector<1x16xf32>,
      %get3A_216 = vector.shape_cast %get3A_215 : vector<1x16xf32> to vector<16xf32>
      %add3A_217 = arith.constant 0 : i32
      %add3A_218 = arith.addi %add3A_217, %add3A_195 : i32
      %swap3A_219 = arith.index_cast %add3A_218 : i32 to index
      %swap3A_220 = arith.constant 16 : index
      %swap3A_221 = tpu.vector_load %arg11[%swap3A_219, %swap3A_220] {strides = array<i32>} : memref<256x128xf32, #tpu.memory_space<vmem>>, vector<1x16xf32>,
      %swap3A_222 = vector.shape_cast %swap3A_221 : vector<1x16xf32> to vector<16xf32>
      %swap3A_223 = vector.shape_cast %get3A_216 : vector<16xf32> to vector<1x16xf32>
      tpu.vector_store %arg11[%swap3A_219, %swap3A_220], %swap3A_223 {add = true, strides = array<i32>} : memref<256x128xf32, #tpu.memory_space<vmem>>, vector<1x16xf32>,
      %mul3A_224 = arith.constant 2 : i32
      %mul3A_225 = arith.muli %mul3A_224, %add3A_195 : i32
      %add3A_226 = arith.constant 0 : i32
      %add3A_227 = arith.addi %mul3A_225, %add3A_226 : i32
      %get3A_228 = arith.index_cast %add3A_227 : i32 to index
      %get3A_229 = arith.constant 32 : index
      %get3A_230 = tpu.vector_load %arg9[%get3A_228, %get3A_229] {strides = array<i32>} : memref<256x64xf32, #tpu.memory_space<vmem>>, vector<1x16xf32>,
      %get3A_231 = vector.shape_cast %get3A_230 : vector<1x16xf32> to vector<16xf32>
      %add3A_232 = arith.constant 0 : i32
      %add3A_233 = arith.addi %add3A_232, %add3A_195 : i32
      %swap3A_234 = arith.index_cast %add3A_233 : i32 to index
      %swap3A_235 = arith.constant 32 : index
      %swap3A_236 = tpu.vector_load %arg11[%swap3A_234, %swap3A_235] {strides = array<i32>} : memref<256x128xf32, #tpu.memory_space<vmem>>, vector<1x16xf32>,
      %swap3A_237 = vector.shape_cast %swap3A_236 : vector<1x16xf32> to vector<16xf32>
      %swap3A_238 = vector.shape_cast %get3A_231 : vector<16xf32> to vector<1x16xf32>
      tpu.vector_store %arg11[%swap3A_234, %swap3A_235], %swap3A_238 {add = true, strides = array<i32>} : memref<256x128xf32, #tpu.memory_space<vmem>>, vector<1x16xf32>,
      %mul3A_239 = arith.constant 2 : i32
      %mul3A_240 = arith.muli %mul3A_239, %add3A_195 : i32
      %add3A_241 = arith.constant 0 : i32
      %add3A_242 = arith.addi %mul3A_240, %add3A_241 : i32
      %get3A_243 = arith.index_cast %add3A_242 : i32 to index
      %get3A_244 = arith.constant 48 : index
      %get3A_245 = tpu.vector_load %arg9[%get3A_243, %get3A_244] {strides = array<i32>} : memref<256x64xf32, #tpu.memory_space<vmem>>, vector<1x16xf32>,
      %get3A_246 = vector.shape_cast %get3A_245 : vector<1x16xf32> to vector<16xf32>
      %add3A_247 = arith.constant 0 : i32
      %add3A_248 = arith.addi %add3A_247, %add3A_195 : i32
      %swap3A_249 = arith.index_cast %add3A_248 : i32 to index
      %swap3A_250 = arith.constant 48 : index
      %swap3A_251 = tpu.vector_load %arg11[%swap3A_249, %swap3A_250] {strides = array<i32>} : memref<256x128xf32, #tpu.memory_space<vmem>>, vector<1x16xf32>,
      %swap3A_252 = vector.shape_cast %swap3A_251 : vector<1x16xf32> to vector<16xf32>
      %swap3A_253 = vector.shape_cast %get3A_246 : vector<16xf32> to vector<1x16xf32>
      tpu.vector_store %arg11[%swap3A_249, %swap3A_250], %swap3A_253 {add = true, strides = array<i32>} : memref<256x128xf32, #tpu.memory_space<vmem>>, vector<1x16xf32>,
      %mul3A_254 = arith.constant 2 : i32
      %mul3A_255 = arith.muli %mul3A_254, %add3A_195 : i32
      %add3A_256 = arith.constant 1 : i32
      %add3A_257 = arith.addi %mul3A_255, %add3A_256 : i32
      %get3A_258 = arith.index_cast %add3A_257 : i32 to index
      %get3A_259 = arith.constant 0 : index
      %get3A_260 = tpu.vector_load %arg9[%get3A_258, %get3A_259] {strides = array<i32>} : memref<256x64xf32, #tpu.memory_space<vmem>>, vector<1x16xf32>,
      %get3A_261 = vector.shape_cast %get3A_260 : vector<1x16xf32> to vector<16xf32>
      %add3A_262 = arith.constant 0 : i32
      %add3A_263 = arith.addi %add3A_262, %add3A_195 : i32
      %swap3A_264 = arith.index_cast %add3A_263 : i32 to index
      %swap3A_265 = arith.constant 64 : index
      %swap3A_266 = tpu.vector_load %arg11[%swap3A_264, %swap3A_265] {strides = array<i32>} : memref<256x128xf32, #tpu.memory_space<vmem>>, vector<1x16xf32>,
      %swap3A_267 = vector.shape_cast %swap3A_266 : vector<1x16xf32> to vector<16xf32>
      %swap3A_268 = vector.shape_cast %get3A_261 : vector<16xf32> to vector<1x16xf32>
      tpu.vector_store %arg11[%swap3A_264, %swap3A_265], %swap3A_268 {add = true, strides = array<i32>} : memref<256x128xf32, #tpu.memory_space<vmem>>, vector<1x16xf32>,
      %mul3A_269 = arith.constant 2 : i32
      %mul3A_270 = arith.muli %mul3A_269, %add3A_195 : i32
      %add3A_271 = arith.constant 1 : i32
      %add3A_272 = arith.addi %mul3A_270, %add3A_271 : i32
      %get3A_273 = arith.index_cast %add3A_272 : i32 to index
      %get3A_274 = arith.constant 16 : index
      %get3A_275 = tpu.vector_load %arg9[%get3A_273, %get3A_274] {strides = array<i32>} : memref<256x64xf32, #tpu.memory_space<vmem>>, vector<1x16xf32>,
      %get3A_276 = vector.shape_cast %get3A_275 : vector<1x16xf32> to vector<16xf32>
      %add3A_277 = arith.constant 0 : i32
      %add3A_278 = arith.addi %add3A_277, %add3A_195 : i32
      %swap3A_279 = arith.index_cast %add3A_278 : i32 to index
      %swap3A_280 = arith.constant 80 : index
      %swap3A_281 = tpu.vector_load %arg11[%swap3A_279, %swap3A_280] {strides = array<i32>} : memref<256x128xf32, #tpu.memory_space<vmem>>, vector<1x16xf32>,
      %swap3A_282 = vector.shape_cast %swap3A_281 : vector<1x16xf32> to vector<16xf32>
      %swap3A_283 = vector.shape_cast %get3A_276 : vector<16xf32> to vector<1x16xf32>
      tpu.vector_store %arg11[%swap3A_279, %swap3A_280], %swap3A_283 {add = true, strides = array<i32>} : memref<256x128xf32, #tpu.memory_space<vmem>>, vector<1x16xf32>,
      %mul3A_284 = arith.constant 2 : i32
      %mul3A_285 = arith.muli %mul3A_284, %add3A_195 : i32
      %add3A_286 = arith.constant 1 : i32
      %add3A_287 = arith.addi %mul3A_285, %add3A_286 : i32
      %get3A_288 = arith.index_cast %add3A_287 : i32 to index
      %get3A_289 = arith.constant 32 : index
      %get3A_290 = tpu.vector_load %arg9[%get3A_288, %get3A_289] {strides = array<i32>} : memref<256x64xf32, #tpu.memory_space<vmem>>, vector<1x16xf32>,
      %get3A_291 = vector.shape_cast %get3A_290 : vector<1x16xf32> to vector<16xf32>
      %add3A_292 = arith.constant 0 : i32
      %add3A_293 = arith.addi %add3A_292, %add3A_195 : i32
      %swap3A_294 = arith.index_cast %add3A_293 : i32 to index
      %swap3A_295 = arith.constant 96 : index
      %swap3A_296 = tpu.vector_load %arg11[%swap3A_294, %swap3A_295] {strides = array<i32>} : memref<256x128xf32, #tpu.memory_space<vmem>>, vector<1x16xf32>,
      %swap3A_297 = vector.shape_cast %swap3A_296 : vector<1x16xf32> to vector<16xf32>
      %swap3A_298 = vector.shape_cast %get3A_291 : vector<16xf32> to vector<1x16xf32>
      tpu.vector_store %arg11[%swap3A_294, %swap3A_295], %swap3A_298 {add = true, strides = array<i32>} : memref<256x128xf32, #tpu.memory_space<vmem>>, vector<1x16xf32>,
      %mul3A_299 = arith.constant 2 : i32
      %mul3A_300 = arith.muli %mul3A_299, %add3A_195 : i32
      %add3A_301 = arith.constant 1 : i32
      %add3A_302 = arith.addi %mul3A_300, %add3A_301 : i32
      %get3A_303 = arith.index_cast %add3A_302 : i32 to index
      %get3A_304 = arith.constant 48 : index
      %get3A_305 = tpu.vector_load %arg9[%get3A_303, %get3A_304] {strides = array<i32>} : memref<256x64xf32, #tpu.memory_space<vmem>>, vector<1x16xf32>,
      %get3A_306 = vector.shape_cast %get3A_305 : vector<1x16xf32> to vector<16xf32>
      %add3A_307 = arith.constant 0 : i32
      %add3A_308 = arith.addi %add3A_307, %add3A_195 : i32
      %swap3A_309 = arith.index_cast %add3A_308 : i32 to index
      %swap3A_310 = arith.constant 112 : index
      %swap3A_311 = tpu.vector_load %arg11[%swap3A_309, %swap3A_310] {strides = array<i32>} : memref<256x128xf32, #tpu.memory_space<vmem>>, vector<1x16xf32>,
      %swap3A_312 = vector.shape_cast %swap3A_311 : vector<1x16xf32> to vector<16xf32>
      %swap3A_313 = vector.shape_cast %get3A_306 : vector<16xf32> to vector<1x16xf32>
      tpu.vector_store %arg11[%swap3A_309, %swap3A_310], %swap3A_313 {add = true, strides = array<i32>} : memref<256x128xf32, #tpu.memory_space<vmem>>, vector<1x16xf32>,
      %mul3A_314 = arith.constant 4 : i32
      %mul3A_315 = arith.muli %scan3A_190, %mul3A_314 : i32
      %add3A_316 = arith.constant 1 : i32
      %add3A_317 = arith.addi %mul3A_315, %add3A_316 : i32
      %mul3A_318 = arith.constant 2 : i32
      %mul3A_319 = arith.muli %mul3A_318, %add3A_317 : i32
      %add3A_320 = arith.constant 0 : i32
      %add3A_321 = arith.addi %mul3A_319, %add3A_320 : i32
      %get3A_322 = arith.index_cast %add3A_321 : i32 to index
      %get3A_323 = arith.constant 0 : index
      %get3A_324 = tpu.vector_load %arg9[%get3A_322, %get3A_323] {strides = array<i32>} : memref<256x64xf32, #tpu.memory_space<vmem>>, vector<1x16xf32>,
      %get3A_325 = vector.shape_cast %get3A_324 : vector<1x16xf32> to vector<16xf32>
      %add3A_326 = arith.constant 0 : i32
      %add3A_327 = arith.addi %add3A_326, %add3A_317 : i32
      %swap3A_328 = arith.index_cast %add3A_327 : i32 to index
      %swap3A_329 = arith.constant 0 : index
      %swap3A_330 = tpu.vector_load %arg11[%swap3A_328, %swap3A_329] {strides = array<i32>} : memref<256x128xf32, #tpu.memory_space<vmem>>, vector<1x16xf32>,
      %swap3A_331 = vector.shape_cast %swap3A_330 : vector<1x16xf32> to vector<16xf32>
      %swap3A_332 = vector.shape_cast %get3A_325 : vector<16xf32> to vector<1x16xf32>
      tpu.vector_store %arg11[%swap3A_328, %swap3A_329], %swap3A_332 {add = true, strides = array<i32>} : memref<256x128xf32, #tpu.memory_space<vmem>>, vector<1x16xf32>,
      %mul3A_333 = arith.constant 2 : i32
      %mul3A_334 = arith.muli %mul3A_333, %add3A_317 : i32
      %add3A_335 = arith.constant 0 : i32
      %add3A_336 = arith.addi %mul3A_334, %add3A_335 : i32
      %get3A_337 = arith.index_cast %add3A_336 : i32 to index
      %get3A_338 = arith.constant 16 : index
      %get3A_339 = tpu.vector_load %arg9[%get3A_337, %get3A_338] {strides = array<i32>} : memref<256x64xf32, #tpu.memory_space<vmem>>, vector<1x16xf32>,
      %get3A_340 = vector.shape_cast %get3A_339 : vector<1x16xf32> to vector<16xf32>
      %add3A_341 = arith.constant 0 : i32
      %add3A_342 = arith.addi %add3A_341, %add3A_317 : i32
      %swap3A_343 = arith.index_cast %add3A_342 : i32 to index
      %swap3A_344 = arith.constant 16 : index
      %swap3A_345 = tpu.vector_load %arg11[%swap3A_343, %swap3A_344] {strides = array<i32>} : memref<256x128xf32, #tpu.memory_space<vmem>>, vector<1x16xf32>,
      %swap3A_346 = vector.shape_cast %swap3A_345 : vector<1x16xf32> to vector<16xf32>
      %swap3A_347 = vector.shape_cast %get3A_340 : vector<16xf32> to vector<1x16xf32>
      tpu.vector_store %arg11[%swap3A_343, %swap3A_344], %swap3A_347 {add = true, strides = array<i32>} : memref<256x128xf32, #tpu.memory_space<vmem>>, vector<1x16xf32>,
      %mul3A_348 = arith.constant 2 : i32
      %mul3A_349 = arith.muli %mul3A_348, %add3A_317 : i32
      %add3A_350 = arith.constant 0 : i32
      %add3A_351 = arith.addi %mul3A_349, %add3A_350 : i32
      %get3A_352 = arith.index_cast %add3A_351 : i32 to index
      %get3A_353 = arith.constant 32 : index
      %get3A_354 = tpu.vector_load %arg9[%get3A_352, %get3A_353] {strides = array<i32>} : memref<256x64xf32, #tpu.memory_space<vmem>>, vector<1x16xf32>,
      %get3A_355 = vector.shape_cast %get3A_354 : vector<1x16xf32> to vector<16xf32>
      %add3A_356 = arith.constant 0 : i32
      %add3A_357 = arith.addi %add3A_356, %add3A_317 : i32
      %swap3A_358 = arith.index_cast %add3A_357 : i32 to index
      %swap3A_359 = arith.constant 32 : index
      %swap3A_360 = tpu.vector_load %arg11[%swap3A_358, %swap3A_359] {strides = array<i32>} : memref<256x128xf32, #tpu.memory_space<vmem>>, vector<1x16xf32>,
      %swap3A_361 = vector.shape_cast %swap3A_360 : vector<1x16xf32> to vector<16xf32>
      %swap3A_362 = vector.shape_cast %get3A_355 : vector<16xf32> to vector<1x16xf32>
      tpu.vector_store %arg11[%swap3A_358, %swap3A_359], %swap3A_362 {add = true, strides = array<i32>} : memref<256x128xf32, #tpu.memory_space<vmem>>, vector<1x16xf32>,
      %mul3A_363 = arith.constant 2 : i32
      %mul3A_364 = arith.muli %mul3A_363, %add3A_317 : i32
      %add3A_365 = arith.constant 0 : i32
      %add3A_366 = arith.addi %mul3A_364, %add3A_365 : i32
      %get3A_367 = arith.index_cast %add3A_366 : i32 to index
      %get3A_368 = arith.constant 48 : index
      %get3A_369 = tpu.vector_load %arg9[%get3A_367, %get3A_368] {strides = array<i32>} : memref<256x64xf32, #tpu.memory_space<vmem>>, vector<1x16xf32>,
      %get3A_370 = vector.shape_cast %get3A_369 : vector<1x16xf32> to vector<16xf32>
      %add3A_371 = arith.constant 0 : i32
      %add3A_372 = arith.addi %add3A_371, %add3A_317 : i32
      %swap3A_373 = arith.index_cast %add3A_372 : i32 to index
      %swap3A_374 = arith.constant 48 : index
      %swap3A_375 = tpu.vector_load %arg11[%swap3A_373, %swap3A_374] {strides = array<i32>} : memref<256x128xf32, #tpu.memory_space<vmem>>, vector<1x16xf32>,
      %swap3A_376 = vector.shape_cast %swap3A_375 : vector<1x16xf32> to vector<16xf32>
      %swap3A_377 = vector.shape_cast %get3A_370 : vector<16xf32> to vector<1x16xf32>
      tpu.vector_store %arg11[%swap3A_373, %swap3A_374], %swap3A_377 {add = true, strides = array<i32>} : memref<256x128xf32, #tpu.memory_space<vmem>>, vector<1x16xf32>,
      %mul3A_378 = arith.constant 2 : i32
      %mul3A_379 = arith.muli %mul3A_378, %add3A_317 : i32
      %add3A_380 = arith.constant 1 : i32
      %add3A_381 = arith.addi %mul3A_379, %add3A_380 : i32
      %get3A_382 = arith.index_cast %add3A_381 : i32 to index
      %get3A_383 = arith.constant 0 : index
      %get3A_384 = tpu.vector_load %arg9[%get3A_382, %get3A_383] {strides = array<i32>} : memref<256x64xf32, #tpu.memory_space<vmem>>, vector<1x16xf32>,
      %get3A_385 = vector.shape_cast %get3A_384 : vector<1x16xf32> to vector<16xf32>
      %add3A_386 = arith.constant 0 : i32
      %add3A_387 = arith.addi %add3A_386, %add3A_317 : i32
      %swap3A_388 = arith.index_cast %add3A_387 : i32 to index
      %swap3A_389 = arith.constant 64 : index
      %swap3A_390 = tpu.vector_load %arg11[%swap3A_388, %swap3A_389] {strides = array<i32>} : memref<256x128xf32, #tpu.memory_space<vmem>>, vector<1x16xf32>,
      %swap3A_391 = vector.shape_cast %swap3A_390 : vector<1x16xf32> to vector<16xf32>
      %swap3A_392 = vector.shape_cast %get3A_385 : vector<16xf32> to vector<1x16xf32>
      tpu.vector_store %arg11[%swap3A_388, %swap3A_389], %swap3A_392 {add = true, strides = array<i32>} : memref<256x128xf32, #tpu.memory_space<vmem>>, vector<1x16xf32>,
      %mul3A_393 = arith.constant 2 : i32
      %mul3A_394 = arith.muli %mul3A_393, %add3A_317 : i32
      %add3A_395 = arith.constant 1 : i32
      %add3A_396 = arith.addi %mul3A_394, %add3A_395 : i32
      %get3A_397 = arith.index_cast %add3A_396 : i32 to index
      %get3A_398 = arith.constant 16 : index
      %get3A_399 = tpu.vector_load %arg9[%get3A_397, %get3A_398] {strides = array<i32>} : memref<256x64xf32, #tpu.memory_space<vmem>>, vector<1x16xf32>,
      %get3A_400 = vector.shape_cast %get3A_399 : vector<1x16xf32> to vector<16xf32>
      %add3A_401 = arith.constant 0 : i32
      %add3A_402 = arith.addi %add3A_401, %add3A_317 : i32
      %swap3A_403 = arith.index_cast %add3A_402 : i32 to index
      %swap3A_404 = arith.constant 80 : index
      %swap3A_405 = tpu.vector_load %arg11[%swap3A_403, %swap3A_404] {strides = array<i32>} : memref<256x128xf32, #tpu.memory_space<vmem>>, vector<1x16xf32>,
      %swap3A_406 = vector.shape_cast %swap3A_405 : vector<1x16xf32> to vector<16xf32>
      %swap3A_407 = vector.shape_cast %get3A_400 : vector<16xf32> to vector<1x16xf32>
      tpu.vector_store %arg11[%swap3A_403, %swap3A_404], %swap3A_407 {add = true, strides = array<i32>} : memref<256x128xf32, #tpu.memory_space<vmem>>, vector<1x16xf32>,
      %mul3A_408 = arith.constant 2 : i32
      %mul3A_409 = arith.muli %mul3A_408, %add3A_317 : i32
      %add3A_410 = arith.constant 1 : i32
      %add3A_411 = arith.addi %mul3A_409, %add3A_410 : i32
      %get3A_412 = arith.index_cast %add3A_411 : i32 to index
      %get3A_413 = arith.constant 32 : index
      %get3A_414 = tpu.vector_load %arg9[%get3A_412, %get3A_413] {strides = array<i32>} : memref<256x64xf32, #tpu.memory_space<vmem>>, vector<1x16xf32>,
      %get3A_415 = vector.shape_cast %get3A_414 : vector<1x16xf32> to vector<16xf32>
      %add3A_416 = arith.constant 0 : i32
      %add3A_417 = arith.addi %add3A_416, %add3A_317 : i32
      %swap3A_418 = arith.index_cast %add3A_417 : i32 to index
      %swap3A_419 = arith.constant 96 : index
      %swap3A_420 = tpu.vector_load %arg11[%swap3A_418, %swap3A_419] {strides = array<i32>} : memref<256x128xf32, #tpu.memory_space<vmem>>, vector<1x16xf32>,
      %swap3A_421 = vector.shape_cast %swap3A_420 : vector<1x16xf32> to vector<16xf32>
      %swap3A_422 = vector.shape_cast %get3A_415 : vector<16xf32> to vector<1x16xf32>
      tpu.vector_store %arg11[%swap3A_418, %swap3A_419], %swap3A_422 {add = true, strides = array<i32>} : memref<256x128xf32, #tpu.memory_space<vmem>>, vector<1x16xf32>,
      %mul3A_423 = arith.constant 2 : i32
      %mul3A_424 = arith.muli %mul3A_423, %add3A_317 : i32
      %add3A_425 = arith.constant 1 : i32
      %add3A_426 = arith.addi %mul3A_424, %add3A_425 : i32
      %get3A_427 = arith.index_cast %add3A_426 : i32 to index
      %get3A_428 = arith.constant 48 : index
      %get3A_429 = tpu.vector_load %arg9[%get3A_427, %get3A_428] {strides = array<i32>} : memref<256x64xf32, #tpu.memory_space<vmem>>, vector<1x16xf32>,
      %get3A_430 = vector.shape_cast %get3A_429 : vector<1x16xf32> to vector<16xf32>
      %add3A_431 = arith.constant 0 : i32
      %add3A_432 = arith.addi %add3A_431, %add3A_317 : i32
      %swap3A_433 = arith.index_cast %add3A_432 : i32 to index
      %swap3A_434 = arith.constant 112 : index
      %swap3A_435 = tpu.vector_load %arg11[%swap3A_433, %swap3A_434] {strides = array<i32>} : memref<256x128xf32, #tpu.memory_space<vmem>>, vector<1x16xf32>,
      %swap3A_436 = vector.shape_cast %swap3A_435 : vector<1x16xf32> to vector<16xf32>
      %swap3A_437 = vector.shape_cast %get3A_430 : vector<16xf32> to vector<1x16xf32>
      tpu.vector_store %arg11[%swap3A_433, %swap3A_434], %swap3A_437 {add = true, strides = array<i32>} : memref<256x128xf32, #tpu.memory_space<vmem>>, vector<1x16xf32>,
      %mul3A_438 = arith.constant 4 : i32
      %mul3A_439 = arith.muli %scan3A_190, %mul3A_438 : i32
      %add3A_440 = arith.constant 2 : i32
      %add3A_441 = arith.addi %mul3A_439, %add3A_440 : i32
      %mul3A_442 = arith.constant 2 : i32
      %mul3A_443 = arith.muli %mul3A_442, %add3A_441 : i32
      %add3A_444 = arith.constant 0 : i32
      %add3A_445 = arith.addi %mul3A_443, %add3A_444 : i32
      %get3A_446 = arith.index_cast %add3A_445 : i32 to index
      %get3A_447 = arith.constant 0 : index
      %get3A_448 = tpu.vector_load %arg9[%get3A_446, %get3A_447] {strides = array<i32>} : memref<256x64xf32, #tpu.memory_space<vmem>>, vector<1x16xf32>,
      %get3A_449 = vector.shape_cast %get3A_448 : vector<1x16xf32> to vector<16xf32>
      %add3A_450 = arith.constant 0 : i32
      %add3A_451 = arith.addi %add3A_450, %add3A_441 : i32
      %swap3A_452 = arith.index_cast %add3A_451 : i32 to index
      %swap3A_453 = arith.constant 0 : index
      %swap3A_454 = tpu.vector_load %arg11[%swap3A_452, %swap3A_453] {strides = array<i32>} : memref<256x128xf32, #tpu.memory_space<vmem>>, vector<1x16xf32>,
      %swap3A_455 = vector.shape_cast %swap3A_454 : vector<1x16xf32> to vector<16xf32>
      %swap3A_456 = vector.shape_cast %get3A_449 : vector<16xf32> to vector<1x16xf32>
      tpu.vector_store %arg11[%swap3A_452, %swap3A_453], %swap3A_456 {add = true, strides = array<i32>} : memref<256x128xf32, #tpu.memory_space<vmem>>, vector<1x16xf32>,
      %mul3A_457 = arith.constant 2 : i32
      %mul3A_458 = arith.muli %mul3A_457, %add3A_441 : i32
      %add3A_459 = arith.constant 0 : i32
      %add3A_460 = arith.addi %mul3A_458, %add3A_459 : i32
      %get3A_461 = arith.index_cast %add3A_460 : i32 to index
      %get3A_462 = arith.constant 16 : index
      %get3A_463 = tpu.vector_load %arg9[%get3A_461, %get3A_462] {strides = array<i32>} : memref<256x64xf32, #tpu.memory_space<vmem>>, vector<1x16xf32>,
      %get3A_464 = vector.shape_cast %get3A_463 : vector<1x16xf32> to vector<16xf32>
      %add3A_465 = arith.constant 0 : i32
      %add3A_466 = arith.addi %add3A_465, %add3A_441 : i32
      %swap3A_467 = arith.index_cast %add3A_466 : i32 to index
      %swap3A_468 = arith.constant 16 : index
      %swap3A_469 = tpu.vector_load %arg11[%swap3A_467, %swap3A_468] {strides = array<i32>} : memref<256x128xf32, #tpu.memory_space<vmem>>, vector<1x16xf32>,
      %swap3A_470 = vector.shape_cast %swap3A_469 : vector<1x16xf32> to vector<16xf32>
      %swap3A_471 = vector.shape_cast %get3A_464 : vector<16xf32> to vector<1x16xf32>
      tpu.vector_store %arg11[%swap3A_467, %swap3A_468], %swap3A_471 {add = true, strides = array<i32>} : memref<256x128xf32, #tpu.memory_space<vmem>>, vector<1x16xf32>,
      %mul3A_472 = arith.constant 2 : i32
      %mul3A_473 = arith.muli %mul3A_472, %add3A_441 : i32
      %add3A_474 = arith.constant 0 : i32
      %add3A_475 = arith.addi %mul3A_473, %add3A_474 : i32
      %get3A_476 = arith.index_cast %add3A_475 : i32 to index
      %get3A_477 = arith.constant 32 : index
      %get3A_478 = tpu.vector_load %arg9[%get3A_476, %get3A_477] {strides = array<i32>} : memref<256x64xf32, #tpu.memory_space<vmem>>, vector<1x16xf32>,
      %get3A_479 = vector.shape_cast %get3A_478 : vector<1x16xf32> to vector<16xf32>
      %add3A_480 = arith.constant 0 : i32
      %add3A_481 = arith.addi %add3A_480, %add3A_441 : i32
      %swap3A_482 = arith.index_cast %add3A_481 : i32 to index
      %swap3A_483 = arith.constant 32 : index
      %swap3A_484 = tpu.vector_load %arg11[%swap3A_482, %swap3A_483] {strides = array<i32>} : memref<256x128xf32, #tpu.memory_space<vmem>>, vector<1x16xf32>,
      %swap3A_485 = vector.shape_cast %swap3A_484 : vector<1x16xf32> to vector<16xf32>
      %swap3A_486 = vector.shape_cast %get3A_479 : vector<16xf32> to vector<1x16xf32>
      tpu.vector_store %arg11[%swap3A_482, %swap3A_483], %swap3A_486 {add = true, strides = array<i32>} : memref<256x128xf32, #tpu.memory_space<vmem>>, vector<1x16xf32>,
      %mul3A_487 = arith.constant 2 : i32
      %mul3A_488 = arith.muli %mul3A_487, %add3A_441 : i32
      %add3A_489 = arith.constant 0 : i32
      %add3A_490 = arith.addi %mul3A_488, %add3A_489 : i32
      %get3A_491 = arith.index_cast %add3A_490 : i32 to index
      %get3A_492 = arith.constant 48 : index
      %get3A_493 = tpu.vector_load %arg9[%get3A_491, %get3A_492] {strides = array<i32>} : memref<256x64xf32, #tpu.memory_space<vmem>>, vector<1x16xf32>,
      %get3A_494 = vector.shape_cast %get3A_493 : vector<1x16xf32> to vector<16xf32>
      %add3A_495 = arith.constant 0 : i32
      %add3A_496 = arith.addi %add3A_495, %add3A_441 : i32
      %swap3A_497 = arith.index_cast %add3A_496 : i32 to index
      %swap3A_498 = arith.constant 48 : index
      %swap3A_499 = tpu.vector_load %arg11[%swap3A_497, %swap3A_498] {strides = array<i32>} : memref<256x128xf32, #tpu.memory_space<vmem>>, vector<1x16xf32>,
      %swap3A_500 = vector.shape_cast %swap3A_499 : vector<1x16xf32> to vector<16xf32>
      %swap3A_501 = vector.shape_cast %get3A_494 : vector<16xf32> to vector<1x16xf32>
      tpu.vector_store %arg11[%swap3A_497, %swap3A_498], %swap3A_501 {add = true, strides = array<i32>} : memref<256x128xf32, #tpu.memory_space<vmem>>, vector<1x16xf32>,
      %mul3A_502 = arith.constant 2 : i32
      %mul3A_503 = arith.muli %mul3A_502, %add3A_441 : i32
      %add3A_504 = arith.constant 1 : i32
      %add3A_505 = arith.addi %mul3A_503, %add3A_504 : i32
      %get3A_506 = arith.index_cast %add3A_505 : i32 to index
      %get3A_507 = arith.constant 0 : index
      %get3A_508 = tpu.vector_load %arg9[%get3A_506, %get3A_507] {strides = array<i32>} : memref<256x64xf32, #tpu.memory_space<vmem>>, vector<1x16xf32>,
      %get3A_509 = vector.shape_cast %get3A_508 : vector<1x16xf32> to vector<16xf32>
      %add3A_510 = arith.constant 0 : i32
      %add3A_511 = arith.addi %add3A_510, %add3A_441 : i32
      %swap3A_512 = arith.index_cast %add3A_511 : i32 to index
      %swap3A_513 = arith.constant 64 : index
      %swap3A_514 = tpu.vector_load %arg11[%swap3A_512, %swap3A_513] {strides = array<i32>} : memref<256x128xf32, #tpu.memory_space<vmem>>, vector<1x16xf32>,
      %swap3A_515 = vector.shape_cast %swap3A_514 : vector<1x16xf32> to vector<16xf32>
      %swap3A_516 = vector.shape_cast %get3A_509 : vector<16xf32> to vector<1x16xf32>
      tpu.vector_store %arg11[%swap3A_512, %swap3A_513], %swap3A_516 {add = true, strides = array<i32>} : memref<256x128xf32, #tpu.memory_space<vmem>>, vector<1x16xf32>,
      %mul3A_517 = arith.constant 2 : i32
      %mul3A_518 = arith.muli %mul3A_517, %add3A_441 : i32
      %add3A_519 = arith.constant 1 : i32
      %add3A_520 = arith.addi %mul3A_518, %add3A_519 : i32
      %get3A_521 = arith.index_cast %add3A_520 : i32 to index
      %get3A_522 = arith.constant 16 : index
      %get3A_523 = tpu.vector_load %arg9[%get3A_521, %get3A_522] {strides = array<i32>} : memref<256x64xf32, #tpu.memory_space<vmem>>, vector<1x16xf32>,
      %get3A_524 = vector.shape_cast %get3A_523 : vector<1x16xf32> to vector<16xf32>
      %add3A_525 = arith.constant 0 : i32
      %add3A_526 = arith.addi %add3A_525, %add3A_441 : i32
      %swap3A_527 = arith.index_cast %add3A_526 : i32 to index
      %swap3A_528 = arith.constant 80 : index
      %swap3A_529 = tpu.vector_load %arg11[%swap3A_527, %swap3A_528] {strides = array<i32>} : memref<256x128xf32, #tpu.memory_space<vmem>>, vector<1x16xf32>,
      %swap3A_530 = vector.shape_cast %swap3A_529 : vector<1x16xf32> to vector<16xf32>
      %swap3A_531 = vector.shape_cast %get3A_524 : vector<16xf32> to vector<1x16xf32>
      tpu.vector_store %arg11[%swap3A_527, %swap3A_528], %swap3A_531 {add = true, strides = array<i32>} : memref<256x128xf32, #tpu.memory_space<vmem>>, vector<1x16xf32>,
      %mul3A_532 = arith.constant 2 : i32
      %mul3A_533 = arith.muli %mul3A_532, %add3A_441 : i32
      %add3A_534 = arith.constant 1 : i32
      %add3A_535 = arith.addi %mul3A_533, %add3A_534 : i32
      %get3A_536 = arith.index_cast %add3A_535 : i32 to index
      %get3A_537 = arith.constant 32 : index
      %get3A_538 = tpu.vector_load %arg9[%get3A_536, %get3A_537] {strides = array<i32>} : memref<256x64xf32, #tpu.memory_space<vmem>>, vector<1x16xf32>,
      %get3A_539 = vector.shape_cast %get3A_538 : vector<1x16xf32> to vector<16xf32>
      %add3A_540 = arith.constant 0 : i32
      %add3A_541 = arith.addi %add3A_540, %add3A_441 : i32
      %swap3A_542 = arith.index_cast %add3A_541 : i32 to index
      %swap3A_543 = arith.constant 96 : index
      %swap3A_544 = tpu.vector_load %arg11[%swap3A_542, %swap3A_543] {strides = array<i32>} : memref<256x128xf32, #tpu.memory_space<vmem>>, vector<1x16xf32>,
      %swap3A_545 = vector.shape_cast %swap3A_544 : vector<1x16xf32> to vector<16xf32>
      %swap3A_546 = vector.shape_cast %get3A_539 : vector<16xf32> to vector<1x16xf32>
      tpu.vector_store %arg11[%swap3A_542, %swap3A_543], %swap3A_546 {add = true, strides = array<i32>} : memref<256x128xf32, #tpu.memory_space<vmem>>, vector<1x16xf32>,
      %mul3A_547 = arith.constant 2 : i32
      %mul3A_548 = arith.muli %mul3A_547, %add3A_441 : i32
      %add3A_549 = arith.constant 1 : i32
      %add3A_550 = arith.addi %mul3A_548, %add3A_549 : i32
      %get3A_551 = arith.index_cast %add3A_550 : i32 to index
      %get3A_552 = arith.constant 48 : index
      %get3A_553 = tpu.vector_load %arg9[%get3A_551, %get3A_552] {strides = array<i32>} : memref<256x64xf32, #tpu.memory_space<vmem>>, vector<1x16xf32>,
      %get3A_554 = vector.shape_cast %get3A_553 : vector<1x16xf32> to vector<16xf32>
      %add3A_555 = arith.constant 0 : i32
      %add3A_556 = arith.addi %add3A_555, %add3A_441 : i32
      %swap3A_557 = arith.index_cast %add3A_556 : i32 to index
      %swap3A_558 = arith.constant 112 : index
      %swap3A_559 = tpu.vector_load %arg11[%swap3A_557, %swap3A_558] {strides = array<i32>} : memref<256x128xf32, #tpu.memory_space<vmem>>, vector<1x16xf32>,
      %swap3A_560 = vector.shape_cast %swap3A_559 : vector<1x16xf32> to vector<16xf32>
      %swap3A_561 = vector.shape_cast %get3A_554 : vector<16xf32> to vector<1x16xf32>
      tpu.vector_store %arg11[%swap3A_557, %swap3A_558], %swap3A_561 {add = true, strides = array<i32>} : memref<256x128xf32, #tpu.memory_space<vmem>>, vector<1x16xf32>,
      %mul3A_562 = arith.constant 4 : i32
      %mul3A_563 = arith.muli %scan3A_190, %mul3A_562 : i32
      %add3A_564 = arith.constant 3 : i32
      %add3A_565 = arith.addi %mul3A_563, %add3A_564 : i32
      %mul3A_566 = arith.constant 2 : i32
      %mul3A_567 = arith.muli %mul3A_566, %add3A_565 : i32
      %add3A_568 = arith.constant 0 : i32
      %add3A_569 = arith.addi %mul3A_567, %add3A_568 : i32
      %get3A_570 = arith.index_cast %add3A_569 : i32 to index
      %get3A_571 = arith.constant 0 : index
      %get3A_572 = tpu.vector_load %arg9[%get3A_570, %get3A_571] {strides = array<i32>} : memref<256x64xf32, #tpu.memory_space<vmem>>, vector<1x16xf32>,
      %get3A_573 = vector.shape_cast %get3A_572 : vector<1x16xf32> to vector<16xf32>
      %add3A_574 = arith.constant 0 : i32
      %add3A_575 = arith.addi %add3A_574, %add3A_565 : i32
      %swap3A_576 = arith.index_cast %add3A_575 : i32 to index
      %swap3A_577 = arith.constant 0 : index
      %swap3A_578 = tpu.vector_load %arg11[%swap3A_576, %swap3A_577] {strides = array<i32>} : memref<256x128xf32, #tpu.memory_space<vmem>>, vector<1x16xf32>,
      %swap3A_579 = vector.shape_cast %swap3A_578 : vector<1x16xf32> to vector<16xf32>
      %swap3A_580 = vector.shape_cast %get3A_573 : vector<16xf32> to vector<1x16xf32>
      tpu.vector_store %arg11[%swap3A_576, %swap3A_577], %swap3A_580 {add = true, strides = array<i32>} : memref<256x128xf32, #tpu.memory_space<vmem>>, vector<1x16xf32>,
      %mul3A_581 = arith.constant 2 : i32
      %mul3A_582 = arith.muli %mul3A_581, %add3A_565 : i32
      %add3A_583 = arith.constant 0 : i32
      %add3A_584 = arith.addi %mul3A_582, %add3A_583 : i32
      %get3A_585 = arith.index_cast %add3A_584 : i32 to index
      %get3A_586 = arith.constant 16 : index
      %get3A_587 = tpu.vector_load %arg9[%get3A_585, %get3A_586] {strides = array<i32>} : memref<256x64xf32, #tpu.memory_space<vmem>>, vector<1x16xf32>,
      %get3A_588 = vector.shape_cast %get3A_587 : vector<1x16xf32> to vector<16xf32>
      %add3A_589 = arith.constant 0 : i32
      %add3A_590 = arith.addi %add3A_589, %add3A_565 : i32
      %swap3A_591 = arith.index_cast %add3A_590 : i32 to index
      %swap3A_592 = arith.constant 16 : index
      %swap3A_593 = tpu.vector_load %arg11[%swap3A_591, %swap3A_592] {strides = array<i32>} : memref<256x128xf32, #tpu.memory_space<vmem>>, vector<1x16xf32>,
      %swap3A_594 = vector.shape_cast %swap3A_593 : vector<1x16xf32> to vector<16xf32>
      %swap3A_595 = vector.shape_cast %get3A_588 : vector<16xf32> to vector<1x16xf32>
      tpu.vector_store %arg11[%swap3A_591, %swap3A_592], %swap3A_595 {add = true, strides = array<i32>} : memref<256x128xf32, #tpu.memory_space<vmem>>, vector<1x16xf32>,
      %mul3A_596 = arith.constant 2 : i32
      %mul3A_597 = arith.muli %mul3A_596, %add3A_565 : i32
      %add3A_598 = arith.constant 0 : i32
      %add3A_599 = arith.addi %mul3A_597, %add3A_598 : i32
      %get3A_600 = arith.index_cast %add3A_599 : i32 to index
      %get3A_601 = arith.constant 32 : index
      %get3A_602 = tpu.vector_load %arg9[%get3A_600, %get3A_601] {strides = array<i32>} : memref<256x64xf32, #tpu.memory_space<vmem>>, vector<1x16xf32>,
      %get3A_603 = vector.shape_cast %get3A_602 : vector<1x16xf32> to vector<16xf32>
      %add3A_604 = arith.constant 0 : i32
      %add3A_605 = arith.addi %add3A_604, %add3A_565 : i32
      %swap3A_606 = arith.index_cast %add3A_605 : i32 to index
      %swap3A_607 = arith.constant 32 : index
      %swap3A_608 = tpu.vector_load %arg11[%swap3A_606, %swap3A_607] {strides = array<i32>} : memref<256x128xf32, #tpu.memory_space<vmem>>, vector<1x16xf32>,
      %swap3A_609 = vector.shape_cast %swap3A_608 : vector<1x16xf32> to vector<16xf32>
      %swap3A_610 = vector.shape_cast %get3A_603 : vector<16xf32> to vector<1x16xf32>
      tpu.vector_store %arg11[%swap3A_606, %swap3A_607], %swap3A_610 {add = true, strides = array<i32>} : memref<256x128xf32, #tpu.memory_space<vmem>>, vector<1x16xf32>,
      %mul3A_611 = arith.constant 2 : i32
      %mul3A_612 = arith.muli %mul3A_611, %add3A_565 : i32
      %add3A_613 = arith.constant 0 : i32
      %add3A_614 = arith.addi %mul3A_612, %add3A_613 : i32
      %get3A_615 = arith.index_cast %add3A_614 : i32 to index
      %get3A_616 = arith.constant 48 : index
      %get3A_617 = tpu.vector_load %arg9[%get3A_615, %get3A_616] {strides = array<i32>} : memref<256x64xf32, #tpu.memory_space<vmem>>, vector<1x16xf32>,
      %get3A_618 = vector.shape_cast %get3A_617 : vector<1x16xf32> to vector<16xf32>
      %add3A_619 = arith.constant 0 : i32
      %add3A_620 = arith.addi %add3A_619, %add3A_565 : i32
      %swap3A_621 = arith.index_cast %add3A_620 : i32 to index
      %swap3A_622 = arith.constant 48 : index
      %swap3A_623 = tpu.vector_load %arg11[%swap3A_621, %swap3A_622] {strides = array<i32>} : memref<256x128xf32, #tpu.memory_space<vmem>>, vector<1x16xf32>,
      %swap3A_624 = vector.shape_cast %swap3A_623 : vector<1x16xf32> to vector<16xf32>
      %swap3A_625 = vector.shape_cast %get3A_618 : vector<16xf32> to vector<1x16xf32>
      tpu.vector_store %arg11[%swap3A_621, %swap3A_622], %swap3A_625 {add = true, strides = array<i32>} : memref<256x128xf32, #tpu.memory_space<vmem>>, vector<1x16xf32>,
      %mul3A_626 = arith.constant 2 : i32
      %mul3A_627 = arith.muli %mul3A_626, %add3A_565 : i32
      %add3A_628 = arith.constant 1 : i32
      %add3A_629 = arith.addi %mul3A_627, %add3A_628 : i32
      %get3A_630 = arith.index_cast %add3A_629 : i32 to index
      %get3A_631 = arith.constant 0 : index
      %get3A_632 = tpu.vector_load %arg9[%get3A_630, %get3A_631] {strides = array<i32>} : memref<256x64xf32, #tpu.memory_space<vmem>>, vector<1x16xf32>,
      %get3A_633 = vector.shape_cast %get3A_632 : vector<1x16xf32> to vector<16xf32>
      %add3A_634 = arith.constant 0 : i32
      %add3A_635 = arith.addi %add3A_634, %add3A_565 : i32
      %swap3A_636 = arith.index_cast %add3A_635 : i32 to index
      %swap3A_637 = arith.constant 64 : index
      %swap3A_638 = tpu.vector_load %arg11[%swap3A_636, %swap3A_637] {strides = array<i32>} : memref<256x128xf32, #tpu.memory_space<vmem>>, vector<1x16xf32>,
      %swap3A_639 = vector.shape_cast %swap3A_638 : vector<1x16xf32> to vector<16xf32>
      %swap3A_640 = vector.shape_cast %get3A_633 : vector<16xf32> to vector<1x16xf32>
      tpu.vector_store %arg11[%swap3A_636, %swap3A_637], %swap3A_640 {add = true, strides = array<i32>} : memref<256x128xf32, #tpu.memory_space<vmem>>, vector<1x16xf32>,
      %mul3A_641 = arith.constant 2 : i32
      %mul3A_642 = arith.muli %mul3A_641, %add3A_565 : i32
      %add3A_643 = arith.constant 1 : i32
      %add3A_644 = arith.addi %mul3A_642, %add3A_643 : i32
      %get3A_645 = arith.index_cast %add3A_644 : i32 to index
      %get3A_646 = arith.constant 16 : index
      %get3A_647 = tpu.vector_load %arg9[%get3A_645, %get3A_646] {strides = array<i32>} : memref<256x64xf32, #tpu.memory_space<vmem>>, vector<1x16xf32>,
      %get3A_648 = vector.shape_cast %get3A_647 : vector<1x16xf32> to vector<16xf32>
      %add3A_649 = arith.constant 0 : i32
      %add3A_650 = arith.addi %add3A_649, %add3A_565 : i32
      %swap3A_651 = arith.index_cast %add3A_650 : i32 to index
      %swap3A_652 = arith.constant 80 : index
      %swap3A_653 = tpu.vector_load %arg11[%swap3A_651, %swap3A_652] {strides = array<i32>} : memref<256x128xf32, #tpu.memory_space<vmem>>, vector<1x16xf32>,
      %swap3A_654 = vector.shape_cast %swap3A_653 : vector<1x16xf32> to vector<16xf32>
      %swap3A_655 = vector.shape_cast %get3A_648 : vector<16xf32> to vector<1x16xf32>
      tpu.vector_store %arg11[%swap3A_651, %swap3A_652], %swap3A_655 {add = true, strides = array<i32>} : memref<256x128xf32, #tpu.memory_space<vmem>>, vector<1x16xf32>,
      %mul3A_656 = arith.constant 2 : i32
      %mul3A_657 = arith.muli %mul3A_656, %add3A_565 : i32
      %add3A_658 = arith.constant 1 : i32
      %add3A_659 = arith.addi %mul3A_657, %add3A_658 : i32
      %get3A_660 = arith.index_cast %add3A_659 : i32 to index
      %get3A_661 = arith.constant 32 : index
      %get3A_662 = tpu.vector_load %arg9[%get3A_660, %get3A_661] {strides = array<i32>} : memref<256x64xf32, #tpu.memory_space<vmem>>, vector<1x16xf32>,
      %get3A_663 = vector.shape_cast %get3A_662 : vector<1x16xf32> to vector<16xf32>
      %add3A_664 = arith.constant 0 : i32
      %add3A_665 = arith.addi %add3A_664, %add3A_565 : i32
      %swap3A_666 = arith.index_cast %add3A_665 : i32 to index
      %swap3A_667 = arith.constant 96 : index
      %swap3A_668 = tpu.vector_load %arg11[%swap3A_666, %swap3A_667] {strides = array<i32>} : memref<256x128xf32, #tpu.memory_space<vmem>>, vector<1x16xf32>,
      %swap3A_669 = vector.shape_cast %swap3A_668 : vector<1x16xf32> to vector<16xf32>
      %swap3A_670 = vector.shape_cast %get3A_663 : vector<16xf32> to vector<1x16xf32>
      tpu.vector_store %arg11[%swap3A_666, %swap3A_667], %swap3A_670 {add = true, strides = array<i32>} : memref<256x128xf32, #tpu.memory_space<vmem>>, vector<1x16xf32>,
      %mul3A_671 = arith.constant 2 : i32
      %mul3A_672 = arith.muli %mul3A_671, %add3A_565 : i32
      %add3A_673 = arith.constant 1 : i32
      %add3A_674 = arith.addi %mul3A_672, %add3A_673 : i32
      %get3A_675 = arith.index_cast %add3A_674 : i32 to index
      %get3A_676 = arith.constant 48 : index
      %get3A_677 = tpu.vector_load %arg9[%get3A_675, %get3A_676] {strides = array<i32>} : memref<256x64xf32, #tpu.memory_space<vmem>>, vector<1x16xf32>,
      %get3A_678 = vector.shape_cast %get3A_677 : vector<1x16xf32> to vector<16xf32>
      %add3A_679 = arith.constant 0 : i32
      %add3A_680 = arith.addi %add3A_679, %add3A_565 : i32
      %swap3A_681 = arith.index_cast %add3A_680 : i32 to index
      %swap3A_682 = arith.constant 112 : index
      %swap3A_683 = tpu.vector_load %arg11[%swap3A_681, %swap3A_682] {strides = array<i32>} : memref<256x128xf32, #tpu.memory_space<vmem>>, vector<1x16xf32>,
      %swap3A_684 = vector.shape_cast %swap3A_683 : vector<1x16xf32> to vector<16xf32>
      %swap3A_685 = vector.shape_cast %get3A_678 : vector<16xf32> to vector<1x16xf32>
      tpu.vector_store %arg11[%swap3A_681, %swap3A_682], %swap3A_685 {add = true, strides = array<i32>} : memref<256x128xf32, #tpu.memory_space<vmem>>, vector<1x16xf32>,
      %scan3A_686 = arith.constant 0 : i32
      scf.yield %scan3A_686 : i32
    }
    %scan3A_152 = arith.constant 32 : i32
    %dma_wait3A_153 = arith.constant 0 : i32
    %dma_wait3A_154 = arith.constant 0 : i32
    %dma_wait3A_155 = tpu.memref_slice %arg3[%dma_wait3A_153, %dma_wait3A_154] : memref<2000000x64xf32, #tpu.memory_space<hbm>> -> memref<256x64xf32, #tpu.memory_space<hbm>>
    %dma_wait3A_156 = arith.constant 0 : i32
    %dma_wait3A_157 = arith.constant 0 : i32
    %dma_wait3A_158 = tpu.memref_slice %arg3[%dma_wait3A_156, %dma_wait3A_157] : memref<2000000x64xf32, #tpu.memory_space<hbm>> -> memref<256x64xf32, #tpu.memory_space<hbm>>
    tpu.wait_dma2 semaphore(%arg15 : memref<!tpu.dma_semaphore, #tpu.memory_space<semaphore_mem>>) src(%dma_wait3A_158 : memref<256x64xf32, #tpu.memory_space<hbm>>) dst(%arg10 : memref<256x64xf32, #tpu.memory_space<vmem>>)
    %scan3A_159 = arith.constant 0 : i32
    %scan3A_160 = arith.constant 0 : i32
    %scan3A_161 = arith.constant 32 : i32
    %scan3A_162 = arith.addi %scan3A_160, %scan3A_161 : i32
    %scan3A_163 = arith.constant 1 : i32
    %scan3A_164 = scf.for %scan3A_190 = %scan3A_160 to %scan3A_162 step %scan3A_163 iter_args(%scan3A_191 = %scan3A_159) -> (i32)  : i32 {
      %mul3A_192 = arith.constant 4 : i32
      %mul3A_193 = arith.muli %scan3A_190, %mul3A_192 : i32
      %add3A_194 = arith.constant 0 : i32
      %add3A_195 = arith.addi %mul3A_193, %add3A_194 : i32
      %mul3A_196 = arith.constant 2 : i32
      %mul3A_197 = arith.muli %mul3A_196, %add3A_195 : i32
      %add3A_198 = arith.constant 0 : i32
      %add3A_199 = arith.addi %mul3A_197, %add3A_198 : i32
      %get3A = arith.index_cast %add3A_199 : i32 to index
      %get3A_200 = arith.constant 0 : index
      %get3A_201 = tpu.vector_load %arg10[%get3A, %get3A_200] {strides = array<i32>} : memref<256x64xf32, #tpu.memory_space<vmem>>, vector<1x16xf32>,
      %get3A_202 = vector.shape_cast %get3A_201 : vector<1x16xf32> to vector<16xf32>
      %add3A_203 = arith.constant 128 : i32
      %add3A_204 = arith.addi %add3A_203, %add3A_195 : i32
      %swap3A = arith.index_cast %add3A_204 : i32 to index
      %swap3A_205 = arith.constant 0 : index
      %swap3A_206 = tpu.vector_load %arg11[%swap3A, %swap3A_205] {strides = array<i32>} : memref<256x128xf32, #tpu.memory_space<vmem>>, vector<1x16xf32>,
      %swap3A_207 = vector.shape_cast %swap3A_206 : vector<1x16xf32> to vector<16xf32>
      %swap3A_208 = vector.shape_cast %get3A_202 : vector<16xf32> to vector<1x16xf32>
      tpu.vector_store %arg11[%swap3A, %swap3A_205], %swap3A_208 {add = true, strides = array<i32>} : memref<256x128xf32, #tpu.memory_space<vmem>>, vector<1x16xf32>,
      %mul3A_209 = arith.constant 2 : i32
      %mul3A_210 = arith.muli %mul3A_209, %add3A_195 : i32
      %add3A_211 = arith.constant 0 : i32
      %add3A_212 = arith.addi %mul3A_210, %add3A_211 : i32
      %get3A_213 = arith.index_cast %add3A_212 : i32 to index
      %get3A_214 = arith.constant 16 : index
      %get3A_215 = tpu.vector_load %arg10[%get3A_213, %get3A_214] {strides = array<i32>} : memref<256x64xf32, #tpu.memory_space<vmem>>, vector<1x16xf32>,
      %get3A_216 = vector.shape_cast %get3A_215 : vector<1x16xf32> to vector<16xf32>
      %add3A_217 = arith.constant 128 : i32
      %add3A_218 = arith.addi %add3A_217, %add3A_195 : i32
      %swap3A_219 = arith.index_cast %add3A_218 : i32 to index
      %swap3A_220 = arith.constant 16 : index
      %swap3A_221 = tpu.vector_load %arg11[%swap3A_219, %swap3A_220] {strides = array<i32>} : memref<256x128xf32, #tpu.memory_space<vmem>>, vector<1x16xf32>,
      %swap3A_222 = vector.shape_cast %swap3A_221 : vector<1x16xf32> to vector<16xf32>
      %swap3A_223 = vector.shape_cast %get3A_216 : vector<16xf32> to vector<1x16xf32>
      tpu.vector_store %arg11[%swap3A_219, %swap3A_220], %swap3A_223 {add = true, strides = array<i32>} : memref<256x128xf32, #tpu.memory_space<vmem>>, vector<1x16xf32>,
      %mul3A_224 = arith.constant 2 : i32
      %mul3A_225 = arith.muli %mul3A_224, %add3A_195 : i32
      %add3A_226 = arith.constant 0 : i32
      %add3A_227 = arith.addi %mul3A_225, %add3A_226 : i32
      %get3A_228 = arith.index_cast %add3A_227 : i32 to index
      %get3A_229 = arith.constant 32 : index
      %get3A_230 = tpu.vector_load %arg10[%get3A_228, %get3A_229] {strides = array<i32>} : memref<256x64xf32, #tpu.memory_space<vmem>>, vector<1x16xf32>,
      %get3A_231 = vector.shape_cast %get3A_230 : vector<1x16xf32> to vector<16xf32>
      %add3A_232 = arith.constant 128 : i32
      %add3A_233 = arith.addi %add3A_232, %add3A_195 : i32
      %swap3A_234 = arith.index_cast %add3A_233 : i32 to index
      %swap3A_235 = arith.constant 32 : index
      %swap3A_236 = tpu.vector_load %arg11[%swap3A_234, %swap3A_235] {strides = array<i32>} : memref<256x128xf32, #tpu.memory_space<vmem>>, vector<1x16xf32>,
      %swap3A_237 = vector.shape_cast %swap3A_236 : vector<1x16xf32> to vector<16xf32>
      %swap3A_238 = vector.shape_cast %get3A_231 : vector<16xf32> to vector<1x16xf32>
      tpu.vector_store %arg11[%swap3A_234, %swap3A_235], %swap3A_238 {add = true, strides = array<i32>} : memref<256x128xf32, #tpu.memory_space<vmem>>, vector<1x16xf32>,
      %mul3A_239 = arith.constant 2 : i32
      %mul3A_240 = arith.muli %mul3A_239, %add3A_195 : i32
      %add3A_241 = arith.constant 0 : i32
      %add3A_242 = arith.addi %mul3A_240, %add3A_241 : i32
      %get3A_243 = arith.index_cast %add3A_242 : i32 to index
      %get3A_244 = arith.constant 48 : index
      %get3A_245 = tpu.vector_load %arg10[%get3A_243, %get3A_244] {strides = array<i32>} : memref<256x64xf32, #tpu.memory_space<vmem>>, vector<1x16xf32>,
      %get3A_246 = vector.shape_cast %get3A_245 : vector<1x16xf32> to vector<16xf32>
      %add3A_247 = arith.constant 128 : i32
      %add3A_248 = arith.addi %add3A_247, %add3A_195 : i32
      %swap3A_249 = arith.index_cast %add3A_248 : i32 to index
      %swap3A_250 = arith.constant 48 : index
      %swap3A_251 = tpu.vector_load %arg11[%swap3A_249, %swap3A_250] {strides = array<i32>} : memref<256x128xf32, #tpu.memory_space<vmem>>, vector<1x16xf32>,
      %swap3A_252 = vector.shape_cast %swap3A_251 : vector<1x16xf32> to vector<16xf32>
      %swap3A_253 = vector.shape_cast %get3A_246 : vector<16xf32> to vector<1x16xf32>
      tpu.vector_store %arg11[%swap3A_249, %swap3A_250], %swap3A_253 {add = true, strides = array<i32>} : memref<256x128xf32, #tpu.memory_space<vmem>>, vector<1x16xf32>,
      %mul3A_254 = arith.constant 2 : i32
      %mul3A_255 = arith.muli %mul3A_254, %add3A_195 : i32
      %add3A_256 = arith.constant 1 : i32
      %add3A_257 = arith.addi %mul3A_255, %add3A_256 : i32
      %get3A_258 = arith.index_cast %add3A_257 : i32 to index
      %get3A_259 = arith.constant 0 : index
      %get3A_260 = tpu.vector_load %arg10[%get3A_258, %get3A_259] {strides = array<i32>} : memref<256x64xf32, #tpu.memory_space<vmem>>, vector<1x16xf32>,
      %get3A_261 = vector.shape_cast %get3A_260 : vector<1x16xf32> to vector<16xf32>
      %add3A_262 = arith.constant 128 : i32
      %add3A_263 = arith.addi %add3A_262, %add3A_195 : i32
      %swap3A_264 = arith.index_cast %add3A_263 : i32 to index
      %swap3A_265 = arith.constant 64 : index
      %swap3A_266 = tpu.vector_load %arg11[%swap3A_264, %swap3A_265] {strides = array<i32>} : memref<256x128xf32, #tpu.memory_space<vmem>>, vector<1x16xf32>,
      %swap3A_267 = vector.shape_cast %swap3A_266 : vector<1x16xf32> to vector<16xf32>
      %swap3A_268 = vector.shape_cast %get3A_261 : vector<16xf32> to vector<1x16xf32>
      tpu.vector_store %arg11[%swap3A_264, %swap3A_265], %swap3A_268 {add = true, strides = array<i32>} : memref<256x128xf32, #tpu.memory_space<vmem>>, vector<1x16xf32>,
      %mul3A_269 = arith.constant 2 : i32
      %mul3A_270 = arith.muli %mul3A_269, %add3A_195 : i32
      %add3A_271 = arith.constant 1 : i32
      %add3A_272 = arith.addi %mul3A_270, %add3A_271 : i32
      %get3A_273 = arith.index_cast %add3A_272 : i32 to index
      %get3A_274 = arith.constant 16 : index
      %get3A_275 = tpu.vector_load %arg10[%get3A_273, %get3A_274] {strides = array<i32>} : memref<256x64xf32, #tpu.memory_space<vmem>>, vector<1x16xf32>,
      %get3A_276 = vector.shape_cast %get3A_275 : vector<1x16xf32> to vector<16xf32>
      %add3A_277 = arith.constant 128 : i32
      %add3A_278 = arith.addi %add3A_277, %add3A_195 : i32
      %swap3A_279 = arith.index_cast %add3A_278 : i32 to index
      %swap3A_280 = arith.constant 80 : index
      %swap3A_281 = tpu.vector_load %arg11[%swap3A_279, %swap3A_280] {strides = array<i32>} : memref<256x128xf32, #tpu.memory_space<vmem>>, vector<1x16xf32>,
      %swap3A_282 = vector.shape_cast %swap3A_281 : vector<1x16xf32> to vector<16xf32>
      %swap3A_283 = vector.shape_cast %get3A_276 : vector<16xf32> to vector<1x16xf32>
      tpu.vector_store %arg11[%swap3A_279, %swap3A_280], %swap3A_283 {add = true, strides = array<i32>} : memref<256x128xf32, #tpu.memory_space<vmem>>, vector<1x16xf32>,
      %mul3A_284 = arith.constant 2 : i32
      %mul3A_285 = arith.muli %mul3A_284, %add3A_195 : i32
      %add3A_286 = arith.constant 1 : i32
      %add3A_287 = arith.addi %mul3A_285, %add3A_286 : i32
      %get3A_288 = arith.index_cast %add3A_287 : i32 to index
      %get3A_289 = arith.constant 32 : index
      %get3A_290 = tpu.vector_load %arg10[%get3A_288, %get3A_289] {strides = array<i32>} : memref<256x64xf32, #tpu.memory_space<vmem>>, vector<1x16xf32>,
      %get3A_291 = vector.shape_cast %get3A_290 : vector<1x16xf32> to vector<16xf32>
      %add3A_292 = arith.constant 128 : i32
      %add3A_293 = arith.addi %add3A_292, %add3A_195 : i32
      %swap3A_294 = arith.index_cast %add3A_293 : i32 to index
      %swap3A_295 = arith.constant 96 : index
      %swap3A_296 = tpu.vector_load %arg11[%swap3A_294, %swap3A_295] {strides = array<i32>} : memref<256x128xf32, #tpu.memory_space<vmem>>, vector<1x16xf32>,
      %swap3A_297 = vector.shape_cast %swap3A_296 : vector<1x16xf32> to vector<16xf32>
      %swap3A_298 = vector.shape_cast %get3A_291 : vector<16xf32> to vector<1x16xf32>
      tpu.vector_store %arg11[%swap3A_294, %swap3A_295], %swap3A_298 {add = true, strides = array<i32>} : memref<256x128xf32, #tpu.memory_space<vmem>>, vector<1x16xf32>,
      %mul3A_299 = arith.constant 2 : i32
      %mul3A_300 = arith.muli %mul3A_299, %add3A_195 : i32
      %add3A_301 = arith.constant 1 : i32
      %add3A_302 = arith.addi %mul3A_300, %add3A_301 : i32
      %get3A_303 = arith.index_cast %add3A_302 : i32 to index
      %get3A_304 = arith.constant 48 : index
      %get3A_305 = tpu.vector_load %arg10[%get3A_303, %get3A_304] {strides = array<i32>} : memref<256x64xf32, #tpu.memory_space<vmem>>, vector<1x16xf32>,
      %get3A_306 = vector.shape_cast %get3A_305 : vector<1x16xf32> to vector<16xf32>
      %add3A_307 = arith.constant 128 : i32
      %add3A_308 = arith.addi %add3A_307, %add3A_195 : i32
      %swap3A_309 = arith.index_cast %add3A_308 : i32 to index
      %swap3A_310 = arith.constant 112 : index
      %swap3A_311 = tpu.vector_load %arg11[%swap3A_309, %swap3A_310] {strides = array<i32>} : memref<256x128xf32, #tpu.memory_space<vmem>>, vector<1x16xf32>,
      %swap3A_312 = vector.shape_cast %swap3A_311 : vector<1x16xf32> to vector<16xf32>
      %swap3A_313 = vector.shape_cast %get3A_306 : vector<16xf32> to vector<1x16xf32>
      tpu.vector_store %arg11[%swap3A_309, %swap3A_310], %swap3A_313 {add = true, strides = array<i32>} : memref<256x128xf32, #tpu.memory_space<vmem>>, vector<1x16xf32>,
      %mul3A_314 = arith.constant 4 : i32
      %mul3A_315 = arith.muli %scan3A_190, %mul3A_314 : i32
      %add3A_316 = arith.constant 1 : i32
      %add3A_317 = arith.addi %mul3A_315, %add3A_316 : i32
      %mul3A_318 = arith.constant 2 : i32
      %mul3A_319 = arith.muli %mul3A_318, %add3A_317 : i32
      %add3A_320 = arith.constant 0 : i32
      %add3A_321 = arith.addi %mul3A_319, %add3A_320 : i32
      %get3A_322 = arith.index_cast %add3A_321 : i32 to index
      %get3A_323 = arith.constant 0 : index
      %get3A_324 = tpu.vector_load %arg10[%get3A_322, %get3A_323] {strides = array<i32>} : memref<256x64xf32, #tpu.memory_space<vmem>>, vector<1x16xf32>,
      %get3A_325 = vector.shape_cast %get3A_324 : vector<1x16xf32> to vector<16xf32>
      %add3A_326 = arith.constant 128 : i32
      %add3A_327 = arith.addi %add3A_326, %add3A_317 : i32
      %swap3A_328 = arith.index_cast %add3A_327 : i32 to index
      %swap3A_329 = arith.constant 0 : index
      %swap3A_330 = tpu.vector_load %arg11[%swap3A_328, %swap3A_329] {strides = array<i32>} : memref<256x128xf32, #tpu.memory_space<vmem>>, vector<1x16xf32>,
      %swap3A_331 = vector.shape_cast %swap3A_330 : vector<1x16xf32> to vector<16xf32>
      %swap3A_332 = vector.shape_cast %get3A_325 : vector<16xf32> to vector<1x16xf32>
      tpu.vector_store %arg11[%swap3A_328, %swap3A_329], %swap3A_332 {add = true, strides = array<i32>} : memref<256x128xf32, #tpu.memory_space<vmem>>, vector<1x16xf32>,
      %mul3A_333 = arith.constant 2 : i32
      %mul3A_334 = arith.muli %mul3A_333, %add3A_317 : i32
      %add3A_335 = arith.constant 0 : i32
      %add3A_336 = arith.addi %mul3A_334, %add3A_335 : i32
      %get3A_337 = arith.index_cast %add3A_336 : i32 to index
      %get3A_338 = arith.constant 16 : index
      %get3A_339 = tpu.vector_load %arg10[%get3A_337, %get3A_338] {strides = array<i32>} : memref<256x64xf32, #tpu.memory_space<vmem>>, vector<1x16xf32>,
      %get3A_340 = vector.shape_cast %get3A_339 : vector<1x16xf32> to vector<16xf32>
      %add3A_341 = arith.constant 128 : i32
      %add3A_342 = arith.addi %add3A_341, %add3A_317 : i32
      %swap3A_343 = arith.index_cast %add3A_342 : i32 to index
      %swap3A_344 = arith.constant 16 : index
      %swap3A_345 = tpu.vector_load %arg11[%swap3A_343, %swap3A_344] {strides = array<i32>} : memref<256x128xf32, #tpu.memory_space<vmem>>, vector<1x16xf32>,
      %swap3A_346 = vector.shape_cast %swap3A_345 : vector<1x16xf32> to vector<16xf32>
      %swap3A_347 = vector.shape_cast %get3A_340 : vector<16xf32> to vector<1x16xf32>
      tpu.vector_store %arg11[%swap3A_343, %swap3A_344], %swap3A_347 {add = true, strides = array<i32>} : memref<256x128xf32, #tpu.memory_space<vmem>>, vector<1x16xf32>,
      %mul3A_348 = arith.constant 2 : i32
      %mul3A_349 = arith.muli %mul3A_348, %add3A_317 : i32
      %add3A_350 = arith.constant 0 : i32
      %add3A_351 = arith.addi %mul3A_349, %add3A_350 : i32
      %get3A_352 = arith.index_cast %add3A_351 : i32 to index
      %get3A_353 = arith.constant 32 : index
      %get3A_354 = tpu.vector_load %arg10[%get3A_352, %get3A_353] {strides = array<i32>} : memref<256x64xf32, #tpu.memory_space<vmem>>, vector<1x16xf32>,
      %get3A_355 = vector.shape_cast %get3A_354 : vector<1x16xf32> to vector<16xf32>
      %add3A_356 = arith.constant 128 : i32
      %add3A_357 = arith.addi %add3A_356, %add3A_317 : i32
      %swap3A_358 = arith.index_cast %add3A_357 : i32 to index
      %swap3A_359 = arith.constant 32 : index
      %swap3A_360 = tpu.vector_load %arg11[%swap3A_358, %swap3A_359] {strides = array<i32>} : memref<256x128xf32, #tpu.memory_space<vmem>>, vector<1x16xf32>,
      %swap3A_361 = vector.shape_cast %swap3A_360 : vector<1x16xf32> to vector<16xf32>
      %swap3A_362 = vector.shape_cast %get3A_355 : vector<16xf32> to vector<1x16xf32>
      tpu.vector_store %arg11[%swap3A_358, %swap3A_359], %swap3A_362 {add = true, strides = array<i32>} : memref<256x128xf32, #tpu.memory_space<vmem>>, vector<1x16xf32>,
      %mul3A_363 = arith.constant 2 : i32
      %mul3A_364 = arith.muli %mul3A_363, %add3A_317 : i32
      %add3A_365 = arith.constant 0 : i32
      %add3A_366 = arith.addi %mul3A_364, %add3A_365 : i32
      %get3A_367 = arith.index_cast %add3A_366 : i32 to index
      %get3A_368 = arith.constant 48 : index
      %get3A_369 = tpu.vector_load %arg10[%get3A_367, %get3A_368] {strides = array<i32>} : memref<256x64xf32, #tpu.memory_space<vmem>>, vector<1x16xf32>,
      %get3A_370 = vector.shape_cast %get3A_369 : vector<1x16xf32> to vector<16xf32>
      %add3A_371 = arith.constant 128 : i32
      %add3A_372 = arith.addi %add3A_371, %add3A_317 : i32
      %swap3A_373 = arith.index_cast %add3A_372 : i32 to index
      %swap3A_374 = arith.constant 48 : index
      %swap3A_375 = tpu.vector_load %arg11[%swap3A_373, %swap3A_374] {strides = array<i32>} : memref<256x128xf32, #tpu.memory_space<vmem>>, vector<1x16xf32>,
      %swap3A_376 = vector.shape_cast %swap3A_375 : vector<1x16xf32> to vector<16xf32>
      %swap3A_377 = vector.shape_cast %get3A_370 : vector<16xf32> to vector<1x16xf32>
      tpu.vector_store %arg11[%swap3A_373, %swap3A_374], %swap3A_377 {add = true, strides = array<i32>} : memref<256x128xf32, #tpu.memory_space<vmem>>, vector<1x16xf32>,
      %mul3A_378 = arith.constant 2 : i32
      %mul3A_379 = arith.muli %mul3A_378, %add3A_317 : i32
      %add3A_380 = arith.constant 1 : i32
      %add3A_381 = arith.addi %mul3A_379, %add3A_380 : i32
      %get3A_382 = arith.index_cast %add3A_381 : i32 to index
      %get3A_383 = arith.constant 0 : index
      %get3A_384 = tpu.vector_load %arg10[%get3A_382, %get3A_383] {strides = array<i32>} : memref<256x64xf32, #tpu.memory_space<vmem>>, vector<1x16xf32>,
      %get3A_385 = vector.shape_cast %get3A_384 : vector<1x16xf32> to vector<16xf32>
      %add3A_386 = arith.constant 128 : i32
      %add3A_387 = arith.addi %add3A_386, %add3A_317 : i32
      %swap3A_388 = arith.index_cast %add3A_387 : i32 to index
      %swap3A_389 = arith.constant 64 : index
      %swap3A_390 = tpu.vector_load %arg11[%swap3A_388, %swap3A_389] {strides = array<i32>} : memref<256x128xf32, #tpu.memory_space<vmem>>, vector<1x16xf32>,
      %swap3A_391 = vector.shape_cast %swap3A_390 : vector<1x16xf32> to vector<16xf32>
      %swap3A_392 = vector.shape_cast %get3A_385 : vector<16xf32> to vector<1x16xf32>
      tpu.vector_store %arg11[%swap3A_388, %swap3A_389], %swap3A_392 {add = true, strides = array<i32>} : memref<256x128xf32, #tpu.memory_space<vmem>>, vector<1x16xf32>,
      %mul3A_393 = arith.constant 2 : i32
      %mul3A_394 = arith.muli %mul3A_393, %add3A_317 : i32
      %add3A_395 = arith.constant 1 : i32
      %add3A_396 = arith.addi %mul3A_394, %add3A_395 : i32
      %get3A_397 = arith.index_cast %add3A_396 : i32 to index
      %get3A_398 = arith.constant 16 : index
      %get3A_399 = tpu.vector_load %arg10[%get3A_397, %get3A_398] {strides = array<i32>} : memref<256x64xf32, #tpu.memory_space<vmem>>, vector<1x16xf32>,
      %get3A_400 = vector.shape_cast %get3A_399 : vector<1x16xf32> to vector<16xf32>
      %add3A_401 = arith.constant 128 : i32
      %add3A_402 = arith.addi %add3A_401, %add3A_317 : i32
      %swap3A_403 = arith.index_cast %add3A_402 : i32 to index
      %swap3A_404 = arith.constant 80 : index
      %swap3A_405 = tpu.vector_load %arg11[%swap3A_403, %swap3A_404] {strides = array<i32>} : memref<256x128xf32, #tpu.memory_space<vmem>>, vector<1x16xf32>,
      %swap3A_406 = vector.shape_cast %swap3A_405 : vector<1x16xf32> to vector<16xf32>
      %swap3A_407 = vector.shape_cast %get3A_400 : vector<16xf32> to vector<1x16xf32>
      tpu.vector_store %arg11[%swap3A_403, %swap3A_404], %swap3A_407 {add = true, strides = array<i32>} : memref<256x128xf32, #tpu.memory_space<vmem>>, vector<1x16xf32>,
      %mul3A_408 = arith.constant 2 : i32
      %mul3A_409 = arith.muli %mul3A_408, %add3A_317 : i32
      %add3A_410 = arith.constant 1 : i32
      %add3A_411 = arith.addi %mul3A_409, %add3A_410 : i32
      %get3A_412 = arith.index_cast %add3A_411 : i32 to index
      %get3A_413 = arith.constant 32 : index
      %get3A_414 = tpu.vector_load %arg10[%get3A_412, %get3A_413] {strides = array<i32>} : memref<256x64xf32, #tpu.memory_space<vmem>>, vector<1x16xf32>,
      %get3A_415 = vector.shape_cast %get3A_414 : vector<1x16xf32> to vector<16xf32>
      %add3A_416 = arith.constant 128 : i32
      %add3A_417 = arith.addi %add3A_416, %add3A_317 : i32
      %swap3A_418 = arith.index_cast %add3A_417 : i32 to index
      %swap3A_419 = arith.constant 96 : index
      %swap3A_420 = tpu.vector_load %arg11[%swap3A_418, %swap3A_419] {strides = array<i32>} : memref<256x128xf32, #tpu.memory_space<vmem>>, vector<1x16xf32>,
      %swap3A_421 = vector.shape_cast %swap3A_420 : vector<1x16xf32> to vector<16xf32>
      %swap3A_422 = vector.shape_cast %get3A_415 : vector<16xf32> to vector<1x16xf32>
      tpu.vector_store %arg11[%swap3A_418, %swap3A_419], %swap3A_422 {add = true, strides = array<i32>} : memref<256x128xf32, #tpu.memory_space<vmem>>, vector<1x16xf32>,
      %mul3A_423 = arith.constant 2 : i32
      %mul3A_424 = arith.muli %mul3A_423, %add3A_317 : i32
      %add3A_425 = arith.constant 1 : i32
      %add3A_426 = arith.addi %mul3A_424, %add3A_425 : i32
      %get3A_427 = arith.index_cast %add3A_426 : i32 to index
      %get3A_428 = arith.constant 48 : index
      %get3A_429 = tpu.vector_load %arg10[%get3A_427, %get3A_428] {strides = array<i32>} : memref<256x64xf32, #tpu.memory_space<vmem>>, vector<1x16xf32>,
      %get3A_430 = vector.shape_cast %get3A_429 : vector<1x16xf32> to vector<16xf32>
      %add3A_431 = arith.constant 128 : i32
      %add3A_432 = arith.addi %add3A_431, %add3A_317 : i32
      %swap3A_433 = arith.index_cast %add3A_432 : i32 to index
      %swap3A_434 = arith.constant 112 : index
      %swap3A_435 = tpu.vector_load %arg11[%swap3A_433, %swap3A_434] {strides = array<i32>} : memref<256x128xf32, #tpu.memory_space<vmem>>, vector<1x16xf32>,
      %swap3A_436 = vector.shape_cast %swap3A_435 : vector<1x16xf32> to vector<16xf32>
      %swap3A_437 = vector.shape_cast %get3A_430 : vector<16xf32> to vector<1x16xf32>
      tpu.vector_store %arg11[%swap3A_433, %swap3A_434], %swap3A_437 {add = true, strides = array<i32>} : memref<256x128xf32, #tpu.memory_space<vmem>>, vector<1x16xf32>,
      %mul3A_438 = arith.constant 4 : i32
      %mul3A_439 = arith.muli %scan3A_190, %mul3A_438 : i32
      %add3A_440 = arith.constant 2 : i32
      %add3A_441 = arith.addi %mul3A_439, %add3A_440 : i32
      %mul3A_442 = arith.constant 2 : i32
      %mul3A_443 = arith.muli %mul3A_442, %add3A_441 : i32
      %add3A_444 = arith.constant 0 : i32
      %add3A_445 = arith.addi %mul3A_443, %add3A_444 : i32
      %get3A_446 = arith.index_cast %add3A_445 : i32 to index
      %get3A_447 = arith.constant 0 : index
      %get3A_448 = tpu.vector_load %arg10[%get3A_446, %get3A_447] {strides = array<i32>} : memref<256x64xf32, #tpu.memory_space<vmem>>, vector<1x16xf32>,
      %get3A_449 = vector.shape_cast %get3A_448 : vector<1x16xf32> to vector<16xf32>
      %add3A_450 = arith.constant 128 : i32
      %add3A_451 = arith.addi %add3A_450, %add3A_441 : i32
      %swap3A_452 = arith.index_cast %add3A_451 : i32 to index
      %swap3A_453 = arith.constant 0 : index
      %swap3A_454 = tpu.vector_load %arg11[%swap3A_452, %swap3A_453] {strides = array<i32>} : memref<256x128xf32, #tpu.memory_space<vmem>>, vector<1x16xf32>,
      %swap3A_455 = vector.shape_cast %swap3A_454 : vector<1x16xf32> to vector<16xf32>
      %swap3A_456 = vector.shape_cast %get3A_449 : vector<16xf32> to vector<1x16xf32>
      tpu.vector_store %arg11[%swap3A_452, %swap3A_453], %swap3A_456 {add = true, strides = array<i32>} : memref<256x128xf32, #tpu.memory_space<vmem>>, vector<1x16xf32>,
      %mul3A_457 = arith.constant 2 : i32
      %mul3A_458 = arith.muli %mul3A_457, %add3A_441 : i32
      %add3A_459 = arith.constant 0 : i32
      %add3A_460 = arith.addi %mul3A_458, %add3A_459 : i32
      %get3A_461 = arith.index_cast %add3A_460 : i32 to index
      %get3A_462 = arith.constant 16 : index
      %get3A_463 = tpu.vector_load %arg10[%get3A_461, %get3A_462] {strides = array<i32>} : memref<256x64xf32, #tpu.memory_space<vmem>>, vector<1x16xf32>,
      %get3A_464 = vector.shape_cast %get3A_463 : vector<1x16xf32> to vector<16xf32>
      %add3A_465 = arith.constant 128 : i32
      %add3A_466 = arith.addi %add3A_465, %add3A_441 : i32
      %swap3A_467 = arith.index_cast %add3A_466 : i32 to index
      %swap3A_468 = arith.constant 16 : index
      %swap3A_469 = tpu.vector_load %arg11[%swap3A_467, %swap3A_468] {strides = array<i32>} : memref<256x128xf32, #tpu.memory_space<vmem>>, vector<1x16xf32>,
      %swap3A_470 = vector.shape_cast %swap3A_469 : vector<1x16xf32> to vector<16xf32>
      %swap3A_471 = vector.shape_cast %get3A_464 : vector<16xf32> to vector<1x16xf32>
      tpu.vector_store %arg11[%swap3A_467, %swap3A_468], %swap3A_471 {add = true, strides = array<i32>} : memref<256x128xf32, #tpu.memory_space<vmem>>, vector<1x16xf32>,
      %mul3A_472 = arith.constant 2 : i32
      %mul3A_473 = arith.muli %mul3A_472, %add3A_441 : i32
      %add3A_474 = arith.constant 0 : i32
      %add3A_475 = arith.addi %mul3A_473, %add3A_474 : i32
      %get3A_476 = arith.index_cast %add3A_475 : i32 to index
      %get3A_477 = arith.constant 32 : index
      %get3A_478 = tpu.vector_load %arg10[%get3A_476, %get3A_477] {strides = array<i32>} : memref<256x64xf32, #tpu.memory_space<vmem>>, vector<1x16xf32>,
      %get3A_479 = vector.shape_cast %get3A_478 : vector<1x16xf32> to vector<16xf32>
      %add3A_480 = arith.constant 128 : i32
      %add3A_481 = arith.addi %add3A_480, %add3A_441 : i32
      %swap3A_482 = arith.index_cast %add3A_481 : i32 to index
      %swap3A_483 = arith.constant 32 : index
      %swap3A_484 = tpu.vector_load %arg11[%swap3A_482, %swap3A_483] {strides = array<i32>} : memref<256x128xf32, #tpu.memory_space<vmem>>, vector<1x16xf32>,
      %swap3A_485 = vector.shape_cast %swap3A_484 : vector<1x16xf32> to vector<16xf32>
      %swap3A_486 = vector.shape_cast %get3A_479 : vector<16xf32> to vector<1x16xf32>
      tpu.vector_store %arg11[%swap3A_482, %swap3A_483], %swap3A_486 {add = true, strides = array<i32>} : memref<256x128xf32, #tpu.memory_space<vmem>>, vector<1x16xf32>,
      %mul3A_487 = arith.constant 2 : i32
      %mul3A_488 = arith.muli %mul3A_487, %add3A_441 : i32
      %add3A_489 = arith.constant 0 : i32
      %add3A_490 = arith.addi %mul3A_488, %add3A_489 : i32
      %get3A_491 = arith.index_cast %add3A_490 : i32 to index
      %get3A_492 = arith.constant 48 : index
      %get3A_493 = tpu.vector_load %arg10[%get3A_491, %get3A_492] {strides = array<i32>} : memref<256x64xf32, #tpu.memory_space<vmem>>, vector<1x16xf32>,
      %get3A_494 = vector.shape_cast %get3A_493 : vector<1x16xf32> to vector<16xf32>
      %add3A_495 = arith.constant 128 : i32
      %add3A_496 = arith.addi %add3A_495, %add3A_441 : i32
      %swap3A_497 = arith.index_cast %add3A_496 : i32 to index
      %swap3A_498 = arith.constant 48 : index
      %swap3A_499 = tpu.vector_load %arg11[%swap3A_497, %swap3A_498] {strides = array<i32>} : memref<256x128xf32, #tpu.memory_space<vmem>>, vector<1x16xf32>,
      %swap3A_500 = vector.shape_cast %swap3A_499 : vector<1x16xf32> to vector<16xf32>
      %swap3A_501 = vector.shape_cast %get3A_494 : vector<16xf32> to vector<1x16xf32>
      tpu.vector_store %arg11[%swap3A_497, %swap3A_498], %swap3A_501 {add = true, strides = array<i32>} : memref<256x128xf32, #tpu.memory_space<vmem>>, vector<1x16xf32>,
      %mul3A_502 = arith.constant 2 : i32
      %mul3A_503 = arith.muli %mul3A_502, %add3A_441 : i32
      %add3A_504 = arith.constant 1 : i32
      %add3A_505 = arith.addi %mul3A_503, %add3A_504 : i32
      %get3A_506 = arith.index_cast %add3A_505 : i32 to index
      %get3A_507 = arith.constant 0 : index
      %get3A_508 = tpu.vector_load %arg10[%get3A_506, %get3A_507] {strides = array<i32>} : memref<256x64xf32, #tpu.memory_space<vmem>>, vector<1x16xf32>,
      %get3A_509 = vector.shape_cast %get3A_508 : vector<1x16xf32> to vector<16xf32>
      %add3A_510 = arith.constant 128 : i32
      %add3A_511 = arith.addi %add3A_510, %add3A_441 : i32
      %swap3A_512 = arith.index_cast %add3A_511 : i32 to index
      %swap3A_513 = arith.constant 64 : index
      %swap3A_514 = tpu.vector_load %arg11[%swap3A_512, %swap3A_513] {strides = array<i32>} : memref<256x128xf32, #tpu.memory_space<vmem>>, vector<1x16xf32>,
      %swap3A_515 = vector.shape_cast %swap3A_514 : vector<1x16xf32> to vector<16xf32>
      %swap3A_516 = vector.shape_cast %get3A_509 : vector<16xf32> to vector<1x16xf32>
      tpu.vector_store %arg11[%swap3A_512, %swap3A_513], %swap3A_516 {add = true, strides = array<i32>} : memref<256x128xf32, #tpu.memory_space<vmem>>, vector<1x16xf32>,
      %mul3A_517 = arith.constant 2 : i32
      %mul3A_518 = arith.muli %mul3A_517, %add3A_441 : i32
      %add3A_519 = arith.constant 1 : i32
      %add3A_520 = arith.addi %mul3A_518, %add3A_519 : i32
      %get3A_521 = arith.index_cast %add3A_520 : i32 to index
      %get3A_522 = arith.constant 16 : index
      %get3A_523 = tpu.vector_load %arg10[%get3A_521, %get3A_522] {strides = array<i32>} : memref<256x64xf32, #tpu.memory_space<vmem>>, vector<1x16xf32>,
      %get3A_524 = vector.shape_cast %get3A_523 : vector<1x16xf32> to vector<16xf32>
      %add3A_525 = arith.constant 128 : i32
      %add3A_526 = arith.addi %add3A_525, %add3A_441 : i32
      %swap3A_527 = arith.index_cast %add3A_526 : i32 to index
      %swap3A_528 = arith.constant 80 : index
      %swap3A_529 = tpu.vector_load %arg11[%swap3A_527, %swap3A_528] {strides = array<i32>} : memref<256x128xf32, #tpu.memory_space<vmem>>, vector<1x16xf32>,
      %swap3A_530 = vector.shape_cast %swap3A_529 : vector<1x16xf32> to vector<16xf32>
      %swap3A_531 = vector.shape_cast %get3A_524 : vector<16xf32> to vector<1x16xf32>
      tpu.vector_store %arg11[%swap3A_527, %swap3A_528], %swap3A_531 {add = true, strides = array<i32>} : memref<256x128xf32, #tpu.memory_space<vmem>>, vector<1x16xf32>,
      %mul3A_532 = arith.constant 2 : i32
      %mul3A_533 = arith.muli %mul3A_532, %add3A_441 : i32
      %add3A_534 = arith.constant 1 : i32
      %add3A_535 = arith.addi %mul3A_533, %add3A_534 : i32
      %get3A_536 = arith.index_cast %add3A_535 : i32 to index
      %get3A_537 = arith.constant 32 : index
      %get3A_538 = tpu.vector_load %arg10[%get3A_536, %get3A_537] {strides = array<i32>} : memref<256x64xf32, #tpu.memory_space<vmem>>, vector<1x16xf32>,
      %get3A_539 = vector.shape_cast %get3A_538 : vector<1x16xf32> to vector<16xf32>
      %add3A_540 = arith.constant 128 : i32
      %add3A_541 = arith.addi %add3A_540, %add3A_441 : i32
      %swap3A_542 = arith.index_cast %add3A_541 : i32 to index
      %swap3A_543 = arith.constant 96 : index
      %swap3A_544 = tpu.vector_load %arg11[%swap3A_542, %swap3A_543] {strides = array<i32>} : memref<256x128xf32, #tpu.memory_space<vmem>>, vector<1x16xf32>,
      %swap3A_545 = vector.shape_cast %swap3A_544 : vector<1x16xf32> to vector<16xf32>
      %swap3A_546 = vector.shape_cast %get3A_539 : vector<16xf32> to vector<1x16xf32>
      tpu.vector_store %arg11[%swap3A_542, %swap3A_543], %swap3A_546 {add = true, strides = array<i32>} : memref<256x128xf32, #tpu.memory_space<vmem>>, vector<1x16xf32>,
      %mul3A_547 = arith.constant 2 : i32
      %mul3A_548 = arith.muli %mul3A_547, %add3A_441 : i32
      %add3A_549 = arith.constant 1 : i32
      %add3A_550 = arith.addi %mul3A_548, %add3A_549 : i32
      %get3A_551 = arith.index_cast %add3A_550 : i32 to index
      %get3A_552 = arith.constant 48 : index
      %get3A_553 = tpu.vector_load %arg10[%get3A_551, %get3A_552] {strides = array<i32>} : memref<256x64xf32, #tpu.memory_space<vmem>>, vector<1x16xf32>,
      %get3A_554 = vector.shape_cast %get3A_553 : vector<1x16xf32> to vector<16xf32>
      %add3A_555 = arith.constant 128 : i32
      %add3A_556 = arith.addi %add3A_555, %add3A_441 : i32
      %swap3A_557 = arith.index_cast %add3A_556 : i32 to index
      %swap3A_558 = arith.constant 112 : index
      %swap3A_559 = tpu.vector_load %arg11[%swap3A_557, %swap3A_558] {strides = array<i32>} : memref<256x128xf32, #tpu.memory_space<vmem>>, vector<1x16xf32>,
      %swap3A_560 = vector.shape_cast %swap3A_559 : vector<1x16xf32> to vector<16xf32>
      %swap3A_561 = vector.shape_cast %get3A_554 : vector<16xf32> to vector<1x16xf32>
      tpu.vector_store %arg11[%swap3A_557, %swap3A_558], %swap3A_561 {add = true, strides = array<i32>} : memref<256x128xf32, #tpu.memory_space<vmem>>, vector<1x16xf32>,
      %mul3A_562 = arith.constant 4 : i32
      %mul3A_563 = arith.muli %scan3A_190, %mul3A_562 : i32
      %add3A_564 = arith.constant 3 : i32
      %add3A_565 = arith.addi %mul3A_563, %add3A_564 : i32
      %mul3A_566 = arith.constant 2 : i32
      %mul3A_567 = arith.muli %mul3A_566, %add3A_565 : i32
      %add3A_568 = arith.constant 0 : i32
      %add3A_569 = arith.addi %mul3A_567, %add3A_568 : i32
      %get3A_570 = arith.index_cast %add3A_569 : i32 to index
      %get3A_571 = arith.constant 0 : index
      %get3A_572 = tpu.vector_load %arg10[%get3A_570, %get3A_571] {strides = array<i32>} : memref<256x64xf32, #tpu.memory_space<vmem>>, vector<1x16xf32>,
      %get3A_573 = vector.shape_cast %get3A_572 : vector<1x16xf32> to vector<16xf32>
      %add3A_574 = arith.constant 128 : i32
      %add3A_575 = arith.addi %add3A_574, %add3A_565 : i32
      %swap3A_576 = arith.index_cast %add3A_575 : i32 to index
      %swap3A_577 = arith.constant 0 : index
      %swap3A_578 = tpu.vector_load %arg11[%swap3A_576, %swap3A_577] {strides = array<i32>} : memref<256x128xf32, #tpu.memory_space<vmem>>, vector<1x16xf32>,
      %swap3A_579 = vector.shape_cast %swap3A_578 : vector<1x16xf32> to vector<16xf32>
      %swap3A_580 = vector.shape_cast %get3A_573 : vector<16xf32> to vector<1x16xf32>
      tpu.vector_store %arg11[%swap3A_576, %swap3A_577], %swap3A_580 {add = true, strides = array<i32>} : memref<256x128xf32, #tpu.memory_space<vmem>>, vector<1x16xf32>,
      %mul3A_581 = arith.constant 2 : i32
      %mul3A_582 = arith.muli %mul3A_581, %add3A_565 : i32
      %add3A_583 = arith.constant 0 : i32
      %add3A_584 = arith.addi %mul3A_582, %add3A_583 : i32
      %get3A_585 = arith.index_cast %add3A_584 : i32 to index
      %get3A_586 = arith.constant 16 : index
      %get3A_587 = tpu.vector_load %arg10[%get3A_585, %get3A_586] {strides = array<i32>} : memref<256x64xf32, #tpu.memory_space<vmem>>, vector<1x16xf32>,
      %get3A_588 = vector.shape_cast %get3A_587 : vector<1x16xf32> to vector<16xf32>
      %add3A_589 = arith.constant 128 : i32
      %add3A_590 = arith.addi %add3A_589, %add3A_565 : i32
      %swap3A_591 = arith.index_cast %add3A_590 : i32 to index
      %swap3A_592 = arith.constant 16 : index
      %swap3A_593 = tpu.vector_load %arg11[%swap3A_591, %swap3A_592] {strides = array<i32>} : memref<256x128xf32, #tpu.memory_space<vmem>>, vector<1x16xf32>,
      %swap3A_594 = vector.shape_cast %swap3A_593 : vector<1x16xf32> to vector<16xf32>
      %swap3A_595 = vector.shape_cast %get3A_588 : vector<16xf32> to vector<1x16xf32>
      tpu.vector_store %arg11[%swap3A_591, %swap3A_592], %swap3A_595 {add = true, strides = array<i32>} : memref<256x128xf32, #tpu.memory_space<vmem>>, vector<1x16xf32>,
      %mul3A_596 = arith.constant 2 : i32
      %mul3A_597 = arith.muli %mul3A_596, %add3A_565 : i32
      %add3A_598 = arith.constant 0 : i32
      %add3A_599 = arith.addi %mul3A_597, %add3A_598 : i32
      %get3A_600 = arith.index_cast %add3A_599 : i32 to index
      %get3A_601 = arith.constant 32 : index
      %get3A_602 = tpu.vector_load %arg10[%get3A_600, %get3A_601] {strides = array<i32>} : memref<256x64xf32, #tpu.memory_space<vmem>>, vector<1x16xf32>,
      %get3A_603 = vector.shape_cast %get3A_602 : vector<1x16xf32> to vector<16xf32>
      %add3A_604 = arith.constant 128 : i32
      %add3A_605 = arith.addi %add3A_604, %add3A_565 : i32
      %swap3A_606 = arith.index_cast %add3A_605 : i32 to index
      %swap3A_607 = arith.constant 32 : index
      %swap3A_608 = tpu.vector_load %arg11[%swap3A_606, %swap3A_607] {strides = array<i32>} : memref<256x128xf32, #tpu.memory_space<vmem>>, vector<1x16xf32>,
      %swap3A_609 = vector.shape_cast %swap3A_608 : vector<1x16xf32> to vector<16xf32>
      %swap3A_610 = vector.shape_cast %get3A_603 : vector<16xf32> to vector<1x16xf32>
      tpu.vector_store %arg11[%swap3A_606, %swap3A_607], %swap3A_610 {add = true, strides = array<i32>} : memref<256x128xf32, #tpu.memory_space<vmem>>, vector<1x16xf32>,
      %mul3A_611 = arith.constant 2 : i32
      %mul3A_612 = arith.muli %mul3A_611, %add3A_565 : i32
      %add3A_613 = arith.constant 0 : i32
      %add3A_614 = arith.addi %mul3A_612, %add3A_613 : i32
      %get3A_615 = arith.index_cast %add3A_614 : i32 to index
      %get3A_616 = arith.constant 48 : index
      %get3A_617 = tpu.vector_load %arg10[%get3A_615, %get3A_616] {strides = array<i32>} : memref<256x64xf32, #tpu.memory_space<vmem>>, vector<1x16xf32>,
      %get3A_618 = vector.shape_cast %get3A_617 : vector<1x16xf32> to vector<16xf32>
      %add3A_619 = arith.constant 128 : i32
      %add3A_620 = arith.addi %add3A_619, %add3A_565 : i32
      %swap3A_621 = arith.index_cast %add3A_620 : i32 to index
      %swap3A_622 = arith.constant 48 : index
      %swap3A_623 = tpu.vector_load %arg11[%swap3A_621, %swap3A_622] {strides = array<i32>} : memref<256x128xf32, #tpu.memory_space<vmem>>, vector<1x16xf32>,
      %swap3A_624 = vector.shape_cast %swap3A_623 : vector<1x16xf32> to vector<16xf32>
      %swap3A_625 = vector.shape_cast %get3A_618 : vector<16xf32> to vector<1x16xf32>
      tpu.vector_store %arg11[%swap3A_621, %swap3A_622], %swap3A_625 {add = true, strides = array<i32>} : memref<256x128xf32, #tpu.memory_space<vmem>>, vector<1x16xf32>,
      %mul3A_626 = arith.constant 2 : i32
      %mul3A_627 = arith.muli %mul3A_626, %add3A_565 : i32
      %add3A_628 = arith.constant 1 : i32
      %add3A_629 = arith.addi %mul3A_627, %add3A_628 : i32
      %get3A_630 = arith.index_cast %add3A_629 : i32 to index
      %get3A_631 = arith.constant 0 : index
      %get3A_632 = tpu.vector_load %arg10[%get3A_630, %get3A_631] {strides = array<i32>} : memref<256x64xf32, #tpu.memory_space<vmem>>, vector<1x16xf32>,
      %get3A_633 = vector.shape_cast %get3A_632 : vector<1x16xf32> to vector<16xf32>
      %add3A_634 = arith.constant 128 : i32
      %add3A_635 = arith.addi %add3A_634, %add3A_565 : i32
      %swap3A_636 = arith.index_cast %add3A_635 : i32 to index
      %swap3A_637 = arith.constant 64 : index
      %swap3A_638 = tpu.vector_load %arg11[%swap3A_636, %swap3A_637] {strides = array<i32>} : memref<256x128xf32, #tpu.memory_space<vmem>>, vector<1x16xf32>,
      %swap3A_639 = vector.shape_cast %swap3A_638 : vector<1x16xf32> to vector<16xf32>
      %swap3A_640 = vector.shape_cast %get3A_633 : vector<16xf32> to vector<1x16xf32>
      tpu.vector_store %arg11[%swap3A_636, %swap3A_637], %swap3A_640 {add = true, strides = array<i32>} : memref<256x128xf32, #tpu.memory_space<vmem>>, vector<1x16xf32>,
      %mul3A_641 = arith.constant 2 : i32
      %mul3A_642 = arith.muli %mul3A_641, %add3A_565 : i32
      %add3A_643 = arith.constant 1 : i32
      %add3A_644 = arith.addi %mul3A_642, %add3A_643 : i32
      %get3A_645 = arith.index_cast %add3A_644 : i32 to index
      %get3A_646 = arith.constant 16 : index
      %get3A_647 = tpu.vector_load %arg10[%get3A_645, %get3A_646] {strides = array<i32>} : memref<256x64xf32, #tpu.memory_space<vmem>>, vector<1x16xf32>,
      %get3A_648 = vector.shape_cast %get3A_647 : vector<1x16xf32> to vector<16xf32>
      %add3A_649 = arith.constant 128 : i32
      %add3A_650 = arith.addi %add3A_649, %add3A_565 : i32
      %swap3A_651 = arith.index_cast %add3A_650 : i32 to index
      %swap3A_652 = arith.constant 80 : index
      %swap3A_653 = tpu.vector_load %arg11[%swap3A_651, %swap3A_652] {strides = array<i32>} : memref<256x128xf32, #tpu.memory_space<vmem>>, vector<1x16xf32>,
      %swap3A_654 = vector.shape_cast %swap3A_653 : vector<1x16xf32> to vector<16xf32>
      %swap3A_655 = vector.shape_cast %get3A_648 : vector<16xf32> to vector<1x16xf32>
      tpu.vector_store %arg11[%swap3A_651, %swap3A_652], %swap3A_655 {add = true, strides = array<i32>} : memref<256x128xf32, #tpu.memory_space<vmem>>, vector<1x16xf32>,
      %mul3A_656 = arith.constant 2 : i32
      %mul3A_657 = arith.muli %mul3A_656, %add3A_565 : i32
      %add3A_658 = arith.constant 1 : i32
      %add3A_659 = arith.addi %mul3A_657, %add3A_658 : i32
      %get3A_660 = arith.index_cast %add3A_659 : i32 to index
      %get3A_661 = arith.constant 32 : index
      %get3A_662 = tpu.vector_load %arg10[%get3A_660, %get3A_661] {strides = array<i32>} : memref<256x64xf32, #tpu.memory_space<vmem>>, vector<1x16xf32>,
      %get3A_663 = vector.shape_cast %get3A_662 : vector<1x16xf32> to vector<16xf32>
      %add3A_664 = arith.constant 128 : i32
      %add3A_665 = arith.addi %add3A_664, %add3A_565 : i32
      %swap3A_666 = arith.index_cast %add3A_665 : i32 to index
      %swap3A_667 = arith.constant 96 : index
      %swap3A_668 = tpu.vector_load %arg11[%swap3A_666, %swap3A_667] {strides = array<i32>} : memref<256x128xf32, #tpu.memory_space<vmem>>, vector<1x16xf32>,
      %swap3A_669 = vector.shape_cast %swap3A_668 : vector<1x16xf32> to vector<16xf32>
      %swap3A_670 = vector.shape_cast %get3A_663 : vector<16xf32> to vector<1x16xf32>
      tpu.vector_store %arg11[%swap3A_666, %swap3A_667], %swap3A_670 {add = true, strides = array<i32>} : memref<256x128xf32, #tpu.memory_space<vmem>>, vector<1x16xf32>,
      %mul3A_671 = arith.constant 2 : i32
      %mul3A_672 = arith.muli %mul3A_671, %add3A_565 : i32
      %add3A_673 = arith.constant 1 : i32
      %add3A_674 = arith.addi %mul3A_672, %add3A_673 : i32
      %get3A_675 = arith.index_cast %add3A_674 : i32 to index
      %get3A_676 = arith.constant 48 : index
      %get3A_677 = tpu.vector_load %arg10[%get3A_675, %get3A_676] {strides = array<i32>} : memref<256x64xf32, #tpu.memory_space<vmem>>, vector<1x16xf32>,
      %get3A_678 = vector.shape_cast %get3A_677 : vector<1x16xf32> to vector<16xf32>
      %add3A_679 = arith.constant 128 : i32
      %add3A_680 = arith.addi %add3A_679, %add3A_565 : i32
      %swap3A_681 = arith.index_cast %add3A_680 : i32 to index
      %swap3A_682 = arith.constant 112 : index
      %swap3A_683 = tpu.vector_load %arg11[%swap3A_681, %swap3A_682] {strides = array<i32>} : memref<256x128xf32, #tpu.memory_space<vmem>>, vector<1x16xf32>,
      %swap3A_684 = vector.shape_cast %swap3A_683 : vector<1x16xf32> to vector<16xf32>
      %swap3A_685 = vector.shape_cast %get3A_678 : vector<16xf32> to vector<1x16xf32>
      tpu.vector_store %arg11[%swap3A_681, %swap3A_682], %swap3A_685 {add = true, strides = array<i32>} : memref<256x128xf32, #tpu.memory_space<vmem>>, vector<1x16xf32>,
      %scan3A_686 = arith.constant 0 : i32
      scf.yield %scan3A_686 : i32
    }
    %scan3A_165 = arith.constant 32 : i32
    %dma_wait3A_166 = arith.constant 0 : i32
    %dma_wait3A_167 = arith.constant 0 : i32
    %dma_wait3A_168 = tpu.memref_slice %arg2[%dma_wait3A_166, %dma_wait3A_167] : memref<200x16384xi32, #tpu.memory_space<hbm>> -> memref<1x512xi32, #tpu.memory_space<hbm>>
    %dma_wait3A_169 = tpu.memref_squeeze %dma_wait3A_168 : memref<1x512xi32, #tpu.memory_space<hbm>> -> memref<512xi32, #tpu.memory_space<hbm>>
    %dma_wait3A_170 = arith.constant 0 : i32
    %dma_wait3A_171 = tpu.memref_slice %arg2[%dma_wait3A_166, %dma_wait3A_170] : memref<200x16384xi32, #tpu.memory_space<hbm>> -> memref<1x512xi32, #tpu.memory_space<hbm>>
    %dma_wait3A_172 = tpu.memref_squeeze %dma_wait3A_171 : memref<1x512xi32, #tpu.memory_space<hbm>> -> memref<512xi32, #tpu.memory_space<hbm>>
    tpu.wait_dma2 semaphore(%arg12 : memref<!tpu.dma_semaphore, #tpu.memory_space<semaphore_mem>>) src(%dma_wait3A_172 : memref<512xi32, #tpu.memory_space<hbm>>) dst(%arg5 : memref<512xi32, #tpu.memory_space<vmem>>)
    %scan3A_173 = arith.constant 0 : i32
    %scan3A_174 = arith.constant 0 : i32
    %scan3A_175 = arith.constant 8 : i32
    %scan3A_176 = arith.addi %scan3A_174, %scan3A_175 : i32
    %scan3A_177 = arith.constant 1 : i32
    %scan3A_178 = scf.for %scan3A_190 = %scan3A_174 to %scan3A_176 step %scan3A_177 iter_args(%scan3A_191 = %scan3A_173) -> (i32)  : i32 {
      %mul3A_192 = arith.constant 4 : i32
      %mul3A_193 = arith.muli %scan3A_190, %mul3A_192 : i32
      %add3A_194 = arith.constant 0 : i32
      %add3A_195 = arith.addi %mul3A_193, %add3A_194 : i32
      %mul3A_196 = arith.constant 16 : i32
      %mul3A_197 = arith.muli %add3A_195, %mul3A_196 : i32
      %get3A = arith.index_cast %mul3A_197 : i32 to index
      %get3A_198 = tpu.vector_load %arg5[%get3A] {strides = array<i32>} : memref<512xi32, #tpu.memory_space<vmem>>, vector<16xi32>,
      %get3A_199 = vector.shape_cast %get3A_198 : vector<16xi32> to vector<16xi32>
      %add3A_200 = arith.addi %get3A_199, %get3A_199 : vector<16xi32>
      %swap3A = arith.index_cast %mul3A_197 : i32 to index
      %swap3A_201 = tpu.vector_load %arg7[%swap3A] {strides = array<i32>} : memref<512xi32, #tpu.memory_space<vmem>>, vector<16xi32>,
      %swap3A_202 = vector.shape_cast %swap3A_201 : vector<16xi32> to vector<16xi32>
      %swap3A_203 = vector.shape_cast %add3A_200 : vector<16xi32> to vector<16xi32>
      tpu.vector_store %arg7[%swap3A], %swap3A_203 {strides = array<i32>} : memref<512xi32, #tpu.memory_space<vmem>>, vector<16xi32>,
      %mul3A_204 = arith.constant 4 : i32
      %mul3A_205 = arith.muli %scan3A_190, %mul3A_204 : i32
      %add3A_206 = arith.constant 1 : i32
      %add3A_207 = arith.addi %mul3A_205, %add3A_206 : i32
      %mul3A_208 = arith.constant 16 : i32
      %mul3A_209 = arith.muli %add3A_207, %mul3A_208 : i32
      %get3A_210 = arith.index_cast %mul3A_209 : i32 to index
      %get3A_211 = tpu.vector_load %arg5[%get3A_210] {strides = array<i32>} : memref<512xi32, #tpu.memory_space<vmem>>, vector<16xi32>,
      %get3A_212 = vector.shape_cast %get3A_211 : vector<16xi32> to vector<16xi32>
      %add3A_213 = arith.addi %get3A_212, %get3A_212 : vector<16xi32>
      %swap3A_214 = arith.index_cast %mul3A_209 : i32 to index
      %swap3A_215 = tpu.vector_load %arg7[%swap3A_214] {strides = array<i32>} : memref<512xi32, #tpu.memory_space<vmem>>, vector<16xi32>,
      %swap3A_216 = vector.shape_cast %swap3A_215 : vector<16xi32> to vector<16xi32>
      %swap3A_217 = vector.shape_cast %add3A_213 : vector<16xi32> to vector<16xi32>
      tpu.vector_store %arg7[%swap3A_214], %swap3A_217 {strides = array<i32>} : memref<512xi32, #tpu.memory_space<vmem>>, vector<16xi32>,
      %mul3A_218 = arith.constant 4 : i32
      %mul3A_219 = arith.muli %scan3A_190, %mul3A_218 : i32
      %add3A_220 = arith.constant 2 : i32
      %add3A_221 = arith.addi %mul3A_219, %add3A_220 : i32
      %mul3A_222 = arith.constant 16 : i32
      %mul3A_223 = arith.muli %add3A_221, %mul3A_222 : i32
      %get3A_224 = arith.index_cast %mul3A_223 : i32 to index
      %get3A_225 = tpu.vector_load %arg5[%get3A_224] {strides = array<i32>} : memref<512xi32, #tpu.memory_space<vmem>>, vector<16xi32>,
      %get3A_226 = vector.shape_cast %get3A_225 : vector<16xi32> to vector<16xi32>
      %add3A_227 = arith.addi %get3A_226, %get3A_226 : vector<16xi32>
      %swap3A_228 = arith.index_cast %mul3A_223 : i32 to index
      %swap3A_229 = tpu.vector_load %arg7[%swap3A_228] {strides = array<i32>} : memref<512xi32, #tpu.memory_space<vmem>>, vector<16xi32>,
      %swap3A_230 = vector.shape_cast %swap3A_229 : vector<16xi32> to vector<16xi32>
      %swap3A_231 = vector.shape_cast %add3A_227 : vector<16xi32> to vector<16xi32>
      tpu.vector_store %arg7[%swap3A_228], %swap3A_231 {strides = array<i32>} : memref<512xi32, #tpu.memory_space<vmem>>, vector<16xi32>,
      %mul3A_232 = arith.constant 4 : i32
      %mul3A_233 = arith.muli %scan3A_190, %mul3A_232 : i32
      %add3A_234 = arith.constant 3 : i32
      %add3A_235 = arith.addi %mul3A_233, %add3A_234 : i32
      %mul3A_236 = arith.constant 16 : i32
      %mul3A_237 = arith.muli %add3A_235, %mul3A_236 : i32
      %get3A_238 = arith.index_cast %mul3A_237 : i32 to index
      %get3A_239 = tpu.vector_load %arg5[%get3A_238] {strides = array<i32>} : memref<512xi32, #tpu.memory_space<vmem>>, vector<16xi32>,
      %get3A_240 = vector.shape_cast %get3A_239 : vector<16xi32> to vector<16xi32>
      %add3A_241 = arith.addi %get3A_240, %get3A_240 : vector<16xi32>
      %swap3A_242 = arith.index_cast %mul3A_237 : i32 to index
      %swap3A_243 = tpu.vector_load %arg7[%swap3A_242] {strides = array<i32>} : memref<512xi32, #tpu.memory_space<vmem>>, vector<16xi32>,
      %swap3A_244 = vector.shape_cast %swap3A_243 : vector<16xi32> to vector<16xi32>
      %swap3A_245 = vector.shape_cast %add3A_241 : vector<16xi32> to vector<16xi32>
      tpu.vector_store %arg7[%swap3A_242], %swap3A_245 {strides = array<i32>} : memref<512xi32, #tpu.memory_space<vmem>>, vector<16xi32>,
      %scan3A_246 = arith.constant 0 : i32
      scf.yield %scan3A_246 : i32
    }
    %scan3A_179 = arith.constant 8 : i32
    %scan3A_180 = arith.constant 5.000000e-03 : f32
    %scan3A_181 = arith.constant 0 : i32
    %scan3A_182 = arith.constant 0 : i32
    %scan3A_183 = arith.constant 256 : i32
    %scan3A_184 = arith.addi %scan3A_182, %scan3A_183 : i32
    %scan3A_185 = arith.constant 1 : i32
    %scan3A_186 = scf.for %scan3A_190 = %scan3A_182 to %scan3A_184 step %scan3A_185 iter_args(%scan3A_191 = %scan3A_181) -> (i32)  : i32 {
      %get3A = arith.index_cast %scan3A_190 : i32 to index
      %get3A_192 = arith.constant 0 : index
      %get3A_193 = tpu.vector_load %arg11[%get3A, %get3A_192] {strides = array<i32>} : memref<256x128xf32, #tpu.memory_space<vmem>>, vector<1x16xf32>,
      %get3A_194 = vector.shape_cast %get3A_193 : vector<1x16xf32> to vector<16xf32>
      %mul3A_195 = vector.broadcast %scan3A_180 : f32 to vector<16xf32>
      %mul3A_196 = arith.mulf %get3A_194, %mul3A_195 : vector<16xf32>
      %swap3A = arith.index_cast %scan3A_190 : i32 to index
      %swap3A_197 = arith.constant 0 : index
      %swap3A_198 = tpu.vector_load %arg11[%swap3A, %swap3A_197] {strides = array<i32>} : memref<256x128xf32, #tpu.memory_space<vmem>>, vector<1x16xf32>,
      %swap3A_199 = vector.shape_cast %swap3A_198 : vector<1x16xf32> to vector<16xf32>
      %swap3A_200 = vector.shape_cast %mul3A_196 : vector<16xf32> to vector<1x16xf32>
      tpu.vector_store %arg11[%swap3A, %swap3A_197], %swap3A_200 {strides = array<i32>} : memref<256x128xf32, #tpu.memory_space<vmem>>, vector<1x16xf32>,
      %get3A_201 = arith.index_cast %scan3A_190 : i32 to index
      %get3A_202 = arith.constant 16 : index
      %get3A_203 = tpu.vector_load %arg11[%get3A_201, %get3A_202] {strides = array<i32>} : memref<256x128xf32, #tpu.memory_space<vmem>>, vector<1x16xf32>,
      %get3A_204 = vector.shape_cast %get3A_203 : vector<1x16xf32> to vector<16xf32>
      %mul3A_205 = vector.broadcast %scan3A_180 : f32 to vector<16xf32>
      %mul3A_206 = arith.mulf %get3A_204, %mul3A_205 : vector<16xf32>
      %swap3A_207 = arith.index_cast %scan3A_190 : i32 to index
      %swap3A_208 = arith.constant 16 : index
      %swap3A_209 = tpu.vector_load %arg11[%swap3A_207, %swap3A_208] {strides = array<i32>} : memref<256x128xf32, #tpu.memory_space<vmem>>, vector<1x16xf32>,
      %swap3A_210 = vector.shape_cast %swap3A_209 : vector<1x16xf32> to vector<16xf32>
      %swap3A_211 = vector.shape_cast %mul3A_206 : vector<16xf32> to vector<1x16xf32>
      tpu.vector_store %arg11[%swap3A_207, %swap3A_208], %swap3A_211 {strides = array<i32>} : memref<256x128xf32, #tpu.memory_space<vmem>>, vector<1x16xf32>,
      %get3A_212 = arith.index_cast %scan3A_190 : i32 to index
      %get3A_213 = arith.constant 32 : index
      %get3A_214 = tpu.vector_load %arg11[%get3A_212, %get3A_213] {strides = array<i32>} : memref<256x128xf32, #tpu.memory_space<vmem>>, vector<1x16xf32>,
      %get3A_215 = vector.shape_cast %get3A_214 : vector<1x16xf32> to vector<16xf32>
      %mul3A_216 = vector.broadcast %scan3A_180 : f32 to vector<16xf32>
      %mul3A_217 = arith.mulf %get3A_215, %mul3A_216 : vector<16xf32>
      %swap3A_218 = arith.index_cast %scan3A_190 : i32 to index
      %swap3A_219 = arith.constant 32 : index
      %swap3A_220 = tpu.vector_load %arg11[%swap3A_218, %swap3A_219] {strides = array<i32>} : memref<256x128xf32, #tpu.memory_space<vmem>>, vector<1x16xf32>,
      %swap3A_221 = vector.shape_cast %swap3A_220 : vector<1x16xf32> to vector<16xf32>
      %swap3A_222 = vector.shape_cast %mul3A_217 : vector<16xf32> to vector<1x16xf32>
      tpu.vector_store %arg11[%swap3A_218, %swap3A_219], %swap3A_222 {strides = array<i32>} : memref<256x128xf32, #tpu.memory_space<vmem>>, vector<1x16xf32>,
      %get3A_223 = arith.index_cast %scan3A_190 : i32 to index
      %get3A_224 = arith.constant 48 : index
      %get3A_225 = tpu.vector_load %arg11[%get3A_223, %get3A_224] {strides = array<i32>} : memref<256x128xf32, #tpu.memory_space<vmem>>, vector<1x16xf32>,
      %get3A_226 = vector.shape_cast %get3A_225 : vector<1x16xf32> to vector<16xf32>
      %mul3A_227 = vector.broadcast %scan3A_180 : f32 to vector<16xf32>
      %mul3A_228 = arith.mulf %get3A_226, %mul3A_227 : vector<16xf32>
      %swap3A_229 = arith.index_cast %scan3A_190 : i32 to index
      %swap3A_230 = arith.constant 48 : index
      %swap3A_231 = tpu.vector_load %arg11[%swap3A_229, %swap3A_230] {strides = array<i32>} : memref<256x128xf32, #tpu.memory_space<vmem>>, vector<1x16xf32>,
      %swap3A_232 = vector.shape_cast %swap3A_231 : vector<1x16xf32> to vector<16xf32>
      %swap3A_233 = vector.shape_cast %mul3A_228 : vector<16xf32> to vector<1x16xf32>
      tpu.vector_store %arg11[%swap3A_229, %swap3A_230], %swap3A_233 {strides = array<i32>} : memref<256x128xf32, #tpu.memory_space<vmem>>, vector<1x16xf32>,
      %get3A_234 = arith.index_cast %scan3A_190 : i32 to index
      %get3A_235 = arith.constant 64 : index
      %get3A_236 = tpu.vector_load %arg11[%get3A_234, %get3A_235] {strides = array<i32>} : memref<256x128xf32, #tpu.memory_space<vmem>>, vector<1x16xf32>,
      %get3A_237 = vector.shape_cast %get3A_236 : vector<1x16xf32> to vector<16xf32>
      %mul3A_238 = vector.broadcast %scan3A_180 : f32 to vector<16xf32>
      %mul3A_239 = arith.mulf %get3A_237, %mul3A_238 : vector<16xf32>
      %swap3A_240 = arith.index_cast %scan3A_190 : i32 to index
      %swap3A_241 = arith.constant 64 : index
      %swap3A_242 = tpu.vector_load %arg11[%swap3A_240, %swap3A_241] {strides = array<i32>} : memref<256x128xf32, #tpu.memory_space<vmem>>, vector<1x16xf32>,
      %swap3A_243 = vector.shape_cast %swap3A_242 : vector<1x16xf32> to vector<16xf32>
      %swap3A_244 = vector.shape_cast %mul3A_239 : vector<16xf32> to vector<1x16xf32>
      tpu.vector_store %arg11[%swap3A_240, %swap3A_241], %swap3A_244 {strides = array<i32>} : memref<256x128xf32, #tpu.memory_space<vmem>>, vector<1x16xf32>,
      %get3A_245 = arith.index_cast %scan3A_190 : i32 to index
      %get3A_246 = arith.constant 80 : index
      %get3A_247 = tpu.vector_load %arg11[%get3A_245, %get3A_246] {strides = array<i32>} : memref<256x128xf32, #tpu.memory_space<vmem>>, vector<1x16xf32>,
      %get3A_248 = vector.shape_cast %get3A_247 : vector<1x16xf32> to vector<16xf32>
      %mul3A_249 = vector.broadcast %scan3A_180 : f32 to vector<16xf32>
      %mul3A_250 = arith.mulf %get3A_248, %mul3A_249 : vector<16xf32>
      %swap3A_251 = arith.index_cast %scan3A_190 : i32 to index
      %swap3A_252 = arith.constant 80 : index
      %swap3A_253 = tpu.vector_load %arg11[%swap3A_251, %swap3A_252] {strides = array<i32>} : memref<256x128xf32, #tpu.memory_space<vmem>>, vector<1x16xf32>,
      %swap3A_254 = vector.shape_cast %swap3A_253 : vector<1x16xf32> to vector<16xf32>
      %swap3A_255 = vector.shape_cast %mul3A_250 : vector<16xf32> to vector<1x16xf32>
      tpu.vector_store %arg11[%swap3A_251, %swap3A_252], %swap3A_255 {strides = array<i32>} : memref<256x128xf32, #tpu.memory_space<vmem>>, vector<1x16xf32>,
      %get3A_256 = arith.index_cast %scan3A_190 : i32 to index
      %get3A_257 = arith.constant 96 : index
      %get3A_258 = tpu.vector_load %arg11[%get3A_256, %get3A_257] {strides = array<i32>} : memref<256x128xf32, #tpu.memory_space<vmem>>, vector<1x16xf32>,
      %get3A_259 = vector.shape_cast %get3A_258 : vector<1x16xf32> to vector<16xf32>
      %mul3A_260 = vector.broadcast %scan3A_180 : f32 to vector<16xf32>
      %mul3A_261 = arith.mulf %get3A_259, %mul3A_260 : vector<16xf32>
      %swap3A_262 = arith.index_cast %scan3A_190 : i32 to index
      %swap3A_263 = arith.constant 96 : index
      %swap3A_264 = tpu.vector_load %arg11[%swap3A_262, %swap3A_263] {strides = array<i32>} : memref<256x128xf32, #tpu.memory_space<vmem>>, vector<1x16xf32>,
      %swap3A_265 = vector.shape_cast %swap3A_264 : vector<1x16xf32> to vector<16xf32>
      %swap3A_266 = vector.shape_cast %mul3A_261 : vector<16xf32> to vector<1x16xf32>
      tpu.vector_store %arg11[%swap3A_262, %swap3A_263], %swap3A_266 {strides = array<i32>} : memref<256x128xf32, #tpu.memory_space<vmem>>, vector<1x16xf32>,
      %get3A_267 = arith.index_cast %scan3A_190 : i32 to index
      %get3A_268 = arith.constant 112 : index
      %get3A_269 = tpu.vector_load %arg11[%get3A_267, %get3A_268] {strides = array<i32>} : memref<256x128xf32, #tpu.memory_space<vmem>>, vector<1x16xf32>,
      %get3A_270 = vector.shape_cast %get3A_269 : vector<1x16xf32> to vector<16xf32>
      %mul3A_271 = vector.broadcast %scan3A_180 : f32 to vector<16xf32>
      %mul3A_272 = arith.mulf %get3A_270, %mul3A_271 : vector<16xf32>
      %swap3A_273 = arith.index_cast %scan3A_190 : i32 to index
      %swap3A_274 = arith.constant 112 : index
      %swap3A_275 = tpu.vector_load %arg11[%swap3A_273, %swap3A_274] {strides = array<i32>} : memref<256x128xf32, #tpu.memory_space<vmem>>, vector<1x16xf32>,
      %swap3A_276 = vector.shape_cast %swap3A_275 : vector<1x16xf32> to vector<16xf32>
      %swap3A_277 = vector.shape_cast %mul3A_272 : vector<16xf32> to vector<1x16xf32>
      tpu.vector_store %arg11[%swap3A_273, %swap3A_274], %swap3A_277 {strides = array<i32>} : memref<256x128xf32, #tpu.memory_space<vmem>>, vector<1x16xf32>,
      %scan3A_278 = arith.constant 0 : i32
      scf.yield %scan3A_278 : i32
    }
    %scan3A_187 = arith.constant 256 : i32
    %mul3A_188 = arith.constant 256 : i32
    %mul3A_189 = arith.muli %add3A, %mul3A_188 : i32
    "tpu.region"() ({
      %run_scoped3A = tpu.sem_alloc : memref<!tpu.dma_semaphore, #tpu.memory_space<semaphore_mem>>
      %dma_start3A_190 = arith.constant 0 : i32
      %dma_start3A_191 = tpu.memref_slice %arg4[%mul3A_189, %dma_start3A_190] : memref<8192x128xf32, #tpu.memory_space<hbm>> -> memref<256x128xf32, #tpu.memory_space<hbm>>
      %dma_start3A_192 = arith.constant 0 : i32
      %dma_start3A_193 = tpu.memref_slice %arg4[%mul3A_189, %dma_start3A_192] : memref<8192x128xf32, #tpu.memory_space<hbm>> -> memref<256x128xf32, #tpu.memory_space<hbm>>
      tpu.enqueue_dma source(%arg11 : memref<256x128xf32, #tpu.memory_space<vmem>>) target(%dma_start3A_193 : memref<256x128xf32, #tpu.memory_space<hbm>>) target_semaphore(%run_scoped3A : memref<!tpu.dma_semaphore, #tpu.memory_space<semaphore_mem>>)
      %dma_wait3A_194 = arith.constant 0 : i32
      %dma_wait3A_195 = tpu.memref_slice %arg4[%mul3A_189, %dma_wait3A_194] : memref<8192x128xf32, #tpu.memory_space<hbm>> -> memref<256x128xf32, #tpu.memory_space<hbm>>
      %dma_wait3A_196 = arith.constant 0 : i32
      %dma_wait3A_197 = tpu.memref_slice %arg4[%mul3A_189, %dma_wait3A_196] : memref<8192x128xf32, #tpu.memory_space<hbm>> -> memref<256x128xf32, #tpu.memory_space<hbm>>
      tpu.wait_dma2 semaphore(%run_scoped3A : memref<!tpu.dma_semaphore, #tpu.memory_space<semaphore_mem>>) src(%arg11 : memref<256x128xf32, #tpu.memory_space<vmem>>) dst(%dma_wait3A_197 : memref<256x128xf32, #tpu.memory_space<hbm>>)
      tpu.yield
    }) : () -> ()
    return
  }
}

module attributes {stable_mosaic.version = 14 : i64} {
  func.func @_table_pad_body(%arg0: i32, %arg1: memref<64x8192xf32, #tpu.memory_space<vmem>>, %arg2: memref<8192x128xf32, #tpu.memory_space<vmem>>) attributes {dimension_semantics = [#tpu.dimension_semantics<arbitrary>], iteration_bounds = array<i64: 122>, scalar_prefetch = 0 : i64, scratch_operands = 0 : i64, tpu.core_type = #tpu.core_type<tc>, window_params = [{transform_indices = @transform_0, window_bounds = array<i64: 64, 8192>}, {transform_indices = @transform_1, window_bounds = array<i64: 8192, 128>}]} {
    %get3A = arith.constant 0 : index
    %get3A_0 = arith.constant 0 : index
    %get3A_1 = vector.load %arg1[%get3A, %get3A_0] : memref<64x8192xf32, #tpu.memory_space<vmem>>, vector<64x8192xf32>
    %transpose3A = tpu.transpose %get3A_1, [1, 0] : vector<64x8192xf32> -> vector<8192x64xf32>
    %broadcast_in_dim3A = arith.constant 0.000000e+00 : f32
    %broadcast_in_dim3A_2 = vector.broadcast %broadcast_in_dim3A : f32 to vector<8192x64xf32>
    %concatenate3A = tpu.concatenate %transpose3A, %broadcast_in_dim3A_2 in 1 : vector<8192x64xf32>, vector<8192x64xf32> -> vector<8192x128xf32>
    %swap3A = arith.constant 0 : index
    %swap3A_3 = arith.constant 0 : index
    %swap3A_4 = vector.load %arg2[%swap3A, %swap3A_3] : memref<8192x128xf32, #tpu.memory_space<vmem>>, vector<8192x128xf32>
    tpu.vector_store %arg2[%swap3A, %swap3A_3], %concatenate3A {strides = array<i32>} : memref<8192x128xf32, #tpu.memory_space<vmem>>, vector<8192x128xf32>,
    return
  }
  func.func @transform_0(%arg0: i32) -> (i32, i32) {
    %c0_i32 = arith.constant 0 : i32
    %c0_i32_0 = arith.constant 0 : i32
    return %c0_i32, %arg0 : i32, i32
  }
  func.func @transform_1(%arg0: i32) -> (i32, i32) {
    %c0_i32 = arith.constant 0 : i32
    %c0_i32_0 = arith.constant 0 : i32
    return %arg0, %c0_i32 : i32, i32
  }
}

module attributes {stable_mosaic.version = 14 : i64} {
  func.func @_mlp_body(%arg0: i32, %arg1: memref<512x128xf32, #tpu.memory_space<vmem>>, %arg2: memref<128x128xf32, #tpu.memory_space<vmem>>, %arg3: memref<1x128xf32, #tpu.memory_space<vmem>>, %arg4: memref<128x64xf32, #tpu.memory_space<vmem>>, %arg5: memref<1x64xf32, #tpu.memory_space<vmem>>, %arg6: memref<64x64xf32, #tpu.memory_space<vmem>>, %arg7: memref<1x64xf32, #tpu.memory_space<vmem>>, %arg8: memref<64x128xf32, #tpu.memory_space<vmem>>, %arg9: memref<1x128xf32, #tpu.memory_space<vmem>>, %arg10: memref<512x128xf32, #tpu.memory_space<vmem>>) attributes {dimension_semantics = [#tpu.dimension_semantics<arbitrary>], iteration_bounds = array<i64: 16>, scalar_prefetch = 0 : i64, scratch_operands = 0 : i64, tpu.core_type = #tpu.core_type<tc>, window_params = [{transform_indices = @transform_0, window_bounds = array<i64: 512, 128>}, {pipeline_mode = #tpu.pipeline_mode<synchronous>, transform_indices = @transform_1, window_bounds = array<i64: 128, 128>}, {pipeline_mode = #tpu.pipeline_mode<synchronous>, transform_indices = @transform_2, window_bounds = array<i64: 1, 128>}, {pipeline_mode = #tpu.pipeline_mode<synchronous>, transform_indices = @transform_3, window_bounds = array<i64: 128, 64>}, {pipeline_mode = #tpu.pipeline_mode<synchronous>, transform_indices = @transform_4, window_bounds = array<i64: 1, 64>}, {pipeline_mode = #tpu.pipeline_mode<synchronous>, transform_indices = @transform_5, window_bounds = array<i64: 64, 64>}, {pipeline_mode = #tpu.pipeline_mode<synchronous>, transform_indices = @transform_6, window_bounds = array<i64: 1, 64>}, {pipeline_mode = #tpu.pipeline_mode<synchronous>, transform_indices = @transform_7, window_bounds = array<i64: 64, 128>}, {pipeline_mode = #tpu.pipeline_mode<synchronous>, transform_indices = @transform_8, window_bounds = array<i64: 1, 128>}, {transform_indices = @transform_9, window_bounds = array<i64: 512, 128>}]} {
    %get3A = arith.constant 0 : index
    %get3A_0 = arith.constant 0 : index
    %get3A_1 = vector.load %arg1[%get3A, %get3A_0] : memref<512x128xf32, #tpu.memory_space<vmem>>, vector<512x128xf32>
    %get3A_2 = arith.constant 0 : index
    %get3A_3 = arith.constant 0 : index
    %get3A_4 = vector.load %arg2[%get3A_2, %get3A_3] : memref<128x128xf32, #tpu.memory_space<vmem>>, vector<128x128xf32>
    %dot_general3A = arith.constant dense<0.000000e+00> : vector<512x128xf32>
    %dot_general3A_5 = tpu.matmul %get3A_1, %get3A_4, %dot_general3A {dimension_numbers = #tpu.dot_dimension_numbers<[1], [0], [0], [1], [0, 0, 1, 1], [], []>, transpose_lhs_hint = false} : vector<512x128xf32>, vector<128x128xf32>, vector<512x128xf32> -> vector<512x128xf32>
    %get3A_6 = arith.constant 0 : index
    %get3A_7 = arith.constant 0 : index
    %get3A_8 = vector.load %arg3[%get3A_6, %get3A_7] : memref<1x128xf32, #tpu.memory_space<vmem>>, vector<1x128xf32>
    %add3A = vector.broadcast %get3A_8 : vector<1x128xf32> to vector<512x128xf32>
    %add3A_9 = arith.addf %dot_general3A_5, %add3A : vector<512x128xf32>
    %max3A = arith.constant 0.000000e+00 : f32
    %max3A_10 = vector.broadcast %max3A : f32 to vector<512x128xf32>
    %max3A_11 = arith.maximumf %add3A_9, %max3A_10 : vector<512x128xf32>
    %get3A_12 = arith.constant 0 : index
    %get3A_13 = arith.constant 0 : index
    %get3A_14 = vector.load %arg4[%get3A_12, %get3A_13] : memref<128x64xf32, #tpu.memory_space<vmem>>, vector<128x64xf32>
    %dot_general3A_15 = arith.constant dense<0.000000e+00> : vector<512x64xf32>
    %dot_general3A_16 = tpu.matmul %max3A_11, %get3A_14, %dot_general3A_15 {dimension_numbers = #tpu.dot_dimension_numbers<[1], [0], [0], [1], [0, 0, 1, 1], [], []>, transpose_lhs_hint = false} : vector<512x128xf32>, vector<128x64xf32>, vector<512x64xf32> -> vector<512x64xf32>
    %get3A_17 = arith.constant 0 : index
    %get3A_18 = arith.constant 0 : index
    %get3A_19 = vector.load %arg5[%get3A_17, %get3A_18] : memref<1x64xf32, #tpu.memory_space<vmem>>, vector<1x64xf32>
    %add3A_20 = vector.broadcast %get3A_19 : vector<1x64xf32> to vector<512x64xf32>
    %add3A_21 = arith.addf %dot_general3A_16, %add3A_20 : vector<512x64xf32>
    %max3A_22 = arith.constant 0.000000e+00 : f32
    %max3A_23 = vector.broadcast %max3A_22 : f32 to vector<512x64xf32>
    %max3A_24 = arith.maximumf %add3A_21, %max3A_23 : vector<512x64xf32>
    %get3A_25 = arith.constant 0 : index
    %get3A_26 = arith.constant 0 : index
    %get3A_27 = vector.load %arg6[%get3A_25, %get3A_26] : memref<64x64xf32, #tpu.memory_space<vmem>>, vector<64x64xf32>
    %dot_general3A_28 = arith.constant dense<0.000000e+00> : vector<512x64xf32>
    %dot_general3A_29 = tpu.matmul %max3A_24, %get3A_27, %dot_general3A_28 {dimension_numbers = #tpu.dot_dimension_numbers<[1], [0], [0], [1], [0, 0, 1, 1], [], []>, transpose_lhs_hint = false} : vector<512x64xf32>, vector<64x64xf32>, vector<512x64xf32> -> vector<512x64xf32>
    %get3A_30 = arith.constant 0 : index
    %get3A_31 = arith.constant 0 : index
    %get3A_32 = vector.load %arg7[%get3A_30, %get3A_31] : memref<1x64xf32, #tpu.memory_space<vmem>>, vector<1x64xf32>
    %add3A_33 = vector.broadcast %get3A_32 : vector<1x64xf32> to vector<512x64xf32>
    %add3A_34 = arith.addf %dot_general3A_29, %add3A_33 : vector<512x64xf32>
    %logistic3A = arith.negf %add3A_34 : vector<512x64xf32>
    %logistic3A_35 = math.exp %logistic3A : vector<512x64xf32>
    %logistic3A_36 = arith.constant 1.000000e+00 : f32
    %logistic3A_37 = vector.broadcast %logistic3A_36 : f32 to vector<512x64xf32>
    %logistic3A_38 = arith.addf %logistic3A_37, %logistic3A_35 : vector<512x64xf32>
    %logistic3A_39 = arith.divf %logistic3A_37, %logistic3A_38 : vector<512x64xf32>
    %mul3A = arith.mulf %max3A_24, %logistic3A_39 : vector<512x64xf32>
    %get3A_40 = arith.constant 0 : index
    %get3A_41 = arith.constant 0 : index
    %get3A_42 = vector.load %arg8[%get3A_40, %get3A_41] : memref<64x128xf32, #tpu.memory_space<vmem>>, vector<64x128xf32>
    %dot_general3A_43 = arith.constant dense<0.000000e+00> : vector<512x128xf32>
    %dot_general3A_44 = tpu.matmul %mul3A, %get3A_42, %dot_general3A_43 {dimension_numbers = #tpu.dot_dimension_numbers<[1], [0], [0], [1], [0, 0, 1, 1], [], []>, transpose_lhs_hint = false} : vector<512x64xf32>, vector<64x128xf32>, vector<512x128xf32> -> vector<512x128xf32>
    %get3A_45 = arith.constant 0 : index
    %get3A_46 = arith.constant 0 : index
    %get3A_47 = vector.load %arg9[%get3A_45, %get3A_46] : memref<1x128xf32, #tpu.memory_space<vmem>>, vector<1x128xf32>
    %add3A_48 = vector.broadcast %get3A_47 : vector<1x128xf32> to vector<512x128xf32>
    %add3A_49 = arith.addf %dot_general3A_44, %add3A_48 : vector<512x128xf32>
    %swap3A = arith.constant 0 : index
    %swap3A_50 = arith.constant 0 : index
    %swap3A_51 = vector.load %arg10[%swap3A, %swap3A_50] : memref<512x128xf32, #tpu.memory_space<vmem>>, vector<512x128xf32>
    tpu.vector_store %arg10[%swap3A, %swap3A_50], %add3A_49 {strides = array<i32>} : memref<512x128xf32, #tpu.memory_space<vmem>>, vector<512x128xf32>,
    return
  }
  func.func @transform_0(%arg0: i32) -> (i32, i32) {
    %c0_i32 = arith.constant 0 : i32
    %c0_i32_0 = arith.constant 0 : i32
    return %arg0, %c0_i32 : i32, i32
  }
  func.func @transform_1(%arg0: i32) -> (i32, i32) {
    %c0_i32 = arith.constant 0 : i32
    %c0_i32_0 = arith.constant 0 : i32
    %c0_i32_1 = arith.constant 0 : i32
    return %c0_i32, %c0_i32_0 : i32, i32
  }
  func.func @transform_2(%arg0: i32) -> (i32, i32) {
    %c0_i32 = arith.constant 0 : i32
    %c0_i32_0 = arith.constant 0 : i32
    %c0_i32_1 = arith.constant 0 : i32
    return %c0_i32, %c0_i32_0 : i32, i32
  }
  func.func @transform_3(%arg0: i32) -> (i32, i32) {
    %c0_i32 = arith.constant 0 : i32
    %c0_i32_0 = arith.constant 0 : i32
    %c0_i32_1 = arith.constant 0 : i32
    return %c0_i32, %c0_i32_0 : i32, i32
  }
  func.func @transform_4(%arg0: i32) -> (i32, i32) {
    %c0_i32 = arith.constant 0 : i32
    %c0_i32_0 = arith.constant 0 : i32
    %c0_i32_1 = arith.constant 0 : i32
    return %c0_i32, %c0_i32_0 : i32, i32
  }
  func.func @transform_5(%arg0: i32) -> (i32, i32) {
    %c0_i32 = arith.constant 0 : i32
    %c0_i32_0 = arith.constant 0 : i32
    %c0_i32_1 = arith.constant 0 : i32
    return %c0_i32, %c0_i32_0 : i32, i32
  }
  func.func @transform_6(%arg0: i32) -> (i32, i32) {
    %c0_i32 = arith.constant 0 : i32
    %c0_i32_0 = arith.constant 0 : i32
    %c0_i32_1 = arith.constant 0 : i32
    return %c0_i32, %c0_i32_0 : i32, i32
  }
  func.func @transform_7(%arg0: i32) -> (i32, i32) {
    %c0_i32 = arith.constant 0 : i32
    %c0_i32_0 = arith.constant 0 : i32
    %c0_i32_1 = arith.constant 0 : i32
    return %c0_i32, %c0_i32_0 : i32, i32
  }
  func.func @transform_8(%arg0: i32) -> (i32, i32) {
    %c0_i32 = arith.constant 0 : i32
    %c0_i32_0 = arith.constant 0 : i32
    %c0_i32_1 = arith.constant 0 : i32
    return %c0_i32, %c0_i32_0 : i32, i32
  }
  func.func @transform_9(%arg0: i32) -> (i32, i32) {
    %c0_i32 = arith.constant 0 : i32
    %c0_i32_0 = arith.constant 0 : i32
    return %arg0, %c0_i32 : i32, i32
  }
}

</mosaic_0001>

<sc_bundles>
// kernel: kernel.5.cloned.1.call-start
scs
__scs_entry_jumppad:
0x0: {  	(pc) =	sbr.rel $0x88, $3  }
0x1: {  	(tag) =	ssettag $0x0;
	lr =	simm.s32 $0x1  }
0x2: {  	[smem:$0x3F97] =	sst lr;
	_ =	strace $0xD0000000  }
0x3: {  	_ = 	snop  }
0x4: {  	_ = 	snop  }
0x5: {  	_ = 	snop  }
0x6: {  	_ = 	snop  }
0x7: {  	_ = 	snop  }
__scs_overlays_trampoline_lowered:
0x8: {  	[smem:$0x3FA6] =	sst s0  }
0x9: {  	[smem:$0x3FA7] =	sst s1  }
0xa: {  	[smem:$0x3FA8] =	sst s2  }
0xb: {  	[smem:$0x3FA9] =	sst s3  }
0xc: {  	[smem:$0x3FAA] =	sst s4  }
0xd: {  	[smem:$0x3FAB] =	sst s5  }
0xe: {  	[smem:$0x3FAC] =	sst s6  }
0xf: {  	[smem:$0x3FAD] =	sst s7  }
0x10: {  	[smem:$0x3FAE] =	sst s8  }
0x11: {  	[smem:$0x3FAF] =	sst s9;
	s0 =	simm.s32 @!p0 $0x0  }
0x12: {  	s1 =	sld [smem:$0x3F95];
	s0 =	simm.s32 @p0 $0x1  }
0x13: {  	[smem:$0x3FB0] =	sst s0;
	s0 =	simm.s32 @!p1 $0x0  }
0x14: {  	s2 =	sld [smem:$0x3F94];
	s0 =	simm.s32 @p1 $0x1  }
0x15: {  	[smem:$0x3FB1] =	sst s0;
	s0 =	simm.s32 @!p2 $0x0  }
0x16: {  	s3 =	sld [smem:$0x3FDB];
	s0 =	simm.s32 @p2 $0x1  }
0x17: {  	s4 =	simm.s32 $0x1BF5;
	[smem:$0x3FB3] =	sst s0  }
0x18: {  	s0 =	sld [smem:$0x3F96];
	_ =	swait.ge [sflag:s4], $0x0  }
0x19: {  	s7 =	sld [smem:$0x3F97]  }
0x1a: {  	s8 =	sadd.s32 $0xFFFFE003, lr  }
0x1b: {  	s9 =	sadd.s32 $0xFFFFFEF7, lr;
	s5 =	simm.s32 $0xFFFFFFFF;
	p2 =	slt.u32 s8, $0xFFFFF086  }
0x1c: {  	p1 =	slt.u32 s9, $0xF7A;
	s5 =	simm.s32 @!p2 $0x0  }
0x1d: {  	s5 =	simm.s32 @p1 $0x1;
	p0 =	seq.s32 s7, s2  }
0x1e: {  	s7 =	smul.u32 @!p0 $0xF7A, s2;
	p2 =	seq.s32 @!p0 s5, $0x0  }
0x1f: {  	s9 =	smul.u32 $0xF7A, s1;
	s8 =	simm.s32 @!p0 $0x1BF5;
	p2 =	por !p2, p0  }
0x20: {  	[sflag:s8] =	ssyncset.s32 @!p0 $0xFFFFF086;
	s6 =	sadd.s32 @!p0 s3, s7;
	s7 =	simm.s32 @!p0 $0x108  }
0x21: {  	s3 =	sadd.s32 s3, s9;
	s6 =	sadd.s32 @!p0 $0x88, s6;
	s7 =	simm.s32 @p2 $0x1082  }
0x22: {  	[simem:s7], [sflag:s8] =	dma.local @!p0 [hbm:s6], $0xF7A  }
0x23: {  	s9 =	sor.u32 $0xD0000000, s2;
	s6 =	simm.s32 $0x108;
	_ =	swait.ge @!p0 [sflag:s8], $0x0  }
0x24: {  	s3 =	sadd.s32 $0x88, s3;
	s6 =	simm.s32 @!p1 $0x1082;
	[sflag:s4] =	ssyncset.s32 $0xFFFFF086  }
0x25: {  	[simem:s6], [sflag:s4] =	dma.local [hbm:s3], $0xF7A  }
0x26: {  	[smem:$0x3F97] =	sst s1;
	(tag) =	ssettag s2;
	_ =	strace s9  }
0x27: {  	s1 =	sld [smem:$0x3FA7]  }
0x28: {  	s2 =	sld [smem:$0x3FA8]  }
0x29: {  	s4 =	sld [smem:$0x3FAA]  }
0x2a: {  	p0 =	seq.s32 s5, $0x0;
	s5 =	sld [smem:$0x3FAB]  }
0x2b: {  	s6 =	sld [smem:$0x3FAC]  }
0x2c: {  	s7 =	sld [smem:$0x3FAD]  }
0x2d: {  	s3 =	simm.s32 $0x108;
	s8 =	sld [smem:$0x3FAE]  }
0x2e: {  	s3 =	simm.s32 @!p0 $0x1082;
	s9 =	sld [smem:$0x3FAF]  }
0x2f: {  	lr =	sadd.s32 s0, s3;
	s0 =	sld [smem:$0x3FA6]  }
0x30: {  	s3 =	sld [smem:$0x3FA9]  }
0x31: {  	[smem:$0x3FB2] =	sst s10  }
0x32: {  	s10 =	sld [smem:$0x3FB0];
	_ =	sdelay $0x3  }
0x33: {  	p0 =	seq.s32 s10, $0x1;
	s10 =	sld [smem:$0x3FB2];
	_ =	sdelay $0x3  }
0x34: {  	[smem:$0x3FB2] =	sst s10  }
0x35: {  	s10 =	sld [smem:$0x3FB1];
	_ =	sdelay $0x3  }
0x36: {  	p1 =	seq.s32 s10, $0x1;
	s10 =	sld [smem:$0x3FB2];
	_ =	sdelay $0x3  }
0x37: {  	[smem:$0x3FB2] =	sst s10  }
0x38: {  	s10 =	sld [smem:$0x3FB3]  }
0x39: {  	_ = 	snop;
	(pc) =	sbr.ind lr, $3  }
0x3a: {  	_ = 	snop  }
0x3b: {  	_ = 	snop  }
0x3c: {  	p2 =	seq.s32 s10, $0x1;
	s10 =	sld [smem:$0x3FB2]  }
0x3d: {  	_ =	shalt  }
0x3e: {  	_ =	shalt  }
0x3f: {  	_ =	shalt  }
0x40: {  	_ =	shalt  }
0x41: {  	_ =	shalt  }
0x42: {  	_ =	shalt  }
0x43: {  	_ =	shalt  }
0x44: {  	_ =	shalt  }
0x45: {  	_ =	shalt  }
0x46: {  	_ =	shalt  }
0x47: {  	_ =	shalt  }
0x48: {  	_ =	shalt  }
0x49: {  	_ =	shalt  }
0x4a: {  	_ =	shalt  }
0x4b: {  	_ =	shalt  }
0x4c: {  	_ =	shalt  }
0x4d: {  	_ =	shalt  }
0x4e: {  	_ =	shalt  }
0x4f: {  	_ =	shalt  }
0x50: {  	_ =	shalt  }
0x51: {  	_ =	shalt  }
0x52: {  	_ =	shalt  }
0x53: {  	_ =	shalt  }
0x54: {  	_ =	shalt  }
0x55: {  	_ =	shalt  }
0x56: {  	_ =	shalt  }
0x57: {  	_ =	shalt  }
0x58: {  	_ =	shalt  }
0x59: {  	_ =	shalt  }
0x5a: {  	_ =	shalt  }
0x5b: {  	_ =	shalt  }
0x5c: {  	_ =	shalt  }
0x5d: {  	_ =	shalt  }
0x5e: {  	_ =	shalt  }
0x5f: {  	_ =	shalt  }
0x60: {  	_ =	shalt  }
0x61: {  	_ =	shalt  }
0x62: {  	_ =	shalt  }
0x63: {  	_ =	shalt  }
0x64: {  	_ =	shalt  }
0x65: {  	_ =	shalt  }
0x66: {  	_ =	shalt  }
0x67: {  	_ =	shalt  }
0x68: {  	_ =	shalt  }
0x69: {  	_ =	shalt  }
0x6a: {  	_ =	shalt  }
0x6b: {  	_ =	shalt  }
0x6c: {  	_ =	shalt  }
0x6d: {  	_ =	shalt  }
0x6e: {  	_ =	shalt  }
0x6f: {  	_ =	shalt  }
0x70: {  	_ =	shalt  }
0x71: {  	_ =	shalt  }
0x72: {  	_ =	shalt  }
0x73: {  	_ =	shalt  }
0x74: {  	_ =	shalt  }
0x75: {  	_ =	shalt  }
0x76: {  	_ =	shalt  }
0x77: {  	_ =	shalt  }
0x78: {  	_ =	shalt  }
0x79: {  	_ =	shalt  }
0x7a: {  	_ =	shalt  }
0x7b: {  	_ =	shalt  }
0x7c: {  	_ =	shalt  }
0x7d: {  	_ =	shalt  }
0x7e: {  	_ =	shalt  }
0x7f: {  	_ =	shalt  }
0x80: {  	_ =	shalt  }
0x81: {  	_ =	shalt  }
0x82: {  	_ =	shalt  }
0x83: {  	_ =	shalt  }
0x84: {  	_ =	shalt  }
0x85: {  	_ =	shalt  }
0x86: {  	_ =	shalt  }
0x87: {  	_ =	shalt  }
.Lfunc_end0:
.L_simem_size_0:
called_computation_lowered:
.L_overlay_start_0:
0x88: {  	s2 =	sld [smem:$0x3FD9]  }
0x89: {  	s3 =	sld [smem:$0x3FFE];
	_ =	sdelay $0x1  }
0x8a: {  	s1 =	srdreg.scid  }
0x8b: {  	s0 =	sand.u32 $0x1, s1  }
0x8c: {  	s16 =	sshll.u32 s0, $0xA;
	s2 =	sadd.s32 s3, s2  }
0x8d: {  	s2 =	sadd.s32 s2, s16  }
0x8e: {  	[smem:$0x3FBE] =	sst s2  }
0x8f: {  	_ = 	snop  }
0x90: {  	(tm) =	ssettm $0x1  }
0x91: {  	s17 =	sld [smem:$0x3FFB];
	_ =	sdelay $0x3  }
0x92: {  	_ =	strace s17  }
0x93: {  	s2 =	sld [smem:$0x3FFC];
	_ =	sdelay $0x3  }
0x94: {  	_ =	strace s2  }
0x95: {  	s2 =	sld [smem:$0x3FFD];
	_ =	sdelay $0x3  }
0x96: {  	_ =	strace s2  }
0x97: {  	_ =	strace $0x8FFFFFFF  }
0x98: {  	s18 =	sld [smem:$0x3FDB];
	_ =	sdelay $0x1  }
0x99: {  	s19 =	simm.s32 $_scs_section_size  }
0x9a: {  	s4 =	simm.s32 $_size__tile_overlayer_lowered;
	s5 =	simm.s32 $_tile_overlayer_lowered  }
0x9b: {  	s22 =	simm.s32 $0x1BFF;
	s21 =	sshll.u32 s5, $0x1;
	s2 =	sadd.s32 s19, s18  }
0x9c: {  	s6 =	simm.s32 $0x0;
	s20 =	sshll.u32 s4, $0x1;
	s4 =	sadd.s32 s21, s2  }
0x9d: {  	[timem:s6], [sflag:s22] =	dma.local [hbm:s4], s20  }
0x9e: {  	_ =	swait.ge [sflag:s22], s20  }
0x9f: {  	s3 =	ssub.s32 $0x0, s20;
	[sflag:s22] =	ssyncset.done $0x0  }
0xa0: {  	[sflag:s22] =	ssyncadd.s32 s3;
	_ =	sdelay $0x1  }
0xa1: {  	s23 =	simm.s32 $0x1B8B  }
0xa2: {  	_ =	swait.ge [sflag:s23], $0x1  }
0xa3: {  	[sflag:s23] =	ssyncset.done $0x0  }
0xa4: {  	s25 =	simm.s32 $0x1B8E;
	s24 =	sld [smem:$0x3FFE];
	[sflag:s23] =	ssyncadd.s32 $0xFFFFFFFF  }
0xa5: {  	s26 =	simm.s32 $execute0_lowered;
	[smem:$0x3FD2] =	sst s25  }
0xa6: {  	s4 =	sshll.u32 s26, $0x1;
	_ =	strace $0x80000046;
	[dreg:$0x1] =	wrdreg $0xFFFFFFFF  }
0xa7: {  	s28 =	simm.s32 $_size_execute0_lowered;
	s2 =	sadd.s32 s2, s4;
	[dreg:$0x0] =	wrdreg $0x0  }
0xa8: {  	s4 =	sshll.u32 s28, $0x1;
	[dreg:$0x2] =	wrdreg s2  }
0xa9: {  	[dreg:$0x3] =	wrdreg s4  }
0xaa: {  	[dreg:$0x4] =	wrdreg $0xC0  }
0xab: {  	_ =	task [dreg:s6], $0x5FFFF  }
0xac: {  	[dreg:$0x1] =	wrdreg $0xFFFFFFFF  }
0xad: {  	[dreg:$0x0] =	wrdreg $0x60  }
0xae: {  	[dreg:$0x2] =	wrdreg s24  }
0xaf: {  	[dreg:$0x3] =	wrdreg $0x9  }
0xb0: {  	_ =	task.clear_ibuf [dreg:s6], $0x4FFFF;
	_ =	strace $0x90000046  }
0xb1: {  	s29 =	simm.s32 $0x9;
	_ =	strace $0x80000048  }
0xb2: {  	_ =	swait.ge [sflag:s29], $0x1  }
0xb3: {  	[sflag:s29] =	ssyncadd.s32 $0xFFFFFFFF  }
0xb4: {  	_ =	strace $0x90000048  }
0xb5: {  	_ =	sfence  }
0xb6: {  	s30 =	sld [smem:$0x0];
	_ =	sdelay $0x2  }
0xb7: {  	s31 =	sshll.u32 s1, $0xD;
	s1 =	sshrl.u32 s1, $0x2  }
0xb8: {  	s3 =	sand.u32 $0x4000, s31;
	s1 =	sadd.s32 s1, s30  }
0xb9: {  	s0 =	sor.u32 s3, s0;
	s1 =	sshll.u32 s1, $0x11  }
0xba: {  	s0 =	sor.u32 s1, s0  }
0xbb: {  	s0 =	sadd.s32 $0x8F2B, s0  }
0xbc: {  	[sflag:s0] =	ssyncadd.remote.s32 $0x1  }
0xbd: {  	_ =	sfence.sel $0xFFFF  }
0xbe: {  	[dreg:$0x0] =	wrdreg $0xFFFFFFFF;
	(pc) =	sbr.abs _section_cstart, $3  }
0xbf: {  	[dreg:$0x1] =	wrdreg $0xFFFFFFFF  }
0xc0: {  	_ =	task.clear_ibuf [dreg:s6], $0x2FFFF;
	_ =	strace $0x9FFFFFFF  }
0xc1: {  	(tm) =	ssettm $0x7FFFFFFF  }
tec
execute0_lowered:
.L_overlay_start_1:
0x0: {  	(tag) =	ssettag $0x1  }
0x1: {  	s0 =	rddreg [dreg:$0x0];
	s2 =	simm.s32 $0x0  }
0x2: {  	s1 =	srdreg.scid;
	s3 =	stileid.u32;
	s12 =	simm.s32 $0x1  }
0x3: {  	s13 =	simm.s32 $0x80;
	s14 =	simm.s32 $0x400;
	s15 =	simm.s32 $0x800  }
0x4: {  	s16 =	simm.s32 $0x480;
	s17 =	simm.s32 $0x2800;
	s18 =	simm.s32 $0x500  }
0x5: {  	s19 =	simm.s32 $0x4800;
	s20 =	simm.s32 $0x580;
	s21 =	simm.s32 $0x6800  }
0x6: {  	s22 =	simm.s32 $0x200;
	s23 =	simm.s32 $0x2;
	s24 =	simm.s32 $0x3  }
0x7: {  	s28 =	simm.s32 $0x4;
	s29 =	simm.s32 $0x700;
	s30 =	simm.s32 $0x780  }
0x8: {  	[smem:$0x7FF] =	sst s2;
	s1 =	sand.u32 $0x1, s1;
	s4 =	sshll.u32 s3, $0x1  }
0x9: {  	s3 =	sadd.s32 $0xE00, s0;
	_ =	strace $0x80000047;
	s5 =	sor.u32 s1, s4  }
0xa: {  	s4 =	sadd.s32 $0x64E00, s0;
	s1 =	ssub.s32 $0x2, s1;
	s6 =	sshll.u32 s5, $0xC  }
0xb: {  	s25 =	sshrl.u32 s1, $0x1;
	s7 =	sshll.u32 s5, $0x6;
	s26 =	sshll.u32 s5, $0x9  }
0xc: {  	s0 =	sadd.s32 s6, s0;
	s1 =	ssub.s32 s1, s25;
	s5 =	sadd.s32 s3, s7  }
0xd: {  	s8 =	sor.u32 $0xC000, s26;
	s9 =	sor.u32 $0x10000, s26;
	s25 =	simm.s32 $0x600  }
0xe: {  	s26 =	simm.s32 $0x680;
	s7 =	sadd.s32 $0x800, s5;
	s31 =	sadd.s32 $0x1000, s5  }
0xf: {  	s10 =	sadd.s32 $0xFA7200, s0;
	s11 =	smax.u32 s1, $0x1;
	[dreg:$0x2] =	wrdreg s7  }
0x10: {  	s0 =	simm.s32 $0x5;
	s1 =	simm.s32 $0x0;
	[dreg:$0x3] =	wrdreg s31  }
.LBB2_1:
0x11: {  	[tilespmem:s2], [sflag:$0x1] =	stream.linear.gather [hbm4b:s5+s2], $0x200, $0x38;
	[tilespmem:$0x10800] =	vst v63  }
0x12: {  	_ =	swait.ge [sflag:s12], $0x200  }
0x13: {  	[sflag:s12] =	ssyncset.done $0x0  }
0x14: {  	[sflag:s12] =	ssyncadd.s32 $0xFFFFFE00  }
0x15: {  	v0 =	vld [tilespmem:$0x0]  }
0x16: {  	v1 =	vld [tilespmem:$0x10]  }
0x17: {  	v2 =	vld [tilespmem:$0x20]  }
0x18: {  	v3 =	vld [tilespmem:$0x30]  }
0x19: {  	v4 =	vld [tilespmem:$0x40]  }
0x1a: {  	v5 =	vld [tilespmem:$0x50];
	v0 =	vshll.u32 v0, $0x1  }
0x1b: {  	[tilespmem:$0x400] =	vst v0;
	v0 =	vshll.u32 v1, $0x1;
	v1 =	vld [tilespmem:$0x60]  }
0x1c: {  	[tilespmem:$0x410] =	vst v0;
	v0 =	vshll.u32 v2, $0x1;
	v2 =	vld [tilespmem:$0x70]  }
0x1d: {  	[tilespmem:$0x420] =	vst v0;
	v0 =	vshll.u32 v3, $0x1;
	v3 =	vld [tilespmem:$0x80]  }
0x1e: {  	[tilespmem:$0x430] =	vst v0;
	v0 =	vshll.u32 v4, $0x1;
	v4 =	vld [tilespmem:$0x90]  }
0x1f: {  	[tilespmem:$0x440] =	vst v0;
	v0 =	vshll.u32 v5, $0x1;
	v5 =	vld [tilespmem:$0xA0]  }
0x20: {  	[tilespmem:$0x450] =	vst v0;
	v0 =	vshll.u32 v1, $0x1;
	v1 =	vld [tilespmem:$0xB0]  }
0x21: {  	[tilespmem:$0x460] =	vst v0;
	v0 =	vshll.u32 v2, $0x1;
	v2 =	vld [tilespmem:$0xC0]  }
0x22: {  	[tilespmem:$0x470] =	vst v0;
	v0 =	vshll.u32 v3, $0x1;
	v3 =	vld [tilespmem:$0xD0]  }
0x23: {  	[tilespmem:$0x480] =	vst v0;
	v0 =	vshll.u32 v4, $0x1;
	v4 =	vld [tilespmem:$0xE0]  }
0x24: {  	[tilespmem:$0x490] =	vst v0;
	v0 =	vshll.u32 v5, $0x1;
	v5 =	vld [tilespmem:$0xF0]  }
0x25: {  	[tilespmem:$0x4A0] =	vst v0;
	v0 =	vshll.u32 v1, $0x1;
	v1 =	vld [tilespmem:$0x100]  }
0x26: {  	[tilespmem:$0x4B0] =	vst v0;
	v0 =	vshll.u32 v2, $0x1;
	v2 =	vld [tilespmem:$0x110]  }
0x27: {  	[tilespmem:$0x4C0] =	vst v0;
	v0 =	vshll.u32 v3, $0x1;
	v3 =	vld [tilespmem:$0x120]  }
0x28: {  	[tilespmem:$0x4D0] =	vst v0;
	v0 =	vshll.u32 v4, $0x1;
	v4 =	vld [tilespmem:$0x130]  }
0x29: {  	[tilespmem:$0x4E0] =	vst v0;
	v0 =	vshll.u32 v5, $0x1;
	v5 =	vld [tilespmem:$0x140]  }
0x2a: {  	[tilespmem:$0x4F0] =	vst v0;
	v0 =	vshll.u32 v1, $0x1;
	v1 =	vld [tilespmem:$0x150]  }
0x2b: {  	[tilespmem:$0x500] =	vst v0;
	v0 =	vshll.u32 v2, $0x1;
	v2 =	vld [tilespmem:$0x160]  }
0x2c: {  	[tilespmem:$0x510] =	vst v0;
	v0 =	vshll.u32 v3, $0x1;
	v3 =	vld [tilespmem:$0x170]  }
0x2d: {  	[tilespmem:$0x520] =	vst v0;
	v0 =	vshll.u32 v4, $0x1;
	v4 =	vld [tilespmem:$0x180]  }
0x2e: {  	[tilespmem:$0x530] =	vst v0;
	v0 =	vshll.u32 v5, $0x1;
	v5 =	vld [tilespmem:$0x190]  }
0x2f: {  	[tilespmem:$0x540] =	vst v0;
	v0 =	vshll.u32 v1, $0x1;
	v1 =	vld [tilespmem:$0x1A0]  }
0x30: {  	[tilespmem:$0x550] =	vst v0;
	v0 =	vshll.u32 v2, $0x1;
	v2 =	vld [tilespmem:$0x1B0]  }
0x31: {  	[tilespmem:$0x560] =	vst v0;
	v0 =	vshll.u32 v3, $0x1;
	v3 =	vld [tilespmem:$0x1C0]  }
0x32: {  	[tilespmem:$0x570] =	vst v0;
	v0 =	vshll.u32 v4, $0x1;
	v4 =	vld [tilespmem:$0x1D0]  }
0x33: {  	[tilespmem:$0x580] =	vst v0;
	v0 =	vshll.u32 v5, $0x1;
	v5 =	vld [tilespmem:$0x1E0]  }
0x34: {  	[tilespmem:$0x590] =	vst v0;
	v0 =	vshll.u32 v1, $0x1;
	v1 =	vld [tilespmem:$0x1F0]  }
0x35: {  	[tilespmem:$0x5A0] =	vst v0;
	v0 =	vshll.u32 v2, $0x1  }
0x36: {  	[tilespmem:$0x5B0] =	vst v0;
	v0 =	vshll.u32 v3, $0x1  }
0x37: {  	[tilespmem:$0x5C0] =	vst v0;
	v0 =	vshll.u32 v4, $0x1  }
0x38: {  	[tilespmem:$0x5D0] =	vst v0;
	v0 =	vshll.u32 v5, $0x1  }
0x39: {  	[tilespmem:$0x5E0] =	vst v0;
	v0 =	vshll.u32 v1, $0x1  }
0x3a: {  	[tilespmem:$0x5F0] =	vst v0  }
0x3b: {  	[tilespmem:s15], [sflag:$0x3] =	stream.indirect.gather [hbm4b:s4+s13], $0x40, s14, s13, $0xb8;
	[tilespmem:$0x10800] =	vst v63  }
0x3c: {  	_ = 	snop  }
0x3d: {  	[tilespmem:s17], [sflag:$0x3] =	stream.indirect.gather [hbm4b:s4+s13], $0x40, s16, s13, $0xb8;
	[tilespmem:$0x10800] =	vst v63  }
0x3e: {  	_ = 	snop  }
0x3f: {  	[tilespmem:s19], [sflag:$0x4] =	stream.indirect.gather [hbm4b:s4+s13], $0x40, s18, s13, $0xb8;
	[tilespmem:$0x10800] =	vst v63  }
0x40: {  	_ = 	snop  }
0x41: {  	[tilespmem:s21], [sflag:$0x4] =	stream.indirect.gather [hbm4b:s4+s13], $0x40, s20, s13, $0xb8;
	[tilespmem:$0x10800] =	vst v63  }
0x42: {  	s6 =	rddreg [dreg:$0x2]  }
0x43: {  	[tilespmem:s22], [sflag:$0x2] =	stream.linear.gather [hbm4b:s6+s2], $0x200, $0x38;
	[tilespmem:$0x10800] =	vst v63  }
0x44: {  	_ =	swait.ge [sflag:s23], $0x200  }
0x45: {  	[sflag:s23] =	ssyncset.done $0x0  }
0x46: {  	[sflag:s23] =	ssyncadd.s32 $0xFFFFFE00  }
0x47: {  	v0 =	vld [tilespmem:$0x200]  }
0x48: {  	v1 =	vld [tilespmem:$0x210]  }
0x49: {  	v2 =	vld [tilespmem:$0x220]  }
0x4a: {  	v3 =	vld [tilespmem:$0x230]  }
0x4b: {  	v4 =	vld [tilespmem:$0x240]  }
0x4c: {  	v5 =	vld [tilespmem:$0x250];
	v0 =	vshll.u32 v0, $0x1  }
0x4d: {  	[tilespmem:$0x600] =	vst v0;
	v0 =	vshll.u32 v1, $0x1;
	v1 =	vld [tilespmem:$0x260]  }
0x4e: {  	[tilespmem:$0x610] =	vst v0;
	v0 =	vshll.u32 v2, $0x1;
	v2 =	vld [tilespmem:$0x270]  }
0x4f: {  	[tilespmem:$0x620] =	vst v0;
	v0 =	vshll.u32 v3, $0x1;
	v3 =	vld [tilespmem:$0x280]  }
0x50: {  	[tilespmem:$0x630] =	vst v0;
	v0 =	vshll.u32 v4, $0x1;
	v4 =	vld [tilespmem:$0x290]  }
0x51: {  	[tilespmem:$0x640] =	vst v0;
	v0 =	vshll.u32 v5, $0x1;
	v5 =	vld [tilespmem:$0x2A0]  }
0x52: {  	[tilespmem:$0x650] =	vst v0;
	v0 =	vshll.u32 v1, $0x1;
	v1 =	vld [tilespmem:$0x2B0]  }
0x53: {  	[tilespmem:$0x660] =	vst v0;
	v0 =	vshll.u32 v2, $0x1;
	v2 =	vld [tilespmem:$0x2C0]  }
0x54: {  	[tilespmem:$0x670] =	vst v0;
	v0 =	vshll.u32 v3, $0x1;
	v3 =	vld [tilespmem:$0x2D0]  }
0x55: {  	[tilespmem:$0x680] =	vst v0;
	v0 =	vshll.u32 v4, $0x1;
	v4 =	vld [tilespmem:$0x2E0]  }
0x56: {  	[tilespmem:$0x690] =	vst v0;
	v0 =	vshll.u32 v5, $0x1;
	v5 =	vld [tilespmem:$0x2F0]  }
0x57: {  	[tilespmem:$0x6A0] =	vst v0;
	v0 =	vshll.u32 v1, $0x1;
	v1 =	vld [tilespmem:$0x300]  }
0x58: {  	[tilespmem:$0x6B0] =	vst v0;
	v0 =	vshll.u32 v2, $0x1;
	v2 =	vld [tilespmem:$0x310]  }
0x59: {  	[tilespmem:$0x6C0] =	vst v0;
	v0 =	vshll.u32 v3, $0x1;
	v3 =	vld [tilespmem:$0x320]  }
0x5a: {  	[tilespmem:$0x6D0] =	vst v0;
	v0 =	vshll.u32 v4, $0x1;
	v4 =	vld [tilespmem:$0x330]  }
0x5b: {  	[tilespmem:$0x6E0] =	vst v0;
	v0 =	vshll.u32 v5, $0x1;
	v5 =	vld [tilespmem:$0x340]  }
0x5c: {  	[tilespmem:$0x6F0] =	vst v0;
	v0 =	vshll.u32 v1, $0x1;
	v1 =	vld [tilespmem:$0x350]  }
0x5d: {  	[tilespmem:$0x700] =	vst v0;
	v0 =	vshll.u32 v2, $0x1;
	v2 =	vld [tilespmem:$0x360]  }
0x5e: {  	[tilespmem:$0x710] =	vst v0;
	v0 =	vshll.u32 v3, $0x1;
	v3 =	vld [tilespmem:$0x370]  }
0x5f: {  	[tilespmem:$0x720] =	vst v0;
	v0 =	vshll.u32 v4, $0x1;
	v4 =	vld [tilespmem:$0x380]  }
0x60: {  	[tilespmem:$0x730] =	vst v0;
	v0 =	vshll.u32 v5, $0x1;
	v5 =	vld [tilespmem:$0x390]  }
0x61: {  	[tilespmem:$0x740] =	vst v0;
	v0 =	vshll.u32 v1, $0x1;
	v1 =	vld [tilespmem:$0x3A0]  }
0x62: {  	[tilespmem:$0x750] =	vst v0;
	v0 =	vshll.u32 v2, $0x1;
	v2 =	vld [tilespmem:$0x3B0]  }
0x63: {  	[tilespmem:$0x760] =	vst v0;
	v0 =	vshll.u32 v3, $0x1;
	v3 =	vld [tilespmem:$0x3C0]  }
0x64: {  	[tilespmem:$0x770] =	vst v0;
	v0 =	vshll.u32 v4, $0x1;
	v4 =	vld [tilespmem:$0x3D0]  }
0x65: {  	[tilespmem:$0x780] =	vst v0;
	v0 =	vshll.u32 v5, $0x1;
	v5 =	vld [tilespmem:$0x3E0]  }
0x66: {  	[tilespmem:$0x790] =	vst v0;
	v0 =	vshll.u32 v1, $0x1;
	v1 =	vld [tilespmem:$0x3F0]  }
0x67: {  	[tilespmem:$0x7A0] =	vst v0;
	v0 =	vshll.u32 v2, $0x1  }
0x68: {  	[tilespmem:$0x7B0] =	vst v0;
	v0 =	vshll.u32 v3, $0x1  }
0x69: {  	[tilespmem:$0x7C0] =	vst v0;
	v0 =	vshll.u32 v4, $0x1  }
0x6a: {  	[tilespmem:$0x7D0] =	vst v0;
	v0 =	vshll.u32 v5, $0x1  }
0x6b: {  	[tilespmem:$0x7E0] =	vst v0;
	v0 =	vshll.u32 v1, $0x1  }
0x6c: {  	[tilespmem:$0x7F0] =	vst v0  }
0x6d: {  	_ =	swait.ge [sflag:s24], $0x4000  }
0x6e: {  	[sflag:s24] =	ssyncset.done $0x0  }
0x6f: {  	s6 =	simm.s32 $0x0;
	[sflag:s24] =	ssyncadd.s32 $0xFFFFC000  }
0x70: {  	v0 =	vld [tilespmem:s6+$0x9F0]  }
0x71: {  	v1 =	vld [tilespmem:s6+$0x800]  }
0x72: {  	v2 =	vld [tilespmem:s6+$0x810]  }
0x73: {  	v3 =	vld [tilespmem:s6+$0x820]  }
0x74: {  	v4 =	vld [tilespmem:s6+$0x830]  }
0x75: {  	v5 =	vld [tilespmem:s6+$0x840];
	[tilespmem:s6+$0x89F0] =	vst v0  }
0x76: {  	[tilespmem:s6+$0x8800] =	vst v1;
	v0 =	vld [tilespmem:s6+$0x850]  }
0x77: {  	[tilespmem:s6+$0x8810] =	vst v2;
	v1 =	vld [tilespmem:s6+$0x860]  }
0x78: {  	[tilespmem:s6+$0x8820] =	vst v3;
	v2 =	vld [tilespmem:s6+$0x870]  }
0x79: {  	[tilespmem:s6+$0x8830] =	vst v4;
	v3 =	vld [tilespmem:s6+$0x880]  }
0x7a: {  	[tilespmem:s6+$0x8840] =	vst v5;
	v4 =	vld [tilespmem:s6+$0x890]  }
0x7b: {  	v5 =	vld [tilespmem:s6+$0x990];
	[tilespmem:s6+$0x8850] =	vst v0  }
0x7c: {  	v0 =	vld [tilespmem:s6+$0x8A0];
	[tilespmem:s6+$0x8860] =	vst v1  }
0x7d: {  	v1 =	vld [tilespmem:s6+$0x8B0];
	[tilespmem:s6+$0x8870] =	vst v2  }
0x7e: {  	v2 =	vld [tilespmem:s6+$0x8C0];
	[tilespmem:s6+$0x8880] =	vst v3  }
0x7f: {  	v3 =	vld [tilespmem:s6+$0x8D0];
	[tilespmem:s6+$0x8890] =	vst v4  }
0x80: {  	v4 =	vld [tilespmem:s6+$0x8E0];
	[tilespmem:s6+$0x8990] =	vst v5  }
0x81: {  	[tilespmem:s6+$0x88A0] =	vst v0;
	v0 =	vld [tilespmem:s6+$0x8F0]  }
0x82: {  	[tilespmem:s6+$0x88B0] =	vst v1;
	v1 =	vld [tilespmem:s6+$0x900]  }
0x83: {  	[tilespmem:s6+$0x88C0] =	vst v2;
	v2 =	vld [tilespmem:s6+$0x910]  }
0x84: {  	[tilespmem:s6+$0x88D0] =	vst v3;
	v3 =	vld [tilespmem:s6+$0x920]  }
0x85: {  	[tilespmem:s6+$0x88E0] =	vst v4;
	v4 =	vld [tilespmem:s6+$0x930]  }
0x86: {  	[tilespmem:s6+$0x88F0] =	vst v0;
	v0 =	vld [tilespmem:s6+$0x940]  }
0x87: {  	[tilespmem:s6+$0x8900] =	vst v1;
	v1 =	vld [tilespmem:s6+$0x950]  }
0x88: {  	[tilespmem:s6+$0x8910] =	vst v2;
	v2 =	vld [tilespmem:s6+$0x960]  }
0x89: {  	[tilespmem:s6+$0x8920] =	vst v3;
	v3 =	vld [tilespmem:s6+$0x970]  }
0x8a: {  	[tilespmem:s6+$0x8930] =	vst v4;
	v4 =	vld [tilespmem:s6+$0x980]  }
0x8b: {  	[tilespmem:s6+$0x8940] =	vst v0;
	v0 =	vld [tilespmem:s6+$0x9A0]  }
0x8c: {  	[tilespmem:s6+$0x8950] =	vst v1;
	v1 =	vld [tilespmem:s6+$0x9B0]  }
0x8d: {  	[tilespmem:s6+$0x8960] =	vst v2;
	v2 =	vld [tilespmem:s6+$0x9C0]  }
0x8e: {  	[tilespmem:s6+$0x8970] =	vst v3;
	v3 =	vld [tilespmem:s6+$0x9D0]  }
0x8f: {  	s31 =	simm.s32 $0x200;
	s7 =	simm.s32 $0x1000;
	[tilespmem:s6+$0x8980] =	vst v4;
	v4 =	vld [tilespmem:s6+$0x9E0]  }
.LBB2_2:
0x90: {  	p0 =	sne.s32 s7, $0xF800;
	v5 =	vld [tilespmem:s31+$0x9F0];
	[tilespmem:s6+$0x89A0] =	vst v0  }
0x91: {  	v0 =	vld [tilespmem:s31+$0x800];
	[tilespmem:s6+$0x89B0] =	vst v1  }
0x92: {  	v1 =	vld [tilespmem:s31+$0x810];
	[tilespmem:s6+$0x89C0] =	vst v2  }
0x93: {  	v2 =	vld [tilespmem:s31+$0x820];
	[tilespmem:s6+$0x89D0] =	vst v3  }
0x94: {  	v3 =	vld [tilespmem:s31+$0x830];
	[tilespmem:s6+$0x89E0] =	vst v4;
	s6 =	smov.u32 s31  }
0x95: {  	v4 =	vld [tilespmem:s6+$0x840];
	[tilespmem:s6+$0x89F0] =	vst v5  }
0x96: {  	[tilespmem:s6+$0x8800] =	vst v0;
	v0 =	vld [tilespmem:s6+$0x850]  }
0x97: {  	[tilespmem:s6+$0x8810] =	vst v1;
	v1 =	vld [tilespmem:s6+$0x860]  }
0x98: {  	[tilespmem:s6+$0x8820] =	vst v2;
	v2 =	vld [tilespmem:s6+$0x870]  }
0x99: {  	[tilespmem:s6+$0x8830] =	vst v3;
	v3 =	vld [tilespmem:s6+$0x880]  }
0x9a: {  	[tilespmem:s6+$0x8840] =	vst v4;
	v4 =	vld [tilespmem:s6+$0x890]  }
0x9b: {  	[tilespmem:s6+$0x8850] =	vst v0;
	v0 =	vld [tilespmem:s6+$0x8A0]  }
0x9c: {  	[tilespmem:s6+$0x8860] =	vst v1;
	v1 =	vld [tilespmem:s6+$0x8B0]  }
0x9d: {  	[tilespmem:s6+$0x8870] =	vst v2;
	v2 =	vld [tilespmem:s6+$0x8C0]  }
0x9e: {  	[tilespmem:s6+$0x8880] =	vst v3;
	v3 =	vld [tilespmem:s6+$0x8D0]  }
0x9f: {  	[tilespmem:s6+$0x8890] =	vst v4;
	v4 =	vld [tilespmem:s6+$0x8E0]  }
0xa0: {  	[tilespmem:s6+$0x88A0] =	vst v0;
	v0 =	vld [tilespmem:s6+$0x8F0]  }
0xa1: {  	[tilespmem:s6+$0x88B0] =	vst v1;
	v1 =	vld [tilespmem:s6+$0x900]  }
0xa2: {  	[tilespmem:s6+$0x88C0] =	vst v2;
	v2 =	vld [tilespmem:s6+$0x910]  }
0xa3: {  	[tilespmem:s6+$0x88D0] =	vst v3;
	v3 =	vld [tilespmem:s6+$0x920]  }
0xa4: {  	[tilespmem:s6+$0x88E0] =	vst v4;
	v4 =	vld [tilespmem:s6+$0x930]  }
0xa5: {  	[tilespmem:s6+$0x88F0] =	vst v0;
	v0 =	vld [tilespmem:s6+$0x940]  }
0xa6: {  	[tilespmem:s6+$0x8900] =	vst v1;
	v1 =	vld [tilespmem:s6+$0x950]  }
0xa7: {  	[tilespmem:s6+$0x8910] =	vst v2;
	v2 =	vld [tilespmem:s6+$0x960]  }
0xa8: {  	[tilespmem:s6+$0x8920] =	vst v3;
	v3 =	vld [tilespmem:s6+$0x970]  }
0xa9: {  	[tilespmem:s6+$0x8930] =	vst v4;
	v4 =	vld [tilespmem:s6+$0x980]  }
0xaa: {  	[tilespmem:s6+$0x8940] =	vst v0;
	v5 =	vld [tilespmem:s6+$0x990]  }
.Ltmp0:
0xab: {  	[tilespmem:s6+$0x8950] =	vst v1;
	v0 =	vld [tilespmem:s6+$0x9A0];
	(pc) =	sbr.rel @p0 .LBB2_2-.Ltmp0, $4  }
0xac: {  	[tilespmem:s6+$0x8960] =	vst v2;
	v1 =	vld [tilespmem:s6+$0x9B0]  }
0xad: {  	[tilespmem:s6+$0x8970] =	vst v3;
	v2 =	vld [tilespmem:s6+$0x9C0]  }
0xae: {  	[tilespmem:s6+$0x8980] =	vst v4;
	v3 =	vld [tilespmem:s6+$0x9D0]  }
0xaf: {  	s31 =	sshra.s32 s7, $0x2;
	s7 =	sadd.s32 $0x800, s7;
	[tilespmem:s6+$0x8990] =	vst v5;
	v4 =	vld [tilespmem:s6+$0x9E0]  }
0xb0: {  	v5 =	vld [tilespmem:s31+$0x9F0];
	[tilespmem:s6+$0x89A0] =	vst v0  }
0xb1: {  	v0 =	vld [tilespmem:s31+$0x800];
	[tilespmem:s6+$0x89B0] =	vst v1  }
0xb2: {  	v1 =	vld [tilespmem:s31+$0x810];
	[tilespmem:s6+$0x89C0] =	vst v2  }
0xb3: {  	v2 =	vld [tilespmem:s31+$0x820];
	[tilespmem:s6+$0x89D0] =	vst v3  }
0xb4: {  	v3 =	vld [tilespmem:s31+$0x830];
	[tilespmem:s6+$0x89E0] =	vst v4  }
0xb5: {  	v4 =	vld [tilespmem:s31+$0x840];
	[tilespmem:s31+$0x89F0] =	vst v5  }
0xb6: {  	[tilespmem:s31+$0x8800] =	vst v0;
	v0 =	vld [tilespmem:s31+$0x850]  }
0xb7: {  	[tilespmem:s31+$0x8810] =	vst v1;
	v1 =	vld [tilespmem:s31+$0x860]  }
0xb8: {  	[tilespmem:s31+$0x8820] =	vst v2;
	v2 =	vld [tilespmem:s31+$0x870]  }
0xb9: {  	[tilespmem:s31+$0x8830] =	vst v3;
	v3 =	vld [tilespmem:s31+$0x880]  }
0xba: {  	[tilespmem:s31+$0x8840] =	vst v4;
	v4 =	vld [tilespmem:s31+$0x890]  }
0xbb: {  	[tilespmem:s31+$0x8850] =	vst v0;
	v0 =	vld [tilespmem:s31+$0x8A0]  }
0xbc: {  	[tilespmem:s31+$0x8860] =	vst v1;
	v1 =	vld [tilespmem:s31+$0x8B0]  }
0xbd: {  	[tilespmem:s31+$0x8870] =	vst v2;
	v2 =	vld [tilespmem:s31+$0x8C0]  }
0xbe: {  	[tilespmem:s31+$0x8880] =	vst v3;
	v3 =	vld [tilespmem:s31+$0x8D0]  }
0xbf: {  	[tilespmem:s31+$0x8890] =	vst v4;
	v4 =	vld [tilespmem:s31+$0x8E0]  }
0xc0: {  	[tilespmem:s31+$0x88A0] =	vst v0;
	v0 =	vld [tilespmem:s31+$0x8F0]  }
0xc1: {  	[tilespmem:s31+$0x88B0] =	vst v1;
	v1 =	vld [tilespmem:s31+$0x900]  }
0xc2: {  	[tilespmem:s31+$0x88C0] =	vst v2;
	v2 =	vld [tilespmem:s31+$0x910]  }
0xc3: {  	[tilespmem:s31+$0x88D0] =	vst v3;
	v3 =	vld [tilespmem:s31+$0x920]  }
0xc4: {  	[tilespmem:s31+$0x88E0] =	vst v4;
	v4 =	vld [tilespmem:s31+$0x930]  }
0xc5: {  	[tilespmem:s31+$0x88F0] =	vst v0;
	v0 =	vld [tilespmem:s31+$0x940]  }
0xc6: {  	[tilespmem:s31+$0x8900] =	vst v1;
	v1 =	vld [tilespmem:s31+$0x950]  }
0xc7: {  	[tilespmem:s31+$0x8910] =	vst v2;
	v2 =	vld [tilespmem:s31+$0x960]  }
0xc8: {  	[tilespmem:s31+$0x8920] =	vst v3;
	v3 =	vld [tilespmem:s31+$0x970]  }
0xc9: {  	[tilespmem:s31+$0x8930] =	vst v4;
	v4 =	vld [tilespmem:s31+$0x980]  }
0xca: {  	[tilespmem:s31+$0x8940] =	vst v0;
	v0 =	vld [tilespmem:s31+$0x990]  }
0xcb: {  	[tilespmem:s31+$0x8950] =	vst v1;
	v1 =	vld [tilespmem:s31+$0x9A0]  }
0xcc: {  	[tilespmem:s31+$0x8960] =	vst v2;
	v2 =	vld [tilespmem:s31+$0x9B0]  }
0xcd: {  	[tilespmem:s31+$0x8970] =	vst v3;
	v3 =	vld [tilespmem:s31+$0x9C0]  }
0xce: {  	[tilespmem:s31+$0x8980] =	vst v4;
	v4 =	vld [tilespmem:s31+$0x9D0]  }
0xcf: {  	[tilespmem:s31+$0x8990] =	vst v0;
	v0 =	vld [tilespmem:s31+$0x9E0]  }
0xd0: {  	[tilespmem:s31+$0x89A0] =	vst v1  }
0xd1: {  	[tilespmem:s31+$0x89B0] =	vst v2  }
0xd2: {  	[tilespmem:s31+$0x89C0] =	vst v3  }
0xd3: {  	[tilespmem:s31+$0x89D0] =	vst v4  }
0xd4: {  	[tilespmem:s31+$0x89E0] =	vst v0  }
0xd5: {  	[tilespmem:s15], [sflag:$0x3] =	stream.indirect.gather [hbm4b:s4+s13], $0x40, s25, s13, $0xb8;
	[tilespmem:$0x10800] =	vst v63  }
0xd6: {  	_ = 	snop  }
0xd7: {  	[tilespmem:s17], [sflag:$0x3] =	stream.indirect.gather [hbm4b:s4+s13], $0x40, s26, s13, $0xb8;
	[tilespmem:$0x10800] =	vst v63  }
0xd8: {  	_ =	swait.ge [sflag:s28], $0x4000  }
0xd9: {  	[sflag:s28] =	ssyncset.done $0x0  }
0xda: {  	s6 =	simm.s32 $0x0;
	[sflag:s28] =	ssyncadd.s32 $0xFFFFC000  }
0xdb: {  	v0 =	vld [tilespmem:s6+$0x49F0]  }
0xdc: {  	v1 =	vld [tilespmem:s6+$0x4800]  }
0xdd: {  	v2 =	vld [tilespmem:s6+$0x4810]  }
0xde: {  	v3 =	vld [tilespmem:s6+$0x4820]  }
0xdf: {  	v4 =	vld [tilespmem:s6+$0x4830]  }
0xe0: {  	v5 =	vld [tilespmem:s6+$0x4840];
	[tilespmem:s6+$0xC9F0] =	vst v0  }
0xe1: {  	[tilespmem:s6+$0xC800] =	vst v1;
	v0 =	vld [tilespmem:s6+$0x4850]  }
0xe2: {  	[tilespmem:s6+$0xC810] =	vst v2;
	v1 =	vld [tilespmem:s6+$0x4860]  }
0xe3: {  	[tilespmem:s6+$0xC820] =	vst v3;
	v2 =	vld [tilespmem:s6+$0x4870]  }
0xe4: {  	[tilespmem:s6+$0xC830] =	vst v4;
	v3 =	vld [tilespmem:s6+$0x4880]  }
0xe5: {  	[tilespmem:s6+$0xC840] =	vst v5;
	v4 =	vld [tilespmem:s6+$0x4890]  }
0xe6: {  	v5 =	vld [tilespmem:s6+$0x4990];
	[tilespmem:s6+$0xC850] =	vst v0  }
0xe7: {  	v0 =	vld [tilespmem:s6+$0x48A0];
	[tilespmem:s6+$0xC860] =	vst v1  }
0xe8: {  	v1 =	vld [tilespmem:s6+$0x48B0];
	[tilespmem:s6+$0xC870] =	vst v2  }
0xe9: {  	v2 =	vld [tilespmem:s6+$0x48C0];
	[tilespmem:s6+$0xC880] =	vst v3  }
0xea: {  	v3 =	vld [tilespmem:s6+$0x48D0];
	[tilespmem:s6+$0xC890] =	vst v4  }
0xeb: {  	v4 =	vld [tilespmem:s6+$0x48E0];
	[tilespmem:s6+$0xC990] =	vst v5  }
0xec: {  	[tilespmem:s6+$0xC8A0] =	vst v0;
	v0 =	vld [tilespmem:s6+$0x48F0]  }
0xed: {  	[tilespmem:s6+$0xC8B0] =	vst v1;
	v1 =	vld [tilespmem:s6+$0x4900]  }
0xee: {  	[tilespmem:s6+$0xC8C0] =	vst v2;
	v2 =	vld [tilespmem:s6+$0x4910]  }
0xef: {  	[tilespmem:s6+$0xC8D0] =	vst v3;
	v3 =	vld [tilespmem:s6+$0x4920]  }
0xf0: {  	[tilespmem:s6+$0xC8E0] =	vst v4;
	v4 =	vld [tilespmem:s6+$0x4930]  }
0xf1: {  	[tilespmem:s6+$0xC8F0] =	vst v0;
	v0 =	vld [tilespmem:s6+$0x4940]  }
0xf2: {  	[tilespmem:s6+$0xC900] =	vst v1;
	v1 =	vld [tilespmem:s6+$0x4950]  }
0xf3: {  	[tilespmem:s6+$0xC910] =	vst v2;
	v2 =	vld [tilespmem:s6+$0x4960]  }
0xf4: {  	[tilespmem:s6+$0xC920] =	vst v3;
	v3 =	vld [tilespmem:s6+$0x4970]  }
0xf5: {  	[tilespmem:s6+$0xC930] =	vst v4;
	v4 =	vld [tilespmem:s6+$0x4980]  }
0xf6: {  	[tilespmem:s6+$0xC940] =	vst v0;
	v0 =	vld [tilespmem:s6+$0x49A0]  }
0xf7: {  	[tilespmem:s6+$0xC950] =	vst v1;
	v1 =	vld [tilespmem:s6+$0x49B0]  }
0xf8: {  	[tilespmem:s6+$0xC960] =	vst v2;
	v2 =	vld [tilespmem:s6+$0x49C0]  }
0xf9: {  	[tilespmem:s6+$0xC970] =	vst v3;
	v3 =	vld [tilespmem:s6+$0x49D0]  }
0xfa: {  	s7 =	simm.s32 $0x1000;
	s31 =	simm.s32 $0x200;
	[tilespmem:s6+$0xC980] =	vst v4;
	v4 =	vld [tilespmem:s6+$0x49E0]  }
.LBB2_4:
0xfb: {  	p0 =	sne.s32 s7, $0xF800;
	v5 =	vld [tilespmem:s31+$0x49F0];
	[tilespmem:s6+$0xC9A0] =	vst v0  }
0xfc: {  	v0 =	vld [tilespmem:s31+$0x4800];
	[tilespmem:s6+$0xC9B0] =	vst v1  }
0xfd: {  	v1 =	vld [tilespmem:s31+$0x4810];
	[tilespmem:s6+$0xC9C0] =	vst v2  }
0xfe: {  	v2 =	vld [tilespmem:s31+$0x4820];
	[tilespmem:s6+$0xC9D0] =	vst v3  }
0xff: {  	v3 =	vld [tilespmem:s31+$0x4830];
	[tilespmem:s6+$0xC9E0] =	vst v4;
	s6 =	smov.u32 s31  }
0x100: {  	v4 =	vld [tilespmem:s6+$0x4840];
	[tilespmem:s6+$0xC9F0] =	vst v5  }
0x101: {  	[tilespmem:s6+$0xC800] =	vst v0;
	v0 =	vld [tilespmem:s6+$0x4850]  }
0x102: {  	[tilespmem:s6+$0xC810] =	vst v1;
	v1 =	vld [tilespmem:s6+$0x4860]  }
0x103: {  	[tilespmem:s6+$0xC820] =	vst v2;
	v2 =	vld [tilespmem:s6+$0x4870]  }
0x104: {  	[tilespmem:s6+$0xC830] =	vst v3;
	v3 =	vld [tilespmem:s6+$0x4880]  }
0x105: {  	[tilespmem:s6+$0xC840] =	vst v4;
	v4 =	vld [tilespmem:s6+$0x4890]  }
0x106: {  	[tilespmem:s6+$0xC850] =	vst v0;
	v0 =	vld [tilespmem:s6+$0x48A0]  }
0x107: {  	[tilespmem:s6+$0xC860] =	vst v1;
	v1 =	vld [tilespmem:s6+$0x48B0]  }
0x108: {  	[tilespmem:s6+$0xC870] =	vst v2;
	v2 =	vld [tilespmem:s6+$0x48C0]  }
0x109: {  	[tilespmem:s6+$0xC880] =	vst v3;
	v3 =	vld [tilespmem:s6+$0x48D0]  }
0x10a: {  	[tilespmem:s6+$0xC890] =	vst v4;
	v4 =	vld [tilespmem:s6+$0x48E0]  }
0x10b: {  	[tilespmem:s6+$0xC8A0] =	vst v0;
	v0 =	vld [tilespmem:s6+$0x48F0]  }
0x10c: {  	[tilespmem:s6+$0xC8B0] =	vst v1;
	v1 =	vld [tilespmem:s6+$0x4900]  }
0x10d: {  	[tilespmem:s6+$0xC8C0] =	vst v2;
	v2 =	vld [tilespmem:s6+$0x4910]  }
0x10e: {  	[tilespmem:s6+$0xC8D0] =	vst v3;
	v3 =	vld [tilespmem:s6+$0x4920]  }
0x10f: {  	[tilespmem:s6+$0xC8E0] =	vst v4;
	v4 =	vld [tilespmem:s6+$0x4930]  }
0x110: {  	[tilespmem:s6+$0xC8F0] =	vst v0;
	v0 =	vld [tilespmem:s6+$0x4940]  }
0x111: {  	[tilespmem:s6+$0xC900] =	vst v1;
	v1 =	vld [tilespmem:s6+$0x4950]  }
0x112: {  	[tilespmem:s6+$0xC910] =	vst v2;
	v2 =	vld [tilespmem:s6+$0x4960]  }
0x113: {  	[tilespmem:s6+$0xC920] =	vst v3;
	v3 =	vld [tilespmem:s6+$0x4970]  }
0x114: {  	[tilespmem:s6+$0xC930] =	vst v4;
	v4 =	vld [tilespmem:s6+$0x4980]  }
0x115: {  	[tilespmem:s6+$0xC940] =	vst v0;
	v5 =	vld [tilespmem:s6+$0x4990]  }
.Ltmp1:
0x116: {  	[tilespmem:s6+$0xC950] =	vst v1;
	v0 =	vld [tilespmem:s6+$0x49A0];
	(pc) =	sbr.rel @p0 .LBB2_4-.Ltmp1, $4  }
0x117: {  	[tilespmem:s6+$0xC960] =	vst v2;
	v1 =	vld [tilespmem:s6+$0x49B0]  }
0x118: {  	[tilespmem:s6+$0xC970] =	vst v3;
	v2 =	vld [tilespmem:s6+$0x49C0]  }
0x119: {  	[tilespmem:s6+$0xC980] =	vst v4;
	v3 =	vld [tilespmem:s6+$0x49D0]  }
0x11a: {  	s31 =	sshra.s32 s7, $0x2;
	s7 =	sadd.s32 $0x800, s7;
	[tilespmem:s6+$0xC990] =	vst v5;
	v4 =	vld [tilespmem:s6+$0x49E0]  }
0x11b: {  	v5 =	vld [tilespmem:s31+$0x49F0];
	[tilespmem:s6+$0xC9A0] =	vst v0  }
0x11c: {  	v0 =	vld [tilespmem:s31+$0x4800];
	[tilespmem:s6+$0xC9B0] =	vst v1  }
0x11d: {  	v1 =	vld [tilespmem:s31+$0x4810];
	[tilespmem:s6+$0xC9C0] =	vst v2  }
0x11e: {  	v2 =	vld [tilespmem:s31+$0x4820];
	[tilespmem:s6+$0xC9D0] =	vst v3  }
0x11f: {  	v3 =	vld [tilespmem:s31+$0x4830];
	[tilespmem:s6+$0xC9E0] =	vst v4  }
0x120: {  	v4 =	vld [tilespmem:s31+$0x4840];
	[tilespmem:s31+$0xC9F0] =	vst v5  }
0x121: {  	v38 =	vld [tilespmem:s31+$0x4850];
	[tilespmem:s31+$0xC800] =	vst v0  }
0x122: {  	v39 =	vld [tilespmem:s31+$0x4860];
	[tilespmem:s31+$0xC810] =	vst v1  }
0x123: {  	v40 =	vld [tilespmem:s31+$0x4870];
	[tilespmem:s31+$0xC820] =	vst v2  }
0x124: {  	v41 =	vld [tilespmem:s31+$0x4880];
	[tilespmem:s31+$0xC830] =	vst v3  }
0x125: {  	v42 =	vld [tilespmem:s31+$0x4890];
	[tilespmem:s31+$0xC840] =	vst v4  }
0x126: {  	v43 =	vld [tilespmem:s31+$0x48A0];
	[tilespmem:s31+$0xC850] =	vst v38  }
0x127: {  	v44 =	vld [tilespmem:s31+$0x48B0];
	[tilespmem:s31+$0xC860] =	vst v39  }
0x128: {  	v45 =	vld [tilespmem:s31+$0x48C0];
	[tilespmem:s31+$0xC870] =	vst v40  }
0x129: {  	v46 =	vld [tilespmem:s31+$0x48D0];
	[tilespmem:s31+$0xC880] =	vst v41  }
0x12a: {  	v47 =	vld [tilespmem:s31+$0x48E0];
	[tilespmem:s31+$0xC890] =	vst v42  }
0x12b: {  	v48 =	vld [tilespmem:s31+$0x48F0];
	[tilespmem:s31+$0xC8A0] =	vst v43  }
0x12c: {  	v49 =	vld [tilespmem:s31+$0x4900];
	[tilespmem:s31+$0xC8B0] =	vst v44  }
0x12d: {  	v50 =	vld [tilespmem:s31+$0x4910];
	[tilespmem:s31+$0xC8C0] =	vst v45  }
0x12e: {  	v51 =	vld [tilespmem:s31+$0x4920];
	[tilespmem:s31+$0xC8D0] =	vst v46  }
0x12f: {  	v52 =	vld [tilespmem:s31+$0x4930];
	[tilespmem:s31+$0xC8E0] =	vst v47  }
0x130: {  	v53 =	vld [tilespmem:s31+$0x4940];
	[tilespmem:s31+$0xC8F0] =	vst v48  }
0x131: {  	v54 =	vld [tilespmem:s31+$0x4950];
	[tilespmem:s31+$0xC900] =	vst v49  }
0x132: {  	v55 =	vld [tilespmem:s31+$0x4960];
	[tilespmem:s31+$0xC910] =	vst v50  }
0x133: {  	v56 =	vld [tilespmem:s31+$0x4970];
	[tilespmem:s31+$0xC920] =	vst v51  }
0x134: {  	v57 =	vld [tilespmem:s31+$0x4980];
	[tilespmem:s31+$0xC930] =	vst v52  }
0x135: {  	v58 =	vld [tilespmem:s31+$0x4990];
	[tilespmem:s31+$0xC940] =	vst v53  }
0x136: {  	v59 =	vld [tilespmem:s31+$0x49A0];
	[tilespmem:s31+$0xC950] =	vst v54  }
0x137: {  	v60 =	vld [tilespmem:s31+$0x49B0];
	[tilespmem:s31+$0xC960] =	vst v55  }
0x138: {  	v61 =	vld [tilespmem:s31+$0x49C0];
	[tilespmem:s31+$0xC970] =	vst v56  }
0x139: {  	v62 =	vld [tilespmem:s31+$0x49D0];
	[tilespmem:s31+$0xC980] =	vst v57  }
0x13a: {  	v63 =	vld [tilespmem:s31+$0x49E0];
	[tilespmem:s31+$0xC990] =	vst v58  }
0x13b: {  	[tilespmem:s31+$0xC9A0] =	vst v59  }
0x13c: {  	[tilespmem:s31+$0xC9B0] =	vst v60  }
0x13d: {  	[tilespmem:s31+$0xC9C0] =	vst v61  }
0x13e: {  	[tilespmem:s31+$0xC9D0] =	vst v62  }
0x13f: {  	[tilespmem:s31+$0xC9E0] =	vst v63  }
0x140: {  	[tilespmem:s19], [sflag:$0x4] =	stream.indirect.gather [hbm4b:s4+s13], $0x40, s29, s13, $0xb8;
	[tilespmem:$0x10800] =	vst v63  }
0x141: {  	_ = 	snop  }
0x142: {  	[tilespmem:s21], [sflag:$0x4] =	stream.indirect.gather [hbm4b:s4+s13], $0x40, s30, s13, $0xb8;
	[tilespmem:$0x10800] =	vst v63  }
0x143: {  	s7 =	rddreg [dreg:$0x3];
	s31 =	simm.s32 $0x0  }
0x144: {  	[tilespmem:s31], [sflag:$0x1] =	stream.linear.gather [hbm4b:s7+s31], $0x200, $0x38;
	[tilespmem:$0x10800] =	vst v63  }
.LBB2_6:
0x145: {  	_ =	swait.ge [sflag:s12], $0x200  }
0x146: {  	[sflag:s12] =	ssyncset.done $0x0  }
0x147: {  	[sflag:s12] =	ssyncadd.s32 $0xFFFFFE00  }
0x148: {  	v0 =	vld [tilespmem:$0x0]  }
0x149: {  	v1 =	vld [tilespmem:$0x10]  }
0x14a: {  	v2 =	vld [tilespmem:$0x20]  }
0x14b: {  	v3 =	vld [tilespmem:$0x30]  }
0x14c: {  	v4 =	vld [tilespmem:$0x40]  }
0x14d: {  	v5 =	vld [tilespmem:$0x50];
	v0 =	vshll.u32 v0, $0x1  }
0x14e: {  	v8 =	vld [tilespmem:$0x60];
	v7 =	vshll.u32 v1, $0x1;
	[tilespmem:$0x400] =	vst v0  }
0x14f: {  	v10 =	vld [tilespmem:$0x70];
	v9 =	vshll.u32 v2, $0x1;
	[tilespmem:$0x410] =	vst v7  }
0x150: {  	v12 =	vld [tilespmem:$0x80];
	v11 =	vshll.u32 v3, $0x1;
	[tilespmem:$0x420] =	vst v9  }
0x151: {  	v14 =	vld [tilespmem:$0x90];
	v13 =	vshll.u32 v4, $0x1;
	[tilespmem:$0x430] =	vst v11  }
0x152: {  	v16 =	vld [tilespmem:$0xA0];
	v15 =	vshll.u32 v5, $0x1;
	[tilespmem:$0x440] =	vst v13  }
0x153: {  	v18 =	vld [tilespmem:$0xB0];
	v17 =	vshll.u32 v8, $0x1;
	[tilespmem:$0x450] =	vst v15  }
0x154: {  	v20 =	vld [tilespmem:$0xC0];
	v19 =	vshll.u32 v10, $0x1;
	[tilespmem:$0x460] =	vst v17  }
0x155: {  	v22 =	vld [tilespmem:$0xD0];
	v21 =	vshll.u32 v12, $0x1;
	[tilespmem:$0x470] =	vst v19  }
0x156: {  	v24 =	vld [tilespmem:$0xE0];
	v23 =	vshll.u32 v14, $0x1;
	[tilespmem:$0x480] =	vst v21  }
0x157: {  	v26 =	vld [tilespmem:$0xF0];
	v25 =	vshll.u32 v16, $0x1;
	[tilespmem:$0x490] =	vst v23  }
0x158: {  	v28 =	vld [tilespmem:$0x100];
	v27 =	vshll.u32 v18, $0x1;
	[tilespmem:$0x4A0] =	vst v25  }
0x159: {  	v30 =	vld [tilespmem:$0x110];
	v29 =	vshll.u32 v20, $0x1;
	[tilespmem:$0x4B0] =	vst v27  }
0x15a: {  	v32 =	vld [tilespmem:$0x120];
	v31 =	vshll.u32 v22, $0x1;
	[tilespmem:$0x4C0] =	vst v29  }
0x15b: {  	v34 =	vld [tilespmem:$0x130];
	v33 =	vshll.u32 v24, $0x1;
	[tilespmem:$0x4D0] =	vst v31  }
0x15c: {  	v36 =	vld [tilespmem:$0x140];
	v35 =	vshll.u32 v26, $0x1;
	[tilespmem:$0x4E0] =	vst v33  }
0x15d: {  	v38 =	vld [tilespmem:$0x150];
	v37 =	vshll.u32 v28, $0x1;
	[tilespmem:$0x4F0] =	vst v35  }
0x15e: {  	v40 =	vld [tilespmem:$0x160];
	v39 =	vshll.u32 v30, $0x1;
	[tilespmem:$0x500] =	vst v37  }
0x15f: {  	v42 =	vld [tilespmem:$0x170];
	v41 =	vshll.u32 v32, $0x1;
	[tilespmem:$0x510] =	vst v39  }
0x160: {  	v44 =	vld [tilespmem:$0x180];
	v43 =	vshll.u32 v34, $0x1;
	[tilespmem:$0x520] =	vst v41  }
0x161: {  	v46 =	vld [tilespmem:$0x190];
	v45 =	vshll.u32 v36, $0x1;
	[tilespmem:$0x530] =	vst v43  }
0x162: {  	v48 =	vld [tilespmem:$0x1A0];
	v47 =	vshll.u32 v38, $0x1;
	[tilespmem:$0x540] =	vst v45  }
0x163: {  	v50 =	vld [tilespmem:$0x1B0];
	v49 =	vshll.u32 v40, $0x1;
	[tilespmem:$0x550] =	vst v47  }
0x164: {  	v52 =	vld [tilespmem:$0x1C0];
	v51 =	vshll.u32 v42, $0x1;
	[tilespmem:$0x560] =	vst v49  }
0x165: {  	v54 =	vld [tilespmem:$0x1D0];
	v53 =	vshll.u32 v44, $0x1;
	[tilespmem:$0x570] =	vst v51  }
0x166: {  	v56 =	vld [tilespmem:$0x1E0];
	v55 =	vshll.u32 v46, $0x1;
	[tilespmem:$0x580] =	vst v53  }
0x167: {  	v58 =	vld [tilespmem:$0x1F0];
	v57 =	vshll.u32 v48, $0x1;
	[tilespmem:$0x590] =	vst v55  }
0x168: {  	v59 =	vshll.u32 v50, $0x1;
	[tilespmem:$0x5A0] =	vst v57  }
0x169: {  	v60 =	vshll.u32 v52, $0x1;
	[tilespmem:$0x5B0] =	vst v59  }
0x16a: {  	v61 =	vshll.u32 v54, $0x1;
	[tilespmem:$0x5C0] =	vst v60  }
0x16b: {  	v62 =	vshll.u32 v56, $0x1;
	[tilespmem:$0x5D0] =	vst v61  }
0x16c: {  	v63 =	vshll.u32 v58, $0x1;
	[tilespmem:$0x5E0] =	vst v62  }
0x16d: {  	[tilespmem:$0x5F0] =	vst v63  }
0x16e: {  	_ =	swait.ge [sflag:s24], $0x4000  }
0x16f: {  	[sflag:s24] =	ssyncset.done $0x0  }
0x170: {  	s6 =	simm.s32 $0x0;
	s7 =	simm.s32 $0x800;
	[sflag:s24] =	ssyncadd.s32 $0xFFFFC000  }
.LBB2_7:
0x171: {  	p0 =	sne.s32 s7, $0xF800;
	v0 =	vld [tilespmem:s6+$0x9F0]  }
0x172: {  	v1 =	vld [tilespmem:s6+$0x800]  }
0x173: {  	v2 =	vld [tilespmem:s6+$0x810]  }
0x174: {  	v3 =	vld [tilespmem:s6+$0x820]  }
0x175: {  	v4 =	vld [tilespmem:s6+$0x830]  }
0x176: {  	[tilespmem:s6+$0x89F0] =	vst.add.f32.msk $0xffff, v0  }
0x177: {  	v0 =	vld [tilespmem:s6+$0x840]  }
0x178: {  	v5 =	vld [tilespmem:s6+$0x850]  }
0x179: {  	v6 =	vld [tilespmem:s6+$0x860]  }
0x17a: {  	v7 =	vld [tilespmem:s6+$0x870]  }
0x17b: {  	v8 =	vld [tilespmem:s6+$0x880]  }
0x17c: {  	v9 =	vld [tilespmem:s6+$0x890]  }
0x17d: {  	v10 =	vld [tilespmem:s6+$0x8A0]  }
0x17e: {  	v11 =	vld [tilespmem:s6+$0x8B0]  }
0x17f: {  	v12 =	vld [tilespmem:s6+$0x8C0]  }
0x180: {  	v13 =	vld [tilespmem:s6+$0x8D0]  }
0x181: {  	v14 =	vld [tilespmem:s6+$0x8E0]  }
0x182: {  	v15 =	vld [tilespmem:s6+$0x8F0]  }
0x183: {  	v16 =	vld [tilespmem:s6+$0x900]  }
0x184: {  	v17 =	vld [tilespmem:s6+$0x910]  }
0x185: {  	v18 =	vld [tilespmem:s6+$0x920]  }
0x186: {  	v19 =	vld [tilespmem:s6+$0x930]  }
0x187: {  	v20 =	vld [tilespmem:s6+$0x940]  }
0x188: {  	v21 =	vld [tilespmem:s6+$0x950]  }
0x189: {  	v22 =	vld [tilespmem:s6+$0x960]  }
0x18a: {  	v23 =	vld [tilespmem:s6+$0x970]  }
0x18b: {  	v24 =	vld [tilespmem:s6+$0x980]  }
0x18c: {  	v25 =	vld [tilespmem:s6+$0x990]  }
0x18d: {  	v26 =	vld [tilespmem:s6+$0x9A0]  }
0x18e: {  	v27 =	vld [tilespmem:s6+$0x9B0]  }
0x18f: {  	v28 =	vld [tilespmem:s6+$0x9C0]  }
0x190: {  	v29 =	vld [tilespmem:s6+$0x9D0]  }
0x191: {  	v30 =	vld [tilespmem:s6+$0x9E0]  }
0x192: {  	[tilespmem:s6+$0x8800] =	vst.add.f32.msk $0xffff, v1  }
0x193: {  	[tilespmem:s6+$0x8810] =	vst.add.f32.msk $0xffff, v2  }
0x194: {  	[tilespmem:s6+$0x8820] =	vst.add.f32.msk $0xffff, v3  }
0x195: {  	[tilespmem:s6+$0x8830] =	vst.add.f32.msk $0xffff, v4  }
0x196: {  	[tilespmem:s6+$0x8840] =	vst.add.f32.msk $0xffff, v0  }
0x197: {  	[tilespmem:s6+$0x8850] =	vst.add.f32.msk $0xffff, v5  }
0x198: {  	[tilespmem:s6+$0x8860] =	vst.add.f32.msk $0xffff, v6  }
0x199: {  	[tilespmem:s6+$0x8870] =	vst.add.f32.msk $0xffff, v7  }
0x19a: {  	[tilespmem:s6+$0x8880] =	vst.add.f32.msk $0xffff, v8  }
0x19b: {  	[tilespmem:s6+$0x8890] =	vst.add.f32.msk $0xffff, v9  }
0x19c: {  	[tilespmem:s6+$0x88A0] =	vst.add.f32.msk $0xffff, v10  }
0x19d: {  	[tilespmem:s6+$0x88B0] =	vst.add.f32.msk $0xffff, v11  }
0x19e: {  	[tilespmem:s6+$0x88C0] =	vst.add.f32.msk $0xffff, v12  }
0x19f: {  	[tilespmem:s6+$0x88D0] =	vst.add.f32.msk $0xffff, v13  }
0x1a0: {  	[tilespmem:s6+$0x88E0] =	vst.add.f32.msk $0xffff, v14  }
0x1a1: {  	[tilespmem:s6+$0x88F0] =	vst.add.f32.msk $0xffff, v15  }
0x1a2: {  	[tilespmem:s6+$0x8900] =	vst.add.f32.msk $0xffff, v16  }
0x1a3: {  	[tilespmem:s6+$0x8910] =	vst.add.f32.msk $0xffff, v17  }
0x1a4: {  	[tilespmem:s6+$0x8920] =	vst.add.f32.msk $0xffff, v18  }
0x1a5: {  	[tilespmem:s6+$0x8930] =	vst.add.f32.msk $0xffff, v19  }
0x1a6: {  	[tilespmem:s6+$0x8940] =	vst.add.f32.msk $0xffff, v20  }
0x1a7: {  	[tilespmem:s6+$0x8950] =	vst.add.f32.msk $0xffff, v21  }
0x1a8: {  	[tilespmem:s6+$0x8960] =	vst.add.f32.msk $0xffff, v22  }
0x1a9: {  	[tilespmem:s6+$0x8970] =	vst.add.f32.msk $0xffff, v23  }
0x1aa: {  	[tilespmem:s6+$0x8980] =	vst.add.f32.msk $0xffff, v24  }
0x1ab: {  	[tilespmem:s6+$0x8990] =	vst.add.f32.msk $0xffff, v25  }
.Ltmp2:
0x1ac: {  	[tilespmem:s6+$0x89A0] =	vst.add.f32.msk $0xffff, v26;
	(pc) =	sbr.rel @p0 .LBB2_7-.Ltmp2, $4  }
0x1ad: {  	[tilespmem:s6+$0x89B0] =	vst.add.f32.msk $0xffff, v27  }
0x1ae: {  	[tilespmem:s6+$0x89C0] =	vst.add.f32.msk $0xffff, v28  }
0x1af: {  	[tilespmem:s6+$0x89D0] =	vst.add.f32.msk $0xffff, v29  }
0x1b0: {  	[tilespmem:s6+$0x89E0] =	vst.add.f32.msk $0xffff, v30;
	s6 =	sshra.s32 s7, $0x2;
	s7 =	sadd.s32 $0x800, s7  }
0x1b1: {  	v0 =	vld [tilespmem:s6+$0x9F0]  }
0x1b2: {  	v1 =	vld [tilespmem:s6+$0x800]  }
0x1b3: {  	v2 =	vld [tilespmem:s6+$0x810]  }
0x1b4: {  	v3 =	vld [tilespmem:s6+$0x820]  }
0x1b5: {  	v4 =	vld [tilespmem:s6+$0x830]  }
0x1b6: {  	v63 =	vld [tilespmem:s6+$0x840]  }
0x1b7: {  	v5 =	vld [tilespmem:s6+$0x850]  }
0x1b8: {  	v6 =	vld [tilespmem:s6+$0x860]  }
0x1b9: {  	v7 =	vld [tilespmem:s6+$0x870]  }
0x1ba: {  	v8 =	vld [tilespmem:s6+$0x880]  }
0x1bb: {  	v9 =	vld [tilespmem:s6+$0x890]  }
0x1bc: {  	v10 =	vld [tilespmem:s6+$0x8A0]  }
0x1bd: {  	v11 =	vld [tilespmem:s6+$0x8B0]  }
0x1be: {  	v12 =	vld [tilespmem:s6+$0x8C0]  }
0x1bf: {  	v13 =	vld [tilespmem:s6+$0x8D0]  }
0x1c0: {  	v14 =	vld [tilespmem:s6+$0x8E0]  }
0x1c1: {  	v15 =	vld [tilespmem:s6+$0x8F0]  }
0x1c2: {  	v16 =	vld [tilespmem:s6+$0x900]  }
0x1c3: {  	v17 =	vld [tilespmem:s6+$0x910]  }
0x1c4: {  	v18 =	vld [tilespmem:s6+$0x920]  }
0x1c5: {  	v19 =	vld [tilespmem:s6+$0x930]  }
0x1c6: {  	v20 =	vld [tilespmem:s6+$0x940]  }
0x1c7: {  	v21 =	vld [tilespmem:s6+$0x950]  }
0x1c8: {  	v22 =	vld [tilespmem:s6+$0x960]  }
0x1c9: {  	v23 =	vld [tilespmem:s6+$0x970]  }
0x1ca: {  	v24 =	vld [tilespmem:s6+$0x980]  }
0x1cb: {  	v25 =	vld [tilespmem:s6+$0x990]  }
0x1cc: {  	v26 =	vld [tilespmem:s6+$0x9A0]  }
0x1cd: {  	v27 =	vld [tilespmem:s6+$0x9B0]  }
0x1ce: {  	v28 =	vld [tilespmem:s6+$0x9C0]  }
0x1cf: {  	v29 =	vld [tilespmem:s6+$0x9D0]  }
0x1d0: {  	v30 =	vld [tilespmem:s6+$0x9E0]  }
0x1d1: {  	[tilespmem:s6+$0x89F0] =	vst.add.f32.msk $0xffff, v0  }
0x1d2: {  	[tilespmem:s6+$0x8800] =	vst.add.f32.msk $0xffff, v1  }
0x1d3: {  	[tilespmem:s6+$0x8810] =	vst.add.f32.msk $0xffff, v2  }
0x1d4: {  	[tilespmem:s6+$0x8820] =	vst.add.f32.msk $0xffff, v3  }
0x1d5: {  	[tilespmem:s6+$0x8830] =	vst.add.f32.msk $0xffff, v4  }
0x1d6: {  	[tilespmem:s6+$0x8840] =	vst.add.f32.msk $0xffff, v63  }
0x1d7: {  	[tilespmem:s6+$0x8850] =	vst.add.f32.msk $0xffff, v5  }
0x1d8: {  	[tilespmem:s6+$0x8860] =	vst.add.f32.msk $0xffff, v6  }
0x1d9: {  	[tilespmem:s6+$0x8870] =	vst.add.f32.msk $0xffff, v7  }
0x1da: {  	[tilespmem:s6+$0x8880] =	vst.add.f32.msk $0xffff, v8  }
0x1db: {  	[tilespmem:s6+$0x8890] =	vst.add.f32.msk $0xffff, v9  }
0x1dc: {  	[tilespmem:s6+$0x88A0] =	vst.add.f32.msk $0xffff, v10  }
0x1dd: {  	[tilespmem:s6+$0x88B0] =	vst.add.f32.msk $0xffff, v11  }
0x1de: {  	[tilespmem:s6+$0x88C0] =	vst.add.f32.msk $0xffff, v12  }
0x1df: {  	[tilespmem:s6+$0x88D0] =	vst.add.f32.msk $0xffff, v13  }
0x1e0: {  	[tilespmem:s6+$0x88E0] =	vst.add.f32.msk $0xffff, v14  }
0x1e1: {  	[tilespmem:s6+$0x88F0] =	vst.add.f32.msk $0xffff, v15  }
0x1e2: {  	[tilespmem:s6+$0x8900] =	vst.add.f32.msk $0xffff, v16  }
0x1e3: {  	[tilespmem:s6+$0x8910] =	vst.add.f32.msk $0xffff, v17  }
0x1e4: {  	[tilespmem:s6+$0x8920] =	vst.add.f32.msk $0xffff, v18  }
0x1e5: {  	[tilespmem:s6+$0x8930] =	vst.add.f32.msk $0xffff, v19  }
0x1e6: {  	[tilespmem:s6+$0x8940] =	vst.add.f32.msk $0xffff, v20  }
0x1e7: {  	[tilespmem:s6+$0x8950] =	vst.add.f32.msk $0xffff, v21  }
0x1e8: {  	[tilespmem:s6+$0x8960] =	vst.add.f32.msk $0xffff, v22  }
0x1e9: {  	[tilespmem:s6+$0x8970] =	vst.add.f32.msk $0xffff, v23  }
0x1ea: {  	[tilespmem:s6+$0x8980] =	vst.add.f32.msk $0xffff, v24  }
0x1eb: {  	[tilespmem:s6+$0x8990] =	vst.add.f32.msk $0xffff, v25  }
0x1ec: {  	[tilespmem:s6+$0x89A0] =	vst.add.f32.msk $0xffff, v26  }
0x1ed: {  	[tilespmem:s6+$0x89B0] =	vst.add.f32.msk $0xffff, v27  }
0x1ee: {  	[tilespmem:s6+$0x89C0] =	vst.add.f32.msk $0xffff, v28  }
0x1ef: {  	[tilespmem:s6+$0x89D0] =	vst.add.f32.msk $0xffff, v29  }
0x1f0: {  	[tilespmem:s6+$0x89E0] =	vst.add.f32.msk $0xffff, v30  }
0x1f1: {  	[tilespmem:s15], [sflag:$0x3] =	stream.indirect.gather [hbm4b:s4+s13], $0x40, s14, s13, $0xb8;
	[tilespmem:$0x10800] =	vst v63  }
0x1f2: {  	_ = 	snop  }
0x1f3: {  	[tilespmem:s17], [sflag:$0x3] =	stream.indirect.gather [hbm4b:s4+s13], $0x40, s16, s13, $0xb8;
	[tilespmem:$0x10800] =	vst v63  }
0x1f4: {  	_ =	swait.ge [sflag:s28], $0x4000  }
0x1f5: {  	[sflag:s28] =	ssyncset.done $0x0  }
0x1f6: {  	s7 =	simm.s32 $0x800;
	s6 =	simm.s32 $0x0;
	[sflag:s28] =	ssyncadd.s32 $0xFFFFC000  }
.LBB2_9:
0x1f7: {  	p0 =	sne.s32 s7, $0xF800;
	v0 =	vld [tilespmem:s6+$0x49F0]  }
0x1f8: {  	v1 =	vld [tilespmem:s6+$0x4800]  }
0x1f9: {  	v2 =	vld [tilespmem:s6+$0x4810]  }
0x1fa: {  	v3 =	vld [tilespmem:s6+$0x4820]  }
0x1fb: {  	v4 =	vld [tilespmem:s6+$0x4830]  }
0x1fc: {  	[tilespmem:s6+$0xC9F0] =	vst.add.f32.msk $0xffff, v0  }
0x1fd: {  	v0 =	vld [tilespmem:s6+$0x4840]  }
0x1fe: {  	v5 =	vld [tilespmem:s6+$0x4850]  }
0x1ff: {  	v6 =	vld [tilespmem:s6+$0x4860]  }
0x200: {  	v7 =	vld [tilespmem:s6+$0x4870]  }
0x201: {  	v8 =	vld [tilespmem:s6+$0x4880]  }
0x202: {  	v9 =	vld [tilespmem:s6+$0x4890]  }
0x203: {  	v10 =	vld [tilespmem:s6+$0x48A0]  }
0x204: {  	v11 =	vld [tilespmem:s6+$0x48B0]  }
0x205: {  	v12 =	vld [tilespmem:s6+$0x48C0]  }
0x206: {  	v13 =	vld [tilespmem:s6+$0x48D0]  }
0x207: {  	v14 =	vld [tilespmem:s6+$0x48E0]  }
0x208: {  	v15 =	vld [tilespmem:s6+$0x48F0]  }
0x209: {  	v16 =	vld [tilespmem:s6+$0x4900]  }
0x20a: {  	v17 =	vld [tilespmem:s6+$0x4910]  }
0x20b: {  	v18 =	vld [tilespmem:s6+$0x4920]  }
0x20c: {  	v19 =	vld [tilespmem:s6+$0x4930]  }
0x20d: {  	v20 =	vld [tilespmem:s6+$0x4940]  }
0x20e: {  	v21 =	vld [tilespmem:s6+$0x4950]  }
0x20f: {  	v22 =	vld [tilespmem:s6+$0x4960]  }
0x210: {  	v23 =	vld [tilespmem:s6+$0x4970]  }
0x211: {  	v24 =	vld [tilespmem:s6+$0x4980]  }
0x212: {  	v25 =	vld [tilespmem:s6+$0x4990]  }
0x213: {  	v26 =	vld [tilespmem:s6+$0x49A0]  }
0x214: {  	v27 =	vld [tilespmem:s6+$0x49B0]  }
0x215: {  	v28 =	vld [tilespmem:s6+$0x49C0]  }
0x216: {  	v29 =	vld [tilespmem:s6+$0x49D0]  }
0x217: {  	v30 =	vld [tilespmem:s6+$0x49E0]  }
0x218: {  	[tilespmem:s6+$0xC800] =	vst.add.f32.msk $0xffff, v1  }
0x219: {  	[tilespmem:s6+$0xC810] =	vst.add.f32.msk $0xffff, v2  }
0x21a: {  	[tilespmem:s6+$0xC820] =	vst.add.f32.msk $0xffff, v3  }
0x21b: {  	[tilespmem:s6+$0xC830] =	vst.add.f32.msk $0xffff, v4  }
0x21c: {  	[tilespmem:s6+$0xC840] =	vst.add.f32.msk $0xffff, v0  }
0x21d: {  	[tilespmem:s6+$0xC850] =	vst.add.f32.msk $0xffff, v5  }
0x21e: {  	[tilespmem:s6+$0xC860] =	vst.add.f32.msk $0xffff, v6  }
0x21f: {  	[tilespmem:s6+$0xC870] =	vst.add.f32.msk $0xffff, v7  }
0x220: {  	[tilespmem:s6+$0xC880] =	vst.add.f32.msk $0xffff, v8  }
0x221: {  	[tilespmem:s6+$0xC890] =	vst.add.f32.msk $0xffff, v9  }
0x222: {  	[tilespmem:s6+$0xC8A0] =	vst.add.f32.msk $0xffff, v10  }
0x223: {  	[tilespmem:s6+$0xC8B0] =	vst.add.f32.msk $0xffff, v11  }
0x224: {  	[tilespmem:s6+$0xC8C0] =	vst.add.f32.msk $0xffff, v12  }
0x225: {  	[tilespmem:s6+$0xC8D0] =	vst.add.f32.msk $0xffff, v13  }
0x226: {  	[tilespmem:s6+$0xC8E0] =	vst.add.f32.msk $0xffff, v14  }
0x227: {  	[tilespmem:s6+$0xC8F0] =	vst.add.f32.msk $0xffff, v15  }
0x228: {  	[tilespmem:s6+$0xC900] =	vst.add.f32.msk $0xffff, v16  }
0x229: {  	[tilespmem:s6+$0xC910] =	vst.add.f32.msk $0xffff, v17  }
0x22a: {  	[tilespmem:s6+$0xC920] =	vst.add.f32.msk $0xffff, v18  }
0x22b: {  	[tilespmem:s6+$0xC930] =	vst.add.f32.msk $0xffff, v19  }
0x22c: {  	[tilespmem:s6+$0xC940] =	vst.add.f32.msk $0xffff, v20  }
0x22d: {  	[tilespmem:s6+$0xC950] =	vst.add.f32.msk $0xffff, v21  }
0x22e: {  	[tilespmem:s6+$0xC960] =	vst.add.f32.msk $0xffff, v22  }
0x22f: {  	[tilespmem:s6+$0xC970] =	vst.add.f32.msk $0xffff, v23  }
0x230: {  	[tilespmem:s6+$0xC980] =	vst.add.f32.msk $0xffff, v24  }
0x231: {  	[tilespmem:s6+$0xC990] =	vst.add.f32.msk $0xffff, v25  }
.Ltmp3:
0x232: {  	[tilespmem:s6+$0xC9A0] =	vst.add.f32.msk $0xffff, v26;
	(pc) =	sbr.rel @p0 .LBB2_9-.Ltmp3, $4  }
0x233: {  	[tilespmem:s6+$0xC9B0] =	vst.add.f32.msk $0xffff, v27  }
0x234: {  	[tilespmem:s6+$0xC9C0] =	vst.add.f32.msk $0xffff, v28  }
0x235: {  	[tilespmem:s6+$0xC9D0] =	vst.add.f32.msk $0xffff, v29  }
0x236: {  	[tilespmem:s6+$0xC9E0] =	vst.add.f32.msk $0xffff, v30;
	s6 =	sshra.s32 s7, $0x2;
	s7 =	sadd.s32 $0x800, s7  }
0x237: {  	v0 =	vld [tilespmem:s6+$0x49F0]  }
0x238: {  	v1 =	vld [tilespmem:s6+$0x4800]  }
0x239: {  	v2 =	vld [tilespmem:s6+$0x4810]  }
0x23a: {  	v3 =	vld [tilespmem:s6+$0x4820]  }
0x23b: {  	v4 =	vld [tilespmem:s6+$0x4830]  }
0x23c: {  	v57 =	vld [tilespmem:s6+$0x4840]  }
0x23d: {  	v5 =	vld [tilespmem:s6+$0x4850]  }
0x23e: {  	v6 =	vld [tilespmem:s6+$0x4860]  }
0x23f: {  	v7 =	vld [tilespmem:s6+$0x4870]  }
0x240: {  	v8 =	vld [tilespmem:s6+$0x4880]  }
0x241: {  	v9 =	vld [tilespmem:s6+$0x4890]  }
0x242: {  	v10 =	vld [tilespmem:s6+$0x48A0]  }
0x243: {  	v11 =	vld [tilespmem:s6+$0x48B0]  }
0x244: {  	v12 =	vld [tilespmem:s6+$0x48C0]  }
0x245: {  	v13 =	vld [tilespmem:s6+$0x48D0]  }
0x246: {  	v14 =	vld [tilespmem:s6+$0x48E0]  }
0x247: {  	v15 =	vld [tilespmem:s6+$0x48F0]  }
0x248: {  	v16 =	vld [tilespmem:s6+$0x4900]  }
0x249: {  	v17 =	vld [tilespmem:s6+$0x4910]  }
0x24a: {  	v18 =	vld [tilespmem:s6+$0x4920]  }
0x24b: {  	v19 =	vld [tilespmem:s6+$0x4930]  }
0x24c: {  	v20 =	vld [tilespmem:s6+$0x4940]  }
0x24d: {  	v21 =	vld [tilespmem:s6+$0x4950]  }
0x24e: {  	v22 =	vld [tilespmem:s6+$0x4960]  }
0x24f: {  	v23 =	vld [tilespmem:s6+$0x4970]  }
0x250: {  	v24 =	vld [tilespmem:s6+$0x4980]  }
0x251: {  	v25 =	vld [tilespmem:s6+$0x4990]  }
0x252: {  	v26 =	vld [tilespmem:s6+$0x49A0]  }
0x253: {  	v27 =	vld [tilespmem:s6+$0x49B0]  }
0x254: {  	v28 =	vld [tilespmem:s6+$0x49C0]  }
0x255: {  	v29 =	vld [tilespmem:s6+$0x49D0]  }
0x256: {  	v30 =	vld [tilespmem:s6+$0x49E0]  }
0x257: {  	[tilespmem:s6+$0xC9F0] =	vst.add.f32.msk $0xffff, v0  }
0x258: {  	[tilespmem:s6+$0xC800] =	vst.add.f32.msk $0xffff, v1  }
0x259: {  	[tilespmem:s6+$0xC810] =	vst.add.f32.msk $0xffff, v2  }
0x25a: {  	[tilespmem:s6+$0xC820] =	vst.add.f32.msk $0xffff, v3  }
0x25b: {  	[tilespmem:s6+$0xC830] =	vst.add.f32.msk $0xffff, v4  }
0x25c: {  	[tilespmem:s6+$0xC840] =	vst.add.f32.msk $0xffff, v57  }
0x25d: {  	[tilespmem:s6+$0xC850] =	vst.add.f32.msk $0xffff, v5  }
0x25e: {  	[tilespmem:s6+$0xC860] =	vst.add.f32.msk $0xffff, v6  }
0x25f: {  	[tilespmem:s6+$0xC870] =	vst.add.f32.msk $0xffff, v7  }
0x260: {  	[tilespmem:s6+$0xC880] =	vst.add.f32.msk $0xffff, v8  }
0x261: {  	[tilespmem:s6+$0xC890] =	vst.add.f32.msk $0xffff, v9  }
0x262: {  	[tilespmem:s6+$0xC8A0] =	vst.add.f32.msk $0xffff, v10  }
0x263: {  	[tilespmem:s6+$0xC8B0] =	vst.add.f32.msk $0xffff, v11  }
0x264: {  	[tilespmem:s6+$0xC8C0] =	vst.add.f32.msk $0xffff, v12  }
0x265: {  	[tilespmem:s6+$0xC8D0] =	vst.add.f32.msk $0xffff, v13  }
0x266: {  	[tilespmem:s6+$0xC8E0] =	vst.add.f32.msk $0xffff, v14  }
0x267: {  	[tilespmem:s6+$0xC8F0] =	vst.add.f32.msk $0xffff, v15  }
0x268: {  	[tilespmem:s6+$0xC900] =	vst.add.f32.msk $0xffff, v16  }
0x269: {  	[tilespmem:s6+$0xC910] =	vst.add.f32.msk $0xffff, v17  }
0x26a: {  	[tilespmem:s6+$0xC920] =	vst.add.f32.msk $0xffff, v18  }
0x26b: {  	[tilespmem:s6+$0xC930] =	vst.add.f32.msk $0xffff, v19  }
0x26c: {  	[tilespmem:s6+$0xC940] =	vst.add.f32.msk $0xffff, v20  }
0x26d: {  	[tilespmem:s6+$0xC950] =	vst.add.f32.msk $0xffff, v21  }
0x26e: {  	[tilespmem:s6+$0xC960] =	vst.add.f32.msk $0xffff, v22  }
0x26f: {  	[tilespmem:s6+$0xC970] =	vst.add.f32.msk $0xffff, v23  }
0x270: {  	[tilespmem:s6+$0xC980] =	vst.add.f32.msk $0xffff, v24  }
0x271: {  	[tilespmem:s6+$0xC990] =	vst.add.f32.msk $0xffff, v25  }
0x272: {  	[tilespmem:s6+$0xC9A0] =	vst.add.f32.msk $0xffff, v26  }
0x273: {  	[tilespmem:s6+$0xC9B0] =	vst.add.f32.msk $0xffff, v27  }
0x274: {  	[tilespmem:s6+$0xC9C0] =	vst.add.f32.msk $0xffff, v28  }
0x275: {  	s7 =	sshll.u32 s31, $0xF;
	[tilespmem:s6+$0xC9D0] =	vst.add.f32.msk $0xffff, v29  }
0x276: {  	[tilespmem:s6+$0xC9E0] =	vst.add.f32.msk $0xffff, v30;
	s6 =	sadd.s32 s8, s7  }
0x277: {  	[tilespmem:s19], [sflag:$0x4] =	stream.indirect.gather [hbm4b:s4+s13], $0x40, s18, s13, $0xb8;
	[tilespmem:$0x10800] =	vst v63  }
0x278: {  	s6 =	sshrl.u32 s6, $0x3  }
0x279: {  	[tilespmem:s21], [sflag:$0x4] =	stream.indirect.gather [hbm4b:s4+s13], $0x40, s20, s13, $0xb8;
	[tilespmem:$0x10800] =	vst v63  }
0x27a: {  	s7 =	simm.s32 $0x0;
	s6 =	sadd.s32 s3, s6  }
0x27b: {  	[tilespmem:s22], [sflag:$0x2] =	stream.linear.gather [hbm4b:s6+s7], $0x200, $0x38;
	[tilespmem:$0x10800] =	vst v63  }
0x27c: {  	_ =	swait.ge [sflag:s23], $0x200  }
0x27d: {  	[sflag:s23] =	ssyncset.done $0x0  }
0x27e: {  	[sflag:s23] =	ssyncadd.s32 $0xFFFFFE00  }
0x27f: {  	v58 =	vld [tilespmem:$0x200]  }
0x280: {  	v59 =	vld [tilespmem:$0x210]  }
0x281: {  	v60 =	vld [tilespmem:$0x220]  }
0x282: {  	v61 =	vld [tilespmem:$0x230]  }
0x283: {  	v62 =	vld [tilespmem:$0x240]  }
0x284: {  	v63 =	vld [tilespmem:$0x250];
	v0 =	vshll.u32 v58, $0x1  }
0x285: {  	v8 =	vld [tilespmem:$0x260];
	v7 =	vshll.u32 v59, $0x1;
	[tilespmem:$0x600] =	vst v0  }
0x286: {  	v10 =	vld [tilespmem:$0x270];
	v9 =	vshll.u32 v60, $0x1;
	[tilespmem:$0x610] =	vst v7  }
0x287: {  	v12 =	vld [tilespmem:$0x280];
	v11 =	vshll.u32 v61, $0x1;
	[tilespmem:$0x620] =	vst v9  }
0x288: {  	v14 =	vld [tilespmem:$0x290];
	v13 =	vshll.u32 v62, $0x1;
	[tilespmem:$0x630] =	vst v11  }
0x289: {  	v16 =	vld [tilespmem:$0x2A0];
	v15 =	vshll.u32 v63, $0x1;
	[tilespmem:$0x640] =	vst v13  }
0x28a: {  	v18 =	vld [tilespmem:$0x2B0];
	v17 =	vshll.u32 v8, $0x1;
	[tilespmem:$0x650] =	vst v15  }
0x28b: {  	v20 =	vld [tilespmem:$0x2C0];
	v19 =	vshll.u32 v10, $0x1;
	[tilespmem:$0x660] =	vst v17  }
0x28c: {  	v22 =	vld [tilespmem:$0x2D0];
	v21 =	vshll.u32 v12, $0x1;
	[tilespmem:$0x670] =	vst v19  }
0x28d: {  	v24 =	vld [tilespmem:$0x2E0];
	v23 =	vshll.u32 v14, $0x1;
	[tilespmem:$0x680] =	vst v21  }
0x28e: {  	v26 =	vld [tilespmem:$0x2F0];
	v25 =	vshll.u32 v16, $0x1;
	[tilespmem:$0x690] =	vst v23  }
0x28f: {  	v28 =	vld [tilespmem:$0x300];
	v27 =	vshll.u32 v18, $0x1;
	[tilespmem:$0x6A0] =	vst v25  }
0x290: {  	v30 =	vld [tilespmem:$0x310];
	v29 =	vshll.u32 v20, $0x1;
	[tilespmem:$0x6B0] =	vst v27  }
0x291: {  	v32 =	vld [tilespmem:$0x320];
	v31 =	vshll.u32 v22, $0x1;
	[tilespmem:$0x6C0] =	vst v29  }
0x292: {  	v34 =	vld [tilespmem:$0x330];
	v33 =	vshll.u32 v24, $0x1;
	[tilespmem:$0x6D0] =	vst v31  }
0x293: {  	v36 =	vld [tilespmem:$0x340];
	v35 =	vshll.u32 v26, $0x1;
	[tilespmem:$0x6E0] =	vst v33  }
0x294: {  	v38 =	vld [tilespmem:$0x350];
	v37 =	vshll.u32 v28, $0x1;
	[tilespmem:$0x6F0] =	vst v35  }
0x295: {  	v40 =	vld [tilespmem:$0x360];
	v39 =	vshll.u32 v30, $0x1;
	[tilespmem:$0x700] =	vst v37  }
0x296: {  	v42 =	vld [tilespmem:$0x370];
	v41 =	vshll.u32 v32, $0x1;
	[tilespmem:$0x710] =	vst v39  }
0x297: {  	v44 =	vld [tilespmem:$0x380];
	v43 =	vshll.u32 v34, $0x1;
	[tilespmem:$0x720] =	vst v41  }
0x298: {  	v46 =	vld [tilespmem:$0x390];
	v45 =	vshll.u32 v36, $0x1;
	[tilespmem:$0x730] =	vst v43  }
0x299: {  	v48 =	vld [tilespmem:$0x3A0];
	v47 =	vshll.u32 v38, $0x1;
	[tilespmem:$0x740] =	vst v45  }
0x29a: {  	v50 =	vld [tilespmem:$0x3B0];
	v49 =	vshll.u32 v40, $0x1;
	[tilespmem:$0x750] =	vst v47  }
0x29b: {  	v52 =	vld [tilespmem:$0x3C0];
	v51 =	vshll.u32 v42, $0x1;
	[tilespmem:$0x760] =	vst v49  }
0x29c: {  	v54 =	vld [tilespmem:$0x3D0];
	v53 =	vshll.u32 v44, $0x1;
	[tilespmem:$0x770] =	vst v51  }
0x29d: {  	v56 =	vld [tilespmem:$0x3E0];
	v55 =	vshll.u32 v46, $0x1;
	[tilespmem:$0x780] =	vst v53  }
0x29e: {  	v57 =	vshll.u32 v48, $0x1;
	v58 =	vld [tilespmem:$0x3F0];
	[tilespmem:$0x790] =	vst v55  }
0x29f: {  	v59 =	vshll.u32 v50, $0x1;
	[tilespmem:$0x7A0] =	vst v57  }
0x2a0: {  	v60 =	vshll.u32 v52, $0x1;
	[tilespmem:$0x7B0] =	vst v59  }
0x2a1: {  	v61 =	vshll.u32 v54, $0x1;
	[tilespmem:$0x7C0] =	vst v60  }
0x2a2: {  	v62 =	vshll.u32 v56, $0x1;
	[tilespmem:$0x7D0] =	vst v61  }
0x2a3: {  	[tilespmem:$0x7E0] =	vst v62;
	v63 =	vshll.u32 v58, $0x1  }
0x2a4: {  	[tilespmem:$0x7F0] =	vst v63  }
0x2a5: {  	_ =	swait.ge [sflag:s24], $0x4000  }
0x2a6: {  	[sflag:s24] =	ssyncset.done $0x0  }
0x2a7: {  	s6 =	simm.s32 $0x0;
	s7 =	simm.s32 $0x800;
	[sflag:s24] =	ssyncadd.s32 $0xFFFFC000  }
.LBB2_11:
0x2a8: {  	p0 =	sne.s32 s7, $0xF800;
	v0 =	vld [tilespmem:s6+$0x9F0]  }
0x2a9: {  	v1 =	vld [tilespmem:s6+$0x800]  }
0x2aa: {  	v2 =	vld [tilespmem:s6+$0x810]  }
0x2ab: {  	v3 =	vld [tilespmem:s6+$0x820]  }
0x2ac: {  	v4 =	vld [tilespmem:s6+$0x830]  }
0x2ad: {  	[tilespmem:s6+$0x89F0] =	vst.add.f32.msk $0xffff, v0  }
0x2ae: {  	v0 =	vld [tilespmem:s6+$0x840]  }
0x2af: {  	v5 =	vld [tilespmem:s6+$0x850]  }
0x2b0: {  	v6 =	vld [tilespmem:s6+$0x860]  }
0x2b1: {  	v7 =	vld [tilespmem:s6+$0x870]  }
0x2b2: {  	v8 =	vld [tilespmem:s6+$0x880]  }
0x2b3: {  	v9 =	vld [tilespmem:s6+$0x890]  }
0x2b4: {  	v10 =	vld [tilespmem:s6+$0x8A0]  }
0x2b5: {  	v11 =	vld [tilespmem:s6+$0x8B0]  }
0x2b6: {  	v12 =	vld [tilespmem:s6+$0x8C0]  }
0x2b7: {  	v13 =	vld [tilespmem:s6+$0x8D0]  }
0x2b8: {  	v14 =	vld [tilespmem:s6+$0x8E0]  }
0x2b9: {  	v15 =	vld [tilespmem:s6+$0x8F0]  }
0x2ba: {  	v16 =	vld [tilespmem:s6+$0x900]  }
0x2bb: {  	v17 =	vld [tilespmem:s6+$0x910]  }
0x2bc: {  	v18 =	vld [tilespmem:s6+$0x920]  }
0x2bd: {  	v19 =	vld [tilespmem:s6+$0x930]  }
0x2be: {  	v20 =	vld [tilespmem:s6+$0x940]  }
0x2bf: {  	v21 =	vld [tilespmem:s6+$0x950]  }
0x2c0: {  	v22 =	vld [tilespmem:s6+$0x960]  }
0x2c1: {  	v23 =	vld [tilespmem:s6+$0x970]  }
0x2c2: {  	v24 =	vld [tilespmem:s6+$0x980]  }
0x2c3: {  	v25 =	vld [tilespmem:s6+$0x990]  }
0x2c4: {  	v26 =	vld [tilespmem:s6+$0x9A0]  }
0x2c5: {  	v27 =	vld [tilespmem:s6+$0x9B0]  }
0x2c6: {  	v28 =	vld [tilespmem:s6+$0x9C0]  }
0x2c7: {  	v29 =	vld [tilespmem:s6+$0x9D0]  }
0x2c8: {  	v30 =	vld [tilespmem:s6+$0x9E0]  }
0x2c9: {  	[tilespmem:s6+$0x8800] =	vst.add.f32.msk $0xffff, v1  }
0x2ca: {  	[tilespmem:s6+$0x8810] =	vst.add.f32.msk $0xffff, v2  }
0x2cb: {  	[tilespmem:s6+$0x8820] =	vst.add.f32.msk $0xffff, v3  }
0x2cc: {  	[tilespmem:s6+$0x8830] =	vst.add.f32.msk $0xffff, v4  }
0x2cd: {  	[tilespmem:s6+$0x8840] =	vst.add.f32.msk $0xffff, v0  }
0x2ce: {  	[tilespmem:s6+$0x8850] =	vst.add.f32.msk $0xffff, v5  }
0x2cf: {  	[tilespmem:s6+$0x8860] =	vst.add.f32.msk $0xffff, v6  }
0x2d0: {  	[tilespmem:s6+$0x8870] =	vst.add.f32.msk $0xffff, v7  }
0x2d1: {  	[tilespmem:s6+$0x8880] =	vst.add.f32.msk $0xffff, v8  }
0x2d2: {  	[tilespmem:s6+$0x8890] =	vst.add.f32.msk $0xffff, v9  }
0x2d3: {  	[tilespmem:s6+$0x88A0] =	vst.add.f32.msk $0xffff, v10  }
0x2d4: {  	[tilespmem:s6+$0x88B0] =	vst.add.f32.msk $0xffff, v11  }
0x2d5: {  	[tilespmem:s6+$0x88C0] =	vst.add.f32.msk $0xffff, v12  }
0x2d6: {  	[tilespmem:s6+$0x88D0] =	vst.add.f32.msk $0xffff, v13  }
0x2d7: {  	[tilespmem:s6+$0x88E0] =	vst.add.f32.msk $0xffff, v14  }
0x2d8: {  	[tilespmem:s6+$0x88F0] =	vst.add.f32.msk $0xffff, v15  }
0x2d9: {  	[tilespmem:s6+$0x8900] =	vst.add.f32.msk $0xffff, v16  }
0x2da: {  	[tilespmem:s6+$0x8910] =	vst.add.f32.msk $0xffff, v17  }
0x2db: {  	[tilespmem:s6+$0x8920] =	vst.add.f32.msk $0xffff, v18  }
0x2dc: {  	[tilespmem:s6+$0x8930] =	vst.add.f32.msk $0xffff, v19  }
0x2dd: {  	[tilespmem:s6+$0x8940] =	vst.add.f32.msk $0xffff, v20  }
0x2de: {  	[tilespmem:s6+$0x8950] =	vst.add.f32.msk $0xffff, v21  }
0x2df: {  	[tilespmem:s6+$0x8960] =	vst.add.f32.msk $0xffff, v22  }
0x2e0: {  	[tilespmem:s6+$0x8970] =	vst.add.f32.msk $0xffff, v23  }
0x2e1: {  	[tilespmem:s6+$0x8980] =	vst.add.f32.msk $0xffff, v24  }
0x2e2: {  	[tilespmem:s6+$0x8990] =	vst.add.f32.msk $0xffff, v25  }
.Ltmp4:
0x2e3: {  	[tilespmem:s6+$0x89A0] =	vst.add.f32.msk $0xffff, v26;
	(pc) =	sbr.rel @p0 .LBB2_11-.Ltmp4, $4  }
0x2e4: {  	[tilespmem:s6+$0x89B0] =	vst.add.f32.msk $0xffff, v27  }
0x2e5: {  	[tilespmem:s6+$0x89C0] =	vst.add.f32.msk $0xffff, v28  }
0x2e6: {  	[tilespmem:s6+$0x89D0] =	vst.add.f32.msk $0xffff, v29  }
0x2e7: {  	[tilespmem:s6+$0x89E0] =	vst.add.f32.msk $0xffff, v30;
	s6 =	sshra.s32 s7, $0x2;
	s7 =	sadd.s32 $0x800, s7  }
0x2e8: {  	v0 =	vld [tilespmem:s6+$0x9F0]  }
0x2e9: {  	v1 =	vld [tilespmem:s6+$0x800]  }
0x2ea: {  	v2 =	vld [tilespmem:s6+$0x810]  }
0x2eb: {  	v3 =	vld [tilespmem:s6+$0x820]  }
0x2ec: {  	v4 =	vld [tilespmem:s6+$0x830]  }
0x2ed: {  	v63 =	vld [tilespmem:s6+$0x840]  }
0x2ee: {  	v5 =	vld [tilespmem:s6+$0x850]  }
0x2ef: {  	v6 =	vld [tilespmem:s6+$0x860]  }
0x2f0: {  	v7 =	vld [tilespmem:s6+$0x870]  }
0x2f1: {  	v8 =	vld [tilespmem:s6+$0x880]  }
0x2f2: {  	v9 =	vld [tilespmem:s6+$0x890]  }
0x2f3: {  	v10 =	vld [tilespmem:s6+$0x8A0]  }
0x2f4: {  	v11 =	vld [tilespmem:s6+$0x8B0]  }
0x2f5: {  	v12 =	vld [tilespmem:s6+$0x8C0]  }
0x2f6: {  	v13 =	vld [tilespmem:s6+$0x8D0]  }
0x2f7: {  	v14 =	vld [tilespmem:s6+$0x8E0]  }
0x2f8: {  	v15 =	vld [tilespmem:s6+$0x8F0]  }
0x2f9: {  	v16 =	vld [tilespmem:s6+$0x900]  }
0x2fa: {  	v17 =	vld [tilespmem:s6+$0x910]  }
0x2fb: {  	v18 =	vld [tilespmem:s6+$0x920]  }
0x2fc: {  	v19 =	vld [tilespmem:s6+$0x930]  }
0x2fd: {  	v20 =	vld [tilespmem:s6+$0x940]  }
0x2fe: {  	v21 =	vld [tilespmem:s6+$0x950]  }
0x2ff: {  	v22 =	vld [tilespmem:s6+$0x960]  }
0x300: {  	v23 =	vld [tilespmem:s6+$0x970]  }
0x301: {  	v24 =	vld [tilespmem:s6+$0x980]  }
0x302: {  	v25 =	vld [tilespmem:s6+$0x990]  }
0x303: {  	v26 =	vld [tilespmem:s6+$0x9A0]  }
0x304: {  	v27 =	vld [tilespmem:s6+$0x9B0]  }
0x305: {  	v28 =	vld [tilespmem:s6+$0x9C0]  }
0x306: {  	v29 =	vld [tilespmem:s6+$0x9D0]  }
0x307: {  	v30 =	vld [tilespmem:s6+$0x9E0]  }
0x308: {  	[tilespmem:s6+$0x89F0] =	vst.add.f32.msk $0xffff, v0  }
0x309: {  	[tilespmem:s6+$0x8800] =	vst.add.f32.msk $0xffff, v1  }
0x30a: {  	[tilespmem:s6+$0x8810] =	vst.add.f32.msk $0xffff, v2  }
0x30b: {  	[tilespmem:s6+$0x8820] =	vst.add.f32.msk $0xffff, v3  }
0x30c: {  	[tilespmem:s6+$0x8830] =	vst.add.f32.msk $0xffff, v4  }
0x30d: {  	[tilespmem:s6+$0x8840] =	vst.add.f32.msk $0xffff, v63  }
0x30e: {  	[tilespmem:s6+$0x8850] =	vst.add.f32.msk $0xffff, v5  }
0x30f: {  	[tilespmem:s6+$0x8860] =	vst.add.f32.msk $0xffff, v6  }
0x310: {  	[tilespmem:s6+$0x8870] =	vst.add.f32.msk $0xffff, v7  }
0x311: {  	[tilespmem:s6+$0x8880] =	vst.add.f32.msk $0xffff, v8  }
0x312: {  	[tilespmem:s6+$0x8890] =	vst.add.f32.msk $0xffff, v9  }
0x313: {  	[tilespmem:s6+$0x88A0] =	vst.add.f32.msk $0xffff, v10  }
0x314: {  	[tilespmem:s6+$0x88B0] =	vst.add.f32.msk $0xffff, v11  }
0x315: {  	[tilespmem:s6+$0x88C0] =	vst.add.f32.msk $0xffff, v12  }
0x316: {  	[tilespmem:s6+$0x88D0] =	vst.add.f32.msk $0xffff, v13  }
0x317: {  	[tilespmem:s6+$0x88E0] =	vst.add.f32.msk $0xffff, v14  }
0x318: {  	[tilespmem:s6+$0x88F0] =	vst.add.f32.msk $0xffff, v15  }
0x319: {  	[tilespmem:s6+$0x8900] =	vst.add.f32.msk $0xffff, v16  }
0x31a: {  	[tilespmem:s6+$0x8910] =	vst.add.f32.msk $0xffff, v17  }
0x31b: {  	[tilespmem:s6+$0x8920] =	vst.add.f32.msk $0xffff, v18  }
0x31c: {  	[tilespmem:s6+$0x8930] =	vst.add.f32.msk $0xffff, v19  }
0x31d: {  	[tilespmem:s6+$0x8940] =	vst.add.f32.msk $0xffff, v20  }
0x31e: {  	[tilespmem:s6+$0x8950] =	vst.add.f32.msk $0xffff, v21  }
0x31f: {  	[tilespmem:s6+$0x8960] =	vst.add.f32.msk $0xffff, v22  }
0x320: {  	[tilespmem:s6+$0x8970] =	vst.add.f32.msk $0xffff, v23  }
0x321: {  	[tilespmem:s6+$0x8980] =	vst.add.f32.msk $0xffff, v24  }
0x322: {  	[tilespmem:s6+$0x8990] =	vst.add.f32.msk $0xffff, v25  }
0x323: {  	[tilespmem:s6+$0x89A0] =	vst.add.f32.msk $0xffff, v26  }
0x324: {  	[tilespmem:s6+$0x89B0] =	vst.add.f32.msk $0xffff, v27  }
0x325: {  	[tilespmem:s6+$0x89C0] =	vst.add.f32.msk $0xffff, v28  }
0x326: {  	[tilespmem:s6+$0x89D0] =	vst.add.f32.msk $0xffff, v29  }
0x327: {  	[tilespmem:s6+$0x89E0] =	vst.add.f32.msk $0xffff, v30  }
0x328: {  	[tilespmem:s15], [sflag:$0x3] =	stream.indirect.gather [hbm4b:s4+s13], $0x40, s25, s13, $0xb8;
	[tilespmem:$0x10800] =	vst v63  }
0x329: {  	_ = 	snop  }
0x32a: {  	[tilespmem:s17], [sflag:$0x3] =	stream.indirect.gather [hbm4b:s4+s13], $0x40, s26, s13, $0xb8;
	[tilespmem:$0x10800] =	vst v63  }
0x32b: {  	_ =	swait.ge [sflag:s28], $0x4000  }
0x32c: {  	[sflag:s28] =	ssyncset.done $0x0  }
0x32d: {  	s7 =	simm.s32 $0x800;
	s6 =	simm.s32 $0x0;
	[sflag:s28] =	ssyncadd.s32 $0xFFFFC000  }
.LBB2_13:
0x32e: {  	p0 =	sne.s32 s7, $0xF800;
	v0 =	vld [tilespmem:s6+$0x49F0]  }
0x32f: {  	v1 =	vld [tilespmem:s6+$0x4800]  }
0x330: {  	v2 =	vld [tilespmem:s6+$0x4810]  }
0x331: {  	v3 =	vld [tilespmem:s6+$0x4820]  }
0x332: {  	v4 =	vld [tilespmem:s6+$0x4830]  }
0x333: {  	[tilespmem:s6+$0xC9F0] =	vst.add.f32.msk $0xffff, v0  }
0x334: {  	v0 =	vld [tilespmem:s6+$0x4840]  }
0x335: {  	v5 =	vld [tilespmem:s6+$0x4850]  }
0x336: {  	v6 =	vld [tilespmem:s6+$0x4860]  }
0x337: {  	v7 =	vld [tilespmem:s6+$0x4870]  }
0x338: {  	v8 =	vld [tilespmem:s6+$0x4880]  }
0x339: {  	v9 =	vld [tilespmem:s6+$0x4890]  }
0x33a: {  	v10 =	vld [tilespmem:s6+$0x48A0]  }
0x33b: {  	v11 =	vld [tilespmem:s6+$0x48B0]  }
0x33c: {  	v12 =	vld [tilespmem:s6+$0x48C0]  }
0x33d: {  	v13 =	vld [tilespmem:s6+$0x48D0]  }
0x33e: {  	v14 =	vld [tilespmem:s6+$0x48E0]  }
0x33f: {  	v15 =	vld [tilespmem:s6+$0x48F0]  }
0x340: {  	v16 =	vld [tilespmem:s6+$0x4900]  }
0x341: {  	v17 =	vld [tilespmem:s6+$0x4910]  }
0x342: {  	v18 =	vld [tilespmem:s6+$0x4920]  }
0x343: {  	v19 =	vld [tilespmem:s6+$0x4930]  }
0x344: {  	v20 =	vld [tilespmem:s6+$0x4940]  }
0x345: {  	v21 =	vld [tilespmem:s6+$0x4950]  }
0x346: {  	v22 =	vld [tilespmem:s6+$0x4960]  }
0x347: {  	v23 =	vld [tilespmem:s6+$0x4970]  }
0x348: {  	v24 =	vld [tilespmem:s6+$0x4980]  }
0x349: {  	v25 =	vld [tilespmem:s6+$0x4990]  }
0x34a: {  	v26 =	vld [tilespmem:s6+$0x49A0]  }
0x34b: {  	v27 =	vld [tilespmem:s6+$0x49B0]  }
0x34c: {  	v28 =	vld [tilespmem:s6+$0x49C0]  }
0x34d: {  	v29 =	vld [tilespmem:s6+$0x49D0]  }
0x34e: {  	v30 =	vld [tilespmem:s6+$0x49E0]  }
0x34f: {  	[tilespmem:s6+$0xC800] =	vst.add.f32.msk $0xffff, v1  }
0x350: {  	[tilespmem:s6+$0xC810] =	vst.add.f32.msk $0xffff, v2  }
0x351: {  	[tilespmem:s6+$0xC820] =	vst.add.f32.msk $0xffff, v3  }
0x352: {  	[tilespmem:s6+$0xC830] =	vst.add.f32.msk $0xffff, v4  }
0x353: {  	[tilespmem:s6+$0xC840] =	vst.add.f32.msk $0xffff, v0  }
0x354: {  	[tilespmem:s6+$0xC850] =	vst.add.f32.msk $0xffff, v5  }
0x355: {  	[tilespmem:s6+$0xC860] =	vst.add.f32.msk $0xffff, v6  }
0x356: {  	[tilespmem:s6+$0xC870] =	vst.add.f32.msk $0xffff, v7  }
0x357: {  	[tilespmem:s6+$0xC880] =	vst.add.f32.msk $0xffff, v8  }
0x358: {  	[tilespmem:s6+$0xC890] =	vst.add.f32.msk $0xffff, v9  }
0x359: {  	[tilespmem:s6+$0xC8A0] =	vst.add.f32.msk $0xffff, v10  }
0x35a: {  	[tilespmem:s6+$0xC8B0] =	vst.add.f32.msk $0xffff, v11  }
0x35b: {  	[tilespmem:s6+$0xC8C0] =	vst.add.f32.msk $0xffff, v12  }
0x35c: {  	[tilespmem:s6+$0xC8D0] =	vst.add.f32.msk $0xffff, v13  }
0x35d: {  	[tilespmem:s6+$0xC8E0] =	vst.add.f32.msk $0xffff, v14  }
0x35e: {  	[tilespmem:s6+$0xC8F0] =	vst.add.f32.msk $0xffff, v15  }
0x35f: {  	[tilespmem:s6+$0xC900] =	vst.add.f32.msk $0xffff, v16  }
0x360: {  	[tilespmem:s6+$0xC910] =	vst.add.f32.msk $0xffff, v17  }
0x361: {  	[tilespmem:s6+$0xC920] =	vst.add.f32.msk $0xffff, v18  }
0x362: {  	[tilespmem:s6+$0xC930] =	vst.add.f32.msk $0xffff, v19  }
0x363: {  	[tilespmem:s6+$0xC940] =	vst.add.f32.msk $0xffff, v20  }
0x364: {  	[tilespmem:s6+$0xC950] =	vst.add.f32.msk $0xffff, v21  }
0x365: {  	[tilespmem:s6+$0xC960] =	vst.add.f32.msk $0xffff, v22  }
0x366: {  	[tilespmem:s6+$0xC970] =	vst.add.f32.msk $0xffff, v23  }
0x367: {  	[tilespmem:s6+$0xC980] =	vst.add.f32.msk $0xffff, v24  }
0x368: {  	[tilespmem:s6+$0xC990] =	vst.add.f32.msk $0xffff, v25  }
.Ltmp5:
0x369: {  	[tilespmem:s6+$0xC9A0] =	vst.add.f32.msk $0xffff, v26;
	(pc) =	sbr.rel @p0 .LBB2_13-.Ltmp5, $4  }
0x36a: {  	[tilespmem:s6+$0xC9B0] =	vst.add.f32.msk $0xffff, v27  }
0x36b: {  	[tilespmem:s6+$0xC9C0] =	vst.add.f32.msk $0xffff, v28  }
0x36c: {  	[tilespmem:s6+$0xC9D0] =	vst.add.f32.msk $0xffff, v29  }
0x36d: {  	[tilespmem:s6+$0xC9E0] =	vst.add.f32.msk $0xffff, v30;
	s6 =	sshra.s32 s7, $0x2;
	s7 =	sadd.s32 $0x800, s7  }
0x36e: {  	v0 =	vld [tilespmem:s6+$0x49F0]  }
0x36f: {  	v1 =	vld [tilespmem:s6+$0x4800]  }
0x370: {  	v2 =	vld [tilespmem:s6+$0x4810]  }
0x371: {  	v3 =	vld [tilespmem:s6+$0x4820]  }
0x372: {  	v4 =	vld [tilespmem:s6+$0x4830]  }
0x373: {  	v63 =	vld [tilespmem:s6+$0x4840]  }
0x374: {  	v5 =	vld [tilespmem:s6+$0x4850]  }
0x375: {  	v6 =	vld [tilespmem:s6+$0x4860]  }
0x376: {  	v7 =	vld [tilespmem:s6+$0x4870]  }
0x377: {  	v8 =	vld [tilespmem:s6+$0x4880]  }
0x378: {  	v9 =	vld [tilespmem:s6+$0x4890]  }
0x379: {  	v10 =	vld [tilespmem:s6+$0x48A0]  }
0x37a: {  	v11 =	vld [tilespmem:s6+$0x48B0]  }
0x37b: {  	v12 =	vld [tilespmem:s6+$0x48C0]  }
0x37c: {  	v13 =	vld [tilespmem:s6+$0x48D0]  }
0x37d: {  	v14 =	vld [tilespmem:s6+$0x48E0]  }
0x37e: {  	v15 =	vld [tilespmem:s6+$0x48F0]  }
0x37f: {  	v16 =	vld [tilespmem:s6+$0x4900]  }
0x380: {  	v17 =	vld [tilespmem:s6+$0x4910]  }
0x381: {  	v18 =	vld [tilespmem:s6+$0x4920]  }
0x382: {  	v19 =	vld [tilespmem:s6+$0x4930]  }
0x383: {  	v20 =	vld [tilespmem:s6+$0x4940]  }
0x384: {  	v21 =	vld [tilespmem:s6+$0x4950]  }
0x385: {  	v22 =	vld [tilespmem:s6+$0x4960]  }
0x386: {  	v23 =	vld [tilespmem:s6+$0x4970]  }
0x387: {  	v24 =	vld [tilespmem:s6+$0x4980]  }
0x388: {  	v25 =	vld [tilespmem:s6+$0x4990]  }
0x389: {  	v26 =	vld [tilespmem:s6+$0x49A0]  }
0x38a: {  	v27 =	vld [tilespmem:s6+$0x49B0]  }
0x38b: {  	v28 =	vld [tilespmem:s6+$0x49C0]  }
0x38c: {  	v29 =	vld [tilespmem:s6+$0x49D0]  }
0x38d: {  	v30 =	vld [tilespmem:s6+$0x49E0]  }
0x38e: {  	[tilespmem:s6+$0xC9F0] =	vst.add.f32.msk $0xffff, v0  }
0x38f: {  	[tilespmem:s6+$0xC800] =	vst.add.f32.msk $0xffff, v1  }
0x390: {  	[tilespmem:s6+$0xC810] =	vst.add.f32.msk $0xffff, v2  }
0x391: {  	[tilespmem:s6+$0xC820] =	vst.add.f32.msk $0xffff, v3  }
0x392: {  	[tilespmem:s6+$0xC830] =	vst.add.f32.msk $0xffff, v4  }
0x393: {  	[tilespmem:s6+$0xC840] =	vst.add.f32.msk $0xffff, v63  }
0x394: {  	[tilespmem:s6+$0xC850] =	vst.add.f32.msk $0xffff, v5  }
0x395: {  	[tilespmem:s6+$0xC860] =	vst.add.f32.msk $0xffff, v6  }
0x396: {  	[tilespmem:s6+$0xC870] =	vst.add.f32.msk $0xffff, v7  }
0x397: {  	[tilespmem:s6+$0xC880] =	vst.add.f32.msk $0xffff, v8  }
0x398: {  	[tilespmem:s6+$0xC890] =	vst.add.f32.msk $0xffff, v9  }
0x399: {  	[tilespmem:s6+$0xC8A0] =	vst.add.f32.msk $0xffff, v10  }
0x39a: {  	[tilespmem:s6+$0xC8B0] =	vst.add.f32.msk $0xffff, v11  }
0x39b: {  	[tilespmem:s6+$0xC8C0] =	vst.add.f32.msk $0xffff, v12  }
0x39c: {  	[tilespmem:s6+$0xC8D0] =	vst.add.f32.msk $0xffff, v13  }
0x39d: {  	[tilespmem:s6+$0xC8E0] =	vst.add.f32.msk $0xffff, v14  }
0x39e: {  	[tilespmem:s6+$0xC8F0] =	vst.add.f32.msk $0xffff, v15  }
0x39f: {  	[tilespmem:s6+$0xC900] =	vst.add.f32.msk $0xffff, v16  }
0x3a0: {  	[tilespmem:s6+$0xC910] =	vst.add.f32.msk $0xffff, v17  }
0x3a1: {  	[tilespmem:s6+$0xC920] =	vst.add.f32.msk $0xffff, v18  }
0x3a2: {  	[tilespmem:s6+$0xC930] =	vst.add.f32.msk $0xffff, v19  }
0x3a3: {  	[tilespmem:s6+$0xC940] =	vst.add.f32.msk $0xffff, v20  }
0x3a4: {  	[tilespmem:s6+$0xC950] =	vst.add.f32.msk $0xffff, v21  }
0x3a5: {  	[tilespmem:s6+$0xC960] =	vst.add.f32.msk $0xffff, v22  }
0x3a6: {  	[tilespmem:s6+$0xC970] =	vst.add.f32.msk $0xffff, v23  }
0x3a7: {  	[tilespmem:s6+$0xC980] =	vst.add.f32.msk $0xffff, v24  }
0x3a8: {  	[tilespmem:s6+$0xC990] =	vst.add.f32.msk $0xffff, v25  }
0x3a9: {  	[tilespmem:s6+$0xC9A0] =	vst.add.f32.msk $0xffff, v26  }
0x3aa: {  	[tilespmem:s6+$0xC9B0] =	vst.add.f32.msk $0xffff, v27  }
0x3ab: {  	[tilespmem:s6+$0xC9C0] =	vst.add.f32.msk $0xffff, v28  }
0x3ac: {  	s7 =	sshll.u32 s31, $0x1;
	[tilespmem:s6+$0xC9D0] =	vst.add.f32.msk $0xffff, v29  }
0x3ad: {  	s31 =	sadd.s32 $0x1, s31;
	[tilespmem:s6+$0xC9E0] =	vst.add.f32.msk $0xffff, v30;
	s6 =	smin.u32 s7, $0xC3  }
0x3ae: {  	[tilespmem:s19], [sflag:$0x4] =	stream.indirect.gather [hbm4b:s4+s13], $0x40, s29, s13, $0xb8;
	[tilespmem:$0x10800] =	vst v63  }
0x3af: {  	p0 =	sne.s32 s31, $0x63;
	s6 =	sshll.u32 s6, $0xE  }
.Ltmp6:
0x3b0: {  	s6 =	sadd.s32 s9, s6;
	(pc) =	sbr.rel @p0 .LBB2_6-.Ltmp6, $4  }
0x3b1: {  	[tilespmem:s21], [sflag:$0x4] =	stream.indirect.gather [hbm4b:s4+s13], $0x40, s30, s13, $0xb8;
	[tilespmem:$0x10800] =	vst v63  }
0x3b2: {  	s6 =	sshrl.u32 s6, $0x3  }
0x3b3: {  	s6 =	sadd.s32 s3, s6  }
0x3b4: {  	[tilespmem:s2], [sflag:$0x1] =	stream.linear.gather [hbm4b:s6+s2], $0x200, $0x38;
	[tilespmem:$0x10800] =	vst v63  }
0x3b5: {  	_ =	swait.ge [sflag:s24], $0x4000  }
0x3b6: {  	[sflag:s24] =	ssyncset.done $0x0  }
0x3b7: {  	s6 =	simm.s32 $0x0;
	s7 =	simm.s32 $0x800;
	[sflag:s24] =	ssyncadd.s32 $0xFFFFC000  }
.LBB2_16:
0x3b8: {  	p0 =	sne.s32 s7, $0xF800;
	v0 =	vld [tilespmem:s6+$0x9F0]  }
0x3b9: {  	v1 =	vld [tilespmem:s6+$0x800]  }
0x3ba: {  	v2 =	vld [tilespmem:s6+$0x810]  }
0x3bb: {  	v3 =	vld [tilespmem:s6+$0x820]  }
0x3bc: {  	v4 =	vld [tilespmem:s6+$0x830]  }
0x3bd: {  	[tilespmem:s6+$0x89F0] =	vst.add.f32.msk $0xffff, v0  }
0x3be: {  	v0 =	vld [tilespmem:s6+$0x840]  }
0x3bf: {  	v5 =	vld [tilespmem:s6+$0x850]  }
0x3c0: {  	v6 =	vld [tilespmem:s6+$0x860]  }
0x3c1: {  	v7 =	vld [tilespmem:s6+$0x870]  }
0x3c2: {  	v8 =	vld [tilespmem:s6+$0x880]  }
0x3c3: {  	v9 =	vld [tilespmem:s6+$0x890]  }
0x3c4: {  	v10 =	vld [tilespmem:s6+$0x8A0]  }
0x3c5: {  	v11 =	vld [tilespmem:s6+$0x8B0]  }
0x3c6: {  	v12 =	vld [tilespmem:s6+$0x8C0]  }
0x3c7: {  	v13 =	vld [tilespmem:s6+$0x8D0]  }
0x3c8: {  	v14 =	vld [tilespmem:s6+$0x8E0]  }
0x3c9: {  	v15 =	vld [tilespmem:s6+$0x8F0]  }
0x3ca: {  	v16 =	vld [tilespmem:s6+$0x900]  }
0x3cb: {  	v17 =	vld [tilespmem:s6+$0x910]  }
0x3cc: {  	v18 =	vld [tilespmem:s6+$0x920]  }
0x3cd: {  	v19 =	vld [tilespmem:s6+$0x930]  }
0x3ce: {  	v20 =	vld [tilespmem:s6+$0x940]  }
0x3cf: {  	v21 =	vld [tilespmem:s6+$0x950]  }
0x3d0: {  	v22 =	vld [tilespmem:s6+$0x960]  }
0x3d1: {  	v23 =	vld [tilespmem:s6+$0x970]  }
0x3d2: {  	v24 =	vld [tilespmem:s6+$0x980]  }
0x3d3: {  	v25 =	vld [tilespmem:s6+$0x990]  }
0x3d4: {  	v26 =	vld [tilespmem:s6+$0x9A0]  }
0x3d5: {  	v27 =	vld [tilespmem:s6+$0x9B0]  }
0x3d6: {  	v28 =	vld [tilespmem:s6+$0x9C0]  }
0x3d7: {  	v29 =	vld [tilespmem:s6+$0x9D0]  }
0x3d8: {  	v30 =	vld [tilespmem:s6+$0x9E0]  }
0x3d9: {  	[tilespmem:s6+$0x8800] =	vst.add.f32.msk $0xffff, v1  }
0x3da: {  	[tilespmem:s6+$0x8810] =	vst.add.f32.msk $0xffff, v2  }
0x3db: {  	[tilespmem:s6+$0x8820] =	vst.add.f32.msk $0xffff, v3  }
0x3dc: {  	[tilespmem:s6+$0x8830] =	vst.add.f32.msk $0xffff, v4  }
0x3dd: {  	[tilespmem:s6+$0x8840] =	vst.add.f32.msk $0xffff, v0  }
0x3de: {  	[tilespmem:s6+$0x8850] =	vst.add.f32.msk $0xffff, v5  }
0x3df: {  	[tilespmem:s6+$0x8860] =	vst.add.f32.msk $0xffff, v6  }
0x3e0: {  	[tilespmem:s6+$0x8870] =	vst.add.f32.msk $0xffff, v7  }
0x3e1: {  	[tilespmem:s6+$0x8880] =	vst.add.f32.msk $0xffff, v8  }
0x3e2: {  	[tilespmem:s6+$0x8890] =	vst.add.f32.msk $0xffff, v9  }
0x3e3: {  	[tilespmem:s6+$0x88A0] =	vst.add.f32.msk $0xffff, v10  }
0x3e4: {  	[tilespmem:s6+$0x88B0] =	vst.add.f32.msk $0xffff, v11  }
0x3e5: {  	[tilespmem:s6+$0x88C0] =	vst.add.f32.msk $0xffff, v12  }
0x3e6: {  	[tilespmem:s6+$0x88D0] =	vst.add.f32.msk $0xffff, v13  }
0x3e7: {  	[tilespmem:s6+$0x88E0] =	vst.add.f32.msk $0xffff, v14  }
0x3e8: {  	[tilespmem:s6+$0x88F0] =	vst.add.f32.msk $0xffff, v15  }
0x3e9: {  	[tilespmem:s6+$0x8900] =	vst.add.f32.msk $0xffff, v16  }
0x3ea: {  	[tilespmem:s6+$0x8910] =	vst.add.f32.msk $0xffff, v17  }
0x3eb: {  	[tilespmem:s6+$0x8920] =	vst.add.f32.msk $0xffff, v18  }
0x3ec: {  	[tilespmem:s6+$0x8930] =	vst.add.f32.msk $0xffff, v19  }
0x3ed: {  	[tilespmem:s6+$0x8940] =	vst.add.f32.msk $0xffff, v20  }
0x3ee: {  	[tilespmem:s6+$0x8950] =	vst.add.f32.msk $0xffff, v21  }
0x3ef: {  	[tilespmem:s6+$0x8960] =	vst.add.f32.msk $0xffff, v22  }
0x3f0: {  	[tilespmem:s6+$0x8970] =	vst.add.f32.msk $0xffff, v23  }
0x3f1: {  	[tilespmem:s6+$0x8980] =	vst.add.f32.msk $0xffff, v24  }
0x3f2: {  	[tilespmem:s6+$0x8990] =	vst.add.f32.msk $0xffff, v25  }
.Ltmp7:
0x3f3: {  	[tilespmem:s6+$0x89A0] =	vst.add.f32.msk $0xffff, v26;
	(pc) =	sbr.rel @p0 .LBB2_16-.Ltmp7, $4  }
0x3f4: {  	[tilespmem:s6+$0x89B0] =	vst.add.f32.msk $0xffff, v27  }
0x3f5: {  	[tilespmem:s6+$0x89C0] =	vst.add.f32.msk $0xffff, v28  }
0x3f6: {  	[tilespmem:s6+$0x89D0] =	vst.add.f32.msk $0xffff, v29  }
0x3f7: {  	[tilespmem:s6+$0x89E0] =	vst.add.f32.msk $0xffff, v30;
	s6 =	sshra.s32 s7, $0x2;
	s7 =	sadd.s32 $0x800, s7  }
0x3f8: {  	v0 =	vld [tilespmem:s6+$0x9F0]  }
0x3f9: {  	v1 =	vld [tilespmem:s6+$0x800]  }
0x3fa: {  	v2 =	vld [tilespmem:s6+$0x810]  }
0x3fb: {  	v3 =	vld [tilespmem:s6+$0x820]  }
0x3fc: {  	v4 =	vld [tilespmem:s6+$0x830]  }
0x3fd: {  	v63 =	vld [tilespmem:s6+$0x840]  }
0x3fe: {  	v5 =	vld [tilespmem:s6+$0x850]  }
0x3ff: {  	v6 =	vld [tilespmem:s6+$0x860]  }
0x400: {  	v7 =	vld [tilespmem:s6+$0x870]  }
0x401: {  	v8 =	vld [tilespmem:s6+$0x880]  }
0x402: {  	v9 =	vld [tilespmem:s6+$0x890]  }
0x403: {  	v10 =	vld [tilespmem:s6+$0x8A0]  }
0x404: {  	v11 =	vld [tilespmem:s6+$0x8B0]  }
0x405: {  	v12 =	vld [tilespmem:s6+$0x8C0]  }
0x406: {  	v13 =	vld [tilespmem:s6+$0x8D0]  }
0x407: {  	v14 =	vld [tilespmem:s6+$0x8E0]  }
0x408: {  	v15 =	vld [tilespmem:s6+$0x8F0]  }
0x409: {  	v16 =	vld [tilespmem:s6+$0x900]  }
0x40a: {  	v17 =	vld [tilespmem:s6+$0x910]  }
0x40b: {  	v18 =	vld [tilespmem:s6+$0x920]  }
0x40c: {  	v19 =	vld [tilespmem:s6+$0x930]  }
0x40d: {  	v20 =	vld [tilespmem:s6+$0x940]  }
0x40e: {  	v21 =	vld [tilespmem:s6+$0x950]  }
0x40f: {  	v22 =	vld [tilespmem:s6+$0x960]  }
0x410: {  	v23 =	vld [tilespmem:s6+$0x970]  }
0x411: {  	v24 =	vld [tilespmem:s6+$0x980]  }
0x412: {  	v25 =	vld [tilespmem:s6+$0x990]  }
0x413: {  	v26 =	vld [tilespmem:s6+$0x9A0]  }
0x414: {  	v27 =	vld [tilespmem:s6+$0x9B0]  }
0x415: {  	v28 =	vld [tilespmem:s6+$0x9C0]  }
0x416: {  	v29 =	vld [tilespmem:s6+$0x9D0]  }
0x417: {  	v30 =	vld [tilespmem:s6+$0x9E0]  }
0x418: {  	[tilespmem:s6+$0x89F0] =	vst.add.f32.msk $0xffff, v0  }
0x419: {  	[tilespmem:s6+$0x8800] =	vst.add.f32.msk $0xffff, v1  }
0x41a: {  	[tilespmem:s6+$0x8810] =	vst.add.f32.msk $0xffff, v2  }
0x41b: {  	[tilespmem:s6+$0x8820] =	vst.add.f32.msk $0xffff, v3  }
0x41c: {  	[tilespmem:s6+$0x8830] =	vst.add.f32.msk $0xffff, v4  }
0x41d: {  	[tilespmem:s6+$0x8840] =	vst.add.f32.msk $0xffff, v63  }
0x41e: {  	[tilespmem:s6+$0x8850] =	vst.add.f32.msk $0xffff, v5  }
0x41f: {  	[tilespmem:s6+$0x8860] =	vst.add.f32.msk $0xffff, v6  }
0x420: {  	[tilespmem:s6+$0x8870] =	vst.add.f32.msk $0xffff, v7  }
0x421: {  	[tilespmem:s6+$0x8880] =	vst.add.f32.msk $0xffff, v8  }
0x422: {  	[tilespmem:s6+$0x8890] =	vst.add.f32.msk $0xffff, v9  }
0x423: {  	[tilespmem:s6+$0x88A0] =	vst.add.f32.msk $0xffff, v10  }
0x424: {  	[tilespmem:s6+$0x88B0] =	vst.add.f32.msk $0xffff, v11  }
0x425: {  	[tilespmem:s6+$0x88C0] =	vst.add.f32.msk $0xffff, v12  }
0x426: {  	[tilespmem:s6+$0x88D0] =	vst.add.f32.msk $0xffff, v13  }
0x427: {  	[tilespmem:s6+$0x88E0] =	vst.add.f32.msk $0xffff, v14  }
0x428: {  	[tilespmem:s6+$0x88F0] =	vst.add.f32.msk $0xffff, v15  }
0x429: {  	[tilespmem:s6+$0x8900] =	vst.add.f32.msk $0xffff, v16  }
0x42a: {  	[tilespmem:s6+$0x8910] =	vst.add.f32.msk $0xffff, v17  }
0x42b: {  	[tilespmem:s6+$0x8920] =	vst.add.f32.msk $0xffff, v18  }
0x42c: {  	[tilespmem:s6+$0x8930] =	vst.add.f32.msk $0xffff, v19  }
0x42d: {  	[tilespmem:s6+$0x8940] =	vst.add.f32.msk $0xffff, v20  }
0x42e: {  	[tilespmem:s6+$0x8950] =	vst.add.f32.msk $0xffff, v21  }
0x42f: {  	[tilespmem:s6+$0x8960] =	vst.add.f32.msk $0xffff, v22  }
0x430: {  	[tilespmem:s6+$0x8970] =	vst.add.f32.msk $0xffff, v23  }
0x431: {  	[tilespmem:s6+$0x8980] =	vst.add.f32.msk $0xffff, v24  }
0x432: {  	[tilespmem:s6+$0x8990] =	vst.add.f32.msk $0xffff, v25  }
0x433: {  	[tilespmem:s6+$0x89A0] =	vst.add.f32.msk $0xffff, v26  }
0x434: {  	[tilespmem:s6+$0x89B0] =	vst.add.f32.msk $0xffff, v27  }
0x435: {  	[tilespmem:s6+$0x89C0] =	vst.add.f32.msk $0xffff, v28  }
0x436: {  	[tilespmem:s6+$0x89D0] =	vst.add.f32.msk $0xffff, v29  }
0x437: {  	[tilespmem:s6+$0x89E0] =	vst.add.f32.msk $0xffff, v30  }
0x438: {  	_ =	swait.ge [sflag:s28], $0x4000  }
0x439: {  	[sflag:s28] =	ssyncset.done $0x0  }
0x43a: {  	s7 =	simm.s32 $0x800;
	s6 =	simm.s32 $0x0;
	[sflag:s28] =	ssyncadd.s32 $0xFFFFC000  }
.LBB2_18:
0x43b: {  	p0 =	sne.s32 s7, $0xF800;
	v0 =	vld [tilespmem:s6+$0x49F0]  }
0x43c: {  	v1 =	vld [tilespmem:s6+$0x4800]  }
0x43d: {  	v2 =	vld [tilespmem:s6+$0x4810]  }
0x43e: {  	v3 =	vld [tilespmem:s6+$0x4820]  }
0x43f: {  	v4 =	vld [tilespmem:s6+$0x4830]  }
0x440: {  	[tilespmem:s6+$0xC9F0] =	vst.add.f32.msk $0xffff, v0  }
0x441: {  	v0 =	vld [tilespmem:s6+$0x4840]  }
0x442: {  	v5 =	vld [tilespmem:s6+$0x4850]  }
0x443: {  	v6 =	vld [tilespmem:s6+$0x4860]  }
0x444: {  	v7 =	vld [tilespmem:s6+$0x4870]  }
0x445: {  	v8 =	vld [tilespmem:s6+$0x4880]  }
0x446: {  	v9 =	vld [tilespmem:s6+$0x4890]  }
0x447: {  	v10 =	vld [tilespmem:s6+$0x48A0]  }
0x448: {  	v11 =	vld [tilespmem:s6+$0x48B0]  }
0x449: {  	v12 =	vld [tilespmem:s6+$0x48C0]  }
0x44a: {  	v13 =	vld [tilespmem:s6+$0x48D0]  }
0x44b: {  	v14 =	vld [tilespmem:s6+$0x48E0]  }
0x44c: {  	v15 =	vld [tilespmem:s6+$0x48F0]  }
0x44d: {  	v16 =	vld [tilespmem:s6+$0x4900]  }
0x44e: {  	v17 =	vld [tilespmem:s6+$0x4910]  }
0x44f: {  	v18 =	vld [tilespmem:s6+$0x4920]  }
0x450: {  	v19 =	vld [tilespmem:s6+$0x4930]  }
0x451: {  	v20 =	vld [tilespmem:s6+$0x4940]  }
0x452: {  	v21 =	vld [tilespmem:s6+$0x4950]  }
0x453: {  	v22 =	vld [tilespmem:s6+$0x4960]  }
0x454: {  	v23 =	vld [tilespmem:s6+$0x4970]  }
0x455: {  	v24 =	vld [tilespmem:s6+$0x4980]  }
0x456: {  	v25 =	vld [tilespmem:s6+$0x4990]  }
0x457: {  	v26 =	vld [tilespmem:s6+$0x49A0]  }
0x458: {  	v27 =	vld [tilespmem:s6+$0x49B0]  }
0x459: {  	v28 =	vld [tilespmem:s6+$0x49C0]  }
0x45a: {  	v29 =	vld [tilespmem:s6+$0x49D0]  }
0x45b: {  	v30 =	vld [tilespmem:s6+$0x49E0]  }
0x45c: {  	[tilespmem:s6+$0xC800] =	vst.add.f32.msk $0xffff, v1  }
0x45d: {  	[tilespmem:s6+$0xC810] =	vst.add.f32.msk $0xffff, v2  }
0x45e: {  	[tilespmem:s6+$0xC820] =	vst.add.f32.msk $0xffff, v3  }
0x45f: {  	[tilespmem:s6+$0xC830] =	vst.add.f32.msk $0xffff, v4  }
0x460: {  	[tilespmem:s6+$0xC840] =	vst.add.f32.msk $0xffff, v0  }
0x461: {  	[tilespmem:s6+$0xC850] =	vst.add.f32.msk $0xffff, v5  }
0x462: {  	[tilespmem:s6+$0xC860] =	vst.add.f32.msk $0xffff, v6  }
0x463: {  	[tilespmem:s6+$0xC870] =	vst.add.f32.msk $0xffff, v7  }
0x464: {  	[tilespmem:s6+$0xC880] =	vst.add.f32.msk $0xffff, v8  }
0x465: {  	[tilespmem:s6+$0xC890] =	vst.add.f32.msk $0xffff, v9  }
0x466: {  	[tilespmem:s6+$0xC8A0] =	vst.add.f32.msk $0xffff, v10  }
0x467: {  	[tilespmem:s6+$0xC8B0] =	vst.add.f32.msk $0xffff, v11  }
0x468: {  	[tilespmem:s6+$0xC8C0] =	vst.add.f32.msk $0xffff, v12  }
0x469: {  	[tilespmem:s6+$0xC8D0] =	vst.add.f32.msk $0xffff, v13  }
0x46a: {  	[tilespmem:s6+$0xC8E0] =	vst.add.f32.msk $0xffff, v14  }
0x46b: {  	[tilespmem:s6+$0xC8F0] =	vst.add.f32.msk $0xffff, v15  }
0x46c: {  	[tilespmem:s6+$0xC900] =	vst.add.f32.msk $0xffff, v16  }
0x46d: {  	[tilespmem:s6+$0xC910] =	vst.add.f32.msk $0xffff, v17  }
0x46e: {  	[tilespmem:s6+$0xC920] =	vst.add.f32.msk $0xffff, v18  }
0x46f: {  	[tilespmem:s6+$0xC930] =	vst.add.f32.msk $0xffff, v19  }
0x470: {  	[tilespmem:s6+$0xC940] =	vst.add.f32.msk $0xffff, v20  }
0x471: {  	[tilespmem:s6+$0xC950] =	vst.add.f32.msk $0xffff, v21  }
0x472: {  	[tilespmem:s6+$0xC960] =	vst.add.f32.msk $0xffff, v22  }
0x473: {  	[tilespmem:s6+$0xC970] =	vst.add.f32.msk $0xffff, v23  }
0x474: {  	[tilespmem:s6+$0xC980] =	vst.add.f32.msk $0xffff, v24  }
0x475: {  	[tilespmem:s6+$0xC990] =	vst.add.f32.msk $0xffff, v25  }
.Ltmp8:
0x476: {  	[tilespmem:s6+$0xC9A0] =	vst.add.f32.msk $0xffff, v26;
	(pc) =	sbr.rel @p0 .LBB2_18-.Ltmp8, $4  }
0x477: {  	[tilespmem:s6+$0xC9B0] =	vst.add.f32.msk $0xffff, v27  }
0x478: {  	[tilespmem:s6+$0xC9C0] =	vst.add.f32.msk $0xffff, v28  }
0x479: {  	[tilespmem:s6+$0xC9D0] =	vst.add.f32.msk $0xffff, v29  }
0x47a: {  	[tilespmem:s6+$0xC9E0] =	vst.add.f32.msk $0xffff, v30;
	s6 =	sshra.s32 s7, $0x2;
	s7 =	sadd.s32 $0x800, s7  }
0x47b: {  	v0 =	vld [tilespmem:s6+$0x49F0]  }
0x47c: {  	v1 =	vld [tilespmem:s6+$0x4800]  }
0x47d: {  	v2 =	vld [tilespmem:s6+$0x4810]  }
0x47e: {  	v3 =	vld [tilespmem:s6+$0x4820]  }
0x47f: {  	v4 =	vld [tilespmem:s6+$0x4830]  }
0x480: {  	v5 =	vld [tilespmem:s6+$0x4850]  }
0x481: {  	v6 =	vld [tilespmem:s6+$0x4860]  }
0x482: {  	v7 =	vld [tilespmem:s6+$0x4870]  }
0x483: {  	v8 =	vld [tilespmem:s6+$0x4880]  }
0x484: {  	v9 =	vld [tilespmem:s6+$0x4890]  }
0x485: {  	v10 =	vld [tilespmem:s6+$0x48A0]  }
0x486: {  	v11 =	vld [tilespmem:s6+$0x48B0]  }
0x487: {  	v12 =	vld [tilespmem:s6+$0x48C0]  }
0x488: {  	v13 =	vld [tilespmem:s6+$0x48D0]  }
0x489: {  	v14 =	vld [tilespmem:s6+$0x48E0]  }
0x48a: {  	v15 =	vld [tilespmem:s6+$0x48F0]  }
0x48b: {  	v16 =	vld [tilespmem:s6+$0x4900]  }
0x48c: {  	v17 =	vld [tilespmem:s6+$0x4910]  }
0x48d: {  	v18 =	vld [tilespmem:s6+$0x4920]  }
0x48e: {  	v19 =	vld [tilespmem:s6+$0x4930]  }
0x48f: {  	v20 =	vld [tilespmem:s6+$0x4940]  }
0x490: {  	v21 =	vld [tilespmem:s6+$0x4950]  }
0x491: {  	v22 =	vld [tilespmem:s6+$0x4960]  }
0x492: {  	v23 =	vld [tilespmem:s6+$0x4970]  }
0x493: {  	v24 =	vld [tilespmem:s6+$0x4980]  }
0x494: {  	v25 =	vld [tilespmem:s6+$0x4990]  }
0x495: {  	v26 =	vld [tilespmem:s6+$0x49A0]  }
0x496: {  	v27 =	vld [tilespmem:s6+$0x49B0]  }
0x497: {  	v28 =	vld [tilespmem:s6+$0x49C0]  }
0x498: {  	v29 =	vld [tilespmem:s6+$0x49D0]  }
0x499: {  	v30 =	vld [tilespmem:s6+$0x49E0]  }
0x49a: {  	[tilespmem:s6+$0xC9F0] =	vst.add.f32.msk $0xffff, v0  }
0x49b: {  	v0 =	vld [tilespmem:s6+$0x4840]  }
0x49c: {  	[tilespmem:s6+$0xC800] =	vst.add.f32.msk $0xffff, v1  }
0x49d: {  	[tilespmem:s6+$0xC810] =	vst.add.f32.msk $0xffff, v2  }
0x49e: {  	[tilespmem:s6+$0xC820] =	vst.add.f32.msk $0xffff, v3  }
0x49f: {  	[tilespmem:s6+$0xC830] =	vst.add.f32.msk $0xffff, v4  }
0x4a0: {  	[tilespmem:s6+$0xC850] =	vst.add.f32.msk $0xffff, v5  }
0x4a1: {  	[tilespmem:s6+$0xC860] =	vst.add.f32.msk $0xffff, v6  }
0x4a2: {  	[tilespmem:s6+$0xC870] =	vst.add.f32.msk $0xffff, v7  }
0x4a3: {  	[tilespmem:s6+$0xC880] =	vst.add.f32.msk $0xffff, v8  }
0x4a4: {  	[tilespmem:s6+$0xC890] =	vst.add.f32.msk $0xffff, v9  }
0x4a5: {  	[tilespmem:s6+$0xC8A0] =	vst.add.f32.msk $0xffff, v10  }
0x4a6: {  	[tilespmem:s6+$0xC8B0] =	vst.add.f32.msk $0xffff, v11  }
0x4a7: {  	[tilespmem:s6+$0xC8C0] =	vst.add.f32.msk $0xffff, v12  }
0x4a8: {  	[tilespmem:s6+$0xC8D0] =	vst.add.f32.msk $0xffff, v13  }
0x4a9: {  	[tilespmem:s6+$0xC8E0] =	vst.add.f32.msk $0xffff, v14  }
0x4aa: {  	[tilespmem:s6+$0xC8F0] =	vst.add.f32.msk $0xffff, v15  }
0x4ab: {  	[tilespmem:s6+$0xC900] =	vst.add.f32.msk $0xffff, v16  }
0x4ac: {  	[tilespmem:s6+$0xC910] =	vst.add.f32.msk $0xffff, v17  }
0x4ad: {  	[tilespmem:s6+$0xC920] =	vst.add.f32.msk $0xffff, v18  }
0x4ae: {  	[tilespmem:s6+$0xC930] =	vst.add.f32.msk $0xffff, v19  }
0x4af: {  	[tilespmem:s6+$0xC940] =	vst.add.f32.msk $0xffff, v20  }
0x4b0: {  	[tilespmem:s6+$0xC950] =	vst.add.f32.msk $0xffff, v21  }
0x4b1: {  	[tilespmem:s6+$0xC960] =	vst.add.f32.msk $0xffff, v22  }
0x4b2: {  	[tilespmem:s6+$0xC970] =	vst.add.f32.msk $0xffff, v23  }
0x4b3: {  	[tilespmem:s6+$0xC980] =	vst.add.f32.msk $0xffff, v24  }
0x4b4: {  	[tilespmem:s6+$0xC990] =	vst.add.f32.msk $0xffff, v25  }
0x4b5: {  	[tilespmem:s6+$0xC9A0] =	vst.add.f32.msk $0xffff, v26  }
0x4b6: {  	[tilespmem:s6+$0xC9B0] =	vst.add.f32.msk $0xffff, v27  }
0x4b7: {  	[tilespmem:s6+$0xC9C0] =	vst.add.f32.msk $0xffff, v28  }
0x4b8: {  	[tilespmem:s6+$0xC9D0] =	vst.add.f32.msk $0xffff, v29  }
0x4b9: {  	[tilespmem:s6+$0xC9E0] =	vst.add.f32.msk $0xffff, v30  }
0x4ba: {  	[tilespmem:s6+$0xC840] =	vst.add.f32.msk $0xffff, v0  }
0x4bb: {  	_ =	swait.ge [sflag:s12], $0x200  }
0x4bc: {  	[sflag:s12] =	ssyncset.done $0x0  }
0x4bd: {  	[sflag:s12] =	ssyncadd.s32 $0xFFFFFE00  }
0x4be: {  	v0 =	vld [tilespmem:$0x0]  }
0x4bf: {  	v1 =	vld [tilespmem:$0x10]  }
0x4c0: {  	v2 =	vld [tilespmem:$0x20]  }
0x4c1: {  	v3 =	vld [tilespmem:$0x30]  }
0x4c2: {  	v4 =	vld [tilespmem:$0x40]  }
0x4c3: {  	v5 =	vld [tilespmem:$0x50];
	v0 =	vshll.u32 v0, $0x1  }
0x4c4: {  	[tilespmem:$0x400] =	vst v0;
	v0 =	vshll.u32 v1, $0x1;
	v1 =	vld [tilespmem:$0x60]  }
0x4c5: {  	[tilespmem:$0x410] =	vst v0;
	v0 =	vshll.u32 v2, $0x1;
	v2 =	vld [tilespmem:$0x70]  }
0x4c6: {  	[tilespmem:$0x420] =	vst v0;
	v0 =	vshll.u32 v3, $0x1;
	v3 =	vld [tilespmem:$0x80]  }
0x4c7: {  	[tilespmem:$0x430] =	vst v0;
	v0 =	vshll.u32 v4, $0x1;
	v4 =	vld [tilespmem:$0x90]  }
0x4c8: {  	[tilespmem:$0x440] =	vst v0;
	v0 =	vshll.u32 v5, $0x1;
	v5 =	vld [tilespmem:$0xA0]  }
0x4c9: {  	[tilespmem:$0x450] =	vst v0;
	v0 =	vshll.u32 v1, $0x1;
	v1 =	vld [tilespmem:$0xB0]  }
0x4ca: {  	[tilespmem:$0x460] =	vst v0;
	v0 =	vshll.u32 v2, $0x1;
	v2 =	vld [tilespmem:$0xC0]  }
0x4cb: {  	[tilespmem:$0x470] =	vst v0;
	v0 =	vshll.u32 v3, $0x1;
	v3 =	vld [tilespmem:$0xD0]  }
0x4cc: {  	[tilespmem:$0x480] =	vst v0;
	v0 =	vshll.u32 v4, $0x1;
	v4 =	vld [tilespmem:$0xE0]  }
0x4cd: {  	[tilespmem:$0x490] =	vst v0;
	v0 =	vshll.u32 v5, $0x1;
	v5 =	vld [tilespmem:$0xF0]  }
0x4ce: {  	[tilespmem:$0x4A0] =	vst v0;
	v0 =	vshll.u32 v1, $0x1;
	v1 =	vld [tilespmem:$0x100]  }
0x4cf: {  	[tilespmem:$0x4B0] =	vst v0;
	v0 =	vshll.u32 v2, $0x1;
	v2 =	vld [tilespmem:$0x110]  }
0x4d0: {  	[tilespmem:$0x4C0] =	vst v0;
	v0 =	vshll.u32 v3, $0x1;
	v3 =	vld [tilespmem:$0x120]  }
0x4d1: {  	[tilespmem:$0x4D0] =	vst v0;
	v0 =	vshll.u32 v4, $0x1;
	v4 =	vld [tilespmem:$0x130]  }
0x4d2: {  	[tilespmem:$0x4E0] =	vst v0;
	v0 =	vshll.u32 v5, $0x1;
	v5 =	vld [tilespmem:$0x140]  }
0x4d3: {  	[tilespmem:$0x4F0] =	vst v0;
	v0 =	vshll.u32 v1, $0x1;
	v1 =	vld [tilespmem:$0x150]  }
0x4d4: {  	[tilespmem:$0x500] =	vst v0;
	v0 =	vshll.u32 v2, $0x1;
	v2 =	vld [tilespmem:$0x160]  }
0x4d5: {  	[tilespmem:$0x510] =	vst v0;
	v0 =	vshll.u32 v3, $0x1;
	v3 =	vld [tilespmem:$0x170]  }
0x4d6: {  	[tilespmem:$0x520] =	vst v0;
	v0 =	vshll.u32 v4, $0x1;
	v4 =	vld [tilespmem:$0x180]  }
0x4d7: {  	[tilespmem:$0x530] =	vst v0;
	v0 =	vshll.u32 v5, $0x1;
	v5 =	vld [tilespmem:$0x190]  }
0x4d8: {  	[tilespmem:$0x540] =	vst v0;
	v0 =	vshll.u32 v1, $0x1;
	v1 =	vld [tilespmem:$0x1A0]  }
0x4d9: {  	[tilespmem:$0x550] =	vst v0;
	v0 =	vshll.u32 v2, $0x1;
	v2 =	vld [tilespmem:$0x1B0]  }
0x4da: {  	[tilespmem:$0x560] =	vst v0;
	v0 =	vshll.u32 v3, $0x1;
	v3 =	vld [tilespmem:$0x1C0]  }
0x4db: {  	[tilespmem:$0x570] =	vst v0;
	v0 =	vshll.u32 v4, $0x1;
	v4 =	vld [tilespmem:$0x1D0]  }
0x4dc: {  	[tilespmem:$0x580] =	vst v0;
	v0 =	vshll.u32 v5, $0x1;
	v5 =	vld [tilespmem:$0x1E0]  }
0x4dd: {  	[tilespmem:$0x590] =	vst v0;
	v0 =	vshll.u32 v1, $0x1;
	v1 =	vld [tilespmem:$0x1F0]  }
0x4de: {  	[tilespmem:$0x5A0] =	vst v0;
	v0 =	vshll.u32 v2, $0x1  }
0x4df: {  	[tilespmem:$0x5B0] =	vst v0;
	v0 =	vshll.u32 v3, $0x1  }
0x4e0: {  	[tilespmem:$0x5C0] =	vst v0;
	v0 =	vshll.u32 v4, $0x1  }
0x4e1: {  	[tilespmem:$0x5D0] =	vst v0;
	v0 =	vshll.u32 v5, $0x1  }
0x4e2: {  	[tilespmem:$0x5E0] =	vst v0;
	v0 =	vshll.u32 v1, $0x1  }
0x4e3: {  	s6 =	simm.s32 $0x0;
	[tilespmem:$0x5F0] =	vst v0  }
0x4e4: {  	v3 =	vld [tilespmem:s6+$0x8800]  }
0x4e5: {  	v5 =	vld [tilespmem:s6+$0x8810]  }
0x4e6: {  	v4 =	vld [tilespmem:s6+$0x8820]  }
0x4e7: {  	v2 =	vld [tilespmem:s6+$0x8830]  }
0x4e8: {  	v0 =	vld [tilespmem:s6+$0x8840]  }
0x4e9: {  	v1 =	vld [tilespmem:s6+$0x8850];
	v6 =	vmul.f32 $4.999999890e-03, v3  }
0x4ea: {  	s7 =	simm.s32 $0x200;
	v5 =	vmul.f32 $4.999999890e-03, v5;
	v3 =	vld [tilespmem:s6+$0x8860]  }
.LBB2_20:
0x4eb: {  	s31 =	sshra.s32 s7, $0x2;
	p0 =	sne.s32 s7, $0x1FE00;
	[tilespmem:s6+$0x8800] =	vst v6;
	v4 =	vmul.f32 $4.999999890e-03, v4;
	v6 =	vld [tilespmem:s6+$0x8870]  }
0x4ec: {  	v7 =	vld [tilespmem:s31+$0x8800];
	[tilespmem:s6+$0x8810] =	vst v5;
	v2 =	vmul.f32 $4.999999890e-03, v2  }
0x4ed: {  	v5 =	vld [tilespmem:s31+$0x8810];
	[tilespmem:s6+$0x8820] =	vst v4;
	v0 =	vmul.f32 $4.999999890e-03, v0  }
.Ltmp9:
0x4ee: {  	v4 =	vld [tilespmem:s31+$0x8820];
	[tilespmem:s6+$0x8830] =	vst v2;
	v1 =	vmul.f32 $4.999999890e-03, v1;
	(pc) =	sbr.rel @p0 .LBB2_20-.Ltmp9, $4  }
0x4ef: {  	v2 =	vld [tilespmem:s31+$0x8830];
	[tilespmem:s6+$0x8840] =	vst v0;
	v3 =	vmul.f32 $4.999999890e-03, v3  }
0x4f0: {  	v0 =	vld [tilespmem:s31+$0x8840];
	[tilespmem:s6+$0x8850] =	vst v1;
	v8 =	vmul.f32 $4.999999890e-03, v6  }
0x4f1: {  	v6 =	vmul.f32 $4.999999890e-03, v7;
	v1 =	vld [tilespmem:s31+$0x8850];
	[tilespmem:s6+$0x8860] =	vst v3  }
0x4f2: {  	s7 =	sadd.s32 $0x200, s7;
	v5 =	vmul.f32 $4.999999890e-03, v5;
	v3 =	vld [tilespmem:s31+$0x8860];
	[tilespmem:s6+$0x8870] =	vst v8;
	s6 =	smov.u32 s31  }
0x4f3: {  	[tilespmem:s6+$0x8800] =	vst v6;
	v4 =	vmul.f32 $4.999999890e-03, v4;
	v61 =	vld [tilespmem:s6+$0x8870]  }
0x4f4: {  	[tilespmem:s6+$0x8810] =	vst v5;
	v2 =	vmul.f32 $4.999999890e-03, v2  }
0x4f5: {  	[tilespmem:s6+$0x8820] =	vst v4;
	v0 =	vmul.f32 $4.999999890e-03, v0  }
0x4f6: {  	[tilespmem:s6+$0x8830] =	vst v2;
	v1 =	vmul.f32 $4.999999890e-03, v1  }
0x4f7: {  	[tilespmem:s6+$0x8840] =	vst v0;
	v62 =	vmul.f32 $4.999999890e-03, v3  }
0x4f8: {  	s1 =	sadd.s32 $0x1, s1;
	[tilespmem:s6+$0x8850] =	vst v1;
	v63 =	vmul.f32 $4.999999890e-03, v61  }
0x4f9: {  	p0 =	sne.s32 s1, s11;
	[tilespmem:s6+$0x8860] =	vst v62  }
.Ltmp10:
0x4fa: {  	s31 =	simm.s32 $0x8800;
	[tilespmem:s6+$0x8870] =	vst v63;
	(pc) =	sbr.rel @p0 .LBB2_1-.Ltmp10, $4  }
0x4fb: {  	[hbm4b:s10+s2] =	stream.linear.scatter [tilespmem:s31], [sflag:$0x5], $0x8000, $0x38;
	[tilespmem:$0x10800] =	vst v63  }
0x4fc: {  	_ =	swait.ge [sflag:s0], $0x8000  }
0x4fd: {  	[sflag:s0] =	ssyncset.done $0x0  }
0x4fe: {  	[sflag:s0] =	ssyncadd.s32 $0xFFFF8000  }
0x4ff: {  	_ =	sfence.sel $0x180000  }
0x500: {  	[bflag:$0x0] =	sbarrier.arrive $0xFFFF  }
0x501: {  	_ =	strace $0x90000047  }
0x502: {  	s0 =	stileid.u32;
	[bflag:$0x2] =	sbarrier.arrive $0xFFFF  }
0x503: {  	p0 =	sne.s32 s0, $0x0;
	s0 =	rddreg [dreg:$0x1]  }
0x504: {  	s0 =	sadd.s32 @!p0 $0x100000, s0  }
0x505: {  	[sflag:s0] =	ssyncadd.tile.s32 @!p0 $0x1;
	_ =	shalt  }
.Lfunc_end2:
_tile_overlayer_lowered:
.L_overlay_start_2:
0x506: {  	(tag) =	ssettag $0x2  }
0x507: {  	s0 =	rddreg [dreg:$0x0];
	s2 =	stileid.u32  }
0x508: {  	s1 =	rddreg [dreg:$0x1];
	p0 =	sne.s32 s2, $0x0  }
0x509: {  	s3 =	rddreg [dreg:$0x2];
	[bflag:$0x3] =	sbarrier.arrive $0xFFFF;
	s2 =	simm.s32 @!p0 $0x1C05  }
0x50a: {  	[timem:s3], [sflag:s2] =	dma.local @!p0 [hbm:s0], s1  }
0x50b: {  	s0 =	simm.s32 @!p0 $0x5  }
0x50c: {  	_ =	swait.ge @!p0 [sflag:s0], s1  }
0x50d: {  	s1 =	ssub.s32 @!p0 $0x0, s1;
	[sflag:s0] =	ssyncset.done @!p0 $0x0  }
0x50e: {  	[sflag:s0] =	ssyncadd.s32 @!p0 s1  }
0x50f: {  	[bflag:$0x3] =	sbarrier.arrive $0xFFFF  }
0x510: {  	_ =	shalt  }

</sc_bundles>
